<compile_context>
chip_gen: v7x
topology: tpu7x:2x2x1
jax: 0.10.2.dev20260603
libtpu: 0.0.44.dev20260713+nightly
codegen_flags: <defaults>
</compile_context>

<pallas_src>
import functools
import jax
import jax.numpy as jnp
from jax import lax
from jax.experimental import pallas as pl
from jax.experimental.pallas import tpu as pltpu, tpu_sc as plsc

_F32 = jnp.float32


def _node_precompute(h, Wm_h, wa_sd):
    n, d = h.shape
    nb = 2000

    def body(h_ref, w_ref, wsd_ref, hm_ref, asd_ref):
        hb = h_ref[...]
        hm_ref[...] = jnp.dot(hb, w_ref[...], preferred_element_type=_F32)
        asd_ref[...] = jnp.dot(hb, wsd_ref[...], preferred_element_type=_F32)

    return pl.pallas_call(
        body,
        grid=(n // nb,),
        in_specs=[
            pl.BlockSpec((nb, d), lambda i: (i, 0)),
            pl.BlockSpec((d, d), lambda i: (0, 0)),
            pl.BlockSpec((d, 2), lambda i: (0, 0)),
        ],
        out_specs=[
            pl.BlockSpec((nb, d), lambda i: (i, 0)),
            pl.BlockSpec((nb, 2), lambda i: (i, 0)),
        ],
        out_shape=[
            jax.ShapeDtypeStruct((n, d), _F32),
            jax.ShapeDtypeStruct((n, 2), _F32),
        ],
    )(h, Wm_h, wa_sd)


def _edge_precompute(eft, We_m, wa_e, bm, ba, d):
    de, e = eft.shape
    eb = 16000

    def body(ef_ref, w_ref, we_ref, bm_ref, ba_ref, em_ref, ae_ref):
        efb = ef_ref[...]
        em_ref[...] = lax.dot_general(
            efb, w_ref[...], (((0,), (0,)), ((), ())),
            preferred_element_type=_F32) + bm_ref[...]
        ae_ref[...] = lax.dot_general(
            we_ref[...], efb, (((0,), (0,)), ((), ())),
            preferred_element_type=_F32) + ba_ref[...]

    return pl.pallas_call(
        body,
        grid=(e // eb,),
        in_specs=[
            pl.BlockSpec((de, eb), lambda i: (0, i)),
            pl.BlockSpec((de, d), lambda i: (0, 0)),
            pl.BlockSpec((de, 1), lambda i: (0, 0)),
            pl.BlockSpec((1, d), lambda i: (0, 0)),
            pl.BlockSpec((1, 1), lambda i: (0, 0)),
        ],
        out_specs=[
            pl.BlockSpec((eb, d), lambda i: (i, 0)),
            pl.BlockSpec((1, eb), lambda i: (0, i)),
        ],
        out_shape=[
            jax.ShapeDtypeStruct((e, d), _F32),
            jax.ShapeDtypeStruct((1, e), _F32),
        ],
    )(eft, We_m, wa_e, bm, ba)


def _ln_relu(parts, n, gamma, beta):
    _, _, d = parts.shape
    nb = 2000

    def body(p_ref, g_ref, b_ref, o_ref):
        x = p_ref[0] + p_ref[1]
        m = jnp.mean(x, axis=-1, keepdims=True)
        c = x - m
        v = jnp.mean(c * c, axis=-1, keepdims=True)
        y = c * lax.rsqrt(v + 1e-5) * g_ref[...] + b_ref[...]
        o_ref[...] = jnp.maximum(y, 0.0)

    return pl.pallas_call(
        body,
        grid=(n // nb,),
        in_specs=[
            pl.BlockSpec((2, nb, d), lambda i: (0, i, 0)),
            pl.BlockSpec((1, d), lambda i: (0, 0)),
            pl.BlockSpec((1, d), lambda i: (0, 0)),
        ],
        out_specs=pl.BlockSpec((nb, d), lambda i: (i, 0)),
        out_shape=jax.ShapeDtypeStruct((n, d), _F32),
    )(parts, gamma.reshape(1, d), beta.reshape(1, d))


def _sc_edge_agg(hm, em, src, dst, ae, a_s, a_d):
    n, d = hm.shape
    ne = em.shape[0]
    NC, NS, L = 2, 16, 16
    NW = NC * NS
    ept = ne // NW
    CB = 80
    nch = ept // CB
    ZR = 32
    npad = ((n + NS * ZR - 1) // (NS * ZR)) * NS * ZR
    rpt = npad // NS

    mesh = plsc.VectorSubcoreMesh(core_axis_name="c", subcore_axis_name="s")

    buf_set = [
        pltpu.VMEM((CB,), jnp.int32),
        pltpu.VMEM((CB,), jnp.int32),
        pltpu.VMEM((CB,), _F32),
        pltpu.VMEM((CB,), _F32),
        pltpu.VMEM((CB,), _F32),
        pltpu.VMEM((CB,), _F32),
        pltpu.VMEM((CB, d), _F32),
        pltpu.VMEM((CB, d), _F32),
        pltpu.VMEM((CB,), jnp.int32),
        pltpu.SemaphoreType.DMA,
        pltpu.SemaphoreType.DMA,
        pltpu.SemaphoreType.DMA,
    ]

    @functools.partial(
        pl.kernel,
        out_type=jax.ShapeDtypeStruct((NC, npad, d), _F32),
        mesh=mesh,
        compiler_params=pltpu.CompilerParams(needs_layout_passes=False),
        scratch_types=buf_set + buf_set + [
            pltpu.VMEM_SHARED((npad, d), _F32),
        ],
    )
    def k(hm_hbm, em_hbm, src_hbm, dst_hbm, ae_hbm, as_hbm, ad_hbm, out_hbm,
          *refs):
        A, B, agg = refs[:12], refs[12:24], refs[24]
        cid = lax.axis_index("c")
        sid = lax.axis_index("s")
        wid = sid * NC + cid
        ebase = wid * ept

        def issue_meta(X, c):
            srcX, dstX, aeX, _, _, _, _, emX, _, msX, _, _ = X
            off = ebase + c * CB
            pltpu.async_copy(src_hbm.at[pl.ds(off, CB)], srcX, msX)
            pltpu.async_copy(dst_hbm.at[pl.ds(off, CB)], dstX, msX)
            pltpu.async_copy(ae_hbm.at[pl.ds(off, CB)], aeX, msX)
            pltpu.async_copy(em_hbm.at[pl.ds(off, CB)], emX, msX)

        def wait_meta(X, c):
            srcX, dstX, aeX, _, _, _, _, emX, _, msX, _, _ = X
            off = ebase + c * CB
            pltpu.make_async_copy(src_hbm.at[pl.ds(off, CB)], srcX, msX).wait()
            pltpu.make_async_copy(dst_hbm.at[pl.ds(off, CB)], dstX, msX).wait()
            pltpu.make_async_copy(ae_hbm.at[pl.ds(off, CB)], aeX, msX).wait()
            pltpu.make_async_copy(em_hbm.at[pl.ds(off, CB)], emX, msX).wait()

        def issue_gather(X):
            srcX, dstX, _, asX, adX, _, gX, _, _, _, gsX, _ = X
            pltpu.async_copy(hm_hbm.at[srcX], gX, gsX)
            pltpu.async_copy(as_hbm.at[srcX], asX, gsX)
            pltpu.async_copy(ad_hbm.at[dstX], adX, gsX)

        def wait_gather(X):
            srcX, dstX, _, asX, adX, _, gX, _, _, _, gsX, _ = X
            pltpu.make_async_copy(hm_hbm.at[srcX], gX, gsX).wait()
            pltpu.make_async_copy(as_hbm.at[srcX], asX, gsX).wait()
            pltpu.make_async_copy(ad_hbm.at[dstX], adX, gsX).wait()

        def wait_scatter(X):
            _, _, _, _, _, _, gX, _, dssX, _, _, ssX = X
            pltpu.make_async_copy(gX, agg.at[dssX], ssX).wait()

        def half(X, Y, c, do_meta, do_next, wait_prev_scatter=True):
            srcX, dstX, aeX, asX, adX, alX, gX, emX, dssX, msX, gsX, ssX = X
            wait_gather(X)
            if do_next:
                wait_meta(Y, c + 1)
                issue_gather(Y)

            def ablk(j, _):
                sl = pl.ds(j * L, L)
                logit = asX[sl] + adX[sl] + aeX[sl]
                alX[sl] = 1.0 / (1.0 + jnp.exp(-logit))
                return 0
            lax.fori_loop(0, CB // L, ablk, 0)

            @plsc.parallel_loop(0, CB, 1, unroll=4)
            def erow(e):
                ab = plsc.load_gather(alX, [jnp.full((L,), e, jnp.int32)])
                for kk in range(d // L):
                    sl = pl.ds(kk * L, L)
                    x = gX[e, sl] + emX[e, sl]
                    gX[e, sl] = jnp.maximum(x, 0.0) * ab

            pltpu.sync_copy(gX, agg.at[dstX], add=True)

            if do_meta:
                issue_meta(X, c + 2)

        gA = A[6]

        def zrow(r, _):
            for kk in range(d // L):
                gA[r, pl.ds(kk * L, L)] = jnp.zeros((L,), _F32)
            return 0
        lax.fori_loop(0, CB, zrow, 0)
        for j in range(rpt // CB):
            pltpu.sync_copy(gA, agg.at[pl.ds(sid * rpt + j * CB, CB)])

        plsc.subcore_barrier()

        issue_meta(A, 0)
        wait_meta(A, 0)
        issue_gather(A)
        issue_meta(B, 1)

        def pair(t, _):
            half(A, B, 2 * t, True, True)
            half(B, A, 2 * t + 1, True, True)
            return 0
        lax.fori_loop(0, (nch - 3) // 2, pair, 0)

        half(A, B, nch - 3, True, True)
        half(B, A, nch - 2, False, True)
        half(A, B, nch - 1, False, False)

        plsc.subcore_barrier()

        pltpu.sync_copy(agg.at[pl.ds(sid * rpt, rpt)],
                        out_hbm.at[cid, pl.ds(sid * rpt, rpt)])

    return k(hm, em, src, dst, ae, a_s, a_d)


def kernel(h, edge_index, edge_feat, W_attn, b_attn, W_msg, b_msg, gamma, beta):
    n, d = h.shape
    ne, de = edge_feat.shape
    CB = 80

    wa_sd = W_attn[0, :2 * d].reshape(2, d).T
    wa_e = W_attn[0, 2 * d:].reshape(de, 1)
    Wm_h = W_msg[:, :d].T
    We_m = W_msg[:, d:].T

    hm, asd = _node_precompute(h, Wm_h, wa_sd)
    em, ae = _edge_precompute(edge_feat.T, We_m, wa_e,
                              b_msg.reshape(1, d), b_attn.reshape(1, 1), d)

    src = edge_index[0]
    dst = edge_index[1]
    a_s = asd[:, 0]
    a_d = asd[:, 1]
    ae = ae.reshape(ne)

    parts = _sc_edge_agg(hm, em, src, dst, ae, a_s, a_d)
    return _ln_relu(parts, n, gamma, beta)

# --- scband reference (transcript-rebuilt; emitter-appended) ---
"""Pipeline reference for scband-attentive-fplayer-5514738008949 (READ-ONLY COPY).

The authoritative reference and input builder live on the scoring server;
editing this copy changes nothing except your own understanding.
"""

import jax, jax.numpy as jnp
import numpy as np

NODE_DIM = 128
EDGE_DIM = 16
OUT_DIM = 128
N_NODES = 10000
N_EDGES = 320000


def setup_inputs(seed: int = 0) -> dict:
    key = jax.random.key(seed)
    ks = jax.random.split(key, 10)
    h = jax.random.normal(ks[0], (N_NODES, NODE_DIM), dtype=jnp.float32)
    edge_index = jax.random.randint(ks[1], (2, N_EDGES), 0, N_NODES, dtype=jnp.int64 if jax.config.jax_enable_x64 else jnp.int32).astype(jnp.int32)
    edge_feat = jax.random.normal(ks[2], (N_EDGES, EDGE_DIM), dtype=jnp.float32)
    attn_in_dim = 2 * NODE_DIM + EDGE_DIM
    msg_in_dim = NODE_DIM + EDGE_DIM
    W_attn = jax.random.normal(ks[3], (1, attn_in_dim), dtype=jnp.float32) * (1.0 / np.sqrt(attn_in_dim))
    b_attn = jnp.zeros((1,), dtype=jnp.float32)
    W_msg = jax.random.normal(ks[4], (OUT_DIM, msg_in_dim), dtype=jnp.float32) * (1.0 / np.sqrt(msg_in_dim))
    b_msg = jnp.zeros((OUT_DIM,), dtype=jnp.float32)
    gamma = jnp.ones((OUT_DIM,), dtype=jnp.float32)
    beta = jnp.zeros((OUT_DIM,), dtype=jnp.float32)
    return {"h": h, "edge_index": edge_index, "edge_feat": edge_feat,
            "W_attn": W_attn, "b_attn": b_attn, "W_msg": W_msg, "b_msg": b_msg,
            "gamma": gamma, "beta": beta}


def _layer_norm(x, gamma, beta, eps=1e-5):
    mean = jnp.mean(x, axis=-1, keepdims=True)
    var = jnp.var(x, axis=-1, keepdims=True)
    return (x - mean) / jnp.sqrt(var + eps) * gamma + beta


def reference(h, edge_index, edge_feat, W_attn, b_attn, W_msg, b_msg, gamma, beta):
    src = edge_index[0]
    dst = edge_index[1]
    h_src = jnp.take(h, src, axis=0)
    h_dst = jnp.take(h, dst, axis=0)
    attn_in = jnp.concatenate([h_src, h_dst, edge_feat], axis=1)
    alpha = jax.nn.sigmoid(attn_in @ W_attn.T + b_attn).astype(h.dtype)
    msg_in = jnp.concatenate([h_src, edge_feat], axis=1)
    msgs = alpha * jax.nn.relu(msg_in @ W_msg.T + b_msg)
    agg = jnp.zeros((h.shape[0], msgs.shape[1]), dtype=msgs.dtype).at[dst].add(msgs)
    return jax.nn.relu(_layer_norm(agg, gamma, beta))

if __name__ == "__main__":
    import jax
    _d = setup_inputs()
    print(jax.jit(kernel)(*tuple(_d.values())))

</pallas_src>

<mosaic_0001>
#map = affine_map<(d0, d1) -> (0, 0)>
#map1 = affine_map<(d0, d1) -> (0)>
#map2 = affine_map<(d0, d1) -> (0, 0, 0)>
module attributes {stable_mosaic.version = 14 : i64} {
  func.func @k(%arg0: i32, %arg1: i32, %arg2: memref<10000x128xf32, #tpu.memory_space<hbm>>, %arg3: memref<320000x128xf32, #tpu.memory_space<hbm>>, %arg4: memref<320000xi32, #tpu.memory_space<hbm>>, %arg5: memref<320000xi32, #tpu.memory_space<hbm>>, %arg6: memref<320000xf32, #tpu.memory_space<hbm>>, %arg7: memref<10000xf32, #tpu.memory_space<hbm>>, %arg8: memref<10000xf32, #tpu.memory_space<hbm>>, %arg9: memref<2x10240x128xf32, #tpu.memory_space<hbm>>, %arg10: memref<80xi32, #tpu.memory_space<vmem>>, %arg11: memref<80xi32, #tpu.memory_space<vmem>>, %arg12: memref<80xf32, #tpu.memory_space<vmem>>, %arg13: memref<80xf32, #tpu.memory_space<vmem>>, %arg14: memref<80xf32, #tpu.memory_space<vmem>>, %arg15: memref<80xf32, #tpu.memory_space<vmem>>, %arg16: memref<80x128xf32, #tpu.memory_space<vmem>>, %arg17: memref<80x128xf32, #tpu.memory_space<vmem>>, %arg18: memref<80xi32, #tpu.memory_space<vmem>>, %arg19: memref<!tpu.dma_semaphore, #tpu.memory_space<semaphore_mem>>, %arg20: memref<!tpu.dma_semaphore, #tpu.memory_space<semaphore_mem>>, %arg21: memref<!tpu.dma_semaphore, #tpu.memory_space<semaphore_mem>>, %arg22: memref<80xi32, #tpu.memory_space<vmem>>, %arg23: memref<80xi32, #tpu.memory_space<vmem>>, %arg24: memref<80xf32, #tpu.memory_space<vmem>>, %arg25: memref<80xf32, #tpu.memory_space<vmem>>, %arg26: memref<80xf32, #tpu.memory_space<vmem>>, %arg27: memref<80xf32, #tpu.memory_space<vmem>>, %arg28: memref<80x128xf32, #tpu.memory_space<vmem>>, %arg29: memref<80x128xf32, #tpu.memory_space<vmem>>, %arg30: memref<80xi32, #tpu.memory_space<vmem>>, %arg31: memref<!tpu.dma_semaphore, #tpu.memory_space<semaphore_mem>>, %arg32: memref<!tpu.dma_semaphore, #tpu.memory_space<semaphore_mem>>, %arg33: memref<!tpu.dma_semaphore, #tpu.memory_space<semaphore_mem>>, %arg34: memref<10240x128xf32, #tpu.memory_space<vmem_shared>>) attributes {dimension_semantics = [#tpu.dimension_semantics<core_parallel>, #tpu.dimension_semantics<subcore_parallel>], iteration_bounds = array<i64: 2, 16>, scalar_prefetch = 0 : i64, scratch_operands = 25 : i64, tpu.core_type = #tpu.core_type<sc_vector_subcore>, window_params = [{transform_indices = #map}, {transform_indices = #map}, {transform_indices = #map1}, {transform_indices = #map1}, {transform_indices = #map1}, {transform_indices = #map1}, {transform_indices = #map1}, {transform_indices = #map2}]} {
    %mul3A = arith.constant 2 : i32
    %mul3A_0 = arith.muli %arg1, %mul3A : i32
    %add3A = arith.addi %mul3A_0, %arg0 : i32
    %mul3A_1 = arith.constant 10000 : i32
    %mul3A_2 = arith.muli %add3A, %mul3A_1 : i32
    %scan3A = arith.constant 0 : i32
    %scan3A_3 = arith.constant 0 : i32
    %scan3A_4 = arith.constant 80 : i32
    %scan3A_5 = arith.addi %scan3A_3, %scan3A_4 : i32
    %scan3A_6 = arith.constant 1 : i32
    %scan3A_7 = scf.for %scan3A_194 = %scan3A_3 to %scan3A_5 step %scan3A_6 iter_args(%scan3A_195 = %scan3A) -> (i32)  : i32 {
      %broadcast_in_dim3A = arith.constant 0.000000e+00 : f32
      %broadcast_in_dim3A_196 = vector.broadcast %broadcast_in_dim3A : f32 to vector<16xf32>
      %swap3A = arith.index_cast %scan3A_194 : i32 to index
      %swap3A_197 = arith.constant 0 : index
      %swap3A_198 = tpu.vector_load %arg16[%swap3A, %swap3A_197] {strides = array<i32>} : memref<80x128xf32, #tpu.memory_space<vmem>>, vector<16xf32>,
      tpu.vector_store %arg16[%swap3A, %swap3A_197], %broadcast_in_dim3A_196 {strides = array<i32>} : memref<80x128xf32, #tpu.memory_space<vmem>>, vector<16xf32>,
      %broadcast_in_dim3A_199 = arith.constant 0.000000e+00 : f32
      %broadcast_in_dim3A_200 = vector.broadcast %broadcast_in_dim3A_199 : f32 to vector<16xf32>
      %swap3A_201 = arith.index_cast %scan3A_194 : i32 to index
      %swap3A_202 = arith.constant 16 : index
      %swap3A_203 = tpu.vector_load %arg16[%swap3A_201, %swap3A_202] {strides = array<i32>} : memref<80x128xf32, #tpu.memory_space<vmem>>, vector<16xf32>,
      tpu.vector_store %arg16[%swap3A_201, %swap3A_202], %broadcast_in_dim3A_200 {strides = array<i32>} : memref<80x128xf32, #tpu.memory_space<vmem>>, vector<16xf32>,
      %broadcast_in_dim3A_204 = arith.constant 0.000000e+00 : f32
      %broadcast_in_dim3A_205 = vector.broadcast %broadcast_in_dim3A_204 : f32 to vector<16xf32>
      %swap3A_206 = arith.index_cast %scan3A_194 : i32 to index
      %swap3A_207 = arith.constant 32 : index
      %swap3A_208 = tpu.vector_load %arg16[%swap3A_206, %swap3A_207] {strides = array<i32>} : memref<80x128xf32, #tpu.memory_space<vmem>>, vector<16xf32>,
      tpu.vector_store %arg16[%swap3A_206, %swap3A_207], %broadcast_in_dim3A_205 {strides = array<i32>} : memref<80x128xf32, #tpu.memory_space<vmem>>, vector<16xf32>,
      %broadcast_in_dim3A_209 = arith.constant 0.000000e+00 : f32
      %broadcast_in_dim3A_210 = vector.broadcast %broadcast_in_dim3A_209 : f32 to vector<16xf32>
      %swap3A_211 = arith.index_cast %scan3A_194 : i32 to index
      %swap3A_212 = arith.constant 48 : index
      %swap3A_213 = tpu.vector_load %arg16[%swap3A_211, %swap3A_212] {strides = array<i32>} : memref<80x128xf32, #tpu.memory_space<vmem>>, vector<16xf32>,
      tpu.vector_store %arg16[%swap3A_211, %swap3A_212], %broadcast_in_dim3A_210 {strides = array<i32>} : memref<80x128xf32, #tpu.memory_space<vmem>>, vector<16xf32>,
      %broadcast_in_dim3A_214 = arith.constant 0.000000e+00 : f32
      %broadcast_in_dim3A_215 = vector.broadcast %broadcast_in_dim3A_214 : f32 to vector<16xf32>
      %swap3A_216 = arith.index_cast %scan3A_194 : i32 to index
      %swap3A_217 = arith.constant 64 : index
      %swap3A_218 = tpu.vector_load %arg16[%swap3A_216, %swap3A_217] {strides = array<i32>} : memref<80x128xf32, #tpu.memory_space<vmem>>, vector<16xf32>,
      tpu.vector_store %arg16[%swap3A_216, %swap3A_217], %broadcast_in_dim3A_215 {strides = array<i32>} : memref<80x128xf32, #tpu.memory_space<vmem>>, vector<16xf32>,
      %broadcast_in_dim3A_219 = arith.constant 0.000000e+00 : f32
      %broadcast_in_dim3A_220 = vector.broadcast %broadcast_in_dim3A_219 : f32 to vector<16xf32>
      %swap3A_221 = arith.index_cast %scan3A_194 : i32 to index
      %swap3A_222 = arith.constant 80 : index
      %swap3A_223 = tpu.vector_load %arg16[%swap3A_221, %swap3A_222] {strides = array<i32>} : memref<80x128xf32, #tpu.memory_space<vmem>>, vector<16xf32>,
      tpu.vector_store %arg16[%swap3A_221, %swap3A_222], %broadcast_in_dim3A_220 {strides = array<i32>} : memref<80x128xf32, #tpu.memory_space<vmem>>, vector<16xf32>,
      %broadcast_in_dim3A_224 = arith.constant 0.000000e+00 : f32
      %broadcast_in_dim3A_225 = vector.broadcast %broadcast_in_dim3A_224 : f32 to vector<16xf32>
      %swap3A_226 = arith.index_cast %scan3A_194 : i32 to index
      %swap3A_227 = arith.constant 96 : index
      %swap3A_228 = tpu.vector_load %arg16[%swap3A_226, %swap3A_227] {strides = array<i32>} : memref<80x128xf32, #tpu.memory_space<vmem>>, vector<16xf32>,
      tpu.vector_store %arg16[%swap3A_226, %swap3A_227], %broadcast_in_dim3A_225 {strides = array<i32>} : memref<80x128xf32, #tpu.memory_space<vmem>>, vector<16xf32>,
      %broadcast_in_dim3A_229 = arith.constant 0.000000e+00 : f32
      %broadcast_in_dim3A_230 = vector.broadcast %broadcast_in_dim3A_229 : f32 to vector<16xf32>
      %swap3A_231 = arith.index_cast %scan3A_194 : i32 to index
      %swap3A_232 = arith.constant 112 : index
      %swap3A_233 = tpu.vector_load %arg16[%swap3A_231, %swap3A_232] {strides = array<i32>} : memref<80x128xf32, #tpu.memory_space<vmem>>, vector<16xf32>,
      tpu.vector_store %arg16[%swap3A_231, %swap3A_232], %broadcast_in_dim3A_230 {strides = array<i32>} : memref<80x128xf32, #tpu.memory_space<vmem>>, vector<16xf32>,
      %scan3A_234 = arith.constant 0 : i32
      scf.yield %scan3A_234 : i32
    }
    %scan3A_8 = arith.constant 80 : i32
    %mul3A_9 = arith.constant 640 : i32
    %mul3A_10 = arith.muli %arg1, %mul3A_9 : i32
    %add3A_11 = arith.constant 0 : i32
    %add3A_12 = arith.addi %mul3A_10, %add3A_11 : i32
    "tpu.region"() ({
      %run_scoped3A = tpu.sem_alloc : memref<!tpu.dma_semaphore, #tpu.memory_space<semaphore_mem>>
      %dma_start3A_194 = arith.constant 0 : i32
      %dma_start3A_195 = tpu.memref_slice %arg34[%add3A_12, %dma_start3A_194] : memref<10240x128xf32, #tpu.memory_space<vmem_shared>> -> memref<80x128xf32, #tpu.memory_space<vmem_shared>>
      %dma_start3A_196 = arith.constant 0 : i32
      %dma_start3A_197 = tpu.memref_slice %arg34[%add3A_12, %dma_start3A_196] : memref<10240x128xf32, #tpu.memory_space<vmem_shared>> -> memref<80x128xf32, #tpu.memory_space<vmem_shared>>
      tpu.enqueue_dma source(%arg16 : memref<80x128xf32, #tpu.memory_space<vmem>>) target(%dma_start3A_197 : memref<80x128xf32, #tpu.memory_space<vmem_shared>>) target_semaphore(%run_scoped3A : memref<!tpu.dma_semaphore, #tpu.memory_space<semaphore_mem>>)
      %dma_wait3A_198 = arith.constant 0 : i32
      %dma_wait3A_199 = tpu.memref_slice %arg34[%add3A_12, %dma_wait3A_198] : memref<10240x128xf32, #tpu.memory_space<vmem_shared>> -> memref<80x128xf32, #tpu.memory_space<vmem_shared>>
      %dma_wait3A_200 = arith.constant 0 : i32
      %dma_wait3A_201 = tpu.memref_slice %arg34[%add3A_12, %dma_wait3A_200] : memref<10240x128xf32, #tpu.memory_space<vmem_shared>> -> memref<80x128xf32, #tpu.memory_space<vmem_shared>>
      tpu.wait_dma2 semaphore(%run_scoped3A : memref<!tpu.dma_semaphore, #tpu.memory_space<semaphore_mem>>) src(%arg16 : memref<80x128xf32, #tpu.memory_space<vmem>>) dst(%dma_wait3A_201 : memref<80x128xf32, #tpu.memory_space<vmem_shared>>)
      tpu.yield
    }) : () -> ()
    %mul3A_13 = arith.constant 640 : i32
    %mul3A_14 = arith.muli %arg1, %mul3A_13 : i32
    %add3A_15 = arith.constant 80 : i32
    %add3A_16 = arith.addi %mul3A_14, %add3A_15 : i32
    "tpu.region"() ({
      %run_scoped3A = tpu.sem_alloc : memref<!tpu.dma_semaphore, #tpu.memory_space<semaphore_mem>>
      %dma_start3A_194 = arith.constant 0 : i32
      %dma_start3A_195 = tpu.memref_slice %arg34[%add3A_16, %dma_start3A_194] : memref<10240x128xf32, #tpu.memory_space<vmem_shared>> -> memref<80x128xf32, #tpu.memory_space<vmem_shared>>
      %dma_start3A_196 = arith.constant 0 : i32
      %dma_start3A_197 = tpu.memref_slice %arg34[%add3A_16, %dma_start3A_196] : memref<10240x128xf32, #tpu.memory_space<vmem_shared>> -> memref<80x128xf32, #tpu.memory_space<vmem_shared>>
      tpu.enqueue_dma source(%arg16 : memref<80x128xf32, #tpu.memory_space<vmem>>) target(%dma_start3A_197 : memref<80x128xf32, #tpu.memory_space<vmem_shared>>) target_semaphore(%run_scoped3A : memref<!tpu.dma_semaphore, #tpu.memory_space<semaphore_mem>>)
      %dma_wait3A_198 = arith.constant 0 : i32
      %dma_wait3A_199 = tpu.memref_slice %arg34[%add3A_16, %dma_wait3A_198] : memref<10240x128xf32, #tpu.memory_space<vmem_shared>> -> memref<80x128xf32, #tpu.memory_space<vmem_shared>>
      %dma_wait3A_200 = arith.constant 0 : i32
      %dma_wait3A_201 = tpu.memref_slice %arg34[%add3A_16, %dma_wait3A_200] : memref<10240x128xf32, #tpu.memory_space<vmem_shared>> -> memref<80x128xf32, #tpu.memory_space<vmem_shared>>
      tpu.wait_dma2 semaphore(%run_scoped3A : memref<!tpu.dma_semaphore, #tpu.memory_space<semaphore_mem>>) src(%arg16 : memref<80x128xf32, #tpu.memory_space<vmem>>) dst(%dma_wait3A_201 : memref<80x128xf32, #tpu.memory_space<vmem_shared>>)
      tpu.yield
    }) : () -> ()
    %mul3A_17 = arith.constant 640 : i32
    %mul3A_18 = arith.muli %arg1, %mul3A_17 : i32
    %add3A_19 = arith.constant 160 : i32
    %add3A_20 = arith.addi %mul3A_18, %add3A_19 : i32
    "tpu.region"() ({
      %run_scoped3A = tpu.sem_alloc : memref<!tpu.dma_semaphore, #tpu.memory_space<semaphore_mem>>
      %dma_start3A_194 = arith.constant 0 : i32
      %dma_start3A_195 = tpu.memref_slice %arg34[%add3A_20, %dma_start3A_194] : memref<10240x128xf32, #tpu.memory_space<vmem_shared>> -> memref<80x128xf32, #tpu.memory_space<vmem_shared>>
      %dma_start3A_196 = arith.constant 0 : i32
      %dma_start3A_197 = tpu.memref_slice %arg34[%add3A_20, %dma_start3A_196] : memref<10240x128xf32, #tpu.memory_space<vmem_shared>> -> memref<80x128xf32, #tpu.memory_space<vmem_shared>>
      tpu.enqueue_dma source(%arg16 : memref<80x128xf32, #tpu.memory_space<vmem>>) target(%dma_start3A_197 : memref<80x128xf32, #tpu.memory_space<vmem_shared>>) target_semaphore(%run_scoped3A : memref<!tpu.dma_semaphore, #tpu.memory_space<semaphore_mem>>)
      %dma_wait3A_198 = arith.constant 0 : i32
      %dma_wait3A_199 = tpu.memref_slice %arg34[%add3A_20, %dma_wait3A_198] : memref<10240x128xf32, #tpu.memory_space<vmem_shared>> -> memref<80x128xf32, #tpu.memory_space<vmem_shared>>
      %dma_wait3A_200 = arith.constant 0 : i32
      %dma_wait3A_201 = tpu.memref_slice %arg34[%add3A_20, %dma_wait3A_200] : memref<10240x128xf32, #tpu.memory_space<vmem_shared>> -> memref<80x128xf32, #tpu.memory_space<vmem_shared>>
      tpu.wait_dma2 semaphore(%run_scoped3A : memref<!tpu.dma_semaphore, #tpu.memory_space<semaphore_mem>>) src(%arg16 : memref<80x128xf32, #tpu.memory_space<vmem>>) dst(%dma_wait3A_201 : memref<80x128xf32, #tpu.memory_space<vmem_shared>>)
      tpu.yield
    }) : () -> ()
    %mul3A_21 = arith.constant 640 : i32
    %mul3A_22 = arith.muli %arg1, %mul3A_21 : i32
    %add3A_23 = arith.constant 240 : i32
    %add3A_24 = arith.addi %mul3A_22, %add3A_23 : i32
    "tpu.region"() ({
      %run_scoped3A = tpu.sem_alloc : memref<!tpu.dma_semaphore, #tpu.memory_space<semaphore_mem>>
      %dma_start3A_194 = arith.constant 0 : i32
      %dma_start3A_195 = tpu.memref_slice %arg34[%add3A_24, %dma_start3A_194] : memref<10240x128xf32, #tpu.memory_space<vmem_shared>> -> memref<80x128xf32, #tpu.memory_space<vmem_shared>>
      %dma_start3A_196 = arith.constant 0 : i32
      %dma_start3A_197 = tpu.memref_slice %arg34[%add3A_24, %dma_start3A_196] : memref<10240x128xf32, #tpu.memory_space<vmem_shared>> -> memref<80x128xf32, #tpu.memory_space<vmem_shared>>
      tpu.enqueue_dma source(%arg16 : memref<80x128xf32, #tpu.memory_space<vmem>>) target(%dma_start3A_197 : memref<80x128xf32, #tpu.memory_space<vmem_shared>>) target_semaphore(%run_scoped3A : memref<!tpu.dma_semaphore, #tpu.memory_space<semaphore_mem>>)
      %dma_wait3A_198 = arith.constant 0 : i32
      %dma_wait3A_199 = tpu.memref_slice %arg34[%add3A_24, %dma_wait3A_198] : memref<10240x128xf32, #tpu.memory_space<vmem_shared>> -> memref<80x128xf32, #tpu.memory_space<vmem_shared>>
      %dma_wait3A_200 = arith.constant 0 : i32
      %dma_wait3A_201 = tpu.memref_slice %arg34[%add3A_24, %dma_wait3A_200] : memref<10240x128xf32, #tpu.memory_space<vmem_shared>> -> memref<80x128xf32, #tpu.memory_space<vmem_shared>>
      tpu.wait_dma2 semaphore(%run_scoped3A : memref<!tpu.dma_semaphore, #tpu.memory_space<semaphore_mem>>) src(%arg16 : memref<80x128xf32, #tpu.memory_space<vmem>>) dst(%dma_wait3A_201 : memref<80x128xf32, #tpu.memory_space<vmem_shared>>)
      tpu.yield
    }) : () -> ()
    %mul3A_25 = arith.constant 640 : i32
    %mul3A_26 = arith.muli %arg1, %mul3A_25 : i32
    %add3A_27 = arith.constant 320 : i32
    %add3A_28 = arith.addi %mul3A_26, %add3A_27 : i32
    "tpu.region"() ({
      %run_scoped3A = tpu.sem_alloc : memref<!tpu.dma_semaphore, #tpu.memory_space<semaphore_mem>>
      %dma_start3A_194 = arith.constant 0 : i32
      %dma_start3A_195 = tpu.memref_slice %arg34[%add3A_28, %dma_start3A_194] : memref<10240x128xf32, #tpu.memory_space<vmem_shared>> -> memref<80x128xf32, #tpu.memory_space<vmem_shared>>
      %dma_start3A_196 = arith.constant 0 : i32
      %dma_start3A_197 = tpu.memref_slice %arg34[%add3A_28, %dma_start3A_196] : memref<10240x128xf32, #tpu.memory_space<vmem_shared>> -> memref<80x128xf32, #tpu.memory_space<vmem_shared>>
      tpu.enqueue_dma source(%arg16 : memref<80x128xf32, #tpu.memory_space<vmem>>) target(%dma_start3A_197 : memref<80x128xf32, #tpu.memory_space<vmem_shared>>) target_semaphore(%run_scoped3A : memref<!tpu.dma_semaphore, #tpu.memory_space<semaphore_mem>>)
      %dma_wait3A_198 = arith.constant 0 : i32
      %dma_wait3A_199 = tpu.memref_slice %arg34[%add3A_28, %dma_wait3A_198] : memref<10240x128xf32, #tpu.memory_space<vmem_shared>> -> memref<80x128xf32, #tpu.memory_space<vmem_shared>>
      %dma_wait3A_200 = arith.constant 0 : i32
      %dma_wait3A_201 = tpu.memref_slice %arg34[%add3A_28, %dma_wait3A_200] : memref<10240x128xf32, #tpu.memory_space<vmem_shared>> -> memref<80x128xf32, #tpu.memory_space<vmem_shared>>
      tpu.wait_dma2 semaphore(%run_scoped3A : memref<!tpu.dma_semaphore, #tpu.memory_space<semaphore_mem>>) src(%arg16 : memref<80x128xf32, #tpu.memory_space<vmem>>) dst(%dma_wait3A_201 : memref<80x128xf32, #tpu.memory_space<vmem_shared>>)
      tpu.yield
    }) : () -> ()
    %mul3A_29 = arith.constant 640 : i32
    %mul3A_30 = arith.muli %arg1, %mul3A_29 : i32
    %add3A_31 = arith.constant 400 : i32
    %add3A_32 = arith.addi %mul3A_30, %add3A_31 : i32
    "tpu.region"() ({
      %run_scoped3A = tpu.sem_alloc : memref<!tpu.dma_semaphore, #tpu.memory_space<semaphore_mem>>
      %dma_start3A_194 = arith.constant 0 : i32
      %dma_start3A_195 = tpu.memref_slice %arg34[%add3A_32, %dma_start3A_194] : memref<10240x128xf32, #tpu.memory_space<vmem_shared>> -> memref<80x128xf32, #tpu.memory_space<vmem_shared>>
      %dma_start3A_196 = arith.constant 0 : i32
      %dma_start3A_197 = tpu.memref_slice %arg34[%add3A_32, %dma_start3A_196] : memref<10240x128xf32, #tpu.memory_space<vmem_shared>> -> memref<80x128xf32, #tpu.memory_space<vmem_shared>>
      tpu.enqueue_dma source(%arg16 : memref<80x128xf32, #tpu.memory_space<vmem>>) target(%dma_start3A_197 : memref<80x128xf32, #tpu.memory_space<vmem_shared>>) target_semaphore(%run_scoped3A : memref<!tpu.dma_semaphore, #tpu.memory_space<semaphore_mem>>)
      %dma_wait3A_198 = arith.constant 0 : i32
      %dma_wait3A_199 = tpu.memref_slice %arg34[%add3A_32, %dma_wait3A_198] : memref<10240x128xf32, #tpu.memory_space<vmem_shared>> -> memref<80x128xf32, #tpu.memory_space<vmem_shared>>
      %dma_wait3A_200 = arith.constant 0 : i32
      %dma_wait3A_201 = tpu.memref_slice %arg34[%add3A_32, %dma_wait3A_200] : memref<10240x128xf32, #tpu.memory_space<vmem_shared>> -> memref<80x128xf32, #tpu.memory_space<vmem_shared>>
      tpu.wait_dma2 semaphore(%run_scoped3A : memref<!tpu.dma_semaphore, #tpu.memory_space<semaphore_mem>>) src(%arg16 : memref<80x128xf32, #tpu.memory_space<vmem>>) dst(%dma_wait3A_201 : memref<80x128xf32, #tpu.memory_space<vmem_shared>>)
      tpu.yield
    }) : () -> ()
    %mul3A_33 = arith.constant 640 : i32
    %mul3A_34 = arith.muli %arg1, %mul3A_33 : i32
    %add3A_35 = arith.constant 480 : i32
    %add3A_36 = arith.addi %mul3A_34, %add3A_35 : i32
    "tpu.region"() ({
      %run_scoped3A = tpu.sem_alloc : memref<!tpu.dma_semaphore, #tpu.memory_space<semaphore_mem>>
      %dma_start3A_194 = arith.constant 0 : i32
      %dma_start3A_195 = tpu.memref_slice %arg34[%add3A_36, %dma_start3A_194] : memref<10240x128xf32, #tpu.memory_space<vmem_shared>> -> memref<80x128xf32, #tpu.memory_space<vmem_shared>>
      %dma_start3A_196 = arith.constant 0 : i32
      %dma_start3A_197 = tpu.memref_slice %arg34[%add3A_36, %dma_start3A_196] : memref<10240x128xf32, #tpu.memory_space<vmem_shared>> -> memref<80x128xf32, #tpu.memory_space<vmem_shared>>
      tpu.enqueue_dma source(%arg16 : memref<80x128xf32, #tpu.memory_space<vmem>>) target(%dma_start3A_197 : memref<80x128xf32, #tpu.memory_space<vmem_shared>>) target_semaphore(%run_scoped3A : memref<!tpu.dma_semaphore, #tpu.memory_space<semaphore_mem>>)
      %dma_wait3A_198 = arith.constant 0 : i32
      %dma_wait3A_199 = tpu.memref_slice %arg34[%add3A_36, %dma_wait3A_198] : memref<10240x128xf32, #tpu.memory_space<vmem_shared>> -> memref<80x128xf32, #tpu.memory_space<vmem_shared>>
      %dma_wait3A_200 = arith.constant 0 : i32
      %dma_wait3A_201 = tpu.memref_slice %arg34[%add3A_36, %dma_wait3A_200] : memref<10240x128xf32, #tpu.memory_space<vmem_shared>> -> memref<80x128xf32, #tpu.memory_space<vmem_shared>>
      tpu.wait_dma2 semaphore(%run_scoped3A : memref<!tpu.dma_semaphore, #tpu.memory_space<semaphore_mem>>) src(%arg16 : memref<80x128xf32, #tpu.memory_space<vmem>>) dst(%dma_wait3A_201 : memref<80x128xf32, #tpu.memory_space<vmem_shared>>)
      tpu.yield
    }) : () -> ()
    %mul3A_37 = arith.constant 640 : i32
    %mul3A_38 = arith.muli %arg1, %mul3A_37 : i32
    %add3A_39 = arith.constant 560 : i32
    %add3A_40 = arith.addi %mul3A_38, %add3A_39 : i32
    "tpu.region"() ({
      %run_scoped3A = tpu.sem_alloc : memref<!tpu.dma_semaphore, #tpu.memory_space<semaphore_mem>>
      %dma_start3A_194 = arith.constant 0 : i32
      %dma_start3A_195 = tpu.memref_slice %arg34[%add3A_40, %dma_start3A_194] : memref<10240x128xf32, #tpu.memory_space<vmem_shared>> -> memref<80x128xf32, #tpu.memory_space<vmem_shared>>
      %dma_start3A_196 = arith.constant 0 : i32
      %dma_start3A_197 = tpu.memref_slice %arg34[%add3A_40, %dma_start3A_196] : memref<10240x128xf32, #tpu.memory_space<vmem_shared>> -> memref<80x128xf32, #tpu.memory_space<vmem_shared>>
      tpu.enqueue_dma source(%arg16 : memref<80x128xf32, #tpu.memory_space<vmem>>) target(%dma_start3A_197 : memref<80x128xf32, #tpu.memory_space<vmem_shared>>) target_semaphore(%run_scoped3A : memref<!tpu.dma_semaphore, #tpu.memory_space<semaphore_mem>>)
      %dma_wait3A_198 = arith.constant 0 : i32
      %dma_wait3A_199 = tpu.memref_slice %arg34[%add3A_40, %dma_wait3A_198] : memref<10240x128xf32, #tpu.memory_space<vmem_shared>> -> memref<80x128xf32, #tpu.memory_space<vmem_shared>>
      %dma_wait3A_200 = arith.constant 0 : i32
      %dma_wait3A_201 = tpu.memref_slice %arg34[%add3A_40, %dma_wait3A_200] : memref<10240x128xf32, #tpu.memory_space<vmem_shared>> -> memref<80x128xf32, #tpu.memory_space<vmem_shared>>
      tpu.wait_dma2 semaphore(%run_scoped3A : memref<!tpu.dma_semaphore, #tpu.memory_space<semaphore_mem>>) src(%arg16 : memref<80x128xf32, #tpu.memory_space<vmem>>) dst(%dma_wait3A_201 : memref<80x128xf32, #tpu.memory_space<vmem_shared>>)
      tpu.yield
    }) : () -> ()
    %barrier3A = arith.constant 0 : index
    tpu.barrier barrier_id(%barrier3A)
    %add3A_41 = arith.constant 0 : i32
    %add3A_42 = arith.addi %mul3A_2, %add3A_41 : i32
    %dma_start3A = tpu.memref_slice %arg4[%add3A_42] : memref<320000xi32, #tpu.memory_space<hbm>> -> memref<80xi32, #tpu.memory_space<hbm>>
    %dma_start3A_43 = tpu.memref_slice %arg4[%add3A_42] : memref<320000xi32, #tpu.memory_space<hbm>> -> memref<80xi32, #tpu.memory_space<hbm>>
    tpu.enqueue_dma source(%dma_start3A_43 : memref<80xi32, #tpu.memory_space<hbm>>) target(%arg10 : memref<80xi32, #tpu.memory_space<vmem>>) target_semaphore(%arg19 : memref<!tpu.dma_semaphore, #tpu.memory_space<semaphore_mem>>)
    %dma_start3A_44 = tpu.memref_slice %arg5[%add3A_42] : memref<320000xi32, #tpu.memory_space<hbm>> -> memref<80xi32, #tpu.memory_space<hbm>>
    %dma_start3A_45 = tpu.memref_slice %arg5[%add3A_42] : memref<320000xi32, #tpu.memory_space<hbm>> -> memref<80xi32, #tpu.memory_space<hbm>>
    tpu.enqueue_dma source(%dma_start3A_45 : memref<80xi32, #tpu.memory_space<hbm>>) target(%arg11 : memref<80xi32, #tpu.memory_space<vmem>>) target_semaphore(%arg19 : memref<!tpu.dma_semaphore, #tpu.memory_space<semaphore_mem>>)
    %dma_start3A_46 = tpu.memref_slice %arg6[%add3A_42] : memref<320000xf32, #tpu.memory_space<hbm>> -> memref<80xf32, #tpu.memory_space<hbm>>
    %dma_start3A_47 = tpu.memref_slice %arg6[%add3A_42] : memref<320000xf32, #tpu.memory_space<hbm>> -> memref<80xf32, #tpu.memory_space<hbm>>
    tpu.enqueue_dma source(%dma_start3A_47 : memref<80xf32, #tpu.memory_space<hbm>>) target(%arg12 : memref<80xf32, #tpu.memory_space<vmem>>) target_semaphore(%arg19 : memref<!tpu.dma_semaphore, #tpu.memory_space<semaphore_mem>>)
    %dma_start3A_48 = arith.constant 0 : i32
    %dma_start3A_49 = tpu.memref_slice %arg3[%add3A_42, %dma_start3A_48] : memref<320000x128xf32, #tpu.memory_space<hbm>> -> memref<80x128xf32, #tpu.memory_space<hbm>>
    %dma_start3A_50 = arith.constant 0 : i32
    %dma_start3A_51 = tpu.memref_slice %arg3[%add3A_42, %dma_start3A_50] : memref<320000x128xf32, #tpu.memory_space<hbm>> -> memref<80x128xf32, #tpu.memory_space<hbm>>
    tpu.enqueue_dma source(%dma_start3A_51 : memref<80x128xf32, #tpu.memory_space<hbm>>) target(%arg17 : memref<80x128xf32, #tpu.memory_space<vmem>>) target_semaphore(%arg19 : memref<!tpu.dma_semaphore, #tpu.memory_space<semaphore_mem>>)
    %add3A_52 = arith.constant 0 : i32
    %add3A_53 = arith.addi %mul3A_2, %add3A_52 : i32
    %dma_wait3A = tpu.memref_slice %arg4[%add3A_53] : memref<320000xi32, #tpu.memory_space<hbm>> -> memref<80xi32, #tpu.memory_space<hbm>>
    %dma_wait3A_54 = tpu.memref_slice %arg4[%add3A_53] : memref<320000xi32, #tpu.memory_space<hbm>> -> memref<80xi32, #tpu.memory_space<hbm>>
    tpu.wait_dma2 semaphore(%arg19 : memref<!tpu.dma_semaphore, #tpu.memory_space<semaphore_mem>>) src(%dma_wait3A_54 : memref<80xi32, #tpu.memory_space<hbm>>) dst(%arg10 : memref<80xi32, #tpu.memory_space<vmem>>)
    %dma_wait3A_55 = tpu.memref_slice %arg5[%add3A_53] : memref<320000xi32, #tpu.memory_space<hbm>> -> memref<80xi32, #tpu.memory_space<hbm>>
    %dma_wait3A_56 = tpu.memref_slice %arg5[%add3A_53] : memref<320000xi32, #tpu.memory_space<hbm>> -> memref<80xi32, #tpu.memory_space<hbm>>
    tpu.wait_dma2 semaphore(%arg19 : memref<!tpu.dma_semaphore, #tpu.memory_space<semaphore_mem>>) src(%dma_wait3A_56 : memref<80xi32, #tpu.memory_space<hbm>>) dst(%arg11 : memref<80xi32, #tpu.memory_space<vmem>>)
    %dma_wait3A_57 = tpu.memref_slice %arg6[%add3A_53] : memref<320000xf32, #tpu.memory_space<hbm>> -> memref<80xf32, #tpu.memory_space<hbm>>
    %dma_wait3A_58 = tpu.memref_slice %arg6[%add3A_53] : memref<320000xf32, #tpu.memory_space<hbm>> -> memref<80xf32, #tpu.memory_space<hbm>>
    tpu.wait_dma2 semaphore(%arg19 : memref<!tpu.dma_semaphore, #tpu.memory_space<semaphore_mem>>) src(%dma_wait3A_58 : memref<80xf32, #tpu.memory_space<hbm>>) dst(%arg12 : memref<80xf32, #tpu.memory_space<vmem>>)
    %dma_wait3A_59 = arith.constant 0 : i32
    %dma_wait3A_60 = tpu.memref_slice %arg3[%add3A_53, %dma_wait3A_59] : memref<320000x128xf32, #tpu.memory_space<hbm>> -> memref<80x128xf32, #tpu.memory_space<hbm>>
    %dma_wait3A_61 = arith.constant 0 : i32
    %dma_wait3A_62 = tpu.memref_slice %arg3[%add3A_53, %dma_wait3A_61] : memref<320000x128xf32, #tpu.memory_space<hbm>> -> memref<80x128xf32, #tpu.memory_space<hbm>>
    tpu.wait_dma2 semaphore(%arg19 : memref<!tpu.dma_semaphore, #tpu.memory_space<semaphore_mem>>) src(%dma_wait3A_62 : memref<80x128xf32, #tpu.memory_space<hbm>>) dst(%arg17 : memref<80x128xf32, #tpu.memory_space<vmem>>)
    %dma_start3A_63 = arith.constant 0 : i32
    %dma_start3A_64 = arith.constant 0 : i32
    %dma_start3A_65 = tpu.memref_slice %arg2[%dma_start3A_63, %dma_start3A_64] : memref<10000x128xf32, #tpu.memory_space<hbm>> -> memref<10000x128xf32, #tpu.memory_space<hbm>>
    tpu.enqueue_indirect_dma source(%dma_start3A_65 : memref<10000x128xf32, #tpu.memory_space<hbm>>) target(%arg16 : memref<80x128xf32, #tpu.memory_space<vmem>>) offsets(%arg10 : memref<80xi32, #tpu.memory_space<vmem>>) semaphore(%arg20 : memref<!tpu.dma_semaphore, #tpu.memory_space<semaphore_mem>>)
    %dma_start3A_66 = arith.constant 0 : i32
    %dma_start3A_67 = tpu.memref_slice %arg7[%dma_start3A_66] : memref<10000xf32, #tpu.memory_space<hbm>> -> memref<10000xf32, #tpu.memory_space<hbm>>
    tpu.enqueue_indirect_dma source(%dma_start3A_67 : memref<10000xf32, #tpu.memory_space<hbm>>) target(%arg13 : memref<80xf32, #tpu.memory_space<vmem>>) offsets(%arg10 : memref<80xi32, #tpu.memory_space<vmem>>) semaphore(%arg20 : memref<!tpu.dma_semaphore, #tpu.memory_space<semaphore_mem>>)
    %dma_start3A_68 = arith.constant 0 : i32
    %dma_start3A_69 = tpu.memref_slice %arg8[%dma_start3A_68] : memref<10000xf32, #tpu.memory_space<hbm>> -> memref<10000xf32, #tpu.memory_space<hbm>>
    tpu.enqueue_indirect_dma source(%dma_start3A_69 : memref<10000xf32, #tpu.memory_space<hbm>>) target(%arg14 : memref<80xf32, #tpu.memory_space<vmem>>) offsets(%arg11 : memref<80xi32, #tpu.memory_space<vmem>>) semaphore(%arg20 : memref<!tpu.dma_semaphore, #tpu.memory_space<semaphore_mem>>)
    %add3A_70 = arith.constant 80 : i32
    %add3A_71 = arith.addi %mul3A_2, %add3A_70 : i32
    %dma_start3A_72 = tpu.memref_slice %arg4[%add3A_71] : memref<320000xi32, #tpu.memory_space<hbm>> -> memref<80xi32, #tpu.memory_space<hbm>>
    %dma_start3A_73 = tpu.memref_slice %arg4[%add3A_71] : memref<320000xi32, #tpu.memory_space<hbm>> -> memref<80xi32, #tpu.memory_space<hbm>>
    tpu.enqueue_dma source(%dma_start3A_73 : memref<80xi32, #tpu.memory_space<hbm>>) target(%arg22 : memref<80xi32, #tpu.memory_space<vmem>>) target_semaphore(%arg31 : memref<!tpu.dma_semaphore, #tpu.memory_space<semaphore_mem>>)
    %dma_start3A_74 = tpu.memref_slice %arg5[%add3A_71] : memref<320000xi32, #tpu.memory_space<hbm>> -> memref<80xi32, #tpu.memory_space<hbm>>
    %dma_start3A_75 = tpu.memref_slice %arg5[%add3A_71] : memref<320000xi32, #tpu.memory_space<hbm>> -> memref<80xi32, #tpu.memory_space<hbm>>
    tpu.enqueue_dma source(%dma_start3A_75 : memref<80xi32, #tpu.memory_space<hbm>>) target(%arg23 : memref<80xi32, #tpu.memory_space<vmem>>) target_semaphore(%arg31 : memref<!tpu.dma_semaphore, #tpu.memory_space<semaphore_mem>>)
    %dma_start3A_76 = tpu.memref_slice %arg6[%add3A_71] : memref<320000xf32, #tpu.memory_space<hbm>> -> memref<80xf32, #tpu.memory_space<hbm>>
    %dma_start3A_77 = tpu.memref_slice %arg6[%add3A_71] : memref<320000xf32, #tpu.memory_space<hbm>> -> memref<80xf32, #tpu.memory_space<hbm>>
    tpu.enqueue_dma source(%dma_start3A_77 : memref<80xf32, #tpu.memory_space<hbm>>) target(%arg24 : memref<80xf32, #tpu.memory_space<vmem>>) target_semaphore(%arg31 : memref<!tpu.dma_semaphore, #tpu.memory_space<semaphore_mem>>)
    %dma_start3A_78 = arith.constant 0 : i32
    %dma_start3A_79 = tpu.memref_slice %arg3[%add3A_71, %dma_start3A_78] : memref<320000x128xf32, #tpu.memory_space<hbm>> -> memref<80x128xf32, #tpu.memory_space<hbm>>
    %dma_start3A_80 = arith.constant 0 : i32
    %dma_start3A_81 = tpu.memref_slice %arg3[%add3A_71, %dma_start3A_80] : memref<320000x128xf32, #tpu.memory_space<hbm>> -> memref<80x128xf32, #tpu.memory_space<hbm>>
    tpu.enqueue_dma source(%dma_start3A_81 : memref<80x128xf32, #tpu.memory_space<hbm>>) target(%arg29 : memref<80x128xf32, #tpu.memory_space<vmem>>) target_semaphore(%arg31 : memref<!tpu.dma_semaphore, #tpu.memory_space<semaphore_mem>>)
    %scan3A_82 = arith.constant 0 : i32
    %scan3A_83 = arith.constant 0 : i32
    %scan3A_84 = arith.constant 61 : i32
    %scan3A_85 = arith.addi %scan3A_83, %scan3A_84 : i32
    %scan3A_86 = arith.constant 1 : i32
    %scan3A_87 = scf.for %scan3A_194 = %scan3A_83 to %scan3A_85 step %scan3A_86 iter_args(%scan3A_195 = %scan3A_82) -> (i32)  : i32 {
      %mul3A_196 = arith.constant 2 : i32
      %mul3A_197 = arith.muli %mul3A_196, %scan3A_194 : i32
      %dma_wait3A_198 = arith.constant 0 : i32
      %dma_wait3A_199 = arith.constant 0 : i32
      %dma_wait3A_200 = tpu.memref_slice %arg2[%dma_wait3A_198, %dma_wait3A_199] : memref<10000x128xf32, #tpu.memory_space<hbm>> -> memref<10000x128xf32, #tpu.memory_space<hbm>>
      tpu.wait_indirect_dma semaphore(%arg20 : memref<!tpu.dma_semaphore, #tpu.memory_space<semaphore_mem>>) src(%dma_wait3A_200 : memref<10000x128xf32, #tpu.memory_space<hbm>>) dst(%arg16 : memref<80x128xf32, #tpu.memory_space<vmem>>)
      %dma_wait3A_201 = arith.constant 0 : i32
      %dma_wait3A_202 = tpu.memref_slice %arg7[%dma_wait3A_201] : memref<10000xf32, #tpu.memory_space<hbm>> -> memref<10000xf32, #tpu.memory_space<hbm>>
      tpu.wait_indirect_dma semaphore(%arg20 : memref<!tpu.dma_semaphore, #tpu.memory_space<semaphore_mem>>) src(%dma_wait3A_202 : memref<10000xf32, #tpu.memory_space<hbm>>) dst(%arg13 : memref<80xf32, #tpu.memory_space<vmem>>)
      %dma_wait3A_203 = arith.constant 0 : i32
      %dma_wait3A_204 = tpu.memref_slice %arg8[%dma_wait3A_203] : memref<10000xf32, #tpu.memory_space<hbm>> -> memref<10000xf32, #tpu.memory_space<hbm>>
      tpu.wait_indirect_dma semaphore(%arg20 : memref<!tpu.dma_semaphore, #tpu.memory_space<semaphore_mem>>) src(%dma_wait3A_204 : memref<10000xf32, #tpu.memory_space<hbm>>) dst(%arg14 : memref<80xf32, #tpu.memory_space<vmem>>)
      %add3A_205 = arith.constant 1 : i32
      %add3A_206 = arith.addi %mul3A_197, %add3A_205 : i32
      %mul3A_207 = arith.constant 80 : i32
      %mul3A_208 = arith.muli %add3A_206, %mul3A_207 : i32
      %add3A_209 = arith.addi %mul3A_2, %mul3A_208 : i32
      %dma_wait3A_210 = tpu.memref_slice %arg4[%add3A_209] : memref<320000xi32, #tpu.memory_space<hbm>> -> memref<80xi32, #tpu.memory_space<hbm>>
      %dma_wait3A_211 = tpu.memref_slice %arg4[%add3A_209] : memref<320000xi32, #tpu.memory_space<hbm>> -> memref<80xi32, #tpu.memory_space<hbm>>
      tpu.wait_dma2 semaphore(%arg31 : memref<!tpu.dma_semaphore, #tpu.memory_space<semaphore_mem>>) src(%dma_wait3A_211 : memref<80xi32, #tpu.memory_space<hbm>>) dst(%arg22 : memref<80xi32, #tpu.memory_space<vmem>>)
      %dma_wait3A_212 = tpu.memref_slice %arg5[%add3A_209] : memref<320000xi32, #tpu.memory_space<hbm>> -> memref<80xi32, #tpu.memory_space<hbm>>
      %dma_wait3A_213 = tpu.memref_slice %arg5[%add3A_209] : memref<320000xi32, #tpu.memory_space<hbm>> -> memref<80xi32, #tpu.memory_space<hbm>>
      tpu.wait_dma2 semaphore(%arg31 : memref<!tpu.dma_semaphore, #tpu.memory_space<semaphore_mem>>) src(%dma_wait3A_213 : memref<80xi32, #tpu.memory_space<hbm>>) dst(%arg23 : memref<80xi32, #tpu.memory_space<vmem>>)
      %dma_wait3A_214 = tpu.memref_slice %arg6[%add3A_209] : memref<320000xf32, #tpu.memory_space<hbm>> -> memref<80xf32, #tpu.memory_space<hbm>>
      %dma_wait3A_215 = tpu.memref_slice %arg6[%add3A_209] : memref<320000xf32, #tpu.memory_space<hbm>> -> memref<80xf32, #tpu.memory_space<hbm>>
      tpu.wait_dma2 semaphore(%arg31 : memref<!tpu.dma_semaphore, #tpu.memory_space<semaphore_mem>>) src(%dma_wait3A_215 : memref<80xf32, #tpu.memory_space<hbm>>) dst(%arg24 : memref<80xf32, #tpu.memory_space<vmem>>)
      %dma_wait3A_216 = arith.constant 0 : i32
      %dma_wait3A_217 = tpu.memref_slice %arg3[%add3A_209, %dma_wait3A_216] : memref<320000x128xf32, #tpu.memory_space<hbm>> -> memref<80x128xf32, #tpu.memory_space<hbm>>
      %dma_wait3A_218 = arith.constant 0 : i32
      %dma_wait3A_219 = tpu.memref_slice %arg3[%add3A_209, %dma_wait3A_218] : memref<320000x128xf32, #tpu.memory_space<hbm>> -> memref<80x128xf32, #tpu.memory_space<hbm>>
      tpu.wait_dma2 semaphore(%arg31 : memref<!tpu.dma_semaphore, #tpu.memory_space<semaphore_mem>>) src(%dma_wait3A_219 : memref<80x128xf32, #tpu.memory_space<hbm>>) dst(%arg29 : memref<80x128xf32, #tpu.memory_space<vmem>>)
      %dma_start3A_220 = arith.constant 0 : i32
      %dma_start3A_221 = arith.constant 0 : i32
      %dma_start3A_222 = tpu.memref_slice %arg2[%dma_start3A_220, %dma_start3A_221] : memref<10000x128xf32, #tpu.memory_space<hbm>> -> memref<10000x128xf32, #tpu.memory_space<hbm>>
      tpu.enqueue_indirect_dma source(%dma_start3A_222 : memref<10000x128xf32, #tpu.memory_space<hbm>>) target(%arg28 : memref<80x128xf32, #tpu.memory_space<vmem>>) offsets(%arg22 : memref<80xi32, #tpu.memory_space<vmem>>) semaphore(%arg32 : memref<!tpu.dma_semaphore, #tpu.memory_space<semaphore_mem>>)
      %dma_start3A_223 = arith.constant 0 : i32
      %dma_start3A_224 = tpu.memref_slice %arg7[%dma_start3A_223] : memref<10000xf32, #tpu.memory_space<hbm>> -> memref<10000xf32, #tpu.memory_space<hbm>>
      tpu.enqueue_indirect_dma source(%dma_start3A_224 : memref<10000xf32, #tpu.memory_space<hbm>>) target(%arg25 : memref<80xf32, #tpu.memory_space<vmem>>) offsets(%arg22 : memref<80xi32, #tpu.memory_space<vmem>>) semaphore(%arg32 : memref<!tpu.dma_semaphore, #tpu.memory_space<semaphore_mem>>)
      %dma_start3A_225 = arith.constant 0 : i32
      %dma_start3A_226 = tpu.memref_slice %arg8[%dma_start3A_225] : memref<10000xf32, #tpu.memory_space<hbm>> -> memref<10000xf32, #tpu.memory_space<hbm>>
      tpu.enqueue_indirect_dma source(%dma_start3A_226 : memref<10000xf32, #tpu.memory_space<hbm>>) target(%arg26 : memref<80xf32, #tpu.memory_space<vmem>>) offsets(%arg23 : memref<80xi32, #tpu.memory_space<vmem>>) semaphore(%arg32 : memref<!tpu.dma_semaphore, #tpu.memory_space<semaphore_mem>>)
      %scan3A_227 = arith.constant 0 : i32
      %scan3A_228 = arith.constant 0 : i32
      %scan3A_229 = arith.constant 5 : i32
      %scan3A_230 = arith.addi %scan3A_228, %scan3A_229 : i32
      %scan3A_231 = arith.constant 1 : i32
      %scan3A_232 = scf.for %scan3A_311 = %scan3A_228 to %scan3A_230 step %scan3A_231 iter_args(%scan3A_312 = %scan3A_227) -> (i32)  : i32 {
        %mul3A_313 = arith.constant 16 : i32
        %mul3A_314 = arith.muli %scan3A_311, %mul3A_313 : i32
        %get3A = arith.index_cast %mul3A_314 : i32 to index
        %get3A_315 = tpu.vector_load %arg13[%get3A] {strides = array<i32>} : memref<80xf32, #tpu.memory_space<vmem>>, vector<16xf32>,
        %get3A_316 = arith.index_cast %mul3A_314 : i32 to index
        %get3A_317 = tpu.vector_load %arg14[%get3A_316] {strides = array<i32>} : memref<80xf32, #tpu.memory_space<vmem>>, vector<16xf32>,
        %add3A_318 = arith.addf %get3A_315, %get3A_317 : vector<16xf32>
        %get3A_319 = arith.index_cast %mul3A_314 : i32 to index
        %get3A_320 = tpu.vector_load %arg12[%get3A_319] {strides = array<i32>} : memref<80xf32, #tpu.memory_space<vmem>>, vector<16xf32>,
        %add3A_321 = arith.addf %add3A_318, %get3A_320 : vector<16xf32>
        %neg3A = arith.constant 0.000000e+00 : f32
        %neg3A_322 = vector.broadcast %neg3A : f32 to vector<16xf32>
        %neg3A_323 = arith.subf %neg3A_322, %add3A_321 : vector<16xf32>
        %exp3A = math.exp %neg3A_323 : vector<16xf32>
        %add3A_324 = arith.constant 1.000000e+00 : f32
        %add3A_325 = vector.broadcast %add3A_324 : f32 to vector<16xf32>
        %add3A_326 = arith.addf %add3A_325, %exp3A : vector<16xf32>
        %div3A = arith.constant 1.000000e+00 : f32
        %div3A_327 = vector.broadcast %div3A : f32 to vector<16xf32>
        %div3A_328 = arith.divf %div3A_327, %add3A_326 : vector<16xf32>
        %swap3A = arith.index_cast %mul3A_314 : i32 to index
        %swap3A_329 = tpu.vector_load %arg15[%swap3A] {strides = array<i32>} : memref<80xf32, #tpu.memory_space<vmem>>, vector<16xf32>,
        tpu.vector_store %arg15[%swap3A], %div3A_328 {strides = array<i32>} : memref<80xf32, #tpu.memory_space<vmem>>, vector<16xf32>,
        %scan3A_330 = arith.constant 0 : i32
        scf.yield %scan3A_330 : i32
      }
      %scan3A_233 = arith.constant 5 : i32
      %parallel_loop3A_234 = arith.constant 0 : i32
      %parallel_loop3A_235 = arith.constant 80 : i32
      %parallel_loop3A_236 = arith.constant 1 : i32
      scf.for %parallel_loop3A_311 = %parallel_loop3A_234 to %parallel_loop3A_235 step %parallel_loop3A_236  : i32 {
        %parallel_loop3A_312 = vector.broadcast %parallel_loop3A_311 : i32 to vector<16xi32>
        %parallel_loop3A_313 = tpu.vector_load_idx %arg15[%parallel_loop3A_312] : memref<80xf32, #tpu.memory_space<vmem>>[vector<16xi32>], vector<16xf32>,
        %parallel_loop3A_314 = arith.index_cast %parallel_loop3A_311 : i32 to index
        %parallel_loop3A_315 = arith.constant 0 : index
        %parallel_loop3A_316 = tpu.vector_load %arg16[%parallel_loop3A_314, %parallel_loop3A_315] {strides = array<i32>} : memref<80x128xf32, #tpu.memory_space<vmem>>, vector<16xf32>,
        %parallel_loop3A_317 = arith.index_cast %parallel_loop3A_311 : i32 to index
        %parallel_loop3A_318 = arith.constant 0 : index
        %parallel_loop3A_319 = tpu.vector_load %arg17[%parallel_loop3A_317, %parallel_loop3A_318] {strides = array<i32>} : memref<80x128xf32, #tpu.memory_space<vmem>>, vector<16xf32>,
        %parallel_loop3A_320 = arith.addf %parallel_loop3A_316, %parallel_loop3A_319 : vector<16xf32>
        %parallel_loop3A_321 = arith.constant 0.000000e+00 : f32
        %parallel_loop3A_322 = vector.broadcast %parallel_loop3A_321 : f32 to vector<16xf32>
        %parallel_loop3A_323 = arith.maximumf %parallel_loop3A_320, %parallel_loop3A_322 : vector<16xf32>
        %parallel_loop3A_324 = arith.mulf %parallel_loop3A_323, %parallel_loop3A_313 : vector<16xf32>
        %parallel_loop3A_325 = arith.index_cast %parallel_loop3A_311 : i32 to index
        %parallel_loop3A_326 = arith.constant 0 : index
        %parallel_loop3A_327 = tpu.vector_load %arg16[%parallel_loop3A_325, %parallel_loop3A_326] {strides = array<i32>} : memref<80x128xf32, #tpu.memory_space<vmem>>, vector<16xf32>,
        tpu.vector_store %arg16[%parallel_loop3A_325, %parallel_loop3A_326], %parallel_loop3A_324 {strides = array<i32>} : memref<80x128xf32, #tpu.memory_space<vmem>>, vector<16xf32>,
        %parallel_loop3A_328 = arith.index_cast %parallel_loop3A_311 : i32 to index
        %parallel_loop3A_329 = arith.constant 16 : index
        %parallel_loop3A_330 = tpu.vector_load %arg16[%parallel_loop3A_328, %parallel_loop3A_329] {strides = array<i32>} : memref<80x128xf32, #tpu.memory_space<vmem>>, vector<16xf32>,
        %parallel_loop3A_331 = arith.index_cast %parallel_loop3A_311 : i32 to index
        %parallel_loop3A_332 = arith.constant 16 : index
        %parallel_loop3A_333 = tpu.vector_load %arg17[%parallel_loop3A_331, %parallel_loop3A_332] {strides = array<i32>} : memref<80x128xf32, #tpu.memory_space<vmem>>, vector<16xf32>,
        %parallel_loop3A_334 = arith.addf %parallel_loop3A_330, %parallel_loop3A_333 : vector<16xf32>
        %parallel_loop3A_335 = arith.constant 0.000000e+00 : f32
        %parallel_loop3A_336 = vector.broadcast %parallel_loop3A_335 : f32 to vector<16xf32>
        %parallel_loop3A_337 = arith.maximumf %parallel_loop3A_334, %parallel_loop3A_336 : vector<16xf32>
        %parallel_loop3A_338 = arith.mulf %parallel_loop3A_337, %parallel_loop3A_313 : vector<16xf32>
        %parallel_loop3A_339 = arith.index_cast %parallel_loop3A_311 : i32 to index
        %parallel_loop3A_340 = arith.constant 16 : index
        %parallel_loop3A_341 = tpu.vector_load %arg16[%parallel_loop3A_339, %parallel_loop3A_340] {strides = array<i32>} : memref<80x128xf32, #tpu.memory_space<vmem>>, vector<16xf32>,
        tpu.vector_store %arg16[%parallel_loop3A_339, %parallel_loop3A_340], %parallel_loop3A_338 {strides = array<i32>} : memref<80x128xf32, #tpu.memory_space<vmem>>, vector<16xf32>,
        %parallel_loop3A_342 = arith.index_cast %parallel_loop3A_311 : i32 to index
        %parallel_loop3A_343 = arith.constant 32 : index
        %parallel_loop3A_344 = tpu.vector_load %arg16[%parallel_loop3A_342, %parallel_loop3A_343] {strides = array<i32>} : memref<80x128xf32, #tpu.memory_space<vmem>>, vector<16xf32>,
        %parallel_loop3A_345 = arith.index_cast %parallel_loop3A_311 : i32 to index
        %parallel_loop3A_346 = arith.constant 32 : index
        %parallel_loop3A_347 = tpu.vector_load %arg17[%parallel_loop3A_345, %parallel_loop3A_346] {strides = array<i32>} : memref<80x128xf32, #tpu.memory_space<vmem>>, vector<16xf32>,
        %parallel_loop3A_348 = arith.addf %parallel_loop3A_344, %parallel_loop3A_347 : vector<16xf32>
        %parallel_loop3A_349 = arith.constant 0.000000e+00 : f32
        %parallel_loop3A_350 = vector.broadcast %parallel_loop3A_349 : f32 to vector<16xf32>
        %parallel_loop3A_351 = arith.maximumf %parallel_loop3A_348, %parallel_loop3A_350 : vector<16xf32>
        %parallel_loop3A_352 = arith.mulf %parallel_loop3A_351, %parallel_loop3A_313 : vector<16xf32>
        %parallel_loop3A_353 = arith.index_cast %parallel_loop3A_311 : i32 to index
        %parallel_loop3A_354 = arith.constant 32 : index
        %parallel_loop3A_355 = tpu.vector_load %arg16[%parallel_loop3A_353, %parallel_loop3A_354] {strides = array<i32>} : memref<80x128xf32, #tpu.memory_space<vmem>>, vector<16xf32>,
        tpu.vector_store %arg16[%parallel_loop3A_353, %parallel_loop3A_354], %parallel_loop3A_352 {strides = array<i32>} : memref<80x128xf32, #tpu.memory_space<vmem>>, vector<16xf32>,
        %parallel_loop3A_356 = arith.index_cast %parallel_loop3A_311 : i32 to index
        %parallel_loop3A_357 = arith.constant 48 : index
        %parallel_loop3A_358 = tpu.vector_load %arg16[%parallel_loop3A_356, %parallel_loop3A_357] {strides = array<i32>} : memref<80x128xf32, #tpu.memory_space<vmem>>, vector<16xf32>,
        %parallel_loop3A_359 = arith.index_cast %parallel_loop3A_311 : i32 to index
        %parallel_loop3A_360 = arith.constant 48 : index
        %parallel_loop3A_361 = tpu.vector_load %arg17[%parallel_loop3A_359, %parallel_loop3A_360] {strides = array<i32>} : memref<80x128xf32, #tpu.memory_space<vmem>>, vector<16xf32>,
        %parallel_loop3A_362 = arith.addf %parallel_loop3A_358, %parallel_loop3A_361 : vector<16xf32>
        %parallel_loop3A_363 = arith.constant 0.000000e+00 : f32
        %parallel_loop3A_364 = vector.broadcast %parallel_loop3A_363 : f32 to vector<16xf32>
        %parallel_loop3A_365 = arith.maximumf %parallel_loop3A_362, %parallel_loop3A_364 : vector<16xf32>
        %parallel_loop3A_366 = arith.mulf %parallel_loop3A_365, %parallel_loop3A_313 : vector<16xf32>
        %parallel_loop3A_367 = arith.index_cast %parallel_loop3A_311 : i32 to index
        %parallel_loop3A_368 = arith.constant 48 : index
        %parallel_loop3A_369 = tpu.vector_load %arg16[%parallel_loop3A_367, %parallel_loop3A_368] {strides = array<i32>} : memref<80x128xf32, #tpu.memory_space<vmem>>, vector<16xf32>,
        tpu.vector_store %arg16[%parallel_loop3A_367, %parallel_loop3A_368], %parallel_loop3A_366 {strides = array<i32>} : memref<80x128xf32, #tpu.memory_space<vmem>>, vector<16xf32>,
        %parallel_loop3A_370 = arith.index_cast %parallel_loop3A_311 : i32 to index
        %parallel_loop3A_371 = arith.constant 64 : index
        %parallel_loop3A_372 = tpu.vector_load %arg16[%parallel_loop3A_370, %parallel_loop3A_371] {strides = array<i32>} : memref<80x128xf32, #tpu.memory_space<vmem>>, vector<16xf32>,
        %parallel_loop3A_373 = arith.index_cast %parallel_loop3A_311 : i32 to index
        %parallel_loop3A_374 = arith.constant 64 : index
        %parallel_loop3A_375 = tpu.vector_load %arg17[%parallel_loop3A_373, %parallel_loop3A_374] {strides = array<i32>} : memref<80x128xf32, #tpu.memory_space<vmem>>, vector<16xf32>,
        %parallel_loop3A_376 = arith.addf %parallel_loop3A_372, %parallel_loop3A_375 : vector<16xf32>
        %parallel_loop3A_377 = arith.constant 0.000000e+00 : f32
        %parallel_loop3A_378 = vector.broadcast %parallel_loop3A_377 : f32 to vector<16xf32>
        %parallel_loop3A_379 = arith.maximumf %parallel_loop3A_376, %parallel_loop3A_378 : vector<16xf32>
        %parallel_loop3A_380 = arith.mulf %parallel_loop3A_379, %parallel_loop3A_313 : vector<16xf32>
        %parallel_loop3A_381 = arith.index_cast %parallel_loop3A_311 : i32 to index
        %parallel_loop3A_382 = arith.constant 64 : index
        %parallel_loop3A_383 = tpu.vector_load %arg16[%parallel_loop3A_381, %parallel_loop3A_382] {strides = array<i32>} : memref<80x128xf32, #tpu.memory_space<vmem>>, vector<16xf32>,
        tpu.vector_store %arg16[%parallel_loop3A_381, %parallel_loop3A_382], %parallel_loop3A_380 {strides = array<i32>} : memref<80x128xf32, #tpu.memory_space<vmem>>, vector<16xf32>,
        %parallel_loop3A_384 = arith.index_cast %parallel_loop3A_311 : i32 to index
        %parallel_loop3A_385 = arith.constant 80 : index
        %parallel_loop3A_386 = tpu.vector_load %arg16[%parallel_loop3A_384, %parallel_loop3A_385] {strides = array<i32>} : memref<80x128xf32, #tpu.memory_space<vmem>>, vector<16xf32>,
        %parallel_loop3A_387 = arith.index_cast %parallel_loop3A_311 : i32 to index
        %parallel_loop3A_388 = arith.constant 80 : index
        %parallel_loop3A_389 = tpu.vector_load %arg17[%parallel_loop3A_387, %parallel_loop3A_388] {strides = array<i32>} : memref<80x128xf32, #tpu.memory_space<vmem>>, vector<16xf32>,
        %parallel_loop3A_390 = arith.addf %parallel_loop3A_386, %parallel_loop3A_389 : vector<16xf32>
        %parallel_loop3A_391 = arith.constant 0.000000e+00 : f32
        %parallel_loop3A_392 = vector.broadcast %parallel_loop3A_391 : f32 to vector<16xf32>
        %parallel_loop3A_393 = arith.maximumf %parallel_loop3A_390, %parallel_loop3A_392 : vector<16xf32>
        %parallel_loop3A_394 = arith.mulf %parallel_loop3A_393, %parallel_loop3A_313 : vector<16xf32>
        %parallel_loop3A_395 = arith.index_cast %parallel_loop3A_311 : i32 to index
        %parallel_loop3A_396 = arith.constant 80 : index
        %parallel_loop3A_397 = tpu.vector_load %arg16[%parallel_loop3A_395, %parallel_loop3A_396] {strides = array<i32>} : memref<80x128xf32, #tpu.memory_space<vmem>>, vector<16xf32>,
        tpu.vector_store %arg16[%parallel_loop3A_395, %parallel_loop3A_396], %parallel_loop3A_394 {strides = array<i32>} : memref<80x128xf32, #tpu.memory_space<vmem>>, vector<16xf32>,
        %parallel_loop3A_398 = arith.index_cast %parallel_loop3A_311 : i32 to index
        %parallel_loop3A_399 = arith.constant 96 : index
        %parallel_loop3A_400 = tpu.vector_load %arg16[%parallel_loop3A_398, %parallel_loop3A_399] {strides = array<i32>} : memref<80x128xf32, #tpu.memory_space<vmem>>, vector<16xf32>,
        %parallel_loop3A_401 = arith.index_cast %parallel_loop3A_311 : i32 to index
        %parallel_loop3A_402 = arith.constant 96 : index
        %parallel_loop3A_403 = tpu.vector_load %arg17[%parallel_loop3A_401, %parallel_loop3A_402] {strides = array<i32>} : memref<80x128xf32, #tpu.memory_space<vmem>>, vector<16xf32>,
        %parallel_loop3A_404 = arith.addf %parallel_loop3A_400, %parallel_loop3A_403 : vector<16xf32>
        %parallel_loop3A_405 = arith.constant 0.000000e+00 : f32
        %parallel_loop3A_406 = vector.broadcast %parallel_loop3A_405 : f32 to vector<16xf32>
        %parallel_loop3A_407 = arith.maximumf %parallel_loop3A_404, %parallel_loop3A_406 : vector<16xf32>
        %parallel_loop3A_408 = arith.mulf %parallel_loop3A_407, %parallel_loop3A_313 : vector<16xf32>
        %parallel_loop3A_409 = arith.index_cast %parallel_loop3A_311 : i32 to index
        %parallel_loop3A_410 = arith.constant 96 : index
        %parallel_loop3A_411 = tpu.vector_load %arg16[%parallel_loop3A_409, %parallel_loop3A_410] {strides = array<i32>} : memref<80x128xf32, #tpu.memory_space<vmem>>, vector<16xf32>,
        tpu.vector_store %arg16[%parallel_loop3A_409, %parallel_loop3A_410], %parallel_loop3A_408 {strides = array<i32>} : memref<80x128xf32, #tpu.memory_space<vmem>>, vector<16xf32>,
        %parallel_loop3A_412 = arith.index_cast %parallel_loop3A_311 : i32 to index
        %parallel_loop3A_413 = arith.constant 112 : index
        %parallel_loop3A_414 = tpu.vector_load %arg16[%parallel_loop3A_412, %parallel_loop3A_413] {strides = array<i32>} : memref<80x128xf32, #tpu.memory_space<vmem>>, vector<16xf32>,
        %parallel_loop3A_415 = arith.index_cast %parallel_loop3A_311 : i32 to index
        %parallel_loop3A_416 = arith.constant 112 : index
        %parallel_loop3A_417 = tpu.vector_load %arg17[%parallel_loop3A_415, %parallel_loop3A_416] {strides = array<i32>} : memref<80x128xf32, #tpu.memory_space<vmem>>, vector<16xf32>,
        %parallel_loop3A_418 = arith.addf %parallel_loop3A_414, %parallel_loop3A_417 : vector<16xf32>
        %parallel_loop3A_419 = arith.constant 0.000000e+00 : f32
        %parallel_loop3A_420 = vector.broadcast %parallel_loop3A_419 : f32 to vector<16xf32>
        %parallel_loop3A_421 = arith.maximumf %parallel_loop3A_418, %parallel_loop3A_420 : vector<16xf32>
        %parallel_loop3A_422 = arith.mulf %parallel_loop3A_421, %parallel_loop3A_313 : vector<16xf32>
        %parallel_loop3A_423 = arith.index_cast %parallel_loop3A_311 : i32 to index
        %parallel_loop3A_424 = arith.constant 112 : index
        %parallel_loop3A_425 = tpu.vector_load %arg16[%parallel_loop3A_423, %parallel_loop3A_424] {strides = array<i32>} : memref<80x128xf32, #tpu.memory_space<vmem>>, vector<16xf32>,
        tpu.vector_store %arg16[%parallel_loop3A_423, %parallel_loop3A_424], %parallel_loop3A_422 {strides = array<i32>} : memref<80x128xf32, #tpu.memory_space<vmem>>, vector<16xf32>,
      } {sc.loop_unroll_factor = 4 : i64, sc.parallel_access}
      "tpu.region"() ({
        %run_scoped3A = tpu.sem_alloc : memref<!tpu.dma_semaphore, #tpu.memory_space<semaphore_mem>>
        %dma_start3A_311 = arith.constant 0 : i32
        %dma_start3A_312 = arith.constant 0 : i32
        %dma_start3A_313 = tpu.memref_slice %arg34[%dma_start3A_311, %dma_start3A_312] : memref<10240x128xf32, #tpu.memory_space<vmem_shared>> -> memref<10240x128xf32, #tpu.memory_space<vmem_shared>>
        tpu.enqueue_indirect_dma source(%arg16 : memref<80x128xf32, #tpu.memory_space<vmem>>) target(%dma_start3A_313 : memref<10240x128xf32, #tpu.memory_space<vmem_shared>>) offsets(%arg11 : memref<80xi32, #tpu.memory_space<vmem>>) semaphore(%run_scoped3A : memref<!tpu.dma_semaphore, #tpu.memory_space<semaphore_mem>>) {add = true}
        %dma_wait3A_314 = arith.constant 0 : i32
        %dma_wait3A_315 = arith.constant 0 : i32
        %dma_wait3A_316 = tpu.memref_slice %arg34[%dma_wait3A_314, %dma_wait3A_315] : memref<10240x128xf32, #tpu.memory_space<vmem_shared>> -> memref<10240x128xf32, #tpu.memory_space<vmem_shared>>
        tpu.wait_indirect_dma semaphore(%run_scoped3A : memref<!tpu.dma_semaphore, #tpu.memory_space<semaphore_mem>>) src(%arg16 : memref<80x128xf32, #tpu.memory_space<vmem>>) dst(%dma_wait3A_316 : memref<10240x128xf32, #tpu.memory_space<vmem_shared>>)
        tpu.yield
      }) : () -> ()
      %add3A_237 = arith.constant 2 : i32
      %add3A_238 = arith.addi %mul3A_197, %add3A_237 : i32
      %mul3A_239 = arith.constant 80 : i32
      %mul3A_240 = arith.muli %add3A_238, %mul3A_239 : i32
      %add3A_241 = arith.addi %mul3A_2, %mul3A_240 : i32
      %dma_start3A_242 = tpu.memref_slice %arg4[%add3A_241] : memref<320000xi32, #tpu.memory_space<hbm>> -> memref<80xi32, #tpu.memory_space<hbm>>
      %dma_start3A_243 = tpu.memref_slice %arg4[%add3A_241] : memref<320000xi32, #tpu.memory_space<hbm>> -> memref<80xi32, #tpu.memory_space<hbm>>
      tpu.enqueue_dma source(%dma_start3A_243 : memref<80xi32, #tpu.memory_space<hbm>>) target(%arg10 : memref<80xi32, #tpu.memory_space<vmem>>) target_semaphore(%arg19 : memref<!tpu.dma_semaphore, #tpu.memory_space<semaphore_mem>>)
      %dma_start3A_244 = tpu.memref_slice %arg5[%add3A_241] : memref<320000xi32, #tpu.memory_space<hbm>> -> memref<80xi32, #tpu.memory_space<hbm>>
      %dma_start3A_245 = tpu.memref_slice %arg5[%add3A_241] : memref<320000xi32, #tpu.memory_space<hbm>> -> memref<80xi32, #tpu.memory_space<hbm>>
      tpu.enqueue_dma source(%dma_start3A_245 : memref<80xi32, #tpu.memory_space<hbm>>) target(%arg11 : memref<80xi32, #tpu.memory_space<vmem>>) target_semaphore(%arg19 : memref<!tpu.dma_semaphore, #tpu.memory_space<semaphore_mem>>)
      %dma_start3A_246 = tpu.memref_slice %arg6[%add3A_241] : memref<320000xf32, #tpu.memory_space<hbm>> -> memref<80xf32, #tpu.memory_space<hbm>>
      %dma_start3A_247 = tpu.memref_slice %arg6[%add3A_241] : memref<320000xf32, #tpu.memory_space<hbm>> -> memref<80xf32, #tpu.memory_space<hbm>>
      tpu.enqueue_dma source(%dma_start3A_247 : memref<80xf32, #tpu.memory_space<hbm>>) target(%arg12 : memref<80xf32, #tpu.memory_space<vmem>>) target_semaphore(%arg19 : memref<!tpu.dma_semaphore, #tpu.memory_space<semaphore_mem>>)
      %dma_start3A_248 = arith.constant 0 : i32
      %dma_start3A_249 = tpu.memref_slice %arg3[%add3A_241, %dma_start3A_248] : memref<320000x128xf32, #tpu.memory_space<hbm>> -> memref<80x128xf32, #tpu.memory_space<hbm>>
      %dma_start3A_250 = arith.constant 0 : i32
      %dma_start3A_251 = tpu.memref_slice %arg3[%add3A_241, %dma_start3A_250] : memref<320000x128xf32, #tpu.memory_space<hbm>> -> memref<80x128xf32, #tpu.memory_space<hbm>>
      tpu.enqueue_dma source(%dma_start3A_251 : memref<80x128xf32, #tpu.memory_space<hbm>>) target(%arg17 : memref<80x128xf32, #tpu.memory_space<vmem>>) target_semaphore(%arg19 : memref<!tpu.dma_semaphore, #tpu.memory_space<semaphore_mem>>)
      %mul3A_252 = arith.constant 2 : i32
      %mul3A_253 = arith.muli %mul3A_252, %scan3A_194 : i32
      %add3A_254 = arith.constant 1 : i32
      %add3A_255 = arith.addi %mul3A_253, %add3A_254 : i32
      %dma_wait3A_256 = arith.constant 0 : i32
      %dma_wait3A_257 = arith.constant 0 : i32
      %dma_wait3A_258 = tpu.memref_slice %arg2[%dma_wait3A_256, %dma_wait3A_257] : memref<10000x128xf32, #tpu.memory_space<hbm>> -> memref<10000x128xf32, #tpu.memory_space<hbm>>
      tpu.wait_indirect_dma semaphore(%arg32 : memref<!tpu.dma_semaphore, #tpu.memory_space<semaphore_mem>>) src(%dma_wait3A_258 : memref<10000x128xf32, #tpu.memory_space<hbm>>) dst(%arg28 : memref<80x128xf32, #tpu.memory_space<vmem>>)
      %dma_wait3A_259 = arith.constant 0 : i32
      %dma_wait3A_260 = tpu.memref_slice %arg7[%dma_wait3A_259] : memref<10000xf32, #tpu.memory_space<hbm>> -> memref<10000xf32, #tpu.memory_space<hbm>>
      tpu.wait_indirect_dma semaphore(%arg32 : memref<!tpu.dma_semaphore, #tpu.memory_space<semaphore_mem>>) src(%dma_wait3A_260 : memref<10000xf32, #tpu.memory_space<hbm>>) dst(%arg25 : memref<80xf32, #tpu.memory_space<vmem>>)
      %dma_wait3A_261 = arith.constant 0 : i32
      %dma_wait3A_262 = tpu.memref_slice %arg8[%dma_wait3A_261] : memref<10000xf32, #tpu.memory_space<hbm>> -> memref<10000xf32, #tpu.memory_space<hbm>>
      tpu.wait_indirect_dma semaphore(%arg32 : memref<!tpu.dma_semaphore, #tpu.memory_space<semaphore_mem>>) src(%dma_wait3A_262 : memref<10000xf32, #tpu.memory_space<hbm>>) dst(%arg26 : memref<80xf32, #tpu.memory_space<vmem>>)
      %add3A_263 = arith.constant 1 : i32
      %add3A_264 = arith.addi %add3A_255, %add3A_263 : i32
      %mul3A_265 = arith.constant 80 : i32
      %mul3A_266 = arith.muli %add3A_264, %mul3A_265 : i32
      %add3A_267 = arith.addi %mul3A_2, %mul3A_266 : i32
      %dma_wait3A_268 = tpu.memref_slice %arg4[%add3A_267] : memref<320000xi32, #tpu.memory_space<hbm>> -> memref<80xi32, #tpu.memory_space<hbm>>
      %dma_wait3A_269 = tpu.memref_slice %arg4[%add3A_267] : memref<320000xi32, #tpu.memory_space<hbm>> -> memref<80xi32, #tpu.memory_space<hbm>>
      tpu.wait_dma2 semaphore(%arg19 : memref<!tpu.dma_semaphore, #tpu.memory_space<semaphore_mem>>) src(%dma_wait3A_269 : memref<80xi32, #tpu.memory_space<hbm>>) dst(%arg10 : memref<80xi32, #tpu.memory_space<vmem>>)
      %dma_wait3A_270 = tpu.memref_slice %arg5[%add3A_267] : memref<320000xi32, #tpu.memory_space<hbm>> -> memref<80xi32, #tpu.memory_space<hbm>>
      %dma_wait3A_271 = tpu.memref_slice %arg5[%add3A_267] : memref<320000xi32, #tpu.memory_space<hbm>> -> memref<80xi32, #tpu.memory_space<hbm>>
      tpu.wait_dma2 semaphore(%arg19 : memref<!tpu.dma_semaphore, #tpu.memory_space<semaphore_mem>>) src(%dma_wait3A_271 : memref<80xi32, #tpu.memory_space<hbm>>) dst(%arg11 : memref<80xi32, #tpu.memory_space<vmem>>)
      %dma_wait3A_272 = tpu.memref_slice %arg6[%add3A_267] : memref<320000xf32, #tpu.memory_space<hbm>> -> memref<80xf32, #tpu.memory_space<hbm>>
      %dma_wait3A_273 = tpu.memref_slice %arg6[%add3A_267] : memref<320000xf32, #tpu.memory_space<hbm>> -> memref<80xf32, #tpu.memory_space<hbm>>
      tpu.wait_dma2 semaphore(%arg19 : memref<!tpu.dma_semaphore, #tpu.memory_space<semaphore_mem>>) src(%dma_wait3A_273 : memref<80xf32, #tpu.memory_space<hbm>>) dst(%arg12 : memref<80xf32, #tpu.memory_space<vmem>>)
      %dma_wait3A_274 = arith.constant 0 : i32
      %dma_wait3A_275 = tpu.memref_slice %arg3[%add3A_267, %dma_wait3A_274] : memref<320000x128xf32, #tpu.memory_space<hbm>> -> memref<80x128xf32, #tpu.memory_space<hbm>>
      %dma_wait3A_276 = arith.constant 0 : i32
      %dma_wait3A_277 = tpu.memref_slice %arg3[%add3A_267, %dma_wait3A_276] : memref<320000x128xf32, #tpu.memory_space<hbm>> -> memref<80x128xf32, #tpu.memory_space<hbm>>
      tpu.wait_dma2 semaphore(%arg19 : memref<!tpu.dma_semaphore, #tpu.memory_space<semaphore_mem>>) src(%dma_wait3A_277 : memref<80x128xf32, #tpu.memory_space<hbm>>) dst(%arg17 : memref<80x128xf32, #tpu.memory_space<vmem>>)
      %dma_start3A_278 = arith.constant 0 : i32
      %dma_start3A_279 = arith.constant 0 : i32
      %dma_start3A_280 = tpu.memref_slice %arg2[%dma_start3A_278, %dma_start3A_279] : memref<10000x128xf32, #tpu.memory_space<hbm>> -> memref<10000x128xf32, #tpu.memory_space<hbm>>
      tpu.enqueue_indirect_dma source(%dma_start3A_280 : memref<10000x128xf32, #tpu.memory_space<hbm>>) target(%arg16 : memref<80x128xf32, #tpu.memory_space<vmem>>) offsets(%arg10 : memref<80xi32, #tpu.memory_space<vmem>>) semaphore(%arg20 : memref<!tpu.dma_semaphore, #tpu.memory_space<semaphore_mem>>)
      %dma_start3A_281 = arith.constant 0 : i32
      %dma_start3A_282 = tpu.memref_slice %arg7[%dma_start3A_281] : memref<10000xf32, #tpu.memory_space<hbm>> -> memref<10000xf32, #tpu.memory_space<hbm>>
      tpu.enqueue_indirect_dma source(%dma_start3A_282 : memref<10000xf32, #tpu.memory_space<hbm>>) target(%arg13 : memref<80xf32, #tpu.memory_space<vmem>>) offsets(%arg10 : memref<80xi32, #tpu.memory_space<vmem>>) semaphore(%arg20 : memref<!tpu.dma_semaphore, #tpu.memory_space<semaphore_mem>>)
      %dma_start3A_283 = arith.constant 0 : i32
      %dma_start3A_284 = tpu.memref_slice %arg8[%dma_start3A_283] : memref<10000xf32, #tpu.memory_space<hbm>> -> memref<10000xf32, #tpu.memory_space<hbm>>
      tpu.enqueue_indirect_dma source(%dma_start3A_284 : memref<10000xf32, #tpu.memory_space<hbm>>) target(%arg14 : memref<80xf32, #tpu.memory_space<vmem>>) offsets(%arg11 : memref<80xi32, #tpu.memory_space<vmem>>) semaphore(%arg20 : memref<!tpu.dma_semaphore, #tpu.memory_space<semaphore_mem>>)
      %scan3A_285 = arith.constant 0 : i32
      %scan3A_286 = arith.constant 0 : i32
      %scan3A_287 = arith.constant 5 : i32
      %scan3A_288 = arith.addi %scan3A_286, %scan3A_287 : i32
      %scan3A_289 = arith.constant 1 : i32
      %scan3A_290 = scf.for %scan3A_311 = %scan3A_286 to %scan3A_288 step %scan3A_289 iter_args(%scan3A_312 = %scan3A_285) -> (i32)  : i32 {
        %mul3A_313 = arith.constant 16 : i32
        %mul3A_314 = arith.muli %scan3A_311, %mul3A_313 : i32
        %get3A = arith.index_cast %mul3A_314 : i32 to index
        %get3A_315 = tpu.vector_load %arg25[%get3A] {strides = array<i32>} : memref<80xf32, #tpu.memory_space<vmem>>, vector<16xf32>,
        %get3A_316 = arith.index_cast %mul3A_314 : i32 to index
        %get3A_317 = tpu.vector_load %arg26[%get3A_316] {strides = array<i32>} : memref<80xf32, #tpu.memory_space<vmem>>, vector<16xf32>,
        %add3A_318 = arith.addf %get3A_315, %get3A_317 : vector<16xf32>
        %get3A_319 = arith.index_cast %mul3A_314 : i32 to index
        %get3A_320 = tpu.vector_load %arg24[%get3A_319] {strides = array<i32>} : memref<80xf32, #tpu.memory_space<vmem>>, vector<16xf32>,
        %add3A_321 = arith.addf %add3A_318, %get3A_320 : vector<16xf32>
        %neg3A = arith.constant 0.000000e+00 : f32
        %neg3A_322 = vector.broadcast %neg3A : f32 to vector<16xf32>
        %neg3A_323 = arith.subf %neg3A_322, %add3A_321 : vector<16xf32>
        %exp3A = math.exp %neg3A_323 : vector<16xf32>
        %add3A_324 = arith.constant 1.000000e+00 : f32
        %add3A_325 = vector.broadcast %add3A_324 : f32 to vector<16xf32>
        %add3A_326 = arith.addf %add3A_325, %exp3A : vector<16xf32>
        %div3A = arith.constant 1.000000e+00 : f32
        %div3A_327 = vector.broadcast %div3A : f32 to vector<16xf32>
        %div3A_328 = arith.divf %div3A_327, %add3A_326 : vector<16xf32>
        %swap3A = arith.index_cast %mul3A_314 : i32 to index
        %swap3A_329 = tpu.vector_load %arg27[%swap3A] {strides = array<i32>} : memref<80xf32, #tpu.memory_space<vmem>>, vector<16xf32>,
        tpu.vector_store %arg27[%swap3A], %div3A_328 {strides = array<i32>} : memref<80xf32, #tpu.memory_space<vmem>>, vector<16xf32>,
        %scan3A_330 = arith.constant 0 : i32
        scf.yield %scan3A_330 : i32
      }
      %scan3A_291 = arith.constant 5 : i32
      %parallel_loop3A_292 = arith.constant 0 : i32
      %parallel_loop3A_293 = arith.constant 80 : i32
      %parallel_loop3A_294 = arith.constant 1 : i32
      scf.for %parallel_loop3A_311 = %parallel_loop3A_292 to %parallel_loop3A_293 step %parallel_loop3A_294  : i32 {
        %parallel_loop3A_312 = vector.broadcast %parallel_loop3A_311 : i32 to vector<16xi32>
        %parallel_loop3A_313 = tpu.vector_load_idx %arg27[%parallel_loop3A_312] : memref<80xf32, #tpu.memory_space<vmem>>[vector<16xi32>], vector<16xf32>,
        %parallel_loop3A_314 = arith.index_cast %parallel_loop3A_311 : i32 to index
        %parallel_loop3A_315 = arith.constant 0 : index
        %parallel_loop3A_316 = tpu.vector_load %arg28[%parallel_loop3A_314, %parallel_loop3A_315] {strides = array<i32>} : memref<80x128xf32, #tpu.memory_space<vmem>>, vector<16xf32>,
        %parallel_loop3A_317 = arith.index_cast %parallel_loop3A_311 : i32 to index
        %parallel_loop3A_318 = arith.constant 0 : index
        %parallel_loop3A_319 = tpu.vector_load %arg29[%parallel_loop3A_317, %parallel_loop3A_318] {strides = array<i32>} : memref<80x128xf32, #tpu.memory_space<vmem>>, vector<16xf32>,
        %parallel_loop3A_320 = arith.addf %parallel_loop3A_316, %parallel_loop3A_319 : vector<16xf32>
        %parallel_loop3A_321 = arith.constant 0.000000e+00 : f32
        %parallel_loop3A_322 = vector.broadcast %parallel_loop3A_321 : f32 to vector<16xf32>
        %parallel_loop3A_323 = arith.maximumf %parallel_loop3A_320, %parallel_loop3A_322 : vector<16xf32>
        %parallel_loop3A_324 = arith.mulf %parallel_loop3A_323, %parallel_loop3A_313 : vector<16xf32>
        %parallel_loop3A_325 = arith.index_cast %parallel_loop3A_311 : i32 to index
        %parallel_loop3A_326 = arith.constant 0 : index
        %parallel_loop3A_327 = tpu.vector_load %arg28[%parallel_loop3A_325, %parallel_loop3A_326] {strides = array<i32>} : memref<80x128xf32, #tpu.memory_space<vmem>>, vector<16xf32>,
        tpu.vector_store %arg28[%parallel_loop3A_325, %parallel_loop3A_326], %parallel_loop3A_324 {strides = array<i32>} : memref<80x128xf32, #tpu.memory_space<vmem>>, vector<16xf32>,
        %parallel_loop3A_328 = arith.index_cast %parallel_loop3A_311 : i32 to index
        %parallel_loop3A_329 = arith.constant 16 : index
        %parallel_loop3A_330 = tpu.vector_load %arg28[%parallel_loop3A_328, %parallel_loop3A_329] {strides = array<i32>} : memref<80x128xf32, #tpu.memory_space<vmem>>, vector<16xf32>,
        %parallel_loop3A_331 = arith.index_cast %parallel_loop3A_311 : i32 to index
        %parallel_loop3A_332 = arith.constant 16 : index
        %parallel_loop3A_333 = tpu.vector_load %arg29[%parallel_loop3A_331, %parallel_loop3A_332] {strides = array<i32>} : memref<80x128xf32, #tpu.memory_space<vmem>>, vector<16xf32>,
        %parallel_loop3A_334 = arith.addf %parallel_loop3A_330, %parallel_loop3A_333 : vector<16xf32>
        %parallel_loop3A_335 = arith.constant 0.000000e+00 : f32
        %parallel_loop3A_336 = vector.broadcast %parallel_loop3A_335 : f32 to vector<16xf32>
        %parallel_loop3A_337 = arith.maximumf %parallel_loop3A_334, %parallel_loop3A_336 : vector<16xf32>
        %parallel_loop3A_338 = arith.mulf %parallel_loop3A_337, %parallel_loop3A_313 : vector<16xf32>
        %parallel_loop3A_339 = arith.index_cast %parallel_loop3A_311 : i32 to index
        %parallel_loop3A_340 = arith.constant 16 : index
        %parallel_loop3A_341 = tpu.vector_load %arg28[%parallel_loop3A_339, %parallel_loop3A_340] {strides = array<i32>} : memref<80x128xf32, #tpu.memory_space<vmem>>, vector<16xf32>,
        tpu.vector_store %arg28[%parallel_loop3A_339, %parallel_loop3A_340], %parallel_loop3A_338 {strides = array<i32>} : memref<80x128xf32, #tpu.memory_space<vmem>>, vector<16xf32>,
        %parallel_loop3A_342 = arith.index_cast %parallel_loop3A_311 : i32 to index
        %parallel_loop3A_343 = arith.constant 32 : index
        %parallel_loop3A_344 = tpu.vector_load %arg28[%parallel_loop3A_342, %parallel_loop3A_343] {strides = array<i32>} : memref<80x128xf32, #tpu.memory_space<vmem>>, vector<16xf32>,
        %parallel_loop3A_345 = arith.index_cast %parallel_loop3A_311 : i32 to index
        %parallel_loop3A_346 = arith.constant 32 : index
        %parallel_loop3A_347 = tpu.vector_load %arg29[%parallel_loop3A_345, %parallel_loop3A_346] {strides = array<i32>} : memref<80x128xf32, #tpu.memory_space<vmem>>, vector<16xf32>,
        %parallel_loop3A_348 = arith.addf %parallel_loop3A_344, %parallel_loop3A_347 : vector<16xf32>
        %parallel_loop3A_349 = arith.constant 0.000000e+00 : f32
        %parallel_loop3A_350 = vector.broadcast %parallel_loop3A_349 : f32 to vector<16xf32>
        %parallel_loop3A_351 = arith.maximumf %parallel_loop3A_348, %parallel_loop3A_350 : vector<16xf32>
        %parallel_loop3A_352 = arith.mulf %parallel_loop3A_351, %parallel_loop3A_313 : vector<16xf32>
        %parallel_loop3A_353 = arith.index_cast %parallel_loop3A_311 : i32 to index
        %parallel_loop3A_354 = arith.constant 32 : index
        %parallel_loop3A_355 = tpu.vector_load %arg28[%parallel_loop3A_353, %parallel_loop3A_354] {strides = array<i32>} : memref<80x128xf32, #tpu.memory_space<vmem>>, vector<16xf32>,
        tpu.vector_store %arg28[%parallel_loop3A_353, %parallel_loop3A_354], %parallel_loop3A_352 {strides = array<i32>} : memref<80x128xf32, #tpu.memory_space<vmem>>, vector<16xf32>,
        %parallel_loop3A_356 = arith.index_cast %parallel_loop3A_311 : i32 to index
        %parallel_loop3A_357 = arith.constant 48 : index
        %parallel_loop3A_358 = tpu.vector_load %arg28[%parallel_loop3A_356, %parallel_loop3A_357] {strides = array<i32>} : memref<80x128xf32, #tpu.memory_space<vmem>>, vector<16xf32>,
        %parallel_loop3A_359 = arith.index_cast %parallel_loop3A_311 : i32 to index
        %parallel_loop3A_360 = arith.constant 48 : index
        %parallel_loop3A_361 = tpu.vector_load %arg29[%parallel_loop3A_359, %parallel_loop3A_360] {strides = array<i32>} : memref<80x128xf32, #tpu.memory_space<vmem>>, vector<16xf32>,
        %parallel_loop3A_362 = arith.addf %parallel_loop3A_358, %parallel_loop3A_361 : vector<16xf32>
        %parallel_loop3A_363 = arith.constant 0.000000e+00 : f32
        %parallel_loop3A_364 = vector.broadcast %parallel_loop3A_363 : f32 to vector<16xf32>
        %parallel_loop3A_365 = arith.maximumf %parallel_loop3A_362, %parallel_loop3A_364 : vector<16xf32>
        %parallel_loop3A_366 = arith.mulf %parallel_loop3A_365, %parallel_loop3A_313 : vector<16xf32>
        %parallel_loop3A_367 = arith.index_cast %parallel_loop3A_311 : i32 to index
        %parallel_loop3A_368 = arith.constant 48 : index
        %parallel_loop3A_369 = tpu.vector_load %arg28[%parallel_loop3A_367, %parallel_loop3A_368] {strides = array<i32>} : memref<80x128xf32, #tpu.memory_space<vmem>>, vector<16xf32>,
        tpu.vector_store %arg28[%parallel_loop3A_367, %parallel_loop3A_368], %parallel_loop3A_366 {strides = array<i32>} : memref<80x128xf32, #tpu.memory_space<vmem>>, vector<16xf32>,
        %parallel_loop3A_370 = arith.index_cast %parallel_loop3A_311 : i32 to index
        %parallel_loop3A_371 = arith.constant 64 : index
        %parallel_loop3A_372 = tpu.vector_load %arg28[%parallel_loop3A_370, %parallel_loop3A_371] {strides = array<i32>} : memref<80x128xf32, #tpu.memory_space<vmem>>, vector<16xf32>,
        %parallel_loop3A_373 = arith.index_cast %parallel_loop3A_311 : i32 to index
        %parallel_loop3A_374 = arith.constant 64 : index
        %parallel_loop3A_375 = tpu.vector_load %arg29[%parallel_loop3A_373, %parallel_loop3A_374] {strides = array<i32>} : memref<80x128xf32, #tpu.memory_space<vmem>>, vector<16xf32>,
        %parallel_loop3A_376 = arith.addf %parallel_loop3A_372, %parallel_loop3A_375 : vector<16xf32>
        %parallel_loop3A_377 = arith.constant 0.000000e+00 : f32
        %parallel_loop3A_378 = vector.broadcast %parallel_loop3A_377 : f32 to vector<16xf32>
        %parallel_loop3A_379 = arith.maximumf %parallel_loop3A_376, %parallel_loop3A_378 : vector<16xf32>
        %parallel_loop3A_380 = arith.mulf %parallel_loop3A_379, %parallel_loop3A_313 : vector<16xf32>
        %parallel_loop3A_381 = arith.index_cast %parallel_loop3A_311 : i32 to index
        %parallel_loop3A_382 = arith.constant 64 : index
        %parallel_loop3A_383 = tpu.vector_load %arg28[%parallel_loop3A_381, %parallel_loop3A_382] {strides = array<i32>} : memref<80x128xf32, #tpu.memory_space<vmem>>, vector<16xf32>,
        tpu.vector_store %arg28[%parallel_loop3A_381, %parallel_loop3A_382], %parallel_loop3A_380 {strides = array<i32>} : memref<80x128xf32, #tpu.memory_space<vmem>>, vector<16xf32>,
        %parallel_loop3A_384 = arith.index_cast %parallel_loop3A_311 : i32 to index
        %parallel_loop3A_385 = arith.constant 80 : index
        %parallel_loop3A_386 = tpu.vector_load %arg28[%parallel_loop3A_384, %parallel_loop3A_385] {strides = array<i32>} : memref<80x128xf32, #tpu.memory_space<vmem>>, vector<16xf32>,
        %parallel_loop3A_387 = arith.index_cast %parallel_loop3A_311 : i32 to index
        %parallel_loop3A_388 = arith.constant 80 : index
        %parallel_loop3A_389 = tpu.vector_load %arg29[%parallel_loop3A_387, %parallel_loop3A_388] {strides = array<i32>} : memref<80x128xf32, #tpu.memory_space<vmem>>, vector<16xf32>,
        %parallel_loop3A_390 = arith.addf %parallel_loop3A_386, %parallel_loop3A_389 : vector<16xf32>
        %parallel_loop3A_391 = arith.constant 0.000000e+00 : f32
        %parallel_loop3A_392 = vector.broadcast %parallel_loop3A_391 : f32 to vector<16xf32>
        %parallel_loop3A_393 = arith.maximumf %parallel_loop3A_390, %parallel_loop3A_392 : vector<16xf32>
        %parallel_loop3A_394 = arith.mulf %parallel_loop3A_393, %parallel_loop3A_313 : vector<16xf32>
        %parallel_loop3A_395 = arith.index_cast %parallel_loop3A_311 : i32 to index
        %parallel_loop3A_396 = arith.constant 80 : index
        %parallel_loop3A_397 = tpu.vector_load %arg28[%parallel_loop3A_395, %parallel_loop3A_396] {strides = array<i32>} : memref<80x128xf32, #tpu.memory_space<vmem>>, vector<16xf32>,
        tpu.vector_store %arg28[%parallel_loop3A_395, %parallel_loop3A_396], %parallel_loop3A_394 {strides = array<i32>} : memref<80x128xf32, #tpu.memory_space<vmem>>, vector<16xf32>,
        %parallel_loop3A_398 = arith.index_cast %parallel_loop3A_311 : i32 to index
        %parallel_loop3A_399 = arith.constant 96 : index
        %parallel_loop3A_400 = tpu.vector_load %arg28[%parallel_loop3A_398, %parallel_loop3A_399] {strides = array<i32>} : memref<80x128xf32, #tpu.memory_space<vmem>>, vector<16xf32>,
        %parallel_loop3A_401 = arith.index_cast %parallel_loop3A_311 : i32 to index
        %parallel_loop3A_402 = arith.constant 96 : index
        %parallel_loop3A_403 = tpu.vector_load %arg29[%parallel_loop3A_401, %parallel_loop3A_402] {strides = array<i32>} : memref<80x128xf32, #tpu.memory_space<vmem>>, vector<16xf32>,
        %parallel_loop3A_404 = arith.addf %parallel_loop3A_400, %parallel_loop3A_403 : vector<16xf32>
        %parallel_loop3A_405 = arith.constant 0.000000e+00 : f32
        %parallel_loop3A_406 = vector.broadcast %parallel_loop3A_405 : f32 to vector<16xf32>
        %parallel_loop3A_407 = arith.maximumf %parallel_loop3A_404, %parallel_loop3A_406 : vector<16xf32>
        %parallel_loop3A_408 = arith.mulf %parallel_loop3A_407, %parallel_loop3A_313 : vector<16xf32>
        %parallel_loop3A_409 = arith.index_cast %parallel_loop3A_311 : i32 to index
        %parallel_loop3A_410 = arith.constant 96 : index
        %parallel_loop3A_411 = tpu.vector_load %arg28[%parallel_loop3A_409, %parallel_loop3A_410] {strides = array<i32>} : memref<80x128xf32, #tpu.memory_space<vmem>>, vector<16xf32>,
        tpu.vector_store %arg28[%parallel_loop3A_409, %parallel_loop3A_410], %parallel_loop3A_408 {strides = array<i32>} : memref<80x128xf32, #tpu.memory_space<vmem>>, vector<16xf32>,
        %parallel_loop3A_412 = arith.index_cast %parallel_loop3A_311 : i32 to index
        %parallel_loop3A_413 = arith.constant 112 : index
        %parallel_loop3A_414 = tpu.vector_load %arg28[%parallel_loop3A_412, %parallel_loop3A_413] {strides = array<i32>} : memref<80x128xf32, #tpu.memory_space<vmem>>, vector<16xf32>,
        %parallel_loop3A_415 = arith.index_cast %parallel_loop3A_311 : i32 to index
        %parallel_loop3A_416 = arith.constant 112 : index
        %parallel_loop3A_417 = tpu.vector_load %arg29[%parallel_loop3A_415, %parallel_loop3A_416] {strides = array<i32>} : memref<80x128xf32, #tpu.memory_space<vmem>>, vector<16xf32>,
        %parallel_loop3A_418 = arith.addf %parallel_loop3A_414, %parallel_loop3A_417 : vector<16xf32>
        %parallel_loop3A_419 = arith.constant 0.000000e+00 : f32
        %parallel_loop3A_420 = vector.broadcast %parallel_loop3A_419 : f32 to vector<16xf32>
        %parallel_loop3A_421 = arith.maximumf %parallel_loop3A_418, %parallel_loop3A_420 : vector<16xf32>
        %parallel_loop3A_422 = arith.mulf %parallel_loop3A_421, %parallel_loop3A_313 : vector<16xf32>
        %parallel_loop3A_423 = arith.index_cast %parallel_loop3A_311 : i32 to index
        %parallel_loop3A_424 = arith.constant 112 : index
        %parallel_loop3A_425 = tpu.vector_load %arg28[%parallel_loop3A_423, %parallel_loop3A_424] {strides = array<i32>} : memref<80x128xf32, #tpu.memory_space<vmem>>, vector<16xf32>,
        tpu.vector_store %arg28[%parallel_loop3A_423, %parallel_loop3A_424], %parallel_loop3A_422 {strides = array<i32>} : memref<80x128xf32, #tpu.memory_space<vmem>>, vector<16xf32>,
      } {sc.loop_unroll_factor = 4 : i64, sc.parallel_access}
      "tpu.region"() ({
        %run_scoped3A = tpu.sem_alloc : memref<!tpu.dma_semaphore, #tpu.memory_space<semaphore_mem>>
        %dma_start3A_311 = arith.constant 0 : i32
        %dma_start3A_312 = arith.constant 0 : i32
        %dma_start3A_313 = tpu.memref_slice %arg34[%dma_start3A_311, %dma_start3A_312] : memref<10240x128xf32, #tpu.memory_space<vmem_shared>> -> memref<10240x128xf32, #tpu.memory_space<vmem_shared>>
        tpu.enqueue_indirect_dma source(%arg28 : memref<80x128xf32, #tpu.memory_space<vmem>>) target(%dma_start3A_313 : memref<10240x128xf32, #tpu.memory_space<vmem_shared>>) offsets(%arg23 : memref<80xi32, #tpu.memory_space<vmem>>) semaphore(%run_scoped3A : memref<!tpu.dma_semaphore, #tpu.memory_space<semaphore_mem>>) {add = true}
        %dma_wait3A_314 = arith.constant 0 : i32
        %dma_wait3A_315 = arith.constant 0 : i32
        %dma_wait3A_316 = tpu.memref_slice %arg34[%dma_wait3A_314, %dma_wait3A_315] : memref<10240x128xf32, #tpu.memory_space<vmem_shared>> -> memref<10240x128xf32, #tpu.memory_space<vmem_shared>>
        tpu.wait_indirect_dma semaphore(%run_scoped3A : memref<!tpu.dma_semaphore, #tpu.memory_space<semaphore_mem>>) src(%arg28 : memref<80x128xf32, #tpu.memory_space<vmem>>) dst(%dma_wait3A_316 : memref<10240x128xf32, #tpu.memory_space<vmem_shared>>)
        tpu.yield
      }) : () -> ()
      %add3A_295 = arith.constant 2 : i32
      %add3A_296 = arith.addi %add3A_255, %add3A_295 : i32
      %mul3A_297 = arith.constant 80 : i32
      %mul3A_298 = arith.muli %add3A_296, %mul3A_297 : i32
      %add3A_299 = arith.addi %mul3A_2, %mul3A_298 : i32
      %dma_start3A_300 = tpu.memref_slice %arg4[%add3A_299] : memref<320000xi32, #tpu.memory_space<hbm>> -> memref<80xi32, #tpu.memory_space<hbm>>
      %dma_start3A_301 = tpu.memref_slice %arg4[%add3A_299] : memref<320000xi32, #tpu.memory_space<hbm>> -> memref<80xi32, #tpu.memory_space<hbm>>
      tpu.enqueue_dma source(%dma_start3A_301 : memref<80xi32, #tpu.memory_space<hbm>>) target(%arg22 : memref<80xi32, #tpu.memory_space<vmem>>) target_semaphore(%arg31 : memref<!tpu.dma_semaphore, #tpu.memory_space<semaphore_mem>>)
      %dma_start3A_302 = tpu.memref_slice %arg5[%add3A_299] : memref<320000xi32, #tpu.memory_space<hbm>> -> memref<80xi32, #tpu.memory_space<hbm>>
      %dma_start3A_303 = tpu.memref_slice %arg5[%add3A_299] : memref<320000xi32, #tpu.memory_space<hbm>> -> memref<80xi32, #tpu.memory_space<hbm>>
      tpu.enqueue_dma source(%dma_start3A_303 : memref<80xi32, #tpu.memory_space<hbm>>) target(%arg23 : memref<80xi32, #tpu.memory_space<vmem>>) target_semaphore(%arg31 : memref<!tpu.dma_semaphore, #tpu.memory_space<semaphore_mem>>)
      %dma_start3A_304 = tpu.memref_slice %arg6[%add3A_299] : memref<320000xf32, #tpu.memory_space<hbm>> -> memref<80xf32, #tpu.memory_space<hbm>>
      %dma_start3A_305 = tpu.memref_slice %arg6[%add3A_299] : memref<320000xf32, #tpu.memory_space<hbm>> -> memref<80xf32, #tpu.memory_space<hbm>>
      tpu.enqueue_dma source(%dma_start3A_305 : memref<80xf32, #tpu.memory_space<hbm>>) target(%arg24 : memref<80xf32, #tpu.memory_space<vmem>>) target_semaphore(%arg31 : memref<!tpu.dma_semaphore, #tpu.memory_space<semaphore_mem>>)
      %dma_start3A_306 = arith.constant 0 : i32
      %dma_start3A_307 = tpu.memref_slice %arg3[%add3A_299, %dma_start3A_306] : memref<320000x128xf32, #tpu.memory_space<hbm>> -> memref<80x128xf32, #tpu.memory_space<hbm>>
      %dma_start3A_308 = arith.constant 0 : i32
      %dma_start3A_309 = tpu.memref_slice %arg3[%add3A_299, %dma_start3A_308] : memref<320000x128xf32, #tpu.memory_space<hbm>> -> memref<80x128xf32, #tpu.memory_space<hbm>>
      tpu.enqueue_dma source(%dma_start3A_309 : memref<80x128xf32, #tpu.memory_space<hbm>>) target(%arg29 : memref<80x128xf32, #tpu.memory_space<vmem>>) target_semaphore(%arg31 : memref<!tpu.dma_semaphore, #tpu.memory_space<semaphore_mem>>)
      %scan3A_310 = arith.constant 0 : i32
      scf.yield %scan3A_310 : i32
    }
    %scan3A_88 = arith.constant 61 : i32
    %dma_wait3A_89 = arith.constant 0 : i32
    %dma_wait3A_90 = arith.constant 0 : i32
    %dma_wait3A_91 = tpu.memref_slice %arg2[%dma_wait3A_89, %dma_wait3A_90] : memref<10000x128xf32, #tpu.memory_space<hbm>> -> memref<10000x128xf32, #tpu.memory_space<hbm>>
    tpu.wait_indirect_dma semaphore(%arg20 : memref<!tpu.dma_semaphore, #tpu.memory_space<semaphore_mem>>) src(%dma_wait3A_91 : memref<10000x128xf32, #tpu.memory_space<hbm>>) dst(%arg16 : memref<80x128xf32, #tpu.memory_space<vmem>>)
    %dma_wait3A_92 = arith.constant 0 : i32
    %dma_wait3A_93 = tpu.memref_slice %arg7[%dma_wait3A_92] : memref<10000xf32, #tpu.memory_space<hbm>> -> memref<10000xf32, #tpu.memory_space<hbm>>
    tpu.wait_indirect_dma semaphore(%arg20 : memref<!tpu.dma_semaphore, #tpu.memory_space<semaphore_mem>>) src(%dma_wait3A_93 : memref<10000xf32, #tpu.memory_space<hbm>>) dst(%arg13 : memref<80xf32, #tpu.memory_space<vmem>>)
    %dma_wait3A_94 = arith.constant 0 : i32
    %dma_wait3A_95 = tpu.memref_slice %arg8[%dma_wait3A_94] : memref<10000xf32, #tpu.memory_space<hbm>> -> memref<10000xf32, #tpu.memory_space<hbm>>
    tpu.wait_indirect_dma semaphore(%arg20 : memref<!tpu.dma_semaphore, #tpu.memory_space<semaphore_mem>>) src(%dma_wait3A_95 : memref<10000xf32, #tpu.memory_space<hbm>>) dst(%arg14 : memref<80xf32, #tpu.memory_space<vmem>>)
    %add3A_96 = arith.constant 9840 : i32
    %add3A_97 = arith.addi %mul3A_2, %add3A_96 : i32
    %dma_wait3A_98 = tpu.memref_slice %arg4[%add3A_97] : memref<320000xi32, #tpu.memory_space<hbm>> -> memref<80xi32, #tpu.memory_space<hbm>>
    %dma_wait3A_99 = tpu.memref_slice %arg4[%add3A_97] : memref<320000xi32, #tpu.memory_space<hbm>> -> memref<80xi32, #tpu.memory_space<hbm>>
    tpu.wait_dma2 semaphore(%arg31 : memref<!tpu.dma_semaphore, #tpu.memory_space<semaphore_mem>>) src(%dma_wait3A_99 : memref<80xi32, #tpu.memory_space<hbm>>) dst(%arg22 : memref<80xi32, #tpu.memory_space<vmem>>)
    %dma_wait3A_100 = tpu.memref_slice %arg5[%add3A_97] : memref<320000xi32, #tpu.memory_space<hbm>> -> memref<80xi32, #tpu.memory_space<hbm>>
    %dma_wait3A_101 = tpu.memref_slice %arg5[%add3A_97] : memref<320000xi32, #tpu.memory_space<hbm>> -> memref<80xi32, #tpu.memory_space<hbm>>
    tpu.wait_dma2 semaphore(%arg31 : memref<!tpu.dma_semaphore, #tpu.memory_space<semaphore_mem>>) src(%dma_wait3A_101 : memref<80xi32, #tpu.memory_space<hbm>>) dst(%arg23 : memref<80xi32, #tpu.memory_space<vmem>>)
    %dma_wait3A_102 = tpu.memref_slice %arg6[%add3A_97] : memref<320000xf32, #tpu.memory_space<hbm>> -> memref<80xf32, #tpu.memory_space<hbm>>
    %dma_wait3A_103 = tpu.memref_slice %arg6[%add3A_97] : memref<320000xf32, #tpu.memory_space<hbm>> -> memref<80xf32, #tpu.memory_space<hbm>>
    tpu.wait_dma2 semaphore(%arg31 : memref<!tpu.dma_semaphore, #tpu.memory_space<semaphore_mem>>) src(%dma_wait3A_103 : memref<80xf32, #tpu.memory_space<hbm>>) dst(%arg24 : memref<80xf32, #tpu.memory_space<vmem>>)
    %dma_wait3A_104 = arith.constant 0 : i32
    %dma_wait3A_105 = tpu.memref_slice %arg3[%add3A_97, %dma_wait3A_104] : memref<320000x128xf32, #tpu.memory_space<hbm>> -> memref<80x128xf32, #tpu.memory_space<hbm>>
    %dma_wait3A_106 = arith.constant 0 : i32
    %dma_wait3A_107 = tpu.memref_slice %arg3[%add3A_97, %dma_wait3A_106] : memref<320000x128xf32, #tpu.memory_space<hbm>> -> memref<80x128xf32, #tpu.memory_space<hbm>>
    tpu.wait_dma2 semaphore(%arg31 : memref<!tpu.dma_semaphore, #tpu.memory_space<semaphore_mem>>) src(%dma_wait3A_107 : memref<80x128xf32, #tpu.memory_space<hbm>>) dst(%arg29 : memref<80x128xf32, #tpu.memory_space<vmem>>)
    %dma_start3A_108 = arith.constant 0 : i32
    %dma_start3A_109 = arith.constant 0 : i32
    %dma_start3A_110 = tpu.memref_slice %arg2[%dma_start3A_108, %dma_start3A_109] : memref<10000x128xf32, #tpu.memory_space<hbm>> -> memref<10000x128xf32, #tpu.memory_space<hbm>>
    tpu.enqueue_indirect_dma source(%dma_start3A_110 : memref<10000x128xf32, #tpu.memory_space<hbm>>) target(%arg28 : memref<80x128xf32, #tpu.memory_space<vmem>>) offsets(%arg22 : memref<80xi32, #tpu.memory_space<vmem>>) semaphore(%arg32 : memref<!tpu.dma_semaphore, #tpu.memory_space<semaphore_mem>>)
    %dma_start3A_111 = arith.constant 0 : i32
    %dma_start3A_112 = tpu.memref_slice %arg7[%dma_start3A_111] : memref<10000xf32, #tpu.memory_space<hbm>> -> memref<10000xf32, #tpu.memory_space<hbm>>
    tpu.enqueue_indirect_dma source(%dma_start3A_112 : memref<10000xf32, #tpu.memory_space<hbm>>) target(%arg25 : memref<80xf32, #tpu.memory_space<vmem>>) offsets(%arg22 : memref<80xi32, #tpu.memory_space<vmem>>) semaphore(%arg32 : memref<!tpu.dma_semaphore, #tpu.memory_space<semaphore_mem>>)
    %dma_start3A_113 = arith.constant 0 : i32
    %dma_start3A_114 = tpu.memref_slice %arg8[%dma_start3A_113] : memref<10000xf32, #tpu.memory_space<hbm>> -> memref<10000xf32, #tpu.memory_space<hbm>>
    tpu.enqueue_indirect_dma source(%dma_start3A_114 : memref<10000xf32, #tpu.memory_space<hbm>>) target(%arg26 : memref<80xf32, #tpu.memory_space<vmem>>) offsets(%arg23 : memref<80xi32, #tpu.memory_space<vmem>>) semaphore(%arg32 : memref<!tpu.dma_semaphore, #tpu.memory_space<semaphore_mem>>)
    %scan3A_115 = arith.constant 0 : i32
    %scan3A_116 = arith.constant 0 : i32
    %scan3A_117 = arith.constant 5 : i32
    %scan3A_118 = arith.addi %scan3A_116, %scan3A_117 : i32
    %scan3A_119 = arith.constant 1 : i32
    %scan3A_120 = scf.for %scan3A_194 = %scan3A_116 to %scan3A_118 step %scan3A_119 iter_args(%scan3A_195 = %scan3A_115) -> (i32)  : i32 {
      %mul3A_196 = arith.constant 16 : i32
      %mul3A_197 = arith.muli %scan3A_194, %mul3A_196 : i32
      %get3A = arith.index_cast %mul3A_197 : i32 to index
      %get3A_198 = tpu.vector_load %arg13[%get3A] {strides = array<i32>} : memref<80xf32, #tpu.memory_space<vmem>>, vector<16xf32>,
      %get3A_199 = arith.index_cast %mul3A_197 : i32 to index
      %get3A_200 = tpu.vector_load %arg14[%get3A_199] {strides = array<i32>} : memref<80xf32, #tpu.memory_space<vmem>>, vector<16xf32>,
      %add3A_201 = arith.addf %get3A_198, %get3A_200 : vector<16xf32>
      %get3A_202 = arith.index_cast %mul3A_197 : i32 to index
      %get3A_203 = tpu.vector_load %arg12[%get3A_202] {strides = array<i32>} : memref<80xf32, #tpu.memory_space<vmem>>, vector<16xf32>,
      %add3A_204 = arith.addf %add3A_201, %get3A_203 : vector<16xf32>
      %neg3A = arith.constant 0.000000e+00 : f32
      %neg3A_205 = vector.broadcast %neg3A : f32 to vector<16xf32>
      %neg3A_206 = arith.subf %neg3A_205, %add3A_204 : vector<16xf32>
      %exp3A = math.exp %neg3A_206 : vector<16xf32>
      %add3A_207 = arith.constant 1.000000e+00 : f32
      %add3A_208 = vector.broadcast %add3A_207 : f32 to vector<16xf32>
      %add3A_209 = arith.addf %add3A_208, %exp3A : vector<16xf32>
      %div3A = arith.constant 1.000000e+00 : f32
      %div3A_210 = vector.broadcast %div3A : f32 to vector<16xf32>
      %div3A_211 = arith.divf %div3A_210, %add3A_209 : vector<16xf32>
      %swap3A = arith.index_cast %mul3A_197 : i32 to index
      %swap3A_212 = tpu.vector_load %arg15[%swap3A] {strides = array<i32>} : memref<80xf32, #tpu.memory_space<vmem>>, vector<16xf32>,
      tpu.vector_store %arg15[%swap3A], %div3A_211 {strides = array<i32>} : memref<80xf32, #tpu.memory_space<vmem>>, vector<16xf32>,
      %scan3A_213 = arith.constant 0 : i32
      scf.yield %scan3A_213 : i32
    }
    %scan3A_121 = arith.constant 5 : i32
    %parallel_loop3A = arith.constant 0 : i32
    %parallel_loop3A_122 = arith.constant 80 : i32
    %parallel_loop3A_123 = arith.constant 1 : i32
    scf.for %parallel_loop3A_194 = %parallel_loop3A to %parallel_loop3A_122 step %parallel_loop3A_123  : i32 {
      %parallel_loop3A_195 = vector.broadcast %parallel_loop3A_194 : i32 to vector<16xi32>
      %parallel_loop3A_196 = tpu.vector_load_idx %arg15[%parallel_loop3A_195] : memref<80xf32, #tpu.memory_space<vmem>>[vector<16xi32>], vector<16xf32>,
      %parallel_loop3A_197 = arith.index_cast %parallel_loop3A_194 : i32 to index
      %parallel_loop3A_198 = arith.constant 0 : index
      %parallel_loop3A_199 = tpu.vector_load %arg16[%parallel_loop3A_197, %parallel_loop3A_198] {strides = array<i32>} : memref<80x128xf32, #tpu.memory_space<vmem>>, vector<16xf32>,
      %parallel_loop3A_200 = arith.index_cast %parallel_loop3A_194 : i32 to index
      %parallel_loop3A_201 = arith.constant 0 : index
      %parallel_loop3A_202 = tpu.vector_load %arg17[%parallel_loop3A_200, %parallel_loop3A_201] {strides = array<i32>} : memref<80x128xf32, #tpu.memory_space<vmem>>, vector<16xf32>,
      %parallel_loop3A_203 = arith.addf %parallel_loop3A_199, %parallel_loop3A_202 : vector<16xf32>
      %parallel_loop3A_204 = arith.constant 0.000000e+00 : f32
      %parallel_loop3A_205 = vector.broadcast %parallel_loop3A_204 : f32 to vector<16xf32>
      %parallel_loop3A_206 = arith.maximumf %parallel_loop3A_203, %parallel_loop3A_205 : vector<16xf32>
      %parallel_loop3A_207 = arith.mulf %parallel_loop3A_206, %parallel_loop3A_196 : vector<16xf32>
      %parallel_loop3A_208 = arith.index_cast %parallel_loop3A_194 : i32 to index
      %parallel_loop3A_209 = arith.constant 0 : index
      %parallel_loop3A_210 = tpu.vector_load %arg16[%parallel_loop3A_208, %parallel_loop3A_209] {strides = array<i32>} : memref<80x128xf32, #tpu.memory_space<vmem>>, vector<16xf32>,
      tpu.vector_store %arg16[%parallel_loop3A_208, %parallel_loop3A_209], %parallel_loop3A_207 {strides = array<i32>} : memref<80x128xf32, #tpu.memory_space<vmem>>, vector<16xf32>,
      %parallel_loop3A_211 = arith.index_cast %parallel_loop3A_194 : i32 to index
      %parallel_loop3A_212 = arith.constant 16 : index
      %parallel_loop3A_213 = tpu.vector_load %arg16[%parallel_loop3A_211, %parallel_loop3A_212] {strides = array<i32>} : memref<80x128xf32, #tpu.memory_space<vmem>>, vector<16xf32>,
      %parallel_loop3A_214 = arith.index_cast %parallel_loop3A_194 : i32 to index
      %parallel_loop3A_215 = arith.constant 16 : index
      %parallel_loop3A_216 = tpu.vector_load %arg17[%parallel_loop3A_214, %parallel_loop3A_215] {strides = array<i32>} : memref<80x128xf32, #tpu.memory_space<vmem>>, vector<16xf32>,
      %parallel_loop3A_217 = arith.addf %parallel_loop3A_213, %parallel_loop3A_216 : vector<16xf32>
      %parallel_loop3A_218 = arith.constant 0.000000e+00 : f32
      %parallel_loop3A_219 = vector.broadcast %parallel_loop3A_218 : f32 to vector<16xf32>
      %parallel_loop3A_220 = arith.maximumf %parallel_loop3A_217, %parallel_loop3A_219 : vector<16xf32>
      %parallel_loop3A_221 = arith.mulf %parallel_loop3A_220, %parallel_loop3A_196 : vector<16xf32>
      %parallel_loop3A_222 = arith.index_cast %parallel_loop3A_194 : i32 to index
      %parallel_loop3A_223 = arith.constant 16 : index
      %parallel_loop3A_224 = tpu.vector_load %arg16[%parallel_loop3A_222, %parallel_loop3A_223] {strides = array<i32>} : memref<80x128xf32, #tpu.memory_space<vmem>>, vector<16xf32>,
      tpu.vector_store %arg16[%parallel_loop3A_222, %parallel_loop3A_223], %parallel_loop3A_221 {strides = array<i32>} : memref<80x128xf32, #tpu.memory_space<vmem>>, vector<16xf32>,
      %parallel_loop3A_225 = arith.index_cast %parallel_loop3A_194 : i32 to index
      %parallel_loop3A_226 = arith.constant 32 : index
      %parallel_loop3A_227 = tpu.vector_load %arg16[%parallel_loop3A_225, %parallel_loop3A_226] {strides = array<i32>} : memref<80x128xf32, #tpu.memory_space<vmem>>, vector<16xf32>,
      %parallel_loop3A_228 = arith.index_cast %parallel_loop3A_194 : i32 to index
      %parallel_loop3A_229 = arith.constant 32 : index
      %parallel_loop3A_230 = tpu.vector_load %arg17[%parallel_loop3A_228, %parallel_loop3A_229] {strides = array<i32>} : memref<80x128xf32, #tpu.memory_space<vmem>>, vector<16xf32>,
      %parallel_loop3A_231 = arith.addf %parallel_loop3A_227, %parallel_loop3A_230 : vector<16xf32>
      %parallel_loop3A_232 = arith.constant 0.000000e+00 : f32
      %parallel_loop3A_233 = vector.broadcast %parallel_loop3A_232 : f32 to vector<16xf32>
      %parallel_loop3A_234 = arith.maximumf %parallel_loop3A_231, %parallel_loop3A_233 : vector<16xf32>
      %parallel_loop3A_235 = arith.mulf %parallel_loop3A_234, %parallel_loop3A_196 : vector<16xf32>
      %parallel_loop3A_236 = arith.index_cast %parallel_loop3A_194 : i32 to index
      %parallel_loop3A_237 = arith.constant 32 : index
      %parallel_loop3A_238 = tpu.vector_load %arg16[%parallel_loop3A_236, %parallel_loop3A_237] {strides = array<i32>} : memref<80x128xf32, #tpu.memory_space<vmem>>, vector<16xf32>,
      tpu.vector_store %arg16[%parallel_loop3A_236, %parallel_loop3A_237], %parallel_loop3A_235 {strides = array<i32>} : memref<80x128xf32, #tpu.memory_space<vmem>>, vector<16xf32>,
      %parallel_loop3A_239 = arith.index_cast %parallel_loop3A_194 : i32 to index
      %parallel_loop3A_240 = arith.constant 48 : index
      %parallel_loop3A_241 = tpu.vector_load %arg16[%parallel_loop3A_239, %parallel_loop3A_240] {strides = array<i32>} : memref<80x128xf32, #tpu.memory_space<vmem>>, vector<16xf32>,
      %parallel_loop3A_242 = arith.index_cast %parallel_loop3A_194 : i32 to index
      %parallel_loop3A_243 = arith.constant 48 : index
      %parallel_loop3A_244 = tpu.vector_load %arg17[%parallel_loop3A_242, %parallel_loop3A_243] {strides = array<i32>} : memref<80x128xf32, #tpu.memory_space<vmem>>, vector<16xf32>,
      %parallel_loop3A_245 = arith.addf %parallel_loop3A_241, %parallel_loop3A_244 : vector<16xf32>
      %parallel_loop3A_246 = arith.constant 0.000000e+00 : f32
      %parallel_loop3A_247 = vector.broadcast %parallel_loop3A_246 : f32 to vector<16xf32>
      %parallel_loop3A_248 = arith.maximumf %parallel_loop3A_245, %parallel_loop3A_247 : vector<16xf32>
      %parallel_loop3A_249 = arith.mulf %parallel_loop3A_248, %parallel_loop3A_196 : vector<16xf32>
      %parallel_loop3A_250 = arith.index_cast %parallel_loop3A_194 : i32 to index
      %parallel_loop3A_251 = arith.constant 48 : index
      %parallel_loop3A_252 = tpu.vector_load %arg16[%parallel_loop3A_250, %parallel_loop3A_251] {strides = array<i32>} : memref<80x128xf32, #tpu.memory_space<vmem>>, vector<16xf32>,
      tpu.vector_store %arg16[%parallel_loop3A_250, %parallel_loop3A_251], %parallel_loop3A_249 {strides = array<i32>} : memref<80x128xf32, #tpu.memory_space<vmem>>, vector<16xf32>,
      %parallel_loop3A_253 = arith.index_cast %parallel_loop3A_194 : i32 to index
      %parallel_loop3A_254 = arith.constant 64 : index
      %parallel_loop3A_255 = tpu.vector_load %arg16[%parallel_loop3A_253, %parallel_loop3A_254] {strides = array<i32>} : memref<80x128xf32, #tpu.memory_space<vmem>>, vector<16xf32>,
      %parallel_loop3A_256 = arith.index_cast %parallel_loop3A_194 : i32 to index
      %parallel_loop3A_257 = arith.constant 64 : index
      %parallel_loop3A_258 = tpu.vector_load %arg17[%parallel_loop3A_256, %parallel_loop3A_257] {strides = array<i32>} : memref<80x128xf32, #tpu.memory_space<vmem>>, vector<16xf32>,
      %parallel_loop3A_259 = arith.addf %parallel_loop3A_255, %parallel_loop3A_258 : vector<16xf32>
      %parallel_loop3A_260 = arith.constant 0.000000e+00 : f32
      %parallel_loop3A_261 = vector.broadcast %parallel_loop3A_260 : f32 to vector<16xf32>
      %parallel_loop3A_262 = arith.maximumf %parallel_loop3A_259, %parallel_loop3A_261 : vector<16xf32>
      %parallel_loop3A_263 = arith.mulf %parallel_loop3A_262, %parallel_loop3A_196 : vector<16xf32>
      %parallel_loop3A_264 = arith.index_cast %parallel_loop3A_194 : i32 to index
      %parallel_loop3A_265 = arith.constant 64 : index
      %parallel_loop3A_266 = tpu.vector_load %arg16[%parallel_loop3A_264, %parallel_loop3A_265] {strides = array<i32>} : memref<80x128xf32, #tpu.memory_space<vmem>>, vector<16xf32>,
      tpu.vector_store %arg16[%parallel_loop3A_264, %parallel_loop3A_265], %parallel_loop3A_263 {strides = array<i32>} : memref<80x128xf32, #tpu.memory_space<vmem>>, vector<16xf32>,
      %parallel_loop3A_267 = arith.index_cast %parallel_loop3A_194 : i32 to index
      %parallel_loop3A_268 = arith.constant 80 : index
      %parallel_loop3A_269 = tpu.vector_load %arg16[%parallel_loop3A_267, %parallel_loop3A_268] {strides = array<i32>} : memref<80x128xf32, #tpu.memory_space<vmem>>, vector<16xf32>,
      %parallel_loop3A_270 = arith.index_cast %parallel_loop3A_194 : i32 to index
      %parallel_loop3A_271 = arith.constant 80 : index
      %parallel_loop3A_272 = tpu.vector_load %arg17[%parallel_loop3A_270, %parallel_loop3A_271] {strides = array<i32>} : memref<80x128xf32, #tpu.memory_space<vmem>>, vector<16xf32>,
      %parallel_loop3A_273 = arith.addf %parallel_loop3A_269, %parallel_loop3A_272 : vector<16xf32>
      %parallel_loop3A_274 = arith.constant 0.000000e+00 : f32
      %parallel_loop3A_275 = vector.broadcast %parallel_loop3A_274 : f32 to vector<16xf32>
      %parallel_loop3A_276 = arith.maximumf %parallel_loop3A_273, %parallel_loop3A_275 : vector<16xf32>
      %parallel_loop3A_277 = arith.mulf %parallel_loop3A_276, %parallel_loop3A_196 : vector<16xf32>
      %parallel_loop3A_278 = arith.index_cast %parallel_loop3A_194 : i32 to index
      %parallel_loop3A_279 = arith.constant 80 : index
      %parallel_loop3A_280 = tpu.vector_load %arg16[%parallel_loop3A_278, %parallel_loop3A_279] {strides = array<i32>} : memref<80x128xf32, #tpu.memory_space<vmem>>, vector<16xf32>,
      tpu.vector_store %arg16[%parallel_loop3A_278, %parallel_loop3A_279], %parallel_loop3A_277 {strides = array<i32>} : memref<80x128xf32, #tpu.memory_space<vmem>>, vector<16xf32>,
      %parallel_loop3A_281 = arith.index_cast %parallel_loop3A_194 : i32 to index
      %parallel_loop3A_282 = arith.constant 96 : index
      %parallel_loop3A_283 = tpu.vector_load %arg16[%parallel_loop3A_281, %parallel_loop3A_282] {strides = array<i32>} : memref<80x128xf32, #tpu.memory_space<vmem>>, vector<16xf32>,
      %parallel_loop3A_284 = arith.index_cast %parallel_loop3A_194 : i32 to index
      %parallel_loop3A_285 = arith.constant 96 : index
      %parallel_loop3A_286 = tpu.vector_load %arg17[%parallel_loop3A_284, %parallel_loop3A_285] {strides = array<i32>} : memref<80x128xf32, #tpu.memory_space<vmem>>, vector<16xf32>,
      %parallel_loop3A_287 = arith.addf %parallel_loop3A_283, %parallel_loop3A_286 : vector<16xf32>
      %parallel_loop3A_288 = arith.constant 0.000000e+00 : f32
      %parallel_loop3A_289 = vector.broadcast %parallel_loop3A_288 : f32 to vector<16xf32>
      %parallel_loop3A_290 = arith.maximumf %parallel_loop3A_287, %parallel_loop3A_289 : vector<16xf32>
      %parallel_loop3A_291 = arith.mulf %parallel_loop3A_290, %parallel_loop3A_196 : vector<16xf32>
      %parallel_loop3A_292 = arith.index_cast %parallel_loop3A_194 : i32 to index
      %parallel_loop3A_293 = arith.constant 96 : index
      %parallel_loop3A_294 = tpu.vector_load %arg16[%parallel_loop3A_292, %parallel_loop3A_293] {strides = array<i32>} : memref<80x128xf32, #tpu.memory_space<vmem>>, vector<16xf32>,
      tpu.vector_store %arg16[%parallel_loop3A_292, %parallel_loop3A_293], %parallel_loop3A_291 {strides = array<i32>} : memref<80x128xf32, #tpu.memory_space<vmem>>, vector<16xf32>,
      %parallel_loop3A_295 = arith.index_cast %parallel_loop3A_194 : i32 to index
      %parallel_loop3A_296 = arith.constant 112 : index
      %parallel_loop3A_297 = tpu.vector_load %arg16[%parallel_loop3A_295, %parallel_loop3A_296] {strides = array<i32>} : memref<80x128xf32, #tpu.memory_space<vmem>>, vector<16xf32>,
      %parallel_loop3A_298 = arith.index_cast %parallel_loop3A_194 : i32 to index
      %parallel_loop3A_299 = arith.constant 112 : index
      %parallel_loop3A_300 = tpu.vector_load %arg17[%parallel_loop3A_298, %parallel_loop3A_299] {strides = array<i32>} : memref<80x128xf32, #tpu.memory_space<vmem>>, vector<16xf32>,
      %parallel_loop3A_301 = arith.addf %parallel_loop3A_297, %parallel_loop3A_300 : vector<16xf32>
      %parallel_loop3A_302 = arith.constant 0.000000e+00 : f32
      %parallel_loop3A_303 = vector.broadcast %parallel_loop3A_302 : f32 to vector<16xf32>
      %parallel_loop3A_304 = arith.maximumf %parallel_loop3A_301, %parallel_loop3A_303 : vector<16xf32>
      %parallel_loop3A_305 = arith.mulf %parallel_loop3A_304, %parallel_loop3A_196 : vector<16xf32>
      %parallel_loop3A_306 = arith.index_cast %parallel_loop3A_194 : i32 to index
      %parallel_loop3A_307 = arith.constant 112 : index
      %parallel_loop3A_308 = tpu.vector_load %arg16[%parallel_loop3A_306, %parallel_loop3A_307] {strides = array<i32>} : memref<80x128xf32, #tpu.memory_space<vmem>>, vector<16xf32>,
      tpu.vector_store %arg16[%parallel_loop3A_306, %parallel_loop3A_307], %parallel_loop3A_305 {strides = array<i32>} : memref<80x128xf32, #tpu.memory_space<vmem>>, vector<16xf32>,
    } {sc.loop_unroll_factor = 4 : i64, sc.parallel_access}
    "tpu.region"() ({
      %run_scoped3A = tpu.sem_alloc : memref<!tpu.dma_semaphore, #tpu.memory_space<semaphore_mem>>
      %dma_start3A_194 = arith.constant 0 : i32
      %dma_start3A_195 = arith.constant 0 : i32
      %dma_start3A_196 = tpu.memref_slice %arg34[%dma_start3A_194, %dma_start3A_195] : memref<10240x128xf32, #tpu.memory_space<vmem_shared>> -> memref<10240x128xf32, #tpu.memory_space<vmem_shared>>
      tpu.enqueue_indirect_dma source(%arg16 : memref<80x128xf32, #tpu.memory_space<vmem>>) target(%dma_start3A_196 : memref<10240x128xf32, #tpu.memory_space<vmem_shared>>) offsets(%arg11 : memref<80xi32, #tpu.memory_space<vmem>>) semaphore(%run_scoped3A : memref<!tpu.dma_semaphore, #tpu.memory_space<semaphore_mem>>) {add = true}
      %dma_wait3A_197 = arith.constant 0 : i32
      %dma_wait3A_198 = arith.constant 0 : i32
      %dma_wait3A_199 = tpu.memref_slice %arg34[%dma_wait3A_197, %dma_wait3A_198] : memref<10240x128xf32, #tpu.memory_space<vmem_shared>> -> memref<10240x128xf32, #tpu.memory_space<vmem_shared>>
      tpu.wait_indirect_dma semaphore(%run_scoped3A : memref<!tpu.dma_semaphore, #tpu.memory_space<semaphore_mem>>) src(%arg16 : memref<80x128xf32, #tpu.memory_space<vmem>>) dst(%dma_wait3A_199 : memref<10240x128xf32, #tpu.memory_space<vmem_shared>>)
      tpu.yield
    }) : () -> ()
    %add3A_124 = arith.constant 9920 : i32
    %add3A_125 = arith.addi %mul3A_2, %add3A_124 : i32
    %dma_start3A_126 = tpu.memref_slice %arg4[%add3A_125] : memref<320000xi32, #tpu.memory_space<hbm>> -> memref<80xi32, #tpu.memory_space<hbm>>
    %dma_start3A_127 = tpu.memref_slice %arg4[%add3A_125] : memref<320000xi32, #tpu.memory_space<hbm>> -> memref<80xi32, #tpu.memory_space<hbm>>
    tpu.enqueue_dma source(%dma_start3A_127 : memref<80xi32, #tpu.memory_space<hbm>>) target(%arg10 : memref<80xi32, #tpu.memory_space<vmem>>) target_semaphore(%arg19 : memref<!tpu.dma_semaphore, #tpu.memory_space<semaphore_mem>>)
    %dma_start3A_128 = tpu.memref_slice %arg5[%add3A_125] : memref<320000xi32, #tpu.memory_space<hbm>> -> memref<80xi32, #tpu.memory_space<hbm>>
    %dma_start3A_129 = tpu.memref_slice %arg5[%add3A_125] : memref<320000xi32, #tpu.memory_space<hbm>> -> memref<80xi32, #tpu.memory_space<hbm>>
    tpu.enqueue_dma source(%dma_start3A_129 : memref<80xi32, #tpu.memory_space<hbm>>) target(%arg11 : memref<80xi32, #tpu.memory_space<vmem>>) target_semaphore(%arg19 : memref<!tpu.dma_semaphore, #tpu.memory_space<semaphore_mem>>)
    %dma_start3A_130 = tpu.memref_slice %arg6[%add3A_125] : memref<320000xf32, #tpu.memory_space<hbm>> -> memref<80xf32, #tpu.memory_space<hbm>>
    %dma_start3A_131 = tpu.memref_slice %arg6[%add3A_125] : memref<320000xf32, #tpu.memory_space<hbm>> -> memref<80xf32, #tpu.memory_space<hbm>>
    tpu.enqueue_dma source(%dma_start3A_131 : memref<80xf32, #tpu.memory_space<hbm>>) target(%arg12 : memref<80xf32, #tpu.memory_space<vmem>>) target_semaphore(%arg19 : memref<!tpu.dma_semaphore, #tpu.memory_space<semaphore_mem>>)
    %dma_start3A_132 = arith.constant 0 : i32
    %dma_start3A_133 = tpu.memref_slice %arg3[%add3A_125, %dma_start3A_132] : memref<320000x128xf32, #tpu.memory_space<hbm>> -> memref<80x128xf32, #tpu.memory_space<hbm>>
    %dma_start3A_134 = arith.constant 0 : i32
    %dma_start3A_135 = tpu.memref_slice %arg3[%add3A_125, %dma_start3A_134] : memref<320000x128xf32, #tpu.memory_space<hbm>> -> memref<80x128xf32, #tpu.memory_space<hbm>>
    tpu.enqueue_dma source(%dma_start3A_135 : memref<80x128xf32, #tpu.memory_space<hbm>>) target(%arg17 : memref<80x128xf32, #tpu.memory_space<vmem>>) target_semaphore(%arg19 : memref<!tpu.dma_semaphore, #tpu.memory_space<semaphore_mem>>)
    %dma_wait3A_136 = arith.constant 0 : i32
    %dma_wait3A_137 = arith.constant 0 : i32
    %dma_wait3A_138 = tpu.memref_slice %arg2[%dma_wait3A_136, %dma_wait3A_137] : memref<10000x128xf32, #tpu.memory_space<hbm>> -> memref<10000x128xf32, #tpu.memory_space<hbm>>
    tpu.wait_indirect_dma semaphore(%arg32 : memref<!tpu.dma_semaphore, #tpu.memory_space<semaphore_mem>>) src(%dma_wait3A_138 : memref<10000x128xf32, #tpu.memory_space<hbm>>) dst(%arg28 : memref<80x128xf32, #tpu.memory_space<vmem>>)
    %dma_wait3A_139 = arith.constant 0 : i32
    %dma_wait3A_140 = tpu.memref_slice %arg7[%dma_wait3A_139] : memref<10000xf32, #tpu.memory_space<hbm>> -> memref<10000xf32, #tpu.memory_space<hbm>>
    tpu.wait_indirect_dma semaphore(%arg32 : memref<!tpu.dma_semaphore, #tpu.memory_space<semaphore_mem>>) src(%dma_wait3A_140 : memref<10000xf32, #tpu.memory_space<hbm>>) dst(%arg25 : memref<80xf32, #tpu.memory_space<vmem>>)
    %dma_wait3A_141 = arith.constant 0 : i32
    %dma_wait3A_142 = tpu.memref_slice %arg8[%dma_wait3A_141] : memref<10000xf32, #tpu.memory_space<hbm>> -> memref<10000xf32, #tpu.memory_space<hbm>>
    tpu.wait_indirect_dma semaphore(%arg32 : memref<!tpu.dma_semaphore, #tpu.memory_space<semaphore_mem>>) src(%dma_wait3A_142 : memref<10000xf32, #tpu.memory_space<hbm>>) dst(%arg26 : memref<80xf32, #tpu.memory_space<vmem>>)
    %add3A_143 = arith.constant 9920 : i32
    %add3A_144 = arith.addi %mul3A_2, %add3A_143 : i32
    %dma_wait3A_145 = tpu.memref_slice %arg4[%add3A_144] : memref<320000xi32, #tpu.memory_space<hbm>> -> memref<80xi32, #tpu.memory_space<hbm>>
    %dma_wait3A_146 = tpu.memref_slice %arg4[%add3A_144] : memref<320000xi32, #tpu.memory_space<hbm>> -> memref<80xi32, #tpu.memory_space<hbm>>
    tpu.wait_dma2 semaphore(%arg19 : memref<!tpu.dma_semaphore, #tpu.memory_space<semaphore_mem>>) src(%dma_wait3A_146 : memref<80xi32, #tpu.memory_space<hbm>>) dst(%arg10 : memref<80xi32, #tpu.memory_space<vmem>>)
    %dma_wait3A_147 = tpu.memref_slice %arg5[%add3A_144] : memref<320000xi32, #tpu.memory_space<hbm>> -> memref<80xi32, #tpu.memory_space<hbm>>
    %dma_wait3A_148 = tpu.memref_slice %arg5[%add3A_144] : memref<320000xi32, #tpu.memory_space<hbm>> -> memref<80xi32, #tpu.memory_space<hbm>>
    tpu.wait_dma2 semaphore(%arg19 : memref<!tpu.dma_semaphore, #tpu.memory_space<semaphore_mem>>) src(%dma_wait3A_148 : memref<80xi32, #tpu.memory_space<hbm>>) dst(%arg11 : memref<80xi32, #tpu.memory_space<vmem>>)
    %dma_wait3A_149 = tpu.memref_slice %arg6[%add3A_144] : memref<320000xf32, #tpu.memory_space<hbm>> -> memref<80xf32, #tpu.memory_space<hbm>>
    %dma_wait3A_150 = tpu.memref_slice %arg6[%add3A_144] : memref<320000xf32, #tpu.memory_space<hbm>> -> memref<80xf32, #tpu.memory_space<hbm>>
    tpu.wait_dma2 semaphore(%arg19 : memref<!tpu.dma_semaphore, #tpu.memory_space<semaphore_mem>>) src(%dma_wait3A_150 : memref<80xf32, #tpu.memory_space<hbm>>) dst(%arg12 : memref<80xf32, #tpu.memory_space<vmem>>)
    %dma_wait3A_151 = arith.constant 0 : i32
    %dma_wait3A_152 = tpu.memref_slice %arg3[%add3A_144, %dma_wait3A_151] : memref<320000x128xf32, #tpu.memory_space<hbm>> -> memref<80x128xf32, #tpu.memory_space<hbm>>
    %dma_wait3A_153 = arith.constant 0 : i32
    %dma_wait3A_154 = tpu.memref_slice %arg3[%add3A_144, %dma_wait3A_153] : memref<320000x128xf32, #tpu.memory_space<hbm>> -> memref<80x128xf32, #tpu.memory_space<hbm>>
    tpu.wait_dma2 semaphore(%arg19 : memref<!tpu.dma_semaphore, #tpu.memory_space<semaphore_mem>>) src(%dma_wait3A_154 : memref<80x128xf32, #tpu.memory_space<hbm>>) dst(%arg17 : memref<80x128xf32, #tpu.memory_space<vmem>>)
    %dma_start3A_155 = arith.constant 0 : i32
    %dma_start3A_156 = arith.constant 0 : i32
    %dma_start3A_157 = tpu.memref_slice %arg2[%dma_start3A_155, %dma_start3A_156] : memref<10000x128xf32, #tpu.memory_space<hbm>> -> memref<10000x128xf32, #tpu.memory_space<hbm>>
    tpu.enqueue_indirect_dma source(%dma_start3A_157 : memref<10000x128xf32, #tpu.memory_space<hbm>>) target(%arg16 : memref<80x128xf32, #tpu.memory_space<vmem>>) offsets(%arg10 : memref<80xi32, #tpu.memory_space<vmem>>) semaphore(%arg20 : memref<!tpu.dma_semaphore, #tpu.memory_space<semaphore_mem>>)
    %dma_start3A_158 = arith.constant 0 : i32
    %dma_start3A_159 = tpu.memref_slice %arg7[%dma_start3A_158] : memref<10000xf32, #tpu.memory_space<hbm>> -> memref<10000xf32, #tpu.memory_space<hbm>>
    tpu.enqueue_indirect_dma source(%dma_start3A_159 : memref<10000xf32, #tpu.memory_space<hbm>>) target(%arg13 : memref<80xf32, #tpu.memory_space<vmem>>) offsets(%arg10 : memref<80xi32, #tpu.memory_space<vmem>>) semaphore(%arg20 : memref<!tpu.dma_semaphore, #tpu.memory_space<semaphore_mem>>)
    %dma_start3A_160 = arith.constant 0 : i32
    %dma_start3A_161 = tpu.memref_slice %arg8[%dma_start3A_160] : memref<10000xf32, #tpu.memory_space<hbm>> -> memref<10000xf32, #tpu.memory_space<hbm>>
    tpu.enqueue_indirect_dma source(%dma_start3A_161 : memref<10000xf32, #tpu.memory_space<hbm>>) target(%arg14 : memref<80xf32, #tpu.memory_space<vmem>>) offsets(%arg11 : memref<80xi32, #tpu.memory_space<vmem>>) semaphore(%arg20 : memref<!tpu.dma_semaphore, #tpu.memory_space<semaphore_mem>>)
    %scan3A_162 = arith.constant 0 : i32
    %scan3A_163 = arith.constant 0 : i32
    %scan3A_164 = arith.constant 5 : i32
    %scan3A_165 = arith.addi %scan3A_163, %scan3A_164 : i32
    %scan3A_166 = arith.constant 1 : i32
    %scan3A_167 = scf.for %scan3A_194 = %scan3A_163 to %scan3A_165 step %scan3A_166 iter_args(%scan3A_195 = %scan3A_162) -> (i32)  : i32 {
      %mul3A_196 = arith.constant 16 : i32
      %mul3A_197 = arith.muli %scan3A_194, %mul3A_196 : i32
      %get3A = arith.index_cast %mul3A_197 : i32 to index
      %get3A_198 = tpu.vector_load %arg25[%get3A] {strides = array<i32>} : memref<80xf32, #tpu.memory_space<vmem>>, vector<16xf32>,
      %get3A_199 = arith.index_cast %mul3A_197 : i32 to index
      %get3A_200 = tpu.vector_load %arg26[%get3A_199] {strides = array<i32>} : memref<80xf32, #tpu.memory_space<vmem>>, vector<16xf32>,
      %add3A_201 = arith.addf %get3A_198, %get3A_200 : vector<16xf32>
      %get3A_202 = arith.index_cast %mul3A_197 : i32 to index
      %get3A_203 = tpu.vector_load %arg24[%get3A_202] {strides = array<i32>} : memref<80xf32, #tpu.memory_space<vmem>>, vector<16xf32>,
      %add3A_204 = arith.addf %add3A_201, %get3A_203 : vector<16xf32>
      %neg3A = arith.constant 0.000000e+00 : f32
      %neg3A_205 = vector.broadcast %neg3A : f32 to vector<16xf32>
      %neg3A_206 = arith.subf %neg3A_205, %add3A_204 : vector<16xf32>
      %exp3A = math.exp %neg3A_206 : vector<16xf32>
      %add3A_207 = arith.constant 1.000000e+00 : f32
      %add3A_208 = vector.broadcast %add3A_207 : f32 to vector<16xf32>
      %add3A_209 = arith.addf %add3A_208, %exp3A : vector<16xf32>
      %div3A = arith.constant 1.000000e+00 : f32
      %div3A_210 = vector.broadcast %div3A : f32 to vector<16xf32>
      %div3A_211 = arith.divf %div3A_210, %add3A_209 : vector<16xf32>
      %swap3A = arith.index_cast %mul3A_197 : i32 to index
      %swap3A_212 = tpu.vector_load %arg27[%swap3A] {strides = array<i32>} : memref<80xf32, #tpu.memory_space<vmem>>, vector<16xf32>,
      tpu.vector_store %arg27[%swap3A], %div3A_211 {strides = array<i32>} : memref<80xf32, #tpu.memory_space<vmem>>, vector<16xf32>,
      %scan3A_213 = arith.constant 0 : i32
      scf.yield %scan3A_213 : i32
    }
    %scan3A_168 = arith.constant 5 : i32
    %parallel_loop3A_169 = arith.constant 0 : i32
    %parallel_loop3A_170 = arith.constant 80 : i32
    %parallel_loop3A_171 = arith.constant 1 : i32
    scf.for %parallel_loop3A_194 = %parallel_loop3A_169 to %parallel_loop3A_170 step %parallel_loop3A_171  : i32 {
      %parallel_loop3A_195 = vector.broadcast %parallel_loop3A_194 : i32 to vector<16xi32>
      %parallel_loop3A_196 = tpu.vector_load_idx %arg27[%parallel_loop3A_195] : memref<80xf32, #tpu.memory_space<vmem>>[vector<16xi32>], vector<16xf32>,
      %parallel_loop3A_197 = arith.index_cast %parallel_loop3A_194 : i32 to index
      %parallel_loop3A_198 = arith.constant 0 : index
      %parallel_loop3A_199 = tpu.vector_load %arg28[%parallel_loop3A_197, %parallel_loop3A_198] {strides = array<i32>} : memref<80x128xf32, #tpu.memory_space<vmem>>, vector<16xf32>,
      %parallel_loop3A_200 = arith.index_cast %parallel_loop3A_194 : i32 to index
      %parallel_loop3A_201 = arith.constant 0 : index
      %parallel_loop3A_202 = tpu.vector_load %arg29[%parallel_loop3A_200, %parallel_loop3A_201] {strides = array<i32>} : memref<80x128xf32, #tpu.memory_space<vmem>>, vector<16xf32>,
      %parallel_loop3A_203 = arith.addf %parallel_loop3A_199, %parallel_loop3A_202 : vector<16xf32>
      %parallel_loop3A_204 = arith.constant 0.000000e+00 : f32
      %parallel_loop3A_205 = vector.broadcast %parallel_loop3A_204 : f32 to vector<16xf32>
      %parallel_loop3A_206 = arith.maximumf %parallel_loop3A_203, %parallel_loop3A_205 : vector<16xf32>
      %parallel_loop3A_207 = arith.mulf %parallel_loop3A_206, %parallel_loop3A_196 : vector<16xf32>
      %parallel_loop3A_208 = arith.index_cast %parallel_loop3A_194 : i32 to index
      %parallel_loop3A_209 = arith.constant 0 : index
      %parallel_loop3A_210 = tpu.vector_load %arg28[%parallel_loop3A_208, %parallel_loop3A_209] {strides = array<i32>} : memref<80x128xf32, #tpu.memory_space<vmem>>, vector<16xf32>,
      tpu.vector_store %arg28[%parallel_loop3A_208, %parallel_loop3A_209], %parallel_loop3A_207 {strides = array<i32>} : memref<80x128xf32, #tpu.memory_space<vmem>>, vector<16xf32>,
      %parallel_loop3A_211 = arith.index_cast %parallel_loop3A_194 : i32 to index
      %parallel_loop3A_212 = arith.constant 16 : index
      %parallel_loop3A_213 = tpu.vector_load %arg28[%parallel_loop3A_211, %parallel_loop3A_212] {strides = array<i32>} : memref<80x128xf32, #tpu.memory_space<vmem>>, vector<16xf32>,
      %parallel_loop3A_214 = arith.index_cast %parallel_loop3A_194 : i32 to index
      %parallel_loop3A_215 = arith.constant 16 : index
      %parallel_loop3A_216 = tpu.vector_load %arg29[%parallel_loop3A_214, %parallel_loop3A_215] {strides = array<i32>} : memref<80x128xf32, #tpu.memory_space<vmem>>, vector<16xf32>,
      %parallel_loop3A_217 = arith.addf %parallel_loop3A_213, %parallel_loop3A_216 : vector<16xf32>
      %parallel_loop3A_218 = arith.constant 0.000000e+00 : f32
      %parallel_loop3A_219 = vector.broadcast %parallel_loop3A_218 : f32 to vector<16xf32>
      %parallel_loop3A_220 = arith.maximumf %parallel_loop3A_217, %parallel_loop3A_219 : vector<16xf32>
      %parallel_loop3A_221 = arith.mulf %parallel_loop3A_220, %parallel_loop3A_196 : vector<16xf32>
      %parallel_loop3A_222 = arith.index_cast %parallel_loop3A_194 : i32 to index
      %parallel_loop3A_223 = arith.constant 16 : index
      %parallel_loop3A_224 = tpu.vector_load %arg28[%parallel_loop3A_222, %parallel_loop3A_223] {strides = array<i32>} : memref<80x128xf32, #tpu.memory_space<vmem>>, vector<16xf32>,
      tpu.vector_store %arg28[%parallel_loop3A_222, %parallel_loop3A_223], %parallel_loop3A_221 {strides = array<i32>} : memref<80x128xf32, #tpu.memory_space<vmem>>, vector<16xf32>,
      %parallel_loop3A_225 = arith.index_cast %parallel_loop3A_194 : i32 to index
      %parallel_loop3A_226 = arith.constant 32 : index
      %parallel_loop3A_227 = tpu.vector_load %arg28[%parallel_loop3A_225, %parallel_loop3A_226] {strides = array<i32>} : memref<80x128xf32, #tpu.memory_space<vmem>>, vector<16xf32>,
      %parallel_loop3A_228 = arith.index_cast %parallel_loop3A_194 : i32 to index
      %parallel_loop3A_229 = arith.constant 32 : index
      %parallel_loop3A_230 = tpu.vector_load %arg29[%parallel_loop3A_228, %parallel_loop3A_229] {strides = array<i32>} : memref<80x128xf32, #tpu.memory_space<vmem>>, vector<16xf32>,
      %parallel_loop3A_231 = arith.addf %parallel_loop3A_227, %parallel_loop3A_230 : vector<16xf32>
      %parallel_loop3A_232 = arith.constant 0.000000e+00 : f32
      %parallel_loop3A_233 = vector.broadcast %parallel_loop3A_232 : f32 to vector<16xf32>
      %parallel_loop3A_234 = arith.maximumf %parallel_loop3A_231, %parallel_loop3A_233 : vector<16xf32>
      %parallel_loop3A_235 = arith.mulf %parallel_loop3A_234, %parallel_loop3A_196 : vector<16xf32>
      %parallel_loop3A_236 = arith.index_cast %parallel_loop3A_194 : i32 to index
      %parallel_loop3A_237 = arith.constant 32 : index
      %parallel_loop3A_238 = tpu.vector_load %arg28[%parallel_loop3A_236, %parallel_loop3A_237] {strides = array<i32>} : memref<80x128xf32, #tpu.memory_space<vmem>>, vector<16xf32>,
      tpu.vector_store %arg28[%parallel_loop3A_236, %parallel_loop3A_237], %parallel_loop3A_235 {strides = array<i32>} : memref<80x128xf32, #tpu.memory_space<vmem>>, vector<16xf32>,
      %parallel_loop3A_239 = arith.index_cast %parallel_loop3A_194 : i32 to index
      %parallel_loop3A_240 = arith.constant 48 : index
      %parallel_loop3A_241 = tpu.vector_load %arg28[%parallel_loop3A_239, %parallel_loop3A_240] {strides = array<i32>} : memref<80x128xf32, #tpu.memory_space<vmem>>, vector<16xf32>,
      %parallel_loop3A_242 = arith.index_cast %parallel_loop3A_194 : i32 to index
      %parallel_loop3A_243 = arith.constant 48 : index
      %parallel_loop3A_244 = tpu.vector_load %arg29[%parallel_loop3A_242, %parallel_loop3A_243] {strides = array<i32>} : memref<80x128xf32, #tpu.memory_space<vmem>>, vector<16xf32>,
      %parallel_loop3A_245 = arith.addf %parallel_loop3A_241, %parallel_loop3A_244 : vector<16xf32>
      %parallel_loop3A_246 = arith.constant 0.000000e+00 : f32
      %parallel_loop3A_247 = vector.broadcast %parallel_loop3A_246 : f32 to vector<16xf32>
      %parallel_loop3A_248 = arith.maximumf %parallel_loop3A_245, %parallel_loop3A_247 : vector<16xf32>
      %parallel_loop3A_249 = arith.mulf %parallel_loop3A_248, %parallel_loop3A_196 : vector<16xf32>
      %parallel_loop3A_250 = arith.index_cast %parallel_loop3A_194 : i32 to index
      %parallel_loop3A_251 = arith.constant 48 : index
      %parallel_loop3A_252 = tpu.vector_load %arg28[%parallel_loop3A_250, %parallel_loop3A_251] {strides = array<i32>} : memref<80x128xf32, #tpu.memory_space<vmem>>, vector<16xf32>,
      tpu.vector_store %arg28[%parallel_loop3A_250, %parallel_loop3A_251], %parallel_loop3A_249 {strides = array<i32>} : memref<80x128xf32, #tpu.memory_space<vmem>>, vector<16xf32>,
      %parallel_loop3A_253 = arith.index_cast %parallel_loop3A_194 : i32 to index
      %parallel_loop3A_254 = arith.constant 64 : index
      %parallel_loop3A_255 = tpu.vector_load %arg28[%parallel_loop3A_253, %parallel_loop3A_254] {strides = array<i32>} : memref<80x128xf32, #tpu.memory_space<vmem>>, vector<16xf32>,
      %parallel_loop3A_256 = arith.index_cast %parallel_loop3A_194 : i32 to index
      %parallel_loop3A_257 = arith.constant 64 : index
      %parallel_loop3A_258 = tpu.vector_load %arg29[%parallel_loop3A_256, %parallel_loop3A_257] {strides = array<i32>} : memref<80x128xf32, #tpu.memory_space<vmem>>, vector<16xf32>,
      %parallel_loop3A_259 = arith.addf %parallel_loop3A_255, %parallel_loop3A_258 : vector<16xf32>
      %parallel_loop3A_260 = arith.constant 0.000000e+00 : f32
      %parallel_loop3A_261 = vector.broadcast %parallel_loop3A_260 : f32 to vector<16xf32>
      %parallel_loop3A_262 = arith.maximumf %parallel_loop3A_259, %parallel_loop3A_261 : vector<16xf32>
      %parallel_loop3A_263 = arith.mulf %parallel_loop3A_262, %parallel_loop3A_196 : vector<16xf32>
      %parallel_loop3A_264 = arith.index_cast %parallel_loop3A_194 : i32 to index
      %parallel_loop3A_265 = arith.constant 64 : index
      %parallel_loop3A_266 = tpu.vector_load %arg28[%parallel_loop3A_264, %parallel_loop3A_265] {strides = array<i32>} : memref<80x128xf32, #tpu.memory_space<vmem>>, vector<16xf32>,
      tpu.vector_store %arg28[%parallel_loop3A_264, %parallel_loop3A_265], %parallel_loop3A_263 {strides = array<i32>} : memref<80x128xf32, #tpu.memory_space<vmem>>, vector<16xf32>,
      %parallel_loop3A_267 = arith.index_cast %parallel_loop3A_194 : i32 to index
      %parallel_loop3A_268 = arith.constant 80 : index
      %parallel_loop3A_269 = tpu.vector_load %arg28[%parallel_loop3A_267, %parallel_loop3A_268] {strides = array<i32>} : memref<80x128xf32, #tpu.memory_space<vmem>>, vector<16xf32>,
      %parallel_loop3A_270 = arith.index_cast %parallel_loop3A_194 : i32 to index
      %parallel_loop3A_271 = arith.constant 80 : index
      %parallel_loop3A_272 = tpu.vector_load %arg29[%parallel_loop3A_270, %parallel_loop3A_271] {strides = array<i32>} : memref<80x128xf32, #tpu.memory_space<vmem>>, vector<16xf32>,
      %parallel_loop3A_273 = arith.addf %parallel_loop3A_269, %parallel_loop3A_272 : vector<16xf32>
      %parallel_loop3A_274 = arith.constant 0.000000e+00 : f32
      %parallel_loop3A_275 = vector.broadcast %parallel_loop3A_274 : f32 to vector<16xf32>
      %parallel_loop3A_276 = arith.maximumf %parallel_loop3A_273, %parallel_loop3A_275 : vector<16xf32>
      %parallel_loop3A_277 = arith.mulf %parallel_loop3A_276, %parallel_loop3A_196 : vector<16xf32>
      %parallel_loop3A_278 = arith.index_cast %parallel_loop3A_194 : i32 to index
      %parallel_loop3A_279 = arith.constant 80 : index
      %parallel_loop3A_280 = tpu.vector_load %arg28[%parallel_loop3A_278, %parallel_loop3A_279] {strides = array<i32>} : memref<80x128xf32, #tpu.memory_space<vmem>>, vector<16xf32>,
      tpu.vector_store %arg28[%parallel_loop3A_278, %parallel_loop3A_279], %parallel_loop3A_277 {strides = array<i32>} : memref<80x128xf32, #tpu.memory_space<vmem>>, vector<16xf32>,
      %parallel_loop3A_281 = arith.index_cast %parallel_loop3A_194 : i32 to index
      %parallel_loop3A_282 = arith.constant 96 : index
      %parallel_loop3A_283 = tpu.vector_load %arg28[%parallel_loop3A_281, %parallel_loop3A_282] {strides = array<i32>} : memref<80x128xf32, #tpu.memory_space<vmem>>, vector<16xf32>,
      %parallel_loop3A_284 = arith.index_cast %parallel_loop3A_194 : i32 to index
      %parallel_loop3A_285 = arith.constant 96 : index
      %parallel_loop3A_286 = tpu.vector_load %arg29[%parallel_loop3A_284, %parallel_loop3A_285] {strides = array<i32>} : memref<80x128xf32, #tpu.memory_space<vmem>>, vector<16xf32>,
      %parallel_loop3A_287 = arith.addf %parallel_loop3A_283, %parallel_loop3A_286 : vector<16xf32>
      %parallel_loop3A_288 = arith.constant 0.000000e+00 : f32
      %parallel_loop3A_289 = vector.broadcast %parallel_loop3A_288 : f32 to vector<16xf32>
      %parallel_loop3A_290 = arith.maximumf %parallel_loop3A_287, %parallel_loop3A_289 : vector<16xf32>
      %parallel_loop3A_291 = arith.mulf %parallel_loop3A_290, %parallel_loop3A_196 : vector<16xf32>
      %parallel_loop3A_292 = arith.index_cast %parallel_loop3A_194 : i32 to index
      %parallel_loop3A_293 = arith.constant 96 : index
      %parallel_loop3A_294 = tpu.vector_load %arg28[%parallel_loop3A_292, %parallel_loop3A_293] {strides = array<i32>} : memref<80x128xf32, #tpu.memory_space<vmem>>, vector<16xf32>,
      tpu.vector_store %arg28[%parallel_loop3A_292, %parallel_loop3A_293], %parallel_loop3A_291 {strides = array<i32>} : memref<80x128xf32, #tpu.memory_space<vmem>>, vector<16xf32>,
      %parallel_loop3A_295 = arith.index_cast %parallel_loop3A_194 : i32 to index
      %parallel_loop3A_296 = arith.constant 112 : index
      %parallel_loop3A_297 = tpu.vector_load %arg28[%parallel_loop3A_295, %parallel_loop3A_296] {strides = array<i32>} : memref<80x128xf32, #tpu.memory_space<vmem>>, vector<16xf32>,
      %parallel_loop3A_298 = arith.index_cast %parallel_loop3A_194 : i32 to index
      %parallel_loop3A_299 = arith.constant 112 : index
      %parallel_loop3A_300 = tpu.vector_load %arg29[%parallel_loop3A_298, %parallel_loop3A_299] {strides = array<i32>} : memref<80x128xf32, #tpu.memory_space<vmem>>, vector<16xf32>,
      %parallel_loop3A_301 = arith.addf %parallel_loop3A_297, %parallel_loop3A_300 : vector<16xf32>
      %parallel_loop3A_302 = arith.constant 0.000000e+00 : f32
      %parallel_loop3A_303 = vector.broadcast %parallel_loop3A_302 : f32 to vector<16xf32>
      %parallel_loop3A_304 = arith.maximumf %parallel_loop3A_301, %parallel_loop3A_303 : vector<16xf32>
      %parallel_loop3A_305 = arith.mulf %parallel_loop3A_304, %parallel_loop3A_196 : vector<16xf32>
      %parallel_loop3A_306 = arith.index_cast %parallel_loop3A_194 : i32 to index
      %parallel_loop3A_307 = arith.constant 112 : index
      %parallel_loop3A_308 = tpu.vector_load %arg28[%parallel_loop3A_306, %parallel_loop3A_307] {strides = array<i32>} : memref<80x128xf32, #tpu.memory_space<vmem>>, vector<16xf32>,
      tpu.vector_store %arg28[%parallel_loop3A_306, %parallel_loop3A_307], %parallel_loop3A_305 {strides = array<i32>} : memref<80x128xf32, #tpu.memory_space<vmem>>, vector<16xf32>,
    } {sc.loop_unroll_factor = 4 : i64, sc.parallel_access}
    "tpu.region"() ({
      %run_scoped3A = tpu.sem_alloc : memref<!tpu.dma_semaphore, #tpu.memory_space<semaphore_mem>>
      %dma_start3A_194 = arith.constant 0 : i32
      %dma_start3A_195 = arith.constant 0 : i32
      %dma_start3A_196 = tpu.memref_slice %arg34[%dma_start3A_194, %dma_start3A_195] : memref<10240x128xf32, #tpu.memory_space<vmem_shared>> -> memref<10240x128xf32, #tpu.memory_space<vmem_shared>>
      tpu.enqueue_indirect_dma source(%arg28 : memref<80x128xf32, #tpu.memory_space<vmem>>) target(%dma_start3A_196 : memref<10240x128xf32, #tpu.memory_space<vmem_shared>>) offsets(%arg23 : memref<80xi32, #tpu.memory_space<vmem>>) semaphore(%run_scoped3A : memref<!tpu.dma_semaphore, #tpu.memory_space<semaphore_mem>>) {add = true}
      %dma_wait3A_197 = arith.constant 0 : i32
      %dma_wait3A_198 = arith.constant 0 : i32
      %dma_wait3A_199 = tpu.memref_slice %arg34[%dma_wait3A_197, %dma_wait3A_198] : memref<10240x128xf32, #tpu.memory_space<vmem_shared>> -> memref<10240x128xf32, #tpu.memory_space<vmem_shared>>
      tpu.wait_indirect_dma semaphore(%run_scoped3A : memref<!tpu.dma_semaphore, #tpu.memory_space<semaphore_mem>>) src(%arg28 : memref<80x128xf32, #tpu.memory_space<vmem>>) dst(%dma_wait3A_199 : memref<10240x128xf32, #tpu.memory_space<vmem_shared>>)
      tpu.yield
    }) : () -> ()
    %dma_wait3A_172 = arith.constant 0 : i32
    %dma_wait3A_173 = arith.constant 0 : i32
    %dma_wait3A_174 = tpu.memref_slice %arg2[%dma_wait3A_172, %dma_wait3A_173] : memref<10000x128xf32, #tpu.memory_space<hbm>> -> memref<10000x128xf32, #tpu.memory_space<hbm>>
    tpu.wait_indirect_dma semaphore(%arg20 : memref<!tpu.dma_semaphore, #tpu.memory_space<semaphore_mem>>) src(%dma_wait3A_174 : memref<10000x128xf32, #tpu.memory_space<hbm>>) dst(%arg16 : memref<80x128xf32, #tpu.memory_space<vmem>>)
    %dma_wait3A_175 = arith.constant 0 : i32
    %dma_wait3A_176 = tpu.memref_slice %arg7[%dma_wait3A_175] : memref<10000xf32, #tpu.memory_space<hbm>> -> memref<10000xf32, #tpu.memory_space<hbm>>
    tpu.wait_indirect_dma semaphore(%arg20 : memref<!tpu.dma_semaphore, #tpu.memory_space<semaphore_mem>>) src(%dma_wait3A_176 : memref<10000xf32, #tpu.memory_space<hbm>>) dst(%arg13 : memref<80xf32, #tpu.memory_space<vmem>>)
    %dma_wait3A_177 = arith.constant 0 : i32
    %dma_wait3A_178 = tpu.memref_slice %arg8[%dma_wait3A_177] : memref<10000xf32, #tpu.memory_space<hbm>> -> memref<10000xf32, #tpu.memory_space<hbm>>
    tpu.wait_indirect_dma semaphore(%arg20 : memref<!tpu.dma_semaphore, #tpu.memory_space<semaphore_mem>>) src(%dma_wait3A_178 : memref<10000xf32, #tpu.memory_space<hbm>>) dst(%arg14 : memref<80xf32, #tpu.memory_space<vmem>>)
    %scan3A_179 = arith.constant 0 : i32
    %scan3A_180 = arith.constant 0 : i32
    %scan3A_181 = arith.constant 5 : i32
    %scan3A_182 = arith.addi %scan3A_180, %scan3A_181 : i32
    %scan3A_183 = arith.constant 1 : i32
    %scan3A_184 = scf.for %scan3A_194 = %scan3A_180 to %scan3A_182 step %scan3A_183 iter_args(%scan3A_195 = %scan3A_179) -> (i32)  : i32 {
      %mul3A_196 = arith.constant 16 : i32
      %mul3A_197 = arith.muli %scan3A_194, %mul3A_196 : i32
      %get3A = arith.index_cast %mul3A_197 : i32 to index
      %get3A_198 = tpu.vector_load %arg13[%get3A] {strides = array<i32>} : memref<80xf32, #tpu.memory_space<vmem>>, vector<16xf32>,
      %get3A_199 = arith.index_cast %mul3A_197 : i32 to index
      %get3A_200 = tpu.vector_load %arg14[%get3A_199] {strides = array<i32>} : memref<80xf32, #tpu.memory_space<vmem>>, vector<16xf32>,
      %add3A_201 = arith.addf %get3A_198, %get3A_200 : vector<16xf32>
      %get3A_202 = arith.index_cast %mul3A_197 : i32 to index
      %get3A_203 = tpu.vector_load %arg12[%get3A_202] {strides = array<i32>} : memref<80xf32, #tpu.memory_space<vmem>>, vector<16xf32>,
      %add3A_204 = arith.addf %add3A_201, %get3A_203 : vector<16xf32>
      %neg3A = arith.constant 0.000000e+00 : f32
      %neg3A_205 = vector.broadcast %neg3A : f32 to vector<16xf32>
      %neg3A_206 = arith.subf %neg3A_205, %add3A_204 : vector<16xf32>
      %exp3A = math.exp %neg3A_206 : vector<16xf32>
      %add3A_207 = arith.constant 1.000000e+00 : f32
      %add3A_208 = vector.broadcast %add3A_207 : f32 to vector<16xf32>
      %add3A_209 = arith.addf %add3A_208, %exp3A : vector<16xf32>
      %div3A = arith.constant 1.000000e+00 : f32
      %div3A_210 = vector.broadcast %div3A : f32 to vector<16xf32>
      %div3A_211 = arith.divf %div3A_210, %add3A_209 : vector<16xf32>
      %swap3A = arith.index_cast %mul3A_197 : i32 to index
      %swap3A_212 = tpu.vector_load %arg15[%swap3A] {strides = array<i32>} : memref<80xf32, #tpu.memory_space<vmem>>, vector<16xf32>,
      tpu.vector_store %arg15[%swap3A], %div3A_211 {strides = array<i32>} : memref<80xf32, #tpu.memory_space<vmem>>, vector<16xf32>,
      %scan3A_213 = arith.constant 0 : i32
      scf.yield %scan3A_213 : i32
    }
    %scan3A_185 = arith.constant 5 : i32
    %parallel_loop3A_186 = arith.constant 0 : i32
    %parallel_loop3A_187 = arith.constant 80 : i32
    %parallel_loop3A_188 = arith.constant 1 : i32
    scf.for %parallel_loop3A_194 = %parallel_loop3A_186 to %parallel_loop3A_187 step %parallel_loop3A_188  : i32 {
      %parallel_loop3A_195 = vector.broadcast %parallel_loop3A_194 : i32 to vector<16xi32>
      %parallel_loop3A_196 = tpu.vector_load_idx %arg15[%parallel_loop3A_195] : memref<80xf32, #tpu.memory_space<vmem>>[vector<16xi32>], vector<16xf32>,
      %parallel_loop3A_197 = arith.index_cast %parallel_loop3A_194 : i32 to index
      %parallel_loop3A_198 = arith.constant 0 : index
      %parallel_loop3A_199 = tpu.vector_load %arg16[%parallel_loop3A_197, %parallel_loop3A_198] {strides = array<i32>} : memref<80x128xf32, #tpu.memory_space<vmem>>, vector<16xf32>,
      %parallel_loop3A_200 = arith.index_cast %parallel_loop3A_194 : i32 to index
      %parallel_loop3A_201 = arith.constant 0 : index
      %parallel_loop3A_202 = tpu.vector_load %arg17[%parallel_loop3A_200, %parallel_loop3A_201] {strides = array<i32>} : memref<80x128xf32, #tpu.memory_space<vmem>>, vector<16xf32>,
      %parallel_loop3A_203 = arith.addf %parallel_loop3A_199, %parallel_loop3A_202 : vector<16xf32>
      %parallel_loop3A_204 = arith.constant 0.000000e+00 : f32
      %parallel_loop3A_205 = vector.broadcast %parallel_loop3A_204 : f32 to vector<16xf32>
      %parallel_loop3A_206 = arith.maximumf %parallel_loop3A_203, %parallel_loop3A_205 : vector<16xf32>
      %parallel_loop3A_207 = arith.mulf %parallel_loop3A_206, %parallel_loop3A_196 : vector<16xf32>
      %parallel_loop3A_208 = arith.index_cast %parallel_loop3A_194 : i32 to index
      %parallel_loop3A_209 = arith.constant 0 : index
      %parallel_loop3A_210 = tpu.vector_load %arg16[%parallel_loop3A_208, %parallel_loop3A_209] {strides = array<i32>} : memref<80x128xf32, #tpu.memory_space<vmem>>, vector<16xf32>,
      tpu.vector_store %arg16[%parallel_loop3A_208, %parallel_loop3A_209], %parallel_loop3A_207 {strides = array<i32>} : memref<80x128xf32, #tpu.memory_space<vmem>>, vector<16xf32>,
      %parallel_loop3A_211 = arith.index_cast %parallel_loop3A_194 : i32 to index
      %parallel_loop3A_212 = arith.constant 16 : index
      %parallel_loop3A_213 = tpu.vector_load %arg16[%parallel_loop3A_211, %parallel_loop3A_212] {strides = array<i32>} : memref<80x128xf32, #tpu.memory_space<vmem>>, vector<16xf32>,
      %parallel_loop3A_214 = arith.index_cast %parallel_loop3A_194 : i32 to index
      %parallel_loop3A_215 = arith.constant 16 : index
      %parallel_loop3A_216 = tpu.vector_load %arg17[%parallel_loop3A_214, %parallel_loop3A_215] {strides = array<i32>} : memref<80x128xf32, #tpu.memory_space<vmem>>, vector<16xf32>,
      %parallel_loop3A_217 = arith.addf %parallel_loop3A_213, %parallel_loop3A_216 : vector<16xf32>
      %parallel_loop3A_218 = arith.constant 0.000000e+00 : f32
      %parallel_loop3A_219 = vector.broadcast %parallel_loop3A_218 : f32 to vector<16xf32>
      %parallel_loop3A_220 = arith.maximumf %parallel_loop3A_217, %parallel_loop3A_219 : vector<16xf32>
      %parallel_loop3A_221 = arith.mulf %parallel_loop3A_220, %parallel_loop3A_196 : vector<16xf32>
      %parallel_loop3A_222 = arith.index_cast %parallel_loop3A_194 : i32 to index
      %parallel_loop3A_223 = arith.constant 16 : index
      %parallel_loop3A_224 = tpu.vector_load %arg16[%parallel_loop3A_222, %parallel_loop3A_223] {strides = array<i32>} : memref<80x128xf32, #tpu.memory_space<vmem>>, vector<16xf32>,
      tpu.vector_store %arg16[%parallel_loop3A_222, %parallel_loop3A_223], %parallel_loop3A_221 {strides = array<i32>} : memref<80x128xf32, #tpu.memory_space<vmem>>, vector<16xf32>,
      %parallel_loop3A_225 = arith.index_cast %parallel_loop3A_194 : i32 to index
      %parallel_loop3A_226 = arith.constant 32 : index
      %parallel_loop3A_227 = tpu.vector_load %arg16[%parallel_loop3A_225, %parallel_loop3A_226] {strides = array<i32>} : memref<80x128xf32, #tpu.memory_space<vmem>>, vector<16xf32>,
      %parallel_loop3A_228 = arith.index_cast %parallel_loop3A_194 : i32 to index
      %parallel_loop3A_229 = arith.constant 32 : index
      %parallel_loop3A_230 = tpu.vector_load %arg17[%parallel_loop3A_228, %parallel_loop3A_229] {strides = array<i32>} : memref<80x128xf32, #tpu.memory_space<vmem>>, vector<16xf32>,
      %parallel_loop3A_231 = arith.addf %parallel_loop3A_227, %parallel_loop3A_230 : vector<16xf32>
      %parallel_loop3A_232 = arith.constant 0.000000e+00 : f32
      %parallel_loop3A_233 = vector.broadcast %parallel_loop3A_232 : f32 to vector<16xf32>
      %parallel_loop3A_234 = arith.maximumf %parallel_loop3A_231, %parallel_loop3A_233 : vector<16xf32>
      %parallel_loop3A_235 = arith.mulf %parallel_loop3A_234, %parallel_loop3A_196 : vector<16xf32>
      %parallel_loop3A_236 = arith.index_cast %parallel_loop3A_194 : i32 to index
      %parallel_loop3A_237 = arith.constant 32 : index
      %parallel_loop3A_238 = tpu.vector_load %arg16[%parallel_loop3A_236, %parallel_loop3A_237] {strides = array<i32>} : memref<80x128xf32, #tpu.memory_space<vmem>>, vector<16xf32>,
      tpu.vector_store %arg16[%parallel_loop3A_236, %parallel_loop3A_237], %parallel_loop3A_235 {strides = array<i32>} : memref<80x128xf32, #tpu.memory_space<vmem>>, vector<16xf32>,
      %parallel_loop3A_239 = arith.index_cast %parallel_loop3A_194 : i32 to index
      %parallel_loop3A_240 = arith.constant 48 : index
      %parallel_loop3A_241 = tpu.vector_load %arg16[%parallel_loop3A_239, %parallel_loop3A_240] {strides = array<i32>} : memref<80x128xf32, #tpu.memory_space<vmem>>, vector<16xf32>,
      %parallel_loop3A_242 = arith.index_cast %parallel_loop3A_194 : i32 to index
      %parallel_loop3A_243 = arith.constant 48 : index
      %parallel_loop3A_244 = tpu.vector_load %arg17[%parallel_loop3A_242, %parallel_loop3A_243] {strides = array<i32>} : memref<80x128xf32, #tpu.memory_space<vmem>>, vector<16xf32>,
      %parallel_loop3A_245 = arith.addf %parallel_loop3A_241, %parallel_loop3A_244 : vector<16xf32>
      %parallel_loop3A_246 = arith.constant 0.000000e+00 : f32
      %parallel_loop3A_247 = vector.broadcast %parallel_loop3A_246 : f32 to vector<16xf32>
      %parallel_loop3A_248 = arith.maximumf %parallel_loop3A_245, %parallel_loop3A_247 : vector<16xf32>
      %parallel_loop3A_249 = arith.mulf %parallel_loop3A_248, %parallel_loop3A_196 : vector<16xf32>
      %parallel_loop3A_250 = arith.index_cast %parallel_loop3A_194 : i32 to index
      %parallel_loop3A_251 = arith.constant 48 : index
      %parallel_loop3A_252 = tpu.vector_load %arg16[%parallel_loop3A_250, %parallel_loop3A_251] {strides = array<i32>} : memref<80x128xf32, #tpu.memory_space<vmem>>, vector<16xf32>,
      tpu.vector_store %arg16[%parallel_loop3A_250, %parallel_loop3A_251], %parallel_loop3A_249 {strides = array<i32>} : memref<80x128xf32, #tpu.memory_space<vmem>>, vector<16xf32>,
      %parallel_loop3A_253 = arith.index_cast %parallel_loop3A_194 : i32 to index
      %parallel_loop3A_254 = arith.constant 64 : index
      %parallel_loop3A_255 = tpu.vector_load %arg16[%parallel_loop3A_253, %parallel_loop3A_254] {strides = array<i32>} : memref<80x128xf32, #tpu.memory_space<vmem>>, vector<16xf32>,
      %parallel_loop3A_256 = arith.index_cast %parallel_loop3A_194 : i32 to index
      %parallel_loop3A_257 = arith.constant 64 : index
      %parallel_loop3A_258 = tpu.vector_load %arg17[%parallel_loop3A_256, %parallel_loop3A_257] {strides = array<i32>} : memref<80x128xf32, #tpu.memory_space<vmem>>, vector<16xf32>,
      %parallel_loop3A_259 = arith.addf %parallel_loop3A_255, %parallel_loop3A_258 : vector<16xf32>
      %parallel_loop3A_260 = arith.constant 0.000000e+00 : f32
      %parallel_loop3A_261 = vector.broadcast %parallel_loop3A_260 : f32 to vector<16xf32>
      %parallel_loop3A_262 = arith.maximumf %parallel_loop3A_259, %parallel_loop3A_261 : vector<16xf32>
      %parallel_loop3A_263 = arith.mulf %parallel_loop3A_262, %parallel_loop3A_196 : vector<16xf32>
      %parallel_loop3A_264 = arith.index_cast %parallel_loop3A_194 : i32 to index
      %parallel_loop3A_265 = arith.constant 64 : index
      %parallel_loop3A_266 = tpu.vector_load %arg16[%parallel_loop3A_264, %parallel_loop3A_265] {strides = array<i32>} : memref<80x128xf32, #tpu.memory_space<vmem>>, vector<16xf32>,
      tpu.vector_store %arg16[%parallel_loop3A_264, %parallel_loop3A_265], %parallel_loop3A_263 {strides = array<i32>} : memref<80x128xf32, #tpu.memory_space<vmem>>, vector<16xf32>,
      %parallel_loop3A_267 = arith.index_cast %parallel_loop3A_194 : i32 to index
      %parallel_loop3A_268 = arith.constant 80 : index
      %parallel_loop3A_269 = tpu.vector_load %arg16[%parallel_loop3A_267, %parallel_loop3A_268] {strides = array<i32>} : memref<80x128xf32, #tpu.memory_space<vmem>>, vector<16xf32>,
      %parallel_loop3A_270 = arith.index_cast %parallel_loop3A_194 : i32 to index
      %parallel_loop3A_271 = arith.constant 80 : index
      %parallel_loop3A_272 = tpu.vector_load %arg17[%parallel_loop3A_270, %parallel_loop3A_271] {strides = array<i32>} : memref<80x128xf32, #tpu.memory_space<vmem>>, vector<16xf32>,
      %parallel_loop3A_273 = arith.addf %parallel_loop3A_269, %parallel_loop3A_272 : vector<16xf32>
      %parallel_loop3A_274 = arith.constant 0.000000e+00 : f32
      %parallel_loop3A_275 = vector.broadcast %parallel_loop3A_274 : f32 to vector<16xf32>
      %parallel_loop3A_276 = arith.maximumf %parallel_loop3A_273, %parallel_loop3A_275 : vector<16xf32>
      %parallel_loop3A_277 = arith.mulf %parallel_loop3A_276, %parallel_loop3A_196 : vector<16xf32>
      %parallel_loop3A_278 = arith.index_cast %parallel_loop3A_194 : i32 to index
      %parallel_loop3A_279 = arith.constant 80 : index
      %parallel_loop3A_280 = tpu.vector_load %arg16[%parallel_loop3A_278, %parallel_loop3A_279] {strides = array<i32>} : memref<80x128xf32, #tpu.memory_space<vmem>>, vector<16xf32>,
      tpu.vector_store %arg16[%parallel_loop3A_278, %parallel_loop3A_279], %parallel_loop3A_277 {strides = array<i32>} : memref<80x128xf32, #tpu.memory_space<vmem>>, vector<16xf32>,
      %parallel_loop3A_281 = arith.index_cast %parallel_loop3A_194 : i32 to index
      %parallel_loop3A_282 = arith.constant 96 : index
      %parallel_loop3A_283 = tpu.vector_load %arg16[%parallel_loop3A_281, %parallel_loop3A_282] {strides = array<i32>} : memref<80x128xf32, #tpu.memory_space<vmem>>, vector<16xf32>,
      %parallel_loop3A_284 = arith.index_cast %parallel_loop3A_194 : i32 to index
      %parallel_loop3A_285 = arith.constant 96 : index
      %parallel_loop3A_286 = tpu.vector_load %arg17[%parallel_loop3A_284, %parallel_loop3A_285] {strides = array<i32>} : memref<80x128xf32, #tpu.memory_space<vmem>>, vector<16xf32>,
      %parallel_loop3A_287 = arith.addf %parallel_loop3A_283, %parallel_loop3A_286 : vector<16xf32>
      %parallel_loop3A_288 = arith.constant 0.000000e+00 : f32
      %parallel_loop3A_289 = vector.broadcast %parallel_loop3A_288 : f32 to vector<16xf32>
      %parallel_loop3A_290 = arith.maximumf %parallel_loop3A_287, %parallel_loop3A_289 : vector<16xf32>
      %parallel_loop3A_291 = arith.mulf %parallel_loop3A_290, %parallel_loop3A_196 : vector<16xf32>
      %parallel_loop3A_292 = arith.index_cast %parallel_loop3A_194 : i32 to index
      %parallel_loop3A_293 = arith.constant 96 : index
      %parallel_loop3A_294 = tpu.vector_load %arg16[%parallel_loop3A_292, %parallel_loop3A_293] {strides = array<i32>} : memref<80x128xf32, #tpu.memory_space<vmem>>, vector<16xf32>,
      tpu.vector_store %arg16[%parallel_loop3A_292, %parallel_loop3A_293], %parallel_loop3A_291 {strides = array<i32>} : memref<80x128xf32, #tpu.memory_space<vmem>>, vector<16xf32>,
      %parallel_loop3A_295 = arith.index_cast %parallel_loop3A_194 : i32 to index
      %parallel_loop3A_296 = arith.constant 112 : index
      %parallel_loop3A_297 = tpu.vector_load %arg16[%parallel_loop3A_295, %parallel_loop3A_296] {strides = array<i32>} : memref<80x128xf32, #tpu.memory_space<vmem>>, vector<16xf32>,
      %parallel_loop3A_298 = arith.index_cast %parallel_loop3A_194 : i32 to index
      %parallel_loop3A_299 = arith.constant 112 : index
      %parallel_loop3A_300 = tpu.vector_load %arg17[%parallel_loop3A_298, %parallel_loop3A_299] {strides = array<i32>} : memref<80x128xf32, #tpu.memory_space<vmem>>, vector<16xf32>,
      %parallel_loop3A_301 = arith.addf %parallel_loop3A_297, %parallel_loop3A_300 : vector<16xf32>
      %parallel_loop3A_302 = arith.constant 0.000000e+00 : f32
      %parallel_loop3A_303 = vector.broadcast %parallel_loop3A_302 : f32 to vector<16xf32>
      %parallel_loop3A_304 = arith.maximumf %parallel_loop3A_301, %parallel_loop3A_303 : vector<16xf32>
      %parallel_loop3A_305 = arith.mulf %parallel_loop3A_304, %parallel_loop3A_196 : vector<16xf32>
      %parallel_loop3A_306 = arith.index_cast %parallel_loop3A_194 : i32 to index
      %parallel_loop3A_307 = arith.constant 112 : index
      %parallel_loop3A_308 = tpu.vector_load %arg16[%parallel_loop3A_306, %parallel_loop3A_307] {strides = array<i32>} : memref<80x128xf32, #tpu.memory_space<vmem>>, vector<16xf32>,
      tpu.vector_store %arg16[%parallel_loop3A_306, %parallel_loop3A_307], %parallel_loop3A_305 {strides = array<i32>} : memref<80x128xf32, #tpu.memory_space<vmem>>, vector<16xf32>,
    } {sc.loop_unroll_factor = 4 : i64, sc.parallel_access}
    "tpu.region"() ({
      %run_scoped3A = tpu.sem_alloc : memref<!tpu.dma_semaphore, #tpu.memory_space<semaphore_mem>>
      %dma_start3A_194 = arith.constant 0 : i32
      %dma_start3A_195 = arith.constant 0 : i32
      %dma_start3A_196 = tpu.memref_slice %arg34[%dma_start3A_194, %dma_start3A_195] : memref<10240x128xf32, #tpu.memory_space<vmem_shared>> -> memref<10240x128xf32, #tpu.memory_space<vmem_shared>>
      tpu.enqueue_indirect_dma source(%arg16 : memref<80x128xf32, #tpu.memory_space<vmem>>) target(%dma_start3A_196 : memref<10240x128xf32, #tpu.memory_space<vmem_shared>>) offsets(%arg11 : memref<80xi32, #tpu.memory_space<vmem>>) semaphore(%run_scoped3A : memref<!tpu.dma_semaphore, #tpu.memory_space<semaphore_mem>>) {add = true}
      %dma_wait3A_197 = arith.constant 0 : i32
      %dma_wait3A_198 = arith.constant 0 : i32
      %dma_wait3A_199 = tpu.memref_slice %arg34[%dma_wait3A_197, %dma_wait3A_198] : memref<10240x128xf32, #tpu.memory_space<vmem_shared>> -> memref<10240x128xf32, #tpu.memory_space<vmem_shared>>
      tpu.wait_indirect_dma semaphore(%run_scoped3A : memref<!tpu.dma_semaphore, #tpu.memory_space<semaphore_mem>>) src(%arg16 : memref<80x128xf32, #tpu.memory_space<vmem>>) dst(%dma_wait3A_199 : memref<10240x128xf32, #tpu.memory_space<vmem_shared>>)
      tpu.yield
    }) : () -> ()
    %barrier3A_189 = arith.constant 0 : index
    tpu.barrier barrier_id(%barrier3A_189)
    %mul3A_190 = arith.constant 640 : i32
    %mul3A_191 = arith.muli %arg1, %mul3A_190 : i32
    %mul3A_192 = arith.constant 640 : i32
    %mul3A_193 = arith.muli %arg1, %mul3A_192 : i32
    "tpu.region"() ({
      %run_scoped3A = tpu.sem_alloc : memref<!tpu.dma_semaphore, #tpu.memory_space<semaphore_mem>>
      %dma_start3A_194 = arith.constant 0 : i32
      %dma_start3A_195 = tpu.memref_slice %arg9[%arg0, %mul3A_193, %dma_start3A_194] : memref<2x10240x128xf32, #tpu.memory_space<hbm>> -> memref<1x640x128xf32, #tpu.memory_space<hbm>>
      %dma_start3A_196 = tpu.memref_squeeze %dma_start3A_195 : memref<1x640x128xf32, #tpu.memory_space<hbm>> -> memref<640x128xf32, #tpu.memory_space<hbm>>
      %dma_start3A_197 = arith.constant 0 : i32
      %dma_start3A_198 = tpu.memref_slice %arg34[%mul3A_191, %dma_start3A_197] : memref<10240x128xf32, #tpu.memory_space<vmem_shared>> -> memref<640x128xf32, #tpu.memory_space<vmem_shared>>
      tpu.enqueue_dma source(%dma_start3A_198 : memref<640x128xf32, #tpu.memory_space<vmem_shared>>) target(%dma_start3A_196 : memref<640x128xf32, #tpu.memory_space<hbm>>) target_semaphore(%run_scoped3A : memref<!tpu.dma_semaphore, #tpu.memory_space<semaphore_mem>>)
      %dma_wait3A_199 = arith.constant 0 : i32
      %dma_wait3A_200 = tpu.memref_slice %arg9[%arg0, %mul3A_193, %dma_wait3A_199] : memref<2x10240x128xf32, #tpu.memory_space<hbm>> -> memref<1x640x128xf32, #tpu.memory_space<hbm>>
      %dma_wait3A_201 = tpu.memref_squeeze %dma_wait3A_200 : memref<1x640x128xf32, #tpu.memory_space<hbm>> -> memref<640x128xf32, #tpu.memory_space<hbm>>
      %dma_wait3A_202 = arith.constant 0 : i32
      %dma_wait3A_203 = tpu.memref_slice %arg34[%mul3A_191, %dma_wait3A_202] : memref<10240x128xf32, #tpu.memory_space<vmem_shared>> -> memref<640x128xf32, #tpu.memory_space<vmem_shared>>
      tpu.wait_dma2 semaphore(%run_scoped3A : memref<!tpu.dma_semaphore, #tpu.memory_space<semaphore_mem>>) src(%dma_wait3A_203 : memref<640x128xf32, #tpu.memory_space<vmem_shared>>) dst(%dma_wait3A_201 : memref<640x128xf32, #tpu.memory_space<hbm>>)
      tpu.yield
    }) : () -> ()
    return
  }
}

module attributes {stable_mosaic.version = 14 : i64} {
  func.func @body(%arg0: i32, %arg1: memref<2000x128xf32, #tpu.memory_space<vmem>>, %arg2: memref<128x128xf32, #tpu.memory_space<vmem>>, %arg3: memref<128x2xf32, #tpu.memory_space<vmem>>, %arg4: memref<2000x128xf32, #tpu.memory_space<vmem>>, %arg5: memref<2000x2xf32, #tpu.memory_space<vmem>>) attributes {dimension_semantics = [#tpu.dimension_semantics<arbitrary>], iteration_bounds = array<i64: 5>, scalar_prefetch = 0 : i64, scratch_operands = 0 : i64, tpu.core_type = #tpu.core_type<tc>, window_params = [{transform_indices = @transform_0, window_bounds = array<i64: 2000, 128>}, {pipeline_mode = #tpu.pipeline_mode<synchronous>, transform_indices = @transform_1, window_bounds = array<i64: 128, 128>}, {pipeline_mode = #tpu.pipeline_mode<synchronous>, transform_indices = @transform_2, window_bounds = array<i64: 128, 2>}, {transform_indices = @transform_3, window_bounds = array<i64: 2000, 128>}, {transform_indices = @transform_4, window_bounds = array<i64: 2000, 2>}]} {
    %get3A = arith.constant 0 : index
    %get3A_0 = arith.constant 0 : index
    %get3A_1 = vector.load %arg1[%get3A, %get3A_0] : memref<2000x128xf32, #tpu.memory_space<vmem>>, vector<2000x128xf32>
    %get3A_2 = arith.constant 0 : index
    %get3A_3 = arith.constant 0 : index
    %get3A_4 = vector.load %arg2[%get3A_2, %get3A_3] : memref<128x128xf32, #tpu.memory_space<vmem>>, vector<128x128xf32>
    %dot_general3A = arith.constant dense<0.000000e+00> : vector<2000x128xf32>
    %dot_general3A_5 = tpu.matmul %get3A_1, %get3A_4, %dot_general3A {dimension_numbers = #tpu.dot_dimension_numbers<[1], [0], [0], [1], [0, 0, 1, 1], [], []>, transpose_lhs_hint = false} : vector<2000x128xf32>, vector<128x128xf32>, vector<2000x128xf32> -> vector<2000x128xf32>
    %swap3A = arith.constant 0 : index
    %swap3A_6 = arith.constant 0 : index
    %swap3A_7 = vector.load %arg4[%swap3A, %swap3A_6] : memref<2000x128xf32, #tpu.memory_space<vmem>>, vector<2000x128xf32>
    tpu.vector_store %arg4[%swap3A, %swap3A_6], %dot_general3A_5 {strides = array<i32>} : memref<2000x128xf32, #tpu.memory_space<vmem>>, vector<2000x128xf32>,
    %get3A_8 = arith.constant 0 : index
    %get3A_9 = arith.constant 0 : index
    %get3A_10 = vector.load %arg3[%get3A_8, %get3A_9] : memref<128x2xf32, #tpu.memory_space<vmem>>, vector<128x2xf32>
    %dot_general3A_11 = arith.constant dense<0.000000e+00> : vector<2000x2xf32>
    %dot_general3A_12 = tpu.matmul %get3A_1, %get3A_10, %dot_general3A_11 {dimension_numbers = #tpu.dot_dimension_numbers<[1], [0], [0], [1], [0, 0, 1, 1], [], []>, transpose_lhs_hint = false} : vector<2000x128xf32>, vector<128x2xf32>, vector<2000x2xf32> -> vector<2000x2xf32>
    %swap3A_13 = arith.constant 0 : index
    %swap3A_14 = arith.constant 0 : index
    %swap3A_15 = vector.load %arg5[%swap3A_13, %swap3A_14] : memref<2000x2xf32, #tpu.memory_space<vmem>>, vector<2000x2xf32>
    tpu.vector_store %arg5[%swap3A_13, %swap3A_14], %dot_general3A_12 {strides = array<i32>} : memref<2000x2xf32, #tpu.memory_space<vmem>>, vector<2000x2xf32>,
    return
  }
  func.func @transform_0(%arg0: i32) -> (i32, i32) {
    %c0_i32 = arith.constant 0 : i32
    %c0_i32_0 = arith.constant 0 : i32
    return %arg0, %c0_i32 : i32, i32
  }
  func.func @transform_1(%arg0: i32) -> (i32, i32) {
    %c0_i32 = arith.constant 0 : i32
    %c0_i32_0 = arith.constant 0 : i32
    %c0_i32_1 = arith.constant 0 : i32
    return %c0_i32, %c0_i32_0 : i32, i32
  }
  func.func @transform_2(%arg0: i32) -> (i32, i32) {
    %c0_i32 = arith.constant 0 : i32
    %c0_i32_0 = arith.constant 0 : i32
    %c0_i32_1 = arith.constant 0 : i32
    return %c0_i32, %c0_i32_0 : i32, i32
  }
  func.func @transform_3(%arg0: i32) -> (i32, i32) {
    %c0_i32 = arith.constant 0 : i32
    %c0_i32_0 = arith.constant 0 : i32
    return %arg0, %c0_i32 : i32, i32
  }
  func.func @transform_4(%arg0: i32) -> (i32, i32) {
    %c0_i32 = arith.constant 0 : i32
    %c0_i32_0 = arith.constant 0 : i32
    return %arg0, %c0_i32 : i32, i32
  }
}

module attributes {stable_mosaic.version = 14 : i64} {
  func.func @body(%arg0: i32, %arg1: memref<16x16000xf32, #tpu.memory_space<vmem>>, %arg2: memref<16x128xf32, #tpu.memory_space<vmem>>, %arg3: memref<16x1xf32, #tpu.memory_space<vmem>>, %arg4: memref<1x128xf32, #tpu.memory_space<vmem>>, %arg5: memref<1x1xf32, #tpu.memory_space<vmem>>, %arg6: memref<16000x128xf32, #tpu.memory_space<vmem>>, %arg7: memref<1x16000xf32, #tpu.memory_space<vmem>>) attributes {dimension_semantics = [#tpu.dimension_semantics<arbitrary>], iteration_bounds = array<i64: 20>, scalar_prefetch = 0 : i64, scratch_operands = 0 : i64, tpu.core_type = #tpu.core_type<tc>, window_params = [{transform_indices = @transform_0, window_bounds = array<i64: 16, 16000>}, {pipeline_mode = #tpu.pipeline_mode<synchronous>, transform_indices = @transform_1, window_bounds = array<i64: 16, 128>}, {pipeline_mode = #tpu.pipeline_mode<synchronous>, transform_indices = @transform_2, window_bounds = array<i64: 16, 1>}, {pipeline_mode = #tpu.pipeline_mode<synchronous>, transform_indices = @transform_3, window_bounds = array<i64: 1, 128>}, {pipeline_mode = #tpu.pipeline_mode<synchronous>, transform_indices = @transform_4, window_bounds = array<i64: 1, 1>}, {transform_indices = @transform_5, window_bounds = array<i64: 16000, 128>}, {transform_indices = @transform_6, window_bounds = array<i64: 1, 16000>}]} {
    %get3A = arith.constant 0 : index
    %get3A_0 = arith.constant 0 : index
    %get3A_1 = vector.load %arg1[%get3A, %get3A_0] : memref<16x16000xf32, #tpu.memory_space<vmem>>, vector<16x16000xf32>
    %get3A_2 = arith.constant 0 : index
    %get3A_3 = arith.constant 0 : index
    %get3A_4 = vector.load %arg2[%get3A_2, %get3A_3] : memref<16x128xf32, #tpu.memory_space<vmem>>, vector<16x128xf32>
    %dot_general3A = arith.constant dense<0.000000e+00> : vector<16000x128xf32>
    %dot_general3A_5 = tpu.matmul %get3A_1, %get3A_4, %dot_general3A {dimension_numbers = #tpu.dot_dimension_numbers<[0], [0], [1], [1], [0, 1, 1, 1], [], []>, transpose_lhs_hint = false} : vector<16x16000xf32>, vector<16x128xf32>, vector<16000x128xf32> -> vector<16000x128xf32>
    %get3A_6 = arith.constant 0 : index
    %get3A_7 = arith.constant 0 : index
    %get3A_8 = vector.load %arg4[%get3A_6, %get3A_7] : memref<1x128xf32, #tpu.memory_space<vmem>>, vector<1x128xf32>
    %add3A = vector.broadcast %get3A_8 : vector<1x128xf32> to vector<16000x128xf32>
    %add3A_9 = arith.addf %dot_general3A_5, %add3A : vector<16000x128xf32>
    %swap3A = arith.constant 0 : index
    %swap3A_10 = arith.constant 0 : index
    %swap3A_11 = vector.load %arg6[%swap3A, %swap3A_10] : memref<16000x128xf32, #tpu.memory_space<vmem>>, vector<16000x128xf32>
    tpu.vector_store %arg6[%swap3A, %swap3A_10], %add3A_9 {strides = array<i32>} : memref<16000x128xf32, #tpu.memory_space<vmem>>, vector<16000x128xf32>,
    %get3A_12 = arith.constant 0 : index
    %get3A_13 = arith.constant 0 : index
    %get3A_14 = vector.load %arg3[%get3A_12, %get3A_13] : memref<16x1xf32, #tpu.memory_space<vmem>>, vector<16x1xf32>
    %dot_general3A_15 = arith.constant dense<0.000000e+00> : vector<1x16000xf32>
    %dot_general3A_16 = tpu.matmul %get3A_14, %get3A_1, %dot_general3A_15 {dimension_numbers = #tpu.dot_dimension_numbers<[0], [0], [1], [1], [0, 1, 1, 1], [], []>, transpose_lhs_hint = false} : vector<16x1xf32>, vector<16x16000xf32>, vector<1x16000xf32> -> vector<1x16000xf32>
    %get3A_17 = arith.constant 0 : index
    %get3A_18 = arith.constant 0 : index
    %get3A_19 = vector.load %arg5[%get3A_17, %get3A_18] : memref<1x1xf32, #tpu.memory_space<vmem>>, vector<1x1xf32>
    %add3A_20 = vector.broadcast %get3A_19 : vector<1x1xf32> to vector<1x16000xf32>
    %add3A_21 = arith.addf %dot_general3A_16, %add3A_20 : vector<1x16000xf32>
    %swap3A_22 = arith.constant 0 : index
    %swap3A_23 = arith.constant 0 : index
    %swap3A_24 = vector.load %arg7[%swap3A_22, %swap3A_23] : memref<1x16000xf32, #tpu.memory_space<vmem>>, vector<1x16000xf32>
    tpu.vector_store %arg7[%swap3A_22, %swap3A_23], %add3A_21 {strides = array<i32>} : memref<1x16000xf32, #tpu.memory_space<vmem>>, vector<1x16000xf32>,
    return
  }
  func.func @transform_0(%arg0: i32) -> (i32, i32) {
    %c0_i32 = arith.constant 0 : i32
    %c0_i32_0 = arith.constant 0 : i32
    return %c0_i32, %arg0 : i32, i32
  }
  func.func @transform_1(%arg0: i32) -> (i32, i32) {
    %c0_i32 = arith.constant 0 : i32
    %c0_i32_0 = arith.constant 0 : i32
    %c0_i32_1 = arith.constant 0 : i32
    return %c0_i32, %c0_i32_0 : i32, i32
  }
  func.func @transform_2(%arg0: i32) -> (i32, i32) {
    %c0_i32 = arith.constant 0 : i32
    %c0_i32_0 = arith.constant 0 : i32
    %c0_i32_1 = arith.constant 0 : i32
    return %c0_i32, %c0_i32_0 : i32, i32
  }
  func.func @transform_3(%arg0: i32) -> (i32, i32) {
    %c0_i32 = arith.constant 0 : i32
    %c0_i32_0 = arith.constant 0 : i32
    %c0_i32_1 = arith.constant 0 : i32
    return %c0_i32, %c0_i32_0 : i32, i32
  }
  func.func @transform_4(%arg0: i32) -> (i32, i32) {
    %c0_i32 = arith.constant 0 : i32
    %c0_i32_0 = arith.constant 0 : i32
    %c0_i32_1 = arith.constant 0 : i32
    return %c0_i32, %c0_i32_0 : i32, i32
  }
  func.func @transform_5(%arg0: i32) -> (i32, i32) {
    %c0_i32 = arith.constant 0 : i32
    %c0_i32_0 = arith.constant 0 : i32
    return %arg0, %c0_i32 : i32, i32
  }
  func.func @transform_6(%arg0: i32) -> (i32, i32) {
    %c0_i32 = arith.constant 0 : i32
    %c0_i32_0 = arith.constant 0 : i32
    return %c0_i32, %arg0 : i32, i32
  }
}

module attributes {stable_mosaic.version = 14 : i64} {
  func.func @body(%arg0: i32, %arg1: memref<2x2000x128xf32, #tpu.memory_space<vmem>>, %arg2: memref<1x128xf32, #tpu.memory_space<vmem>>, %arg3: memref<1x128xf32, #tpu.memory_space<vmem>>, %arg4: memref<2000x128xf32, #tpu.memory_space<vmem>>) attributes {dimension_semantics = [#tpu.dimension_semantics<arbitrary>], iteration_bounds = array<i64: 5>, scalar_prefetch = 0 : i64, scratch_operands = 0 : i64, tpu.core_type = #tpu.core_type<tc>, window_params = [{transform_indices = @transform_0, window_bounds = array<i64: 2, 2000, 128>}, {pipeline_mode = #tpu.pipeline_mode<synchronous>, transform_indices = @transform_1, window_bounds = array<i64: 1, 128>}, {pipeline_mode = #tpu.pipeline_mode<synchronous>, transform_indices = @transform_2, window_bounds = array<i64: 1, 128>}, {transform_indices = @transform_3, window_bounds = array<i64: 2000, 128>}]} {
    %get3A = arith.constant 0 : index
    %get3A_0 = arith.constant 0 : index
    %get3A_1 = arith.constant 0 : index
    %get3A_2 = vector.load %arg1[%get3A, %get3A_0, %get3A_1] : memref<2x2000x128xf32, #tpu.memory_space<vmem>>, vector<1x2000x128xf32>
    %get3A_3 = vector.shape_cast %get3A_2 : vector<1x2000x128xf32> to vector<2000x128xf32>
    %get3A_4 = arith.constant 1 : index
    %get3A_5 = arith.constant 0 : index
    %get3A_6 = arith.constant 0 : index
    %get3A_7 = vector.load %arg1[%get3A_4, %get3A_5, %get3A_6] : memref<2x2000x128xf32, #tpu.memory_space<vmem>>, vector<1x2000x128xf32>
    %get3A_8 = vector.shape_cast %get3A_7 : vector<1x2000x128xf32> to vector<2000x128xf32>
    %add3A = arith.addf %get3A_3, %get3A_8 : vector<2000x128xf32>
    %reduce_sum3A = arith.constant dense<0.000000e+00> : vector<2000xf32>
    %reduce_sum3A_9 = vector.multi_reduction <add>, %add3A, %reduce_sum3A [1] : vector<2000x128xf32> to vector<2000xf32>
    %broadcast_in_dim3A = vector.shape_cast %reduce_sum3A_9 : vector<2000xf32> to vector<2000x1xf32>
    %div3A = arith.constant 1.280000e+02 : f32
    %div3A_10 = vector.broadcast %div3A : f32 to vector<2000x1xf32>
    %div3A_11 = arith.divf %broadcast_in_dim3A, %div3A_10 : vector<2000x1xf32>
    %sub3A = vector.broadcast %div3A_11 : vector<2000x1xf32> to vector<2000x128xf32>
    %sub3A_12 = arith.subf %add3A, %sub3A : vector<2000x128xf32>
    %mul3A = arith.mulf %sub3A_12, %sub3A_12 : vector<2000x128xf32>
    %reduce_sum3A_13 = arith.constant dense<0.000000e+00> : vector<2000xf32>
    %reduce_sum3A_14 = vector.multi_reduction <add>, %mul3A, %reduce_sum3A_13 [1] : vector<2000x128xf32> to vector<2000xf32>
    %broadcast_in_dim3A_15 = vector.shape_cast %reduce_sum3A_14 : vector<2000xf32> to vector<2000x1xf32>
    %div3A_16 = arith.constant 1.280000e+02 : f32
    %div3A_17 = vector.broadcast %div3A_16 : f32 to vector<2000x1xf32>
    %div3A_18 = arith.divf %broadcast_in_dim3A_15, %div3A_17 : vector<2000x1xf32>
    %add3A_19 = arith.constant 9.99999974E-6 : f32
    %add3A_20 = vector.broadcast %add3A_19 : f32 to vector<2000x1xf32>
    %add3A_21 = arith.addf %div3A_18, %add3A_20 : vector<2000x1xf32>
    %rsqrt3A = math.rsqrt %add3A_21 : vector<2000x1xf32>
    %mul3A_22 = vector.broadcast %rsqrt3A : vector<2000x1xf32> to vector<2000x128xf32>
    %mul3A_23 = arith.mulf %sub3A_12, %mul3A_22 : vector<2000x128xf32>
    %get3A_24 = arith.constant 0 : index
    %get3A_25 = arith.constant 0 : index
    %get3A_26 = vector.load %arg2[%get3A_24, %get3A_25] : memref<1x128xf32, #tpu.memory_space<vmem>>, vector<1x128xf32>
    %mul3A_27 = vector.broadcast %get3A_26 : vector<1x128xf32> to vector<2000x128xf32>
    %mul3A_28 = arith.mulf %mul3A_23, %mul3A_27 : vector<2000x128xf32>
    %get3A_29 = arith.constant 0 : index
    %get3A_30 = arith.constant 0 : index
    %get3A_31 = vector.load %arg3[%get3A_29, %get3A_30] : memref<1x128xf32, #tpu.memory_space<vmem>>, vector<1x128xf32>
    %add3A_32 = vector.broadcast %get3A_31 : vector<1x128xf32> to vector<2000x128xf32>
    %add3A_33 = arith.addf %mul3A_28, %add3A_32 : vector<2000x128xf32>
    %max3A = arith.constant 0.000000e+00 : f32
    %max3A_34 = vector.broadcast %max3A : f32 to vector<2000x128xf32>
    %max3A_35 = arith.maximumf %add3A_33, %max3A_34 : vector<2000x128xf32>
    %swap3A = arith.constant 0 : index
    %swap3A_36 = arith.constant 0 : index
    %swap3A_37 = vector.load %arg4[%swap3A, %swap3A_36] : memref<2000x128xf32, #tpu.memory_space<vmem>>, vector<2000x128xf32>
    tpu.vector_store %arg4[%swap3A, %swap3A_36], %max3A_35 {strides = array<i32>} : memref<2000x128xf32, #tpu.memory_space<vmem>>, vector<2000x128xf32>,
    return
  }
  func.func @transform_0(%arg0: i32) -> (i32, i32, i32) {
    %c0_i32 = arith.constant 0 : i32
    %c0_i32_0 = arith.constant 0 : i32
    %c0_i32_1 = arith.constant 0 : i32
    return %c0_i32, %arg0, %c0_i32_0 : i32, i32, i32
  }
  func.func @transform_1(%arg0: i32) -> (i32, i32) {
    %c0_i32 = arith.constant 0 : i32
    %c0_i32_0 = arith.constant 0 : i32
    %c0_i32_1 = arith.constant 0 : i32
    return %c0_i32, %c0_i32_0 : i32, i32
  }
  func.func @transform_2(%arg0: i32) -> (i32, i32) {
    %c0_i32 = arith.constant 0 : i32
    %c0_i32_0 = arith.constant 0 : i32
    %c0_i32_1 = arith.constant 0 : i32
    return %c0_i32, %c0_i32_0 : i32, i32
  }
  func.func @transform_3(%arg0: i32) -> (i32, i32) {
    %c0_i32 = arith.constant 0 : i32
    %c0_i32_0 = arith.constant 0 : i32
    return %arg0, %c0_i32 : i32, i32
  }
}

</mosaic_0001>

<sc_bundles>
// kernel: kernel.6.cloned.1.call-start
scs
__scs_entry_jumppad:
0x0: {  	(pc) =	sbr.rel $0x88, $3  }
0x1: {  	(tag) =	ssettag $0x0;
	lr =	simm.s32 $0x1  }
0x2: {  	[smem:$0x3F98] =	sst lr;
	_ =	strace $0xD0000000  }
0x3: {  	_ = 	snop  }
0x4: {  	_ = 	snop  }
0x5: {  	_ = 	snop  }
0x6: {  	_ = 	snop  }
0x7: {  	_ = 	snop  }
__scs_overlays_trampoline_lowered:
0x8: {  	[smem:$0x3FA7] =	sst s0  }
0x9: {  	[smem:$0x3FA8] =	sst s1  }
0xa: {  	[smem:$0x3FA9] =	sst s2  }
0xb: {  	[smem:$0x3FAA] =	sst s3  }
0xc: {  	[smem:$0x3FAB] =	sst s4  }
0xd: {  	[smem:$0x3FAC] =	sst s5  }
0xe: {  	[smem:$0x3FAD] =	sst s6  }
0xf: {  	[smem:$0x3FAE] =	sst s7  }
0x10: {  	[smem:$0x3FAF] =	sst s8  }
0x11: {  	[smem:$0x3FB0] =	sst s9;
	s0 =	simm.s32 @!p0 $0x0  }
0x12: {  	s1 =	sld [smem:$0x3F96];
	s0 =	simm.s32 @p0 $0x1  }
0x13: {  	[smem:$0x3FB1] =	sst s0;
	s0 =	simm.s32 @!p1 $0x0  }
0x14: {  	s2 =	sld [smem:$0x3F95];
	s0 =	simm.s32 @p1 $0x1  }
0x15: {  	[smem:$0x3FB2] =	sst s0;
	s0 =	simm.s32 @!p2 $0x0  }
0x16: {  	s3 =	sld [smem:$0x3FDB];
	s0 =	simm.s32 @p2 $0x1  }
0x17: {  	s4 =	simm.s32 $0x1BF5;
	[smem:$0x3FB4] =	sst s0  }
0x18: {  	s0 =	sld [smem:$0x3F97];
	_ =	swait.ge [sflag:s4], $0x0  }
0x19: {  	s7 =	sld [smem:$0x3F98]  }
0x1a: {  	s8 =	sadd.s32 $0xFFFFE003, lr  }
0x1b: {  	s9 =	sadd.s32 $0xFFFFFEF7, lr;
	s5 =	simm.s32 $0xFFFFFFFF;
	p2 =	slt.u32 s8, $0xFFFFF086  }
0x1c: {  	p1 =	slt.u32 s9, $0xF7A;
	s5 =	simm.s32 @!p2 $0x0  }
0x1d: {  	s5 =	simm.s32 @p1 $0x1;
	p0 =	seq.s32 s7, s2  }
0x1e: {  	s7 =	smul.u32 @!p0 $0xF7A, s2;
	p2 =	seq.s32 @!p0 s5, $0x0  }
0x1f: {  	s9 =	smul.u32 $0xF7A, s1;
	s8 =	simm.s32 @!p0 $0x1BF5;
	p2 =	por !p2, p0  }
0x20: {  	[sflag:s8] =	ssyncset.s32 @!p0 $0xFFFFF086;
	s6 =	sadd.s32 @!p0 s3, s7;
	s7 =	simm.s32 @!p0 $0x108  }
0x21: {  	s3 =	sadd.s32 s3, s9;
	s6 =	sadd.s32 @!p0 $0x88, s6;
	s7 =	simm.s32 @p2 $0x1082  }
0x22: {  	[simem:s7], [sflag:s8] =	dma.local @!p0 [hbm:s6], $0xF7A  }
0x23: {  	s9 =	sor.u32 $0xD0000000, s2;
	s6 =	simm.s32 $0x108;
	_ =	swait.ge @!p0 [sflag:s8], $0x0  }
0x24: {  	s3 =	sadd.s32 $0x88, s3;
	s6 =	simm.s32 @!p1 $0x1082;
	[sflag:s4] =	ssyncset.s32 $0xFFFFF086  }
0x25: {  	[simem:s6], [sflag:s4] =	dma.local [hbm:s3], $0xF7A  }
0x26: {  	[smem:$0x3F98] =	sst s1;
	(tag) =	ssettag s2;
	_ =	strace s9  }
0x27: {  	s1 =	sld [smem:$0x3FA8]  }
0x28: {  	s2 =	sld [smem:$0x3FA9]  }
0x29: {  	s4 =	sld [smem:$0x3FAB]  }
0x2a: {  	p0 =	seq.s32 s5, $0x0;
	s5 =	sld [smem:$0x3FAC]  }
0x2b: {  	s6 =	sld [smem:$0x3FAD]  }
0x2c: {  	s7 =	sld [smem:$0x3FAE]  }
0x2d: {  	s3 =	simm.s32 $0x108;
	s8 =	sld [smem:$0x3FAF]  }
0x2e: {  	s3 =	simm.s32 @!p0 $0x1082;
	s9 =	sld [smem:$0x3FB0]  }
0x2f: {  	lr =	sadd.s32 s0, s3;
	s0 =	sld [smem:$0x3FA7]  }
0x30: {  	s3 =	sld [smem:$0x3FAA]  }
0x31: {  	[smem:$0x3FB3] =	sst s10  }
0x32: {  	s10 =	sld [smem:$0x3FB1];
	_ =	sdelay $0x3  }
0x33: {  	p0 =	seq.s32 s10, $0x1;
	s10 =	sld [smem:$0x3FB3];
	_ =	sdelay $0x3  }
0x34: {  	[smem:$0x3FB3] =	sst s10  }
0x35: {  	s10 =	sld [smem:$0x3FB2];
	_ =	sdelay $0x3  }
0x36: {  	p1 =	seq.s32 s10, $0x1;
	s10 =	sld [smem:$0x3FB3];
	_ =	sdelay $0x3  }
0x37: {  	[smem:$0x3FB3] =	sst s10  }
0x38: {  	s10 =	sld [smem:$0x3FB4]  }
0x39: {  	_ = 	snop;
	(pc) =	sbr.ind lr, $3  }
0x3a: {  	_ = 	snop  }
0x3b: {  	_ = 	snop  }
0x3c: {  	p2 =	seq.s32 s10, $0x1;
	s10 =	sld [smem:$0x3FB3]  }
0x3d: {  	_ =	shalt  }
0x3e: {  	_ =	shalt  }
0x3f: {  	_ =	shalt  }
0x40: {  	_ =	shalt  }
0x41: {  	_ =	shalt  }
0x42: {  	_ =	shalt  }
0x43: {  	_ =	shalt  }
0x44: {  	_ =	shalt  }
0x45: {  	_ =	shalt  }
0x46: {  	_ =	shalt  }
0x47: {  	_ =	shalt  }
0x48: {  	_ =	shalt  }
0x49: {  	_ =	shalt  }
0x4a: {  	_ =	shalt  }
0x4b: {  	_ =	shalt  }
0x4c: {  	_ =	shalt  }
0x4d: {  	_ =	shalt  }
0x4e: {  	_ =	shalt  }
0x4f: {  	_ =	shalt  }
0x50: {  	_ =	shalt  }
0x51: {  	_ =	shalt  }
0x52: {  	_ =	shalt  }
0x53: {  	_ =	shalt  }
0x54: {  	_ =	shalt  }
0x55: {  	_ =	shalt  }
0x56: {  	_ =	shalt  }
0x57: {  	_ =	shalt  }
0x58: {  	_ =	shalt  }
0x59: {  	_ =	shalt  }
0x5a: {  	_ =	shalt  }
0x5b: {  	_ =	shalt  }
0x5c: {  	_ =	shalt  }
0x5d: {  	_ =	shalt  }
0x5e: {  	_ =	shalt  }
0x5f: {  	_ =	shalt  }
0x60: {  	_ =	shalt  }
0x61: {  	_ =	shalt  }
0x62: {  	_ =	shalt  }
0x63: {  	_ =	shalt  }
0x64: {  	_ =	shalt  }
0x65: {  	_ =	shalt  }
0x66: {  	_ =	shalt  }
0x67: {  	_ =	shalt  }
0x68: {  	_ =	shalt  }
0x69: {  	_ =	shalt  }
0x6a: {  	_ =	shalt  }
0x6b: {  	_ =	shalt  }
0x6c: {  	_ =	shalt  }
0x6d: {  	_ =	shalt  }
0x6e: {  	_ =	shalt  }
0x6f: {  	_ =	shalt  }
0x70: {  	_ =	shalt  }
0x71: {  	_ =	shalt  }
0x72: {  	_ =	shalt  }
0x73: {  	_ =	shalt  }
0x74: {  	_ =	shalt  }
0x75: {  	_ =	shalt  }
0x76: {  	_ =	shalt  }
0x77: {  	_ =	shalt  }
0x78: {  	_ =	shalt  }
0x79: {  	_ =	shalt  }
0x7a: {  	_ =	shalt  }
0x7b: {  	_ =	shalt  }
0x7c: {  	_ =	shalt  }
0x7d: {  	_ =	shalt  }
0x7e: {  	_ =	shalt  }
0x7f: {  	_ =	shalt  }
0x80: {  	_ =	shalt  }
0x81: {  	_ =	shalt  }
0x82: {  	_ =	shalt  }
0x83: {  	_ =	shalt  }
0x84: {  	_ =	shalt  }
0x85: {  	_ =	shalt  }
0x86: {  	_ =	shalt  }
0x87: {  	_ =	shalt  }
.Lfunc_end0:
.L_simem_size_0:
called_computation_lowered:
.L_overlay_start_0:
0x88: {  	s2 =	sld [smem:$0x3FD9]  }
0x89: {  	s3 =	sld [smem:$0x3FFE];
	_ =	sdelay $0x1  }
0x8a: {  	s1 =	srdreg.scid  }
0x8b: {  	s0 =	sand.u32 $0x1, s1  }
0x8c: {  	s17 =	sshll.u32 s0, $0xA;
	s2 =	sadd.s32 s3, s2  }
0x8d: {  	s2 =	sadd.s32 s2, s17  }
0x8e: {  	[smem:$0x3FBF] =	sst s2  }
0x8f: {  	_ = 	snop  }
0x90: {  	s2 =	sld [smem:$0x3FD0];
	(tm) =	ssettm $0x1  }
0x91: {  	s18 =	sld [smem:$0x3FFB];
	_ =	sdelay $0x3  }
0x92: {  	_ =	strace s18  }
0x93: {  	s3 =	sld [smem:$0x3FFC];
	_ =	sdelay $0x3  }
0x94: {  	_ =	strace s3  }
0x95: {  	s3 =	sld [smem:$0x3FFD];
	_ =	sdelay $0x3  }
0x96: {  	_ =	strace s3  }
0x97: {  	_ =	strace $0x8FFFFFFF  }
0x98: {  	s19 =	sld [smem:$0x3FDB];
	_ =	sdelay $0x1  }
0x99: {  	s4 =	simm.s32 $_scs_section_size  }
0x9a: {  	s5 =	simm.s32 $_size__tile_overlayer_lowered;
	s6 =	simm.s32 $_tile_overlayer_lowered  }
0x9b: {  	s22 =	simm.s32 $0x1BFF;
	s21 =	sshll.u32 s6, $0x1;
	s3 =	sadd.s32 s4, s19  }
0x9c: {  	s7 =	simm.s32 $0x0;
	s20 =	sshll.u32 s5, $0x1;
	s5 =	sadd.s32 s21, s3  }
0x9d: {  	[timem:s7], [sflag:s22] =	dma.local [hbm:s5], s20  }
0x9e: {  	_ =	swait.ge [sflag:s22], s20  }
0x9f: {  	s4 =	ssub.s32 $0x0, s20;
	[sflag:s22] =	ssyncset.done $0x0  }
0xa0: {  	[sflag:s22] =	ssyncadd.s32 s4;
	_ =	sdelay $0x1  }
0xa1: {  	s23 =	simm.s32 $0x1B8B  }
0xa2: {  	_ =	swait.ge [sflag:s23], $0x1  }
0xa3: {  	[sflag:s23] =	ssyncset.done $0x0  }
0xa4: {  	s25 =	simm.s32 $0x1B8E;
	s24 =	sld [smem:$0x3FFE];
	[sflag:s23] =	ssyncadd.s32 $0xFFFFFFFF  }
0xa5: {  	s26 =	simm.s32 $execute0_lowered;
	[smem:$0x3FD2] =	sst s25  }
0xa6: {  	s5 =	sshll.u32 s26, $0x1;
	_ =	strace $0x80000046;
	[dreg:$0x1] =	wrdreg $0xFFFFFFFF  }
0xa7: {  	s28 =	simm.s32 $_size_execute0_lowered;
	s3 =	sadd.s32 s3, s5;
	[dreg:$0x0] =	wrdreg $0x0  }
0xa8: {  	s5 =	sshll.u32 s28, $0x1;
	[dreg:$0x2] =	wrdreg s3  }
0xa9: {  	[dreg:$0x3] =	wrdreg s5  }
0xaa: {  	[dreg:$0x4] =	wrdreg $0xC0  }
0xab: {  	_ =	task [dreg:s7], $0x5FFFF  }
0xac: {  	[dreg:$0x1] =	wrdreg $0xFFFFFFFF  }
0xad: {  	[dreg:$0x0] =	wrdreg $0x60  }
0xae: {  	[dreg:$0x2] =	wrdreg s2  }
0xaf: {  	[dreg:$0x3] =	wrdreg s24  }
0xb0: {  	[dreg:$0x4] =	wrdreg $0xA6000  }
0xb1: {  	[dreg:$0x5] =	wrdreg $0x9  }
0xb2: {  	_ =	task.clear_ibuf [dreg:s7], $0x6FFFF;
	_ =	strace $0x90000046  }
0xb3: {  	s29 =	simm.s32 $0x9;
	_ =	strace $0x80000048  }
0xb4: {  	_ =	swait.ge [sflag:s29], $0x1  }
0xb5: {  	[sflag:s29] =	ssyncadd.s32 $0xFFFFFFFF  }
0xb6: {  	_ =	strace $0x90000048  }
0xb7: {  	_ =	sfence  }
0xb8: {  	s30 =	sld [smem:$0x0];
	_ =	sdelay $0x2  }
0xb9: {  	s31 =	sshll.u32 s1, $0xD;
	s1 =	sshrl.u32 s1, $0x2  }
0xba: {  	s3 =	sand.u32 $0x4000, s31;
	s1 =	sadd.s32 s1, s30  }
0xbb: {  	s0 =	sor.u32 s3, s0;
	s1 =	sshll.u32 s1, $0x11  }
0xbc: {  	s0 =	sor.u32 s1, s0  }
0xbd: {  	s0 =	sadd.s32 $0x8F2B, s0  }
0xbe: {  	[sflag:s0] =	ssyncadd.remote.s32 $0x1  }
0xbf: {  	_ =	sfence.sel $0xFFFF  }
0xc0: {  	[dreg:$0x0] =	wrdreg $0xFFFFFFFF;
	(pc) =	sbr.abs _section_cstart, $3  }
0xc1: {  	[dreg:$0x1] =	wrdreg $0xFFFFFFFF  }
0xc2: {  	_ =	task.clear_ibuf [dreg:s7], $0x2FFFF;
	_ =	strace $0x9FFFFFFF  }
0xc3: {  	(tm) =	ssettm $0x7FFFFFFF  }
tec
execute0_lowered:
.L_overlay_start_1:
0x0: {  	(tag) =	ssettag $0x1  }
0x1: {  	s1 =	rddreg [dreg:$0x0]  }
0x2: {  	s0 =	rddreg [dreg:$0x1]  }
0x3: {  	s2 =	rddreg [dreg:$0x2]  }
0x4: {  	s3 =	simm.s32 $0x0;
	s4 =	srdreg.scid;
	s14 =	stileid.u32  }
0x5: {  	[smem:$0x7FF] =	sst s3;
	s4 =	sand.u32 $0x1, s4;
	s12 =	smul.u32 $0x14000, s14  }
0x6: {  	s5 =	sadd.s32 $0x14A00, s0;
	s24 =	sshll.u32 s14, $0x1;
	s25 =	smul.u32 $0x50000, s14  }
0x7: {  	s11 =	smul.u32 $0x140000, s4;
	s13 =	ssub.s32 $0x2, s4;
	s4 =	sor.u32 s4, s24  }
0x8: {  	s6 =	sadd.s32 $0xA000, s0;
	s7 =	sadd.s32 $0x200, s0;
	s15 =	smul.u32 $0x2710, s4  }
0x9: {  	s8 =	sadd.s32 $0x4F6A00, s0;
	s9 =	sadd.s32 $0x14400, s0;
	s4 =	smul.u32 $0x27100, s4  }
0xa: {  	s10 =	sadd.s32 $0x13E00, s0;
	_ =	strace $0x80000047;
	s26 =	sshrl.u32 s13, $0x1  }
0xb: {  	s11 =	sadd.s32 s12, s11;
	s12 =	sshrl.u32 s25, $0x2;
	s4 =	sadd.s32 s5, s4  }
0xc: {  	s11 =	sshrl.u32 s11, $0x3;
	s14 =	sadd.s32 $0xF0, s15;
	[dreg:$0x8] =	wrdreg s4  }
0xd: {  	s17 =	sadd.s32 s12, s2;
	s16 =	sshrl.u32 s15, $0x3;
	[dreg:$0xe] =	wrdreg s14  }
0xe: {  	s20 =	sadd.s32 $0x50, s15;
	s18 =	sadd.s32 s6, s16;
	[dreg:$0x4] =	wrdreg s17  }
0xf: {  	s0 =	sadd.s32 s11, s0;
	s19 =	sadd.s32 s7, s16;
	[dreg:$0x5] =	wrdreg s18  }
0x10: {  	s11 =	ssub.s32 s13, s26;
	s12 =	sadd.s32 s8, s16;
	[dreg:$0x6] =	wrdreg s19  }
0x11: {  	s21 =	sshrl.u32 s20, $0x3;
	s13 =	sadd.s32 $0xA0, s15;
	[dreg:$0x7] =	wrdreg s12  }
0x12: {  	s24 =	sshll.u32 s20, $0x4;
	s20 =	sadd.s32 $0x2800, s17;
	[dreg:$0xd] =	wrdreg s13  }
0x13: {  	s22 =	sadd.s32 s6, s21;
	[dreg:$0x15] =	wrdreg s20  }
0x14: {  	s23 =	sadd.s32 s7, s21;
	[dreg:$0x9] =	wrdreg s22  }
0x15: {  	s4 =	sadd.s32 s8, s21;
	[dreg:$0xa] =	wrdreg s23  }
0x16: {  	s30 =	simm.s32 $0x2;
	s25 =	sadd.s32 s5, s24;
	[dreg:$0xb] =	wrdreg s4  }
0x17: {  	s31 =	simm.s32 $0x3;
	s0 =	sadd.s32 $0x500800, s0;
	[dreg:$0xc] =	wrdreg s25  }
0x18: {  	s28 =	simm.s32 $0x5580;
	s19 =	smax.u32 s11, $0x1;
	[dreg:$0x13] =	wrdreg s0  }
0x19: {  	s26 =	sadd.s32 $0x26C0, s15;
	s21 =	sadd.s32 $0x5000, s17;
	[dreg:$0x14] =	wrdreg s19  }
0x1a: {  	s15 =	sshrl.u32 s26, $0x3;
	s24 =	sadd.s32 $0xC800, s17;
	[dreg:$0x16] =	wrdreg s21  }
0x1b: {  	s29 =	simm.s32 $0x0;
	s16 =	sadd.s32 s6, s15;
	[dreg:$0x19] =	wrdreg s24  }
0x1c: {  	s14 =	simm.s32 $0x300;
	s18 =	sadd.s32 s7, s15;
	[dreg:$0xf] =	wrdreg s16  }
0x1d: {  	s13 =	simm.s32 $0x280;
	s12 =	sadd.s32 s8, s15;
	[dreg:$0x10] =	wrdreg s18  }
0x1e: {  	s11 =	simm.s32 $0x4;
	s22 =	sadd.s32 $0x7800, s17;
	[dreg:$0x11] =	wrdreg s12  }
0x1f: {  	s4 =	sshll.u32 s26, $0x4;
	s23 =	sadd.s32 $0xA000, s17;
	[dreg:$0x17] =	wrdreg s22  }
0x20: {  	s25 =	sadd.s32 $0xF000, s17;
	s26 =	sadd.s32 $0x11800, s17;
	[dreg:$0x18] =	wrdreg s23  }
0x21: {  	s15 =	simm.s32 $0x5;
	s19 =	simm.s32 $0x1;
	[dreg:$0x1a] =	wrdreg s25  }
0x22: {  	s4 =	sadd.s32 s5, s4;
	[dreg:$0x1b] =	wrdreg s26;
	s16 =	simm.s32 $0x80  }
0x23: {  	s22 =	simm.s32 $0x50;
	s25 =	simm.s32 $0x5300;
	s26 =	simm.s32 $0x5380  }
0x24: {  	v0 =	vimm.f32 $0.0e+00;
	s23 =	simm.s32 $0x5600;
	[dreg:$0x12] =	wrdreg s4;
	s4 =	simm.s32 $0x0  }
.LBB2_1:
0x25: {  	[dreg:$0x1c] =	wrdreg s4;
	s4 =	simm.s32 $0x0;
	s12 =	simm.s32 $0x200  }
.LBB2_2:
0x26: {  	p0 =	sne.s32 s12, $0x9E00;
	[tilespmem:s4+$0x370] =	vst v0  }
0x27: {  	[tilespmem:s4+$0x300] =	vst v0  }
0x28: {  	[tilespmem:s4+$0x310] =	vst v0  }
.Ltmp0:
0x29: {  	[tilespmem:s4+$0x320] =	vst v0;
	(pc) =	sbr.rel @p0 .LBB2_2-.Ltmp0, $4  }
0x2a: {  	[tilespmem:s4+$0x330] =	vst v0  }
0x2b: {  	[tilespmem:s4+$0x340] =	vst v0  }
0x2c: {  	[tilespmem:s4+$0x350] =	vst v0  }
0x2d: {  	[tilespmem:s4+$0x360] =	vst v0;
	s4 =	sshra.s32 s12, $0x2;
	s12 =	sadd.s32 $0x200, s12  }
0x2e: {  	[tilespmem:s4+$0x370] =	vst v0  }
0x2f: {  	[tilespmem:s4+$0x300] =	vst v0  }
0x30: {  	[tilespmem:s4+$0x310] =	vst v0  }
0x31: {  	[tilespmem:s4+$0x320] =	vst v0  }
0x32: {  	[tilespmem:s4+$0x330] =	vst v0  }
0x33: {  	[tilespmem:s4+$0x340] =	vst v0  }
0x34: {  	[tilespmem:s4+$0x350] =	vst v0  }
0x35: {  	[tilespmem:s4+$0x360] =	vst v0  }
0x36: {  	[spmem:s17] =	stream.linear.scatter [tilespmem:s14], [sflag:$0x5], $0x2800, $0x38;
	[tilespmem:$0x1E600] =	vst v63  }
0x37: {  	_ =	swait.ge [sflag:s15], $0x2800  }
0x38: {  	[sflag:s15] =	ssyncset.done $0x0  }
0x39: {  	s0 =	rddreg [dreg:$0x15];
	[sflag:s15] =	ssyncadd.s32 $0xFFFFD800  }
0x3a: {  	[spmem:s0] =	stream.linear.scatter [tilespmem:s14], [sflag:$0x5], $0x2800, $0x38;
	[tilespmem:$0x1E600] =	vst v63  }
0x3b: {  	_ =	swait.ge [sflag:s15], $0x2800  }
0x3c: {  	[sflag:s15] =	ssyncset.done $0x0  }
0x3d: {  	s12 =	rddreg [dreg:$0x16];
	[sflag:s15] =	ssyncadd.s32 $0xFFFFD800  }
0x3e: {  	[spmem:s12] =	stream.linear.scatter [tilespmem:s14], [sflag:$0x5], $0x2800, $0x38;
	[tilespmem:$0x1E600] =	vst v63  }
0x3f: {  	_ =	swait.ge [sflag:s15], $0x2800  }
0x40: {  	[sflag:s15] =	ssyncset.done $0x0  }
0x41: {  	s17 =	rddreg [dreg:$0x17];
	[sflag:s15] =	ssyncadd.s32 $0xFFFFD800  }
0x42: {  	[spmem:s17] =	stream.linear.scatter [tilespmem:s14], [sflag:$0x5], $0x2800, $0x38;
	[tilespmem:$0x1E600] =	vst v63  }
0x43: {  	_ =	swait.ge [sflag:s15], $0x2800  }
0x44: {  	[sflag:s15] =	ssyncset.done $0x0  }
0x45: {  	s18 =	rddreg [dreg:$0x18];
	[sflag:s15] =	ssyncadd.s32 $0xFFFFD800  }
0x46: {  	[spmem:s18] =	stream.linear.scatter [tilespmem:s14], [sflag:$0x5], $0x2800, $0x38;
	[tilespmem:$0x1E600] =	vst v63  }
0x47: {  	_ =	swait.ge [sflag:s15], $0x2800  }
0x48: {  	[sflag:s15] =	ssyncset.done $0x0  }
0x49: {  	s20 =	rddreg [dreg:$0x19];
	[sflag:s15] =	ssyncadd.s32 $0xFFFFD800  }
0x4a: {  	[spmem:s20] =	stream.linear.scatter [tilespmem:s14], [sflag:$0x5], $0x2800, $0x38;
	[tilespmem:$0x1E600] =	vst v63  }
0x4b: {  	_ =	swait.ge [sflag:s15], $0x2800  }
0x4c: {  	[sflag:s15] =	ssyncset.done $0x0  }
0x4d: {  	s21 =	rddreg [dreg:$0x1a];
	[sflag:s15] =	ssyncadd.s32 $0xFFFFD800  }
0x4e: {  	[spmem:s21] =	stream.linear.scatter [tilespmem:s14], [sflag:$0x5], $0x2800, $0x38;
	[tilespmem:$0x1E600] =	vst v63  }
0x4f: {  	_ =	swait.ge [sflag:s15], $0x2800  }
0x50: {  	[sflag:s15] =	ssyncset.done $0x0  }
0x51: {  	s24 =	rddreg [dreg:$0x1b];
	[sflag:s15] =	ssyncadd.s32 $0xFFFFD800  }
0x52: {  	[spmem:s24] =	stream.linear.scatter [tilespmem:s14], [sflag:$0x5], $0x2800, $0x38;
	[tilespmem:$0x1E600] =	vst v63  }
0x53: {  	_ =	swait.ge [sflag:s15], $0x2800  }
0x54: {  	[sflag:s15] =	ssyncset.done $0x0  }
0x55: {  	[sflag:s15] =	ssyncadd.s32 $0xFFFFD800  }
0x56: {  	[bflag:$0x0] =	sbarrier.arrive $0xFFFF  }
0x57: {  	s4 =	rddreg [dreg:$0x5]  }
0x58: {  	[tilespmem:s29], [sflag:$0x1] =	stream.linear.gather [hbm4b:s4+s29], $0x50, $0x38;
	[tilespmem:$0x1E600] =	vst v63  }
0x59: {  	s12 =	rddreg [dreg:$0x6]  }
0x5a: {  	[tilespmem:s16], [sflag:$0x1] =	stream.linear.gather [hbm4b:s12+s29], $0x50, $0x38;
	[tilespmem:$0x1E600] =	vst v63  }
0x5b: {  	s18 =	simm.s32 $0x100;
	s17 =	rddreg [dreg:$0x7]  }
0x5c: {  	[tilespmem:s18], [sflag:$0x1] =	stream.linear.gather [hbm4b:s17+s29], $0x50, $0x38;
	[tilespmem:$0x1E600] =	vst v63  }
0x5d: {  	s21 =	simm.s32 $0x2B00;
	s20 =	rddreg [dreg:$0x8]  }
0x5e: {  	[tilespmem:s21], [sflag:$0x1] =	stream.linear.gather [hbm4b:s20+s29], $0x2800, $0x38;
	[tilespmem:$0x1E600] =	vst v63  }
0x5f: {  	_ =	swait.ge [sflag:s19], $0x50  }
0x60: {  	[sflag:s19] =	ssyncset.done $0x0  }
0x61: {  	[sflag:s19] =	ssyncadd.s32 $0xFFFFFFB0  }
0x62: {  	_ =	swait.ge [sflag:s19], $0x50  }
0x63: {  	[sflag:s19] =	ssyncset.done $0x0  }
0x64: {  	[sflag:s19] =	ssyncadd.s32 $0xFFFFFFB0  }
0x65: {  	_ =	swait.ge [sflag:s19], $0x50  }
0x66: {  	[sflag:s19] =	ssyncset.done $0x0  }
0x67: {  	[sflag:s19] =	ssyncadd.s32 $0xFFFFFFB0  }
0x68: {  	_ =	swait.ge [sflag:s19], $0x2800  }
0x69: {  	[sflag:s19] =	ssyncset.done $0x0  }
0x6a: {  	[sflag:s19] =	ssyncadd.s32 $0xFFFFD800  }
0x6b: {  	[tilespmem:s14], [sflag:$0x2] =	stream.indirect.gather [hbm4b:s1+s22], $0x80, s29, s22, $0xb8;
	[tilespmem:$0x1E600] =	vst v63  }
0x6c: {  	s24 =	simm.s32 $0x180  }
0x6d: {  	[tilespmem:s24], [sflag:$0x2] =	stream.indirect.gather [hbm4b:s9+s22], $0x1, s29, s22, $0xb8;
	[tilespmem:$0x1E600] =	vst v63  }
0x6e: {  	s4 =	simm.s32 $0x200  }
0x6f: {  	[tilespmem:s4], [sflag:$0x2] =	stream.indirect.gather [hbm4b:s10+s22], $0x1, s16, s22, $0xb8;
	[tilespmem:$0x1E600] =	vst v63  }
0x70: {  	s12 =	rddreg [dreg:$0x9]  }
0x71: {  	[tilespmem:s25], [sflag:$0x3] =	stream.linear.gather [hbm4b:s12+s29], $0x50, $0x38;
	[tilespmem:$0x1E600] =	vst v63  }
0x72: {  	s17 =	rddreg [dreg:$0xa]  }
0x73: {  	[tilespmem:s26], [sflag:$0x3] =	stream.linear.gather [hbm4b:s17+s29], $0x50, $0x38;
	[tilespmem:$0x1E600] =	vst v63  }
0x74: {  	s20 =	simm.s32 $0x5400;
	s18 =	rddreg [dreg:$0xb]  }
0x75: {  	[tilespmem:s20], [sflag:$0x3] =	stream.linear.gather [hbm4b:s18+s29], $0x50, $0x38;
	[tilespmem:$0x1E600] =	vst v63  }
0x76: {  	s21 =	rddreg [dreg:$0xc];
	s24 =	simm.s32 $0x7E00;
	s4 =	simm.s32 $0x0  }
0x77: {  	[tilespmem:s24], [sflag:$0x3] =	stream.linear.gather [hbm4b:s21+s29], $0x2800, $0x38;
	[tilespmem:$0x1E600] =	vst v63  }
.LBB2_4:
0x78: {  	_ =	swait.ge [sflag:s30], $0x2800  }
0x79: {  	[sflag:s30] =	ssyncset.done $0x0  }
0x7a: {  	[sflag:s30] =	ssyncadd.s32 $0xFFFFD800  }
0x7b: {  	_ =	swait.ge [sflag:s30], $0x50  }
0x7c: {  	[sflag:s30] =	ssyncset.done $0x0  }
0x7d: {  	[sflag:s30] =	ssyncadd.s32 $0xFFFFFFB0  }
0x7e: {  	_ =	swait.ge [sflag:s30], $0x50  }
0x7f: {  	[sflag:s30] =	ssyncset.done $0x0  }
0x80: {  	[sflag:s30] =	ssyncadd.s32 $0xFFFFFFB0  }
0x81: {  	_ =	swait.ge [sflag:s31], $0x50  }
0x82: {  	[sflag:s31] =	ssyncset.done $0x0  }
0x83: {  	[sflag:s31] =	ssyncadd.s32 $0xFFFFFFB0  }
0x84: {  	_ =	swait.ge [sflag:s31], $0x50  }
0x85: {  	[sflag:s31] =	ssyncset.done $0x0  }
0x86: {  	[sflag:s31] =	ssyncadd.s32 $0xFFFFFFB0  }
0x87: {  	_ =	swait.ge [sflag:s31], $0x50  }
0x88: {  	[sflag:s31] =	ssyncset.done $0x0  }
0x89: {  	[sflag:s31] =	ssyncadd.s32 $0xFFFFFFB0  }
0x8a: {  	_ =	swait.ge [sflag:s31], $0x2800  }
0x8b: {  	[sflag:s31] =	ssyncset.done $0x0  }
0x8c: {  	[sflag:s31] =	ssyncadd.s32 $0xFFFFD800  }
0x8d: {  	[tilespmem:s23], [sflag:$0x4] =	stream.indirect.gather [hbm4b:s1+s22], $0x80, s25, s22, $0xb8;
	[tilespmem:$0x1E600] =	vst v63  }
0x8e: {  	s0 =	simm.s32 $0x5480  }
0x8f: {  	[tilespmem:s0], [sflag:$0x4] =	stream.indirect.gather [hbm4b:s9+s22], $0x1, s25, s22, $0xb8;
	[tilespmem:$0x1E600] =	vst v63  }
0x90: {  	s23 =	simm.s32 $0x5500  }
0x91: {  	[tilespmem:s23], [sflag:$0x4] =	stream.indirect.gather [hbm4b:s10+s22], $0x1, s26, s22, $0xb8;
	[tilespmem:$0x1E600] =	vst v63  }
0x92: {  	v1 =	vld [tilespmem:$0x180]  }
0x93: {  	v2 =	vld [tilespmem:$0x200];
	_ =	sdelay $0x1  }
0x94: {  	v3 =	vld [tilespmem:$0x100];
	_ =	sdelay $0x2  }
0x95: {  	v1 =	vadd.f32 v2, v1;
	_ =	sdelay $0x1  }
0x96: {  	v1 =	vadd.f32 v3, v1;
	_ =	sdelay $0x1  }
0x97: {  	v1 =	vsub.f32 $0.0e+00, v1;
	_ =	sdelay $0x1  }
0x98: {  	v1 =	vmul.f32 $1.442695020e+00, v1  }
0x99: {  	v2 =	vld [tilespmem:$0x190]  }
0x9a: {  	(erf) = vpow2.f32 v1;
	v1 =	vld [tilespmem:$0x210];
	_ =	sdelay $0x1  }
0x9b: {  	v3 =	vld [tilespmem:$0x110];
	_ =	sdelay $0x2  }
0x9c: {  	v1 =	vadd.f32 v1, v2;
	_ =	sdelay $0x1  }
0x9d: {  	v1 =	vadd.f32 v3, v1;
	_ =	sdelay $0x1  }
0x9e: {  	v2 =	vpop (erf);
	v1 =	vsub.f32 $0.0e+00, v1  }
0x9f: {  	v2 =	vadd.f32 $1.000000000e+00, v2  }
0xa0: {  	v1 =	vmul.f32 $1.442695020e+00, v1  }
0xa1: {  	(erf) = vrcp.f32 v2;
	v2 =	vld [tilespmem:$0x1A0]  }
0xa2: {  	(erf) = vpow2.f32 v1;
	v1 =	vld [tilespmem:$0x220];
	_ =	sdelay $0x1  }
0xa3: {  	v3 =	vld [tilespmem:$0x120];
	_ =	sdelay $0x2  }
0xa4: {  	v1 =	vadd.f32 v1, v2;
	_ =	sdelay $0x1  }
0xa5: {  	v1 =	vadd.f32 v3, v1  }
0xa6: {  	v2 =	vpop (erf)  }
0xa7: {  	v3 =	vpop (erf);
	v1 =	vsub.f32 $0.0e+00, v1  }
0xa8: {  	v3 =	vadd.f32 $1.000000000e+00, v3  }
0xa9: {  	v1 =	vmul.f32 $1.442695020e+00, v1  }
0xaa: {  	(erf) = vrcp.f32 v3;
	v3 =	vld [tilespmem:$0x1B0]  }
0xab: {  	(erf) = vpow2.f32 v1;
	v1 =	vld [tilespmem:$0x230];
	_ =	sdelay $0x1  }
0xac: {  	v4 =	vld [tilespmem:$0x130];
	_ =	sdelay $0x2  }
0xad: {  	v1 =	vadd.f32 v1, v3;
	_ =	sdelay $0x1  }
0xae: {  	v1 =	vadd.f32 v4, v1  }
0xaf: {  	v3 =	vpop (erf)  }
0xb0: {  	v4 =	vpop (erf);
	v1 =	vsub.f32 $0.0e+00, v1  }
0xb1: {  	v4 =	vadd.f32 $1.000000000e+00, v4  }
0xb2: {  	v1 =	vmul.f32 $1.442695020e+00, v1  }
0xb3: {  	(erf) = vrcp.f32 v4;
	v4 =	vld [tilespmem:$0x1C0]  }
0xb4: {  	(erf) = vpow2.f32 v1;
	v1 =	vld [tilespmem:$0x240];
	_ =	sdelay $0x1  }
0xb5: {  	v5 =	vld [tilespmem:$0x140];
	_ =	sdelay $0x2  }
0xb6: {  	v1 =	vadd.f32 v1, v4;
	_ =	sdelay $0x1  }
0xb7: {  	v1 =	vadd.f32 v5, v1  }
0xb8: {  	v4 =	vpop (erf)  }
0xb9: {  	v5 =	vpop (erf);
	v1 =	vsub.f32 $0.0e+00, v1  }
0xba: {  	v5 =	vadd.f32 $1.000000000e+00, v5  }
0xbb: {  	v1 =	vmul.f32 $1.442695020e+00, v1  }
0xbc: {  	(erf) = vrcp.f32 v5  }
0xbd: {  	(erf) = vpow2.f32 v1;
	_ =	sdelay $0x7  }
0xbe: {  	v1 =	vpop (erf)  }
0xbf: {  	v5 =	vpop (erf)  }
0xc0: {  	v5 =	vadd.f32 $1.000000000e+00, v5;
	_ =	sdelay $0x1  }
0xc1: {  	(erf) = vrcp.f32 v5;
	_ =	sdelay $0x5  }
0xc2: {  	[tilespmem:$0x280] =	vst v2  }
0xc3: {  	s12 =	simm.s32 $0x2;
	[tilespmem:$0x290] =	vst v3  }
0xc4: {  	v2 =	vmov s12;
	[tilespmem:$0x2A0] =	vst v4  }
0xc5: {  	v2 =	vand.u32 $0xFFFFFFFE, v2;
	[tilespmem:$0x2B0] =	vst v1;
	v1 =	vpop (erf)  }
0xc6: {  	s12 =	simm.s32 $0x400;
	v2 =	vbroadcast v2, $0x0;
	[tilespmem:$0x2C0] =	vst v1;
	v1 =	vmov s29  }
0xc7: {  	s23 =	simm.s32 $0x2C00;
	v1 =	vand.u32 $0xFFFFFFFC, v1;
	v3 =	vld [tilespmem:s12+$0x0]  }
0xc8: {  	v4 =	vld [tilespmem:s23+$0x0];
	v1 =	vbroadcast v1, $0x0;
	_ =	sdelay $0x3  }
0xc9: {  	s17 =	simm.s32 $0x1;
	v8 =	vld.idx.msk [tilespmem:v2+s13+$0x0], $0xffff  }
0xca: {  	v2 =	vadd.f32 v4, v3;
	v3 =	vmov s17  }
0xcb: {  	v5 =	vld.idx.msk [tilespmem:v1+s13+$0x0], $0xffff;
	v1 =	vand.u32 $0xFFFFFFFD, v3  }
0xcc: {  	v4 =	vld [tilespmem:s23+$0xFFFFFF00];
	v1 =	vbroadcast v1, $0x0  }
0xcd: {  	v3 =	vld [tilespmem:s12+$0xFFFFFF00];
	v2 =	vmax.f32 v2, $0.0e+00  }
0xce: {  	v6 =	vld [tilespmem:s12+$0xFFFFFF80];
	v2 =	vmul.f32 v2, v8  }
0xcf: {  	v9 =	vld [tilespmem:s23+$0xFFFFFF80]  }
0xd0: {  	s24 =	simm.s32 $0x3;
	[tilespmem:s12+$0x0] =	vst v2;
	v2 =	vld [tilespmem:s12+$0x10]  }
0xd1: {  	v10 =	vmov s24;
	v11 =	vld [tilespmem:s23+$0x10]  }
0xd2: {  	v7 =	vld.idx.msk [tilespmem:v1+s13+$0x0], $0xffff;
	v1 =	vadd.f32 v4, v3;
	_ =	sdelay $0x1  }
0xd3: {  	v6 =	vadd.f32 v9, v6;
	v3 =	vld [tilespmem:s12+$0x80];
	v1 =	vmax.f32 v1, $0.0e+00  }
0xd4: {  	v4 =	vld [tilespmem:s23+$0x80];
	v1 =	vmul.f32 v1, v5  }
0xd5: {  	v15 =	vld.idx.msk [tilespmem:v10+s13+$0x0], $0xffff;
	v6 =	vmax.f32 v6, $0.0e+00  }
0xd6: {  	v9 =	vld [tilespmem:s12+$0xFFFFFF10];
	v2 =	vadd.f32 v11, v2;
	[tilespmem:s12+$0xFFFFFF00] =	vst v1;
	v1 =	vmul.f32 v6, v7  }
0xd7: {  	v10 =	vld [tilespmem:s23+$0xFFFFFF10]  }
0xd8: {  	v2 =	vmax.f32 v2, $0.0e+00;
	v6 =	vld [tilespmem:s12+$0xFFFFFF90];
	[tilespmem:s12+$0xFFFFFF80] =	vst v1  }
0xd9: {  	v2 =	vmul.f32 v2, v8;
	v3 =	vadd.f32 v4, v3;
	v1 =	vld [tilespmem:s23+$0xFFFFFF90];
	_ =	sdelay $0x1  }
0xda: {  	[tilespmem:s12+$0x10] =	vst v2;
	v2 =	vmax.f32 v3, $0.0e+00;
	v3 =	vld [tilespmem:s12+$0x20]  }
0xdb: {  	v2 =	vmul.f32 v2, v15;
	v4 =	vld [tilespmem:s23+$0x20];
	v9 =	vadd.f32 v10, v9;
	_ =	sdelay $0x1  }
0xdc: {  	v11 =	vld [tilespmem:s12+$0x90];
	[tilespmem:s12+$0x80] =	vst v2;
	v9 =	vmax.f32 v9, $0.0e+00;
	v1 =	vadd.f32 v1, v6  }
0xdd: {  	v2 =	vld [tilespmem:s23+$0x90];
	v9 =	vmul.f32 v9, v5  }
0xde: {  	v14 =	vld [tilespmem:s12+$0xFFFFFF30];
	v1 =	vmax.f32 v1, $0.0e+00  }
0xdf: {  	v10 =	vld [tilespmem:s12+$0xFFFFFF20];
	v3 =	vadd.f32 v4, v3;
	[tilespmem:s12+$0xFFFFFF10] =	vst v9;
	v1 =	vmul.f32 v1, v7  }
0xe0: {  	v9 =	vld [tilespmem:s23+$0xFFFFFF20]  }
0xe1: {  	v6 =	vld [tilespmem:s12+$0xFFFFFFA0];
	v3 =	vmax.f32 v3, $0.0e+00;
	[tilespmem:s12+$0xFFFFFF90] =	vst v1  }
0xe2: {  	v2 =	vadd.f32 v2, v11;
	v1 =	vmul.f32 v3, v8;
	v3 =	vld [tilespmem:s23+$0xFFFFFFA0]  }
0xe3: {  	v13 =	vld [tilespmem:s12+$0xA0]  }
0xe4: {  	v17 =	vld [tilespmem:s12+$0xFFFFFF40];
	v2 =	vmax.f32 v2, $0.0e+00  }
0xe5: {  	[tilespmem:s12+$0x20] =	vst v1;
	v1 =	vmul.f32 v2, v15;
	v2 =	vld [tilespmem:s12+$0x30];
	v9 =	vadd.f32 v9, v10  }
0xe6: {  	v16 =	vld [tilespmem:s23+$0x30]  }
0xe7: {  	v19 =	vld [tilespmem:s12+$0xFFFFFFC0];
	[tilespmem:s12+$0x90] =	vst v1;
	v9 =	vmax.f32 v9, $0.0e+00;
	v3 =	vadd.f32 v3, v6  }
0xe8: {  	v1 =	vld [tilespmem:s23+$0xA0];
	v6 =	vmul.f32 v9, v5  }
0xe9: {  	v12 =	vld [tilespmem:s12+$0xFFFFFFD0];
	v3 =	vmax.f32 v3, $0.0e+00  }
0xea: {  	v20 =	vld [tilespmem:s12+$0xC0];
	[tilespmem:s12+$0xFFFFFF20] =	vst v6;
	v3 =	vmul.f32 v3, v7  }
0xeb: {  	v2 =	vadd.f32 v16, v2;
	v6 =	vld [tilespmem:s23+$0xFFFFFF30]  }
0xec: {  	v4 =	vld [tilespmem:s12+$0xFFFFFFB0];
	[tilespmem:s12+$0xFFFFFFA0] =	vst v3  }
0xed: {  	v2 =	vmax.f32 v2, $0.0e+00;
	v1 =	vadd.f32 v1, v13;
	v3 =	vld [tilespmem:s23+$0xFFFFFFB0]  }
0xee: {  	v18 =	vld [tilespmem:s12+$0xE0];
	v2 =	vmul.f32 v2, v8  }
0xef: {  	v63 =	vld [tilespmem:s12+$0x70];
	v1 =	vmax.f32 v1, $0.0e+00  }
0xf0: {  	v11 =	vld [tilespmem:s12+$0xB0];
	[tilespmem:s12+$0x30] =	vst v2;
	v1 =	vmul.f32 v1, v15;
	v2 =	vadd.f32 v6, v14  }
0xf1: {  	v16 =	vld [tilespmem:s23+$0x40]  }
0xf2: {  	v14 =	vld [tilespmem:s12+$0x40];
	[tilespmem:s12+$0xA0] =	vst v1;
	v1 =	vmax.f32 v2, $0.0e+00;
	v2 =	vadd.f32 v3, v4  }
0xf3: {  	s17 =	simm.s32 $0x600;
	v3 =	vld [tilespmem:s23+$0xB0];
	v1 =	vmul.f32 v1, v5  }
0xf4: {  	v23 =	vld [tilespmem:s17+$0x0];
	v2 =	vmax.f32 v2, $0.0e+00  }
0xf5: {  	v25 =	vld [tilespmem:s17+$0xFFFFFF00];
	[tilespmem:s12+$0xFFFFFF30] =	vst v1;
	v1 =	vmul.f32 v2, v7  }
0xf6: {  	v2 =	vld [tilespmem:s23+$0xFFFFFF40]  }
0xf7: {  	v26 =	vld [tilespmem:s17+$0xFFFFFF80];
	v4 =	vadd.f32 v16, v14;
	[tilespmem:s12+$0xFFFFFFB0] =	vst v1  }
0xf8: {  	v1 =	vadd.f32 v3, v11;
	v3 =	vld [tilespmem:s23+$0xFFFFFFC0]  }
0xf9: {  	v35 =	vld [tilespmem:s17+$0xFFFFFF10];
	v4 =	vmax.f32 v4, $0.0e+00  }
0xfa: {  	v36 =	vld [tilespmem:s17+$0xFFFFFF90];
	v4 =	vmul.f32 v4, v8;
	v1 =	vmax.f32 v1, $0.0e+00  }
0xfb: {  	s0 =	simm.s32 $0x4;
	v39 =	vld [tilespmem:s17+$0xFFFFFF20];
	v1 =	vmul.f32 v1, v15;
	v2 =	vadd.f32 v2, v17  }
0xfc: {  	v14 =	vld [tilespmem:s12+$0x50];
	[tilespmem:s12+$0x40] =	vst v4;
	v4 =	vmov s0  }
0xfd: {  	[tilespmem:s12+$0xB0] =	vst v1;
	v1 =	vand.u32 $0xFFFFFFFC, v4;
	v4 =	vld [tilespmem:s23+$0x50];
	v2 =	vmax.f32 v2, $0.0e+00;
	v3 =	vadd.f32 v3, v19  }
0xfe: {  	s18 =	simm.s32 $0x5;
	v40 =	vld [tilespmem:s17+$0x20];
	v2 =	vmul.f32 v2, v5  }
0xff: {  	v30 =	vld [tilespmem:s17+$0xFFFFFFA0];
	v11 =	vmov s18;
	v3 =	vmax.f32 v3, $0.0e+00  }
0x100: {  	s20 =	simm.s32 $0x6;
	v42 =	vld [tilespmem:s17+$0xA0];
	v17 =	vand.u32 $0xFFFFFFFD, v11;
	[tilespmem:s12+$0xFFFFFF40] =	vst v2;
	v2 =	vmul.f32 v3, v7  }
0x101: {  	v22 =	vmov s20;
	v31 =	vld [tilespmem:s17+$0xFFFFFF30];
	v3 =	vbroadcast v17, $0x0  }
0x102: {  	v32 =	vld [tilespmem:s17+$0xFFFFFF40];
	[tilespmem:s12+$0xFFFFFFC0] =	vst v2;
	v2 =	vadd.f32 v4, v14;
	v4 =	vand.u32 $0xFFFFFFFE, v22  }
0x103: {  	v46 =	vld [tilespmem:s17+$0xFFFFFFC0];
	v4 =	vbroadcast v4, $0x0  }
0x104: {  	v33 =	vld [tilespmem:s17+$0xC0];
	s18 =	simm.s32 $0x2E00  }
0x105: {  	v24 =	vld [tilespmem:s18+$0x0];
	v2 =	vmax.f32 v2, $0.0e+00  }
0x106: {  	v19 =	vld [tilespmem:s23+$0xC0];
	v22 =	vmul.f32 v2, v8  }
0x107: {  	v2 =	vld.idx.msk [tilespmem:v3+s13+$0x0], $0xffff  }
0x108: {  	v1 =	vbroadcast v1, $0x0;
	[tilespmem:s12+$0x50] =	vst v22;
	v22 =	vld [tilespmem:s12+$0x60]  }
0x109: {  	v3 =	vld.idx.msk [tilespmem:v4+s13+$0x0], $0xffff  }
0x10a: {  	v4 =	vld [tilespmem:s23+$0x60]  }
0x10b: {  	v61 =	vld [tilespmem:s18+$0xFFFFFF00];
	v23 =	vadd.f32 v24, v23  }
0x10c: {  	s20 =	simm.s32 $0x7;
	v28 =	vld [tilespmem:s18+$0x80]  }
0x10d: {  	v27 =	vmov s20;
	v23 =	vmax.f32 v23, $0.0e+00;
	v19 =	vadd.f32 v19, v20;
	v20 =	vld [tilespmem:s18+$0xFFFFFF80]  }
0x10e: {  	v1 =	vld.idx.msk [tilespmem:v1+s13+$0x0], $0xffff;
	v23 =	vmul.f32 v23, v3  }
0x10f: {  	v4 =	vadd.f32 v4, v22;
	v22 =	vld [tilespmem:s17+$0x80]  }
0x110: {  	v24 =	vadd.f32 v61, v25;
	[tilespmem:s17+$0x0] =	vst v23;
	v23 =	vld [tilespmem:s17+$0x10]  }
0x111: {  	v4 =	vmax.f32 v4, $0.0e+00;
	v62 =	vld [tilespmem:s18+$0x10]  }
0x112: {  	v24 =	vmax.f32 v24, $0.0e+00;
	v20 =	vadd.f32 v20, v26;
	v29 =	vmul.f32 v4, v8;
	v4 =	vld.idx.msk [tilespmem:v27+s13+$0x0], $0xffff  }
0x113: {  	v10 =	vld [tilespmem:s12+$0xFFFFFF50];
	v24 =	vmul.f32 v24, v1  }
0x114: {  	v9 =	vld [tilespmem:s12+$0xFFFFFFE0];
	v20 =	vmax.f32 v20, $0.0e+00;
	v22 =	vadd.f32 v28, v22  }
0x115: {  	v13 =	vld [tilespmem:s12+$0xD0];
	[tilespmem:s17+$0xFFFFFF00] =	vst v24;
	v20 =	vmul.f32 v20, v2  }
0x116: {  	v37 =	vld [tilespmem:s18+$0xFFFFFF10];
	v22 =	vmax.f32 v22, $0.0e+00;
	v23 =	vadd.f32 v62, v23  }
0x117: {  	v6 =	vld [tilespmem:s12+$0xFFFFFF60];
	[tilespmem:s17+$0xFFFFFF80] =	vst v20;
	v20 =	vmul.f32 v22, v4  }
0x118: {  	v38 =	vld [tilespmem:s18+$0xFFFFFF90];
	v23 =	vmax.f32 v23, $0.0e+00  }
0x119: {  	v22 =	vld [tilespmem:s17+$0x90];
	[tilespmem:s17+$0x80] =	vst v20;
	v23 =	vmul.f32 v23, v3  }
0x11a: {  	v20 =	vld [tilespmem:s18+$0x90]  }
0x11b: {  	v16 =	vld [tilespmem:s12+$0xFFFFFF70];
	[tilespmem:s17+$0x10] =	vst v23;
	v23 =	vadd.f32 v37, v35  }
0x11c: {  	v11 =	vld [tilespmem:s12+$0xFFFFFFF0];
	v19 =	vmax.f32 v19, $0.0e+00  }
0x11d: {  	v19 =	vmul.f32 v19, v15;
	v24 =	vadd.f32 v38, v36;
	v41 =	vld [tilespmem:s18+$0x20];
	v23 =	vmax.f32 v23, $0.0e+00  }
0x11e: {  	v14 =	vld [tilespmem:s23+$0xFFFFFFD0];
	v23 =	vmul.f32 v23, v1  }
0x11f: {  	v21 =	vld [tilespmem:s23+$0xFFFFFF50];
	[tilespmem:s12+$0xC0] =	vst v19;
	v24 =	vmax.f32 v24, $0.0e+00;
	v20 =	vadd.f32 v20, v22  }
0x120: {  	v19 =	vld [tilespmem:s23+$0xD0];
	v22 =	vmul.f32 v24, v2;
	[tilespmem:s17+$0xFFFFFF10] =	vst v23  }
0x121: {  	v20 =	vmax.f32 v20, $0.0e+00;
	v43 =	vld [tilespmem:s18+$0xFFFFFF20]  }
0x122: {  	v61 =	vld [tilespmem:s17+$0x50];
	[tilespmem:s17+$0xFFFFFF90] =	vst v22;
	v25 =	vadd.f32 v41, v40;
	v20 =	vmul.f32 v20, v4  }
0x123: {  	v14 =	vadd.f32 v14, v12;
	v44 =	vld [tilespmem:s18+$0xFFFFFFA0]  }
0x124: {  	v17 =	vld [tilespmem:s12+$0xF0];
	v10 =	vadd.f32 v21, v10;
	v25 =	vmax.f32 v25, $0.0e+00;
	[tilespmem:s17+$0x90] =	vst v20  }
0x125: {  	v21 =	vmax.f32 v14, $0.0e+00;
	v19 =	vadd.f32 v19, v13;
	v20 =	vmul.f32 v25, v3;
	v45 =	vld [tilespmem:s18+$0xA0]  }
0x126: {  	v12 =	vld [tilespmem:s17+$0xFFFFFF50];
	v10 =	vmax.f32 v10, $0.0e+00;
	v21 =	vmul.f32 v21, v7;
	v24 =	vadd.f32 v43, v39  }
0x127: {  	v10 =	vmul.f32 v10, v5;
	v19 =	vmax.f32 v19, $0.0e+00;
	[tilespmem:s17+$0x20] =	vst v20;
	v20 =	vld [tilespmem:s17+$0x30]  }
0x128: {  	[tilespmem:s12+$0xFFFFFFD0] =	vst v21;
	v19 =	vmul.f32 v19, v15;
	v27 =	vadd.f32 v44, v30;
	v47 =	vld [tilespmem:s18+$0x30];
	v24 =	vmax.f32 v24, $0.0e+00  }
0x129: {  	[tilespmem:s12+$0xFFFFFF50] =	vst v10;
	v51 =	vld [tilespmem:s23+$0xFFFFFFE0];
	v24 =	vmul.f32 v24, v1  }
0x12a: {  	[tilespmem:s12+$0xD0] =	vst v19;
	v19 =	vld [tilespmem:s23+$0xFFFFFF60];
	v27 =	vmax.f32 v27, $0.0e+00;
	v25 =	vadd.f32 v45, v42  }
0x12b: {  	v53 =	vld [tilespmem:s23+$0xE0];
	v48 =	vmul.f32 v27, v2;
	[tilespmem:s17+$0xFFFFFF20] =	vst v24  }
0x12c: {  	v13 =	vmax.f32 v25, $0.0e+00;
	v49 =	vld [tilespmem:s18+$0xFFFFFF30]  }
0x12d: {  	v23 =	vld [tilespmem:s17+$0xFFFFFFB0];
	[tilespmem:s17+$0xFFFFFFA0] =	vst v48;
	v50 =	vmul.f32 v13, v4;
	v20 =	vadd.f32 v47, v20  }
0x12e: {  	v21 =	vld [tilespmem:s18+$0xFFFFFFB0]  }
0x12f: {  	v19 =	vadd.f32 v19, v6;
	v22 =	vld [tilespmem:s17+$0xB0];
	[tilespmem:s17+$0xA0] =	vst v50;
	v20 =	vmax.f32 v20, $0.0e+00  }
0x130: {  	v18 =	vadd.f32 v53, v18;
	v10 =	vld [tilespmem:s18+$0xB0];
	v20 =	vmul.f32 v20, v3  }
0x131: {  	v14 =	vld [tilespmem:s17+$0xFFFFFFD0];
	v19 =	vmax.f32 v19, $0.0e+00;
	v52 =	vadd.f32 v49, v31  }
0x132: {  	v19 =	vmul.f32 v19, v5;
	v18 =	vmax.f32 v18, $0.0e+00;
	[tilespmem:s17+$0x30] =	vst v20;
	v20 =	vld [tilespmem:s17+$0x40]  }
0x133: {  	[tilespmem:s12+$0x60] =	vst v29;
	v18 =	vmul.f32 v18, v15;
	v21 =	vadd.f32 v21, v23;
	v23 =	vld [tilespmem:s18+$0x40];
	v25 =	vmax.f32 v52, $0.0e+00  }
0x134: {  	v54 =	vld [tilespmem:s23+$0x70];
	[tilespmem:s12+$0xFFFFFF60] =	vst v19;
	v24 =	vadd.f32 v51, v9;
	v9 =	vmul.f32 v25, v1  }
0x135: {  	v58 =	vld [tilespmem:s23+$0xFFFFFF70];
	[tilespmem:s12+$0xE0] =	vst v18;
	v21 =	vmax.f32 v21, $0.0e+00;
	v22 =	vadd.f32 v10, v22  }
0x136: {  	v59 =	vld [tilespmem:s23+$0xF0];
	v6 =	vmax.f32 v24, $0.0e+00;
	v21 =	vmul.f32 v21, v2;
	[tilespmem:s17+$0xFFFFFF30] =	vst v9  }
0x137: {  	v56 =	vmul.f32 v6, v7;
	v22 =	vmax.f32 v22, $0.0e+00;
	v55 =	vld [tilespmem:s18+$0xFFFFFF40]  }
0x138: {  	v13 =	vld [tilespmem:s17+$0xD0];
	[tilespmem:s17+$0xFFFFFFB0] =	vst v21;
	v21 =	vmul.f32 v22, v4;
	v20 =	vadd.f32 v23, v20  }
0x139: {  	[tilespmem:s12+$0xFFFFFFE0] =	vst v56;
	v22 =	vld [tilespmem:s18+$0xFFFFFFC0];
	v23 =	vadd.f32 v54, v63  }
0x13a: {  	s21 =	simm.s32 $0x8;
	v16 =	vadd.f32 v58, v16;
	[tilespmem:s17+$0xB0] =	vst v21;
	v21 =	vld [tilespmem:s23+$0xFFFFFFF0];
	v20 =	vmax.f32 v20, $0.0e+00  }
0x13b: {  	v57 =	vld [tilespmem:s18+$0xC0];
	v19 =	vmul.f32 v20, v3;
	v20 =	vmax.f32 v23, $0.0e+00;
	v23 =	vmov s21;
	s21 =	simm.s32 $0xB  }
0x13c: {  	v17 =	vadd.f32 v59, v17;
	v6 =	vld [tilespmem:s17+$0xE0];
	v60 =	vmov s21;
	v24 =	vadd.f32 v55, v32  }
0x13d: {  	s24 =	simm.s32 $0x9;
	v16 =	vmax.f32 v16, $0.0e+00;
	v10 =	vld [tilespmem:s17+$0xFFFFFF60];
	v20 =	vmul.f32 v20, v8;
	v8 =	vand.u32 $0xFFFFFFFC, v23  }
0x13e: {  	v9 =	vld [tilespmem:s17+$0xFFFFFFE0];
	v23 =	vmov s24;
	[tilespmem:s17+$0x40] =	vst v19;
	v22 =	vadd.f32 v22, v46;
	v19 =	vmax.f32 v24, $0.0e+00  }
0x13f: {  	v18 =	vbroadcast v8, $0x0;
	v62 =	vld [tilespmem:s18+$0x50];
	v8 =	vmul.f32 v19, v1;
	v19 =	vadd.f32 v21, v11  }
0x140: {  	v22 =	vmax.f32 v22, $0.0e+00;
	v21 =	vand.u32 $0xFFFFFFFD, v23;
	v23 =	vadd.f32 v57, v33;
	v11 =	vld [tilespmem:s17+$0xFFFFFF70]  }
0x141: {  	v16 =	vmul.f32 v16, v5;
	v22 =	vmul.f32 v22, v2;
	v5 =	vld.idx.msk [tilespmem:v60+s13+$0x0], $0xffff;
	[tilespmem:s17+$0xFFFFFF40] =	vst v8;
	v19 =	vmax.f32 v19, $0.0e+00  }
0x142: {  	[tilespmem:s12+$0x70] =	vst v20;
	v23 =	vmax.f32 v23, $0.0e+00;
	v20 =	vld [tilespmem:s18+$0xFFFFFF50];
	v63 =	vmul.f32 v19, v7;
	v19 =	vbroadcast v21, $0x0  }
0x143: {  	v8 =	vld [tilespmem:s17+$0xFFFFFFF0];
	[tilespmem:s17+$0xFFFFFFC0] =	vst v22;
	v23 =	vmul.f32 v23, v4  }
0x144: {  	v17 =	vmax.f32 v17, $0.0e+00;
	v21 =	vld [tilespmem:s18+$0xFFFFFFD0];
	v22 =	vadd.f32 v62, v61;
	[tilespmem:s12+$0xFFFFFFF0] =	vst v63  }
0x145: {  	s20 =	simm.s32 $0xA;
	v17 =	vmul.f32 v17, v15;
	s23 =	simm.s32 $0x2E00;
	s24 =	simm.s32 $0xC;
	v7 =	vld [tilespmem:s17+$0xF0];
	[tilespmem:s17+$0xC0] =	vst v23  }
.LBB2_5:
0x146: {  	p0 =	slt.u32 s24, $0x4C;
	v23 =	vmov s20;
	v22 =	vmax.f32 v22, $0.0e+00;
	v24 =	vld [tilespmem:s18+$0xD0];
	[tilespmem:s12+$0xFFFFFF70] =	vst v16  }
0x147: {  	v15 =	vld.idx.msk [tilespmem:v18+s13+$0x0], $0xffff;
	v18 =	vand.u32 $0xFFFFFFFE, v23;
	v12 =	vadd.f32 v20, v12;
	v20 =	vmul.f32 v22, v3;
	[tilespmem:s12+$0xF0] =	vst v17;
	s12 =	smov.u32 s17  }
0x148: {  	v16 =	vld.idx.msk [tilespmem:v19+s13+$0x0], $0xffff;
	v17 =	vbroadcast v18, $0x0  }
0x149: {  	v12 =	vmax.f32 v12, $0.0e+00;
	v14 =	vadd.f32 v21, v14;
	[tilespmem:s17+$0x50] =	vst v20;
	v18 =	vld [tilespmem:s17+$0x60]  }
0x14a: {  	s17 =	sadd.s32 $0x200, s17;
	v12 =	vmul.f32 v12, v1;
	v19 =	vld [tilespmem:s18+$0x60]  }
0x14b: {  	s18 =	sadd.s32 $0x200, s18;
	v20 =	vld [tilespmem:s17+$0x0];
	v14 =	vmax.f32 v14, $0.0e+00;
	v13 =	vadd.f32 v24, v13  }
0x14c: {  	v21 =	vld [tilespmem:s18+$0x0];
	[tilespmem:s12+$0xFFFFFF50] =	vst v12;
	v12 =	vmul.f32 v14, v2  }
0x14d: {  	v14 =	vld [tilespmem:s17+$0xFFFFFF00];
	v13 =	vmax.f32 v13, $0.0e+00  }
0x14e: {  	v17 =	vld.idx.msk [tilespmem:v17+s13+$0x0], $0xffff;
	[tilespmem:s12+$0xFFFFFFD0] =	vst v12;
	v12 =	vmul.f32 v13, v4  }
0x14f: {  	v13 =	vld [tilespmem:s18+$0xFFFFFF00];
	v18 =	vadd.f32 v19, v18  }
0x150: {  	v19 =	vld [tilespmem:s17+$0xFFFFFF80];
	[tilespmem:s12+$0xD0] =	vst v12  }
0x151: {  	v12 =	vld [tilespmem:s18+$0xFFFFFF80];
	v20 =	vadd.f32 v21, v20;
	v18 =	vmax.f32 v18, $0.0e+00  }
0x152: {  	v21 =	vld [tilespmem:s17+$0x80];
	v18 =	vmul.f32 v18, v3  }
0x153: {  	v20 =	vmax.f32 v20, $0.0e+00;
	v22 =	vld [tilespmem:s18+$0x80]  }
0x154: {  	v13 =	vadd.f32 v13, v14;
	v14 =	vmul.f32 v20, v17;
	[tilespmem:s12+$0x60] =	vst v18;
	v18 =	vld [tilespmem:s12+$0x70]  }
0x155: {  	v20 =	vld [tilespmem:s23+$0x70]  }
0x156: {  	v13 =	vmax.f32 v13, $0.0e+00;
	v12 =	vadd.f32 v12, v19;
	[tilespmem:s17+$0x0] =	vst v14;
	v14 =	vld [tilespmem:s17+$0x10]  }
0x157: {  	v13 =	vmul.f32 v13, v15;
	v19 =	vld [tilespmem:s18+$0x10]  }
0x158: {  	v23 =	vld [tilespmem:s17+$0xFFFFFF10];
	v12 =	vmax.f32 v12, $0.0e+00;
	v21 =	vadd.f32 v22, v21  }
0x159: {  	[tilespmem:s17+$0xFFFFFF00] =	vst v13;
	v12 =	vmul.f32 v12, v16;
	v13 =	vld [tilespmem:s17+$0xFFFFFF90]  }
0x15a: {  	v22 =	vld [tilespmem:s18+$0xFFFFFF10];
	v21 =	vmax.f32 v21, $0.0e+00;
	v18 =	vadd.f32 v20, v18  }
0x15b: {  	[tilespmem:s17+$0xFFFFFF80] =	vst v12;
	v12 =	vmul.f32 v21, v5;
	v20 =	vld [tilespmem:s17+$0x90]  }
0x15c: {  	v21 =	vld [tilespmem:s18+$0xFFFFFF90];
	v14 =	vadd.f32 v19, v14;
	v18 =	vmax.f32 v18, $0.0e+00  }
0x15d: {  	v19 =	vld [tilespmem:s17+$0xFFFFFF20];
	[tilespmem:s17+$0x80] =	vst v12;
	v12 =	vmul.f32 v18, v3;
	v3 =	vmov v17  }
0x15e: {  	v14 =	vmax.f32 v14, $0.0e+00;
	v17 =	vld [tilespmem:s18+$0x90]  }
0x15f: {  	v18 =	vadd.f32 v22, v23;
	v22 =	vld [tilespmem:s17+$0xFFFFFFA0];
	v14 =	vmul.f32 v14, v3;
	[tilespmem:s12+$0x70] =	vst v12  }
0x160: {  	v23 =	vld [tilespmem:s17+$0xA0]  }
0x161: {  	v12 =	vmax.f32 v18, $0.0e+00;
	v13 =	vadd.f32 v21, v13;
	[tilespmem:s17+$0x10] =	vst v14;
	v14 =	vld [tilespmem:s17+$0x20]  }
0x162: {  	v12 =	vmul.f32 v12, v15;
	v18 =	vld [tilespmem:s18+$0x20]  }
0x163: {  	v21 =	vld [tilespmem:s17+$0xFFFFFF30];
	v13 =	vmax.f32 v13, $0.0e+00;
	v17 =	vadd.f32 v17, v20  }
0x164: {  	[tilespmem:s17+$0xFFFFFF10] =	vst v12;
	v12 =	vmul.f32 v13, v16;
	v20 =	vld [tilespmem:s17+$0xFFFFFFB0]  }
0x165: {  	v13 =	vld [tilespmem:s18+$0xFFFFFF20];
	v17 =	vmax.f32 v17, $0.0e+00  }
0x166: {  	[tilespmem:s17+$0xFFFFFF90] =	vst v12;
	v12 =	vmul.f32 v17, v5;
	v17 =	vld [tilespmem:s17+$0xB0]  }
0x167: {  	v24 =	vld [tilespmem:s18+$0xFFFFFFA0];
	v14 =	vadd.f32 v18, v14  }
0x168: {  	v18 =	vld [tilespmem:s17+$0xFFFFFF40];
	[tilespmem:s17+$0x90] =	vst v12  }
0x169: {  	v12 =	vmax.f32 v14, $0.0e+00;
	v14 =	vld [tilespmem:s18+$0xA0]  }
0x16a: {  	v13 =	vadd.f32 v13, v19;
	v19 =	vld [tilespmem:s17+$0xFFFFFFC0];
	v12 =	vmul.f32 v12, v3  }
0x16b: {  	v25 =	vld [tilespmem:s17+$0xC0]  }
0x16c: {  	v13 =	vmax.f32 v13, $0.0e+00;
	v22 =	vadd.f32 v24, v22;
	[tilespmem:s17+$0x20] =	vst v12;
	v24 =	vld [tilespmem:s17+$0x30]  }
0x16d: {  	v13 =	vmul.f32 v13, v15;
	v26 =	vld [tilespmem:s18+$0x30]  }
0x16e: {  	v12 =	vld [tilespmem:s17+$0xFFFFFF50];
	v22 =	vmax.f32 v22, $0.0e+00;
	v23 =	vadd.f32 v14, v23  }
0x16f: {  	[tilespmem:s17+$0xFFFFFF20] =	vst v13;
	v13 =	vmul.f32 v22, v16;
	v14 =	vld [tilespmem:s17+$0xFFFFFFD0]  }
0x170: {  	v22 =	vld [tilespmem:s18+$0xFFFFFF30];
	v23 =	vmax.f32 v23, $0.0e+00  }
0x171: {  	[tilespmem:s17+$0xFFFFFFA0] =	vst v13;
	v23 =	vmul.f32 v23, v5;
	v13 =	vld [tilespmem:s17+$0xD0]  }
0x172: {  	v27 =	vld [tilespmem:s18+$0xFFFFFFB0];
	v24 =	vadd.f32 v26, v24  }
0x173: {  	[tilespmem:s17+$0xA0] =	vst v23;
	v23 =	vld [tilespmem:s23+$0xFFFFFFE0]  }
0x174: {  	v24 =	vmax.f32 v24, $0.0e+00;
	v26 =	vld [tilespmem:s18+$0xB0]  }
0x175: {  	v21 =	vadd.f32 v22, v21;
	v22 =	vmul.f32 v24, v3;
	v24 =	vld [tilespmem:s23+$0xFFFFFF60]  }
0x176: {  	v28 =	vld [tilespmem:s23+$0xE0]  }
0x177: {  	v21 =	vmax.f32 v21, $0.0e+00;
	v20 =	vadd.f32 v27, v20;
	[tilespmem:s17+$0x30] =	vst v22;
	v22 =	vld [tilespmem:s17+$0x40]  }
0x178: {  	v21 =	vmul.f32 v21, v15;
	v27 =	vld [tilespmem:s18+$0x40];
	v23 =	vadd.f32 v23, v9  }
0x179: {  	v29 =	vld [tilespmem:s17+$0xFFFFFF60];
	v9 =	vmax.f32 v20, $0.0e+00;
	v17 =	vadd.f32 v26, v17  }
0x17a: {  	[tilespmem:s17+$0xFFFFFF30] =	vst v21;
	v20 =	vmul.f32 v9, v16;
	v9 =	vld [tilespmem:s17+$0xFFFFFFE0];
	v10 =	vadd.f32 v24, v10;
	v21 =	vmax.f32 v23, $0.0e+00  }
0x17b: {  	v23 =	vld [tilespmem:s18+$0xFFFFFF40];
	v17 =	vmax.f32 v17, $0.0e+00;
	v21 =	vmul.f32 v21, v2;
	v24 =	vadd.f32 v28, v6  }
0x17c: {  	[tilespmem:s17+$0xFFFFFFB0] =	vst v20;
	v17 =	vmul.f32 v17, v5;
	v6 =	vld [tilespmem:s17+$0xE0];
	v28 =	vmax.f32 v10, $0.0e+00  }
0x17d: {  	v20 =	vld [tilespmem:s18+$0xFFFFFFC0];
	v22 =	vadd.f32 v27, v22;
	v26 =	vmul.f32 v28, v1;
	[tilespmem:s12+$0xFFFFFFE0] =	vst v21;
	v24 =	vmax.f32 v24, $0.0e+00  }
0x17e: {  	[tilespmem:s17+$0xB0] =	vst v17;
	v17 =	vld [tilespmem:s23+$0xFFFFFFF0];
	v21 =	vmul.f32 v24, v4;
	v10 =	vmov v29  }
0x17f: {  	v22 =	vmax.f32 v22, $0.0e+00;
	v24 =	vld [tilespmem:s18+$0xC0];
	[tilespmem:s12+$0xFFFFFF60] =	vst v26  }
0x180: {  	s20 =	sadd.s32 $0x1, s24;
	s21 =	sadd.s32 $0x3, s24;
	v26 =	vmov s24;
	v23 =	vadd.f32 v23, v18;
	v22 =	vmul.f32 v22, v3;
	v27 =	vld [tilespmem:s23+$0xFFFFFF70];
	[tilespmem:s12+$0xE0] =	vst v21  }
0x181: {  	v18 =	vand.u32 $0xFFFFFFFC, v26;
	v21 =	vmov s20;
	v26 =	vmov s21;
	v28 =	vld [tilespmem:s23+$0xF0];
	s23 =	smov.u32 s18  }
0x182: {  	v18 =	vbroadcast v18, $0x0;
	v23 =	vmax.f32 v23, $0.0e+00;
	v20 =	vadd.f32 v20, v19;
	[tilespmem:s17+$0x40] =	vst v22;
	v22 =	vld [tilespmem:s17+$0x50]  }
0x183: {  	v19 =	vand.u32 $0xFFFFFFFD, v21;
	v21 =	vmul.f32 v23, v15;
	v23 =	vld [tilespmem:s18+$0x50];
	v17 =	vadd.f32 v17, v8  }
0x184: {  	v19 =	vbroadcast v19, $0x0;
	v29 =	vld [tilespmem:s17+$0xFFFFFF70];
	v8 =	vmax.f32 v20, $0.0e+00;
	v24 =	vadd.f32 v24, v25  }
.Ltmp1:
0x185: {  	[tilespmem:s17+$0xFFFFFF40] =	vst v21;
	v21 =	vmul.f32 v8, v16;
	v8 =	vld [tilespmem:s17+$0xFFFFFFF0];
	v11 =	vadd.f32 v27, v11;
	v17 =	vmax.f32 v17, $0.0e+00;
	(pc) =	sbr.rel @p0 .LBB2_5-.Ltmp1, $4  }
0x186: {  	v20 =	vld [tilespmem:s18+$0xFFFFFF50];
	v24 =	vmax.f32 v24, $0.0e+00;
	v17 =	vmul.f32 v17, v2;
	v25 =	vadd.f32 v28, v7;
	v2 =	vmovc v16  }
0x187: {  	[tilespmem:s17+$0xFFFFFFC0] =	vst v21;
	v24 =	vmul.f32 v24, v5;
	v7 =	vld [tilespmem:s17+$0xF0];
	v27 =	vmax.f32 v11, $0.0e+00  }
0x188: {  	v21 =	vld [tilespmem:s18+$0xFFFFFFD0];
	v22 =	vadd.f32 v23, v22;
	v16 =	vmul.f32 v27, v1;
	[tilespmem:s12+$0xFFFFFFF0] =	vst v17;
	v23 =	vmax.f32 v25, $0.0e+00;
	v1 =	vmovc v15  }
0x189: {  	s20 =	sadd.s32 $0x2, s24;
	s24 =	sadd.s32 $0x4, s24;
	[tilespmem:s17+$0xC0] =	vst v24;
	v17 =	vmul.f32 v23, v4;
	v11 =	vmov v29;
	v4 =	vmov v5;
	v5 =	vld.idx.msk [tilespmem:v26+s13+$0x0], $0xffff  }
0x18a: {  	_ =	sdelay $0x3  }
0x18b: {  	v15 =	vmov s20;
	s21 =	sadd.s32 $0x200, s17;
	v19 =	vld.idx.msk [tilespmem:v19+s13+$0x0], $0xffff  }
0x18c: {  	s24 =	sadd.s32 $0x200, s18;
	v15 =	vand.u32 $0xFFFFFFFE, v15;
	v24 =	vld [tilespmem:s21+$0x0]  }
0x18d: {  	v25 =	vld [tilespmem:s24+$0x0];
	v23 =	vbroadcast v15, $0x0  }
0x18e: {  	v26 =	vld [tilespmem:s21+$0xFFFFFF00]  }
0x18f: {  	v27 =	vld [tilespmem:s21+$0xFFFFFF80]  }
0x190: {  	v28 =	vld [tilespmem:s24+$0xFFFFFF80]  }
0x191: {  	v52 =	vld [tilespmem:s21+$0x80]  }
0x192: {  	v15 =	vld.idx.msk [tilespmem:v18+s13+$0x0], $0xffff  }
0x193: {  	v18 =	vld.idx.msk [tilespmem:v23+s13+$0x0], $0xffff  }
0x194: {  	v23 =	vld [tilespmem:s24+$0xFFFFFF00]  }
0x195: {  	v29 =	vld [tilespmem:s24+$0x80]  }
0x196: {  	v24 =	vadd.f32 v25, v24  }
0x197: {  	v53 =	vadd.f32 v28, v27  }
0x198: {  	v24 =	vmax.f32 v24, $0.0e+00  }
0x199: {  	v54 =	vld [tilespmem:s21+$0x10];
	v23 =	vadd.f32 v23, v26;
	v24 =	vmul.f32 v24, v18;
	v26 =	vmax.f32 v53, $0.0e+00  }
0x19a: {  	v56 =	vld [tilespmem:s21+$0xFFFFFF10];
	v25 =	vadd.f32 v29, v52;
	v26 =	vmul.f32 v26, v19  }
0x19b: {  	v30 =	vld [tilespmem:s21+$0x90];
	v23 =	vmax.f32 v23, $0.0e+00;
	[tilespmem:s21+$0x0] =	vst v24  }
0x19c: {  	v25 =	vmax.f32 v25, $0.0e+00;
	v23 =	vmul.f32 v23, v15;
	v55 =	vld [tilespmem:s24+$0x10];
	[tilespmem:s21+$0xFFFFFF80] =	vst v26  }
0x19d: {  	v25 =	vmul.f32 v25, v5;
	v26 =	vld [tilespmem:s24+$0xFFFFFF90]  }
0x19e: {  	[tilespmem:s21+$0xFFFFFF00] =	vst v23;
	v23 =	vld [tilespmem:s21+$0xFFFFFF90]  }
0x19f: {  	[tilespmem:s21+$0x80] =	vst v25;
	v57 =	vld [tilespmem:s24+$0xFFFFFF10]  }
0x1a0: {  	v25 =	vld [tilespmem:s24+$0x90];
	_ =	sdelay $0x1  }
0x1a1: {  	v24 =	vadd.f32 v55, v54  }
0x1a2: {  	v23 =	vadd.f32 v26, v23  }
0x1a3: {  	v58 =	vld [tilespmem:s21+$0xFFFFFF20];
	v24 =	vmax.f32 v24, $0.0e+00;
	v59 =	vadd.f32 v57, v56  }
0x1a4: {  	v60 =	vld [tilespmem:s21+$0xFFFFFFA0];
	v25 =	vadd.f32 v25, v30;
	v24 =	vmul.f32 v24, v18;
	v23 =	vmax.f32 v23, $0.0e+00  }
0x1a5: {  	v61 =	vld [tilespmem:s21+$0xA0];
	v27 =	vmax.f32 v59, $0.0e+00;
	v23 =	vmul.f32 v23, v19  }
0x1a6: {  	v62 =	vld [tilespmem:s21+$0x20];
	v25 =	vmax.f32 v25, $0.0e+00;
	[tilespmem:s21+$0x10] =	vst v24;
	v27 =	vmul.f32 v27, v15  }
0x1a7: {  	v63 =	vld [tilespmem:s24+$0x20];
	[tilespmem:s21+$0xFFFFFF90] =	vst v23;
	v23 =	vmul.f32 v25, v5  }
0x1a8: {  	[tilespmem:s21+$0xFFFFFF10] =	vst v27;
	v32 =	vld [tilespmem:s24+$0xFFFFFFA0]  }
0x1a9: {  	v27 =	vld [tilespmem:s24+$0xFFFFFF20];
	[tilespmem:s21+$0x90] =	vst v23  }
0x1aa: {  	v23 =	vld [tilespmem:s24+$0xA0];
	_ =	sdelay $0x1  }
0x1ab: {  	v24 =	vadd.f32 v63, v62  }
0x1ac: {  	v25 =	vadd.f32 v32, v60  }
0x1ad: {  	v33 =	vld [tilespmem:s21+$0xFFFFFF30];
	v24 =	vmax.f32 v24, $0.0e+00;
	v26 =	vadd.f32 v27, v58  }
0x1ae: {  	v34 =	vld [tilespmem:s21+$0xFFFFFFB0];
	v24 =	vmul.f32 v24, v18;
	v25 =	vmax.f32 v25, $0.0e+00;
	v23 =	vadd.f32 v23, v61  }
0x1af: {  	v35 =	vld [tilespmem:s21+$0xB0];
	v26 =	vmax.f32 v26, $0.0e+00;
	v25 =	vmul.f32 v25, v19  }
0x1b0: {  	v36 =	vld [tilespmem:s21+$0x30];
	[tilespmem:s21+$0x20] =	vst v24;
	v26 =	vmul.f32 v26, v15;
	v23 =	vmax.f32 v23, $0.0e+00  }
0x1b1: {  	v22 =	vmax.f32 v22, $0.0e+00;
	v37 =	vld [tilespmem:s24+$0x30];
	[tilespmem:s21+$0xFFFFFFA0] =	vst v25;
	v23 =	vmul.f32 v23, v5  }
0x1b2: {  	v22 =	vmul.f32 v22, v3;
	[tilespmem:s21+$0xFFFFFF20] =	vst v26;
	v25 =	vld [tilespmem:s24+$0xFFFFFFB0]  }
0x1b3: {  	v26 =	vld [tilespmem:s24+$0xFFFFFF30];
	[tilespmem:s21+$0xA0] =	vst v23  }
0x1b4: {  	[tilespmem:s17+$0x50] =	vst v22;
	v22 =	vld [tilespmem:s24+$0xB0];
	_ =	sdelay $0x1  }
0x1b5: {  	v43 =	vld [tilespmem:s18+$0xD0];
	v24 =	vadd.f32 v37, v36  }
0x1b6: {  	v38 =	vld [tilespmem:s21+$0xFFFFFF40];
	v25 =	vadd.f32 v25, v34  }
0x1b7: {  	v39 =	vld [tilespmem:s21+$0xFFFFFFC0];
	v24 =	vmax.f32 v24, $0.0e+00;
	v26 =	vadd.f32 v26, v33  }
0x1b8: {  	v40 =	vld [tilespmem:s21+$0xC0];
	v24 =	vmul.f32 v24, v18;
	v25 =	vmax.f32 v25, $0.0e+00;
	v22 =	vadd.f32 v22, v35  }
0x1b9: {  	v41 =	vld [tilespmem:s21+$0x40];
	v26 =	vmax.f32 v26, $0.0e+00;
	v25 =	vmul.f32 v25, v19  }
0x1ba: {  	v45 =	vld [tilespmem:s21+$0xFFFFFF50];
	[tilespmem:s21+$0x30] =	vst v24;
	v26 =	vmul.f32 v26, v15;
	v22 =	vmax.f32 v22, $0.0e+00  }
0x1bb: {  	v42 =	vld [tilespmem:s24+$0x40];
	[tilespmem:s21+$0xFFFFFFB0] =	vst v25;
	v22 =	vmul.f32 v22, v5  }
0x1bc: {  	[tilespmem:s21+$0xFFFFFF30] =	vst v26;
	v25 =	vld [tilespmem:s24+$0xFFFFFFC0]  }
0x1bd: {  	v12 =	vadd.f32 v20, v12;
	v26 =	vld [tilespmem:s24+$0xFFFFFF40];
	[tilespmem:s21+$0xB0] =	vst v22  }
0x1be: {  	v14 =	vadd.f32 v21, v14;
	v22 =	vld [tilespmem:s24+$0xC0]  }
0x1bf: {  	v46 =	vld [tilespmem:s21+$0xFFFFFFD0];
	v12 =	vmax.f32 v12, $0.0e+00;
	v13 =	vadd.f32 v43, v13  }
0x1c0: {  	v20 =	vld [tilespmem:s21+$0x50];
	v12 =	vmul.f32 v12, v1;
	v14 =	vmax.f32 v14, $0.0e+00;
	v24 =	vadd.f32 v42, v41  }
0x1c1: {  	v51 =	vld [tilespmem:s21+$0xFFFFFF60];
	v14 =	vmul.f32 v14, v2;
	v13 =	vmax.f32 v13, $0.0e+00;
	v25 =	vadd.f32 v25, v39  }
0x1c2: {  	v21 =	vld [tilespmem:s21+$0xD0];
	[tilespmem:s17+$0xFFFFFF50] =	vst v12;
	v13 =	vmul.f32 v13, v4;
	v24 =	vmax.f32 v24, $0.0e+00;
	v26 =	vadd.f32 v26, v38  }
0x1c3: {  	v31 =	vld [tilespmem:s18+$0x60];
	[tilespmem:s17+$0xFFFFFFD0] =	vst v14;
	v24 =	vmul.f32 v24, v18;
	v25 =	vmax.f32 v25, $0.0e+00;
	v22 =	vadd.f32 v22, v40  }
0x1c4: {  	v12 =	vld [tilespmem:s23+$0xFFFFFFE0];
	[tilespmem:s17+$0xD0] =	vst v13;
	v26 =	vmax.f32 v26, $0.0e+00;
	v25 =	vmul.f32 v25, v19  }
0x1c5: {  	v13 =	vld [tilespmem:s23+$0xFFFFFF60];
	[tilespmem:s21+$0x40] =	vst v24;
	v47 =	vmul.f32 v26, v15;
	v22 =	vmax.f32 v22, $0.0e+00  }
0x1c6: {  	v48 =	vld [tilespmem:s24+$0x50];
	[tilespmem:s21+$0xFFFFFFC0] =	vst v25;
	v22 =	vmul.f32 v22, v5  }
0x1c7: {  	[tilespmem:s21+$0xFFFFFF40] =	vst v47;
	v49 =	vld [tilespmem:s24+$0xFFFFFFD0]  }
0x1c8: {  	v50 =	vld [tilespmem:s24+$0xFFFFFF50];
	[tilespmem:s21+$0xC0] =	vst v22  }
0x1c9: {  	v14 =	vld [tilespmem:s24+$0xD0]  }
0x1ca: {  	v52 =	vld [tilespmem:s21+$0xFFFFFFE0];
	v10 =	vadd.f32 v13, v10  }
0x1cb: {  	v23 =	vld [tilespmem:s17+$0x60];
	v20 =	vadd.f32 v48, v20  }
0x1cc: {  	v9 =	vadd.f32 v12, v9;
	v10 =	vmax.f32 v10, $0.0e+00;
	v22 =	vld [tilespmem:s23+$0xE0];
	v24 =	vadd.f32 v49, v46  }
0x1cd: {  	v53 =	vld [tilespmem:s21+$0xFFFFFFF0];
	v10 =	vmul.f32 v10, v1;
	v20 =	vmax.f32 v20, $0.0e+00;
	v25 =	vadd.f32 v50, v45  }
0x1ce: {  	v12 =	vld [tilespmem:s21+$0xE0];
	v20 =	vmul.f32 v20, v18;
	v24 =	vmax.f32 v24, $0.0e+00;
	v14 =	vadd.f32 v14, v21  }
0x1cf: {  	v13 =	vld [tilespmem:s21+$0x60];
	[tilespmem:s17+$0xFFFFFF60] =	vst v10;
	v21 =	vmax.f32 v25, $0.0e+00;
	v24 =	vmul.f32 v24, v19  }
0x1d0: {  	v10 =	vld [tilespmem:s23+$0xFFFFFF70];
	v23 =	vadd.f32 v31, v23;
	[tilespmem:s21+$0x50] =	vst v20;
	v20 =	vmul.f32 v21, v15;
	v14 =	vmax.f32 v14, $0.0e+00  }
0x1d1: {  	v9 =	vmax.f32 v9, $0.0e+00;
	v6 =	vadd.f32 v22, v6;
	v21 =	vld [tilespmem:s24+$0x60];
	[tilespmem:s21+$0xFFFFFFD0] =	vst v24;
	v14 =	vmul.f32 v14, v5  }
0x1d2: {  	v9 =	vmul.f32 v9, v2;
	v23 =	vmax.f32 v23, $0.0e+00;
	[tilespmem:s21+$0xFFFFFF50] =	vst v20;
	v20 =	vld [tilespmem:s24+$0xFFFFFFE0]  }
0x1d3: {  	v23 =	vmul.f32 v23, v3;
	v6 =	vmax.f32 v6, $0.0e+00;
	[tilespmem:s21+$0xD0] =	vst v14;
	v14 =	vld [tilespmem:s24+$0xFFFFFF60]  }
0x1d4: {  	[tilespmem:s17+$0xFFFFFFE0] =	vst v9;
	v6 =	vmul.f32 v6, v4;
	v9 =	vld [tilespmem:s24+$0xE0]  }
0x1d5: {  	[tilespmem:s17+$0x60] =	vst v23;
	v23 =	vld [tilespmem:s17+$0x70]  }
0x1d6: {  	v44 =	vld [tilespmem:s23+$0x70];
	[tilespmem:s17+$0xE0] =	vst v6;
	v6 =	vadd.f32 v21, v13  }
0x1d7: {  	v22 =	vld [tilespmem:s23+$0xFFFFFFF0];
	v20 =	vadd.f32 v20, v52  }
0x1d8: {  	v13 =	vld [tilespmem:s23+$0xF0];
	v6 =	vmax.f32 v6, $0.0e+00;
	v14 =	vadd.f32 v14, v51  }
0x1d9: {  	v21 =	vld [tilespmem:s21+$0xFFFFFF70];
	v6 =	vmul.f32 v6, v18;
	v20 =	vmax.f32 v20, $0.0e+00;
	v9 =	vadd.f32 v9, v12  }
0x1da: {  	v12 =	vld [tilespmem:s21+$0xF0];
	v20 =	vmul.f32 v20, v19;
	v14 =	vmax.f32 v14, $0.0e+00  }
0x1db: {  	[tilespmem:s21+$0x60] =	vst v6;
	v6 =	vld [tilespmem:s21+$0x70];
	v14 =	vmul.f32 v14, v15;
	v9 =	vmax.f32 v9, $0.0e+00  }
0x1dc: {  	v54 =	vld [tilespmem:s24+$0x70];
	[tilespmem:s21+$0xFFFFFFE0] =	vst v20;
	v9 =	vmul.f32 v9, v5  }
0x1dd: {  	v20 =	vadd.f32 v44, v23;
	v23 =	vld [tilespmem:s24+$0xFFFFFFF0];
	[tilespmem:s21+$0xFFFFFF60] =	vst v14  }
0x1de: {  	v8 =	vadd.f32 v22, v8;
	v14 =	vld [tilespmem:s24+$0xFFFFFF70];
	[tilespmem:s21+$0xE0] =	vst v9  }
0x1df: {  	v10 =	vadd.f32 v10, v11;
	v9 =	vmax.f32 v20, $0.0e+00;
	v11 =	vld [tilespmem:s24+$0xF0]  }
0x1e0: {  	[tilespmem:s12+$0xFFFFFF70] =	vst v16;
	v8 =	vmax.f32 v8, $0.0e+00;
	v7 =	vadd.f32 v13, v7;
	v3 =	vmul.f32 v9, v3  }
0x1e1: {  	[tilespmem:s12+$0xF0] =	vst v17;
	v2 =	vmul.f32 v8, v2;
	v8 =	vmax.f32 v10, $0.0e+00;
	v6 =	vadd.f32 v54, v6  }
0x1e2: {  	v1 =	vmul.f32 v8, v1;
	[tilespmem:s17+$0x70] =	vst v3;
	v3 =	vmax.f32 v7, $0.0e+00;
	v7 =	vadd.f32 v23, v53  }
0x1e3: {  	[tilespmem:s17+$0xFFFFFFF0] =	vst v2;
	v2 =	vmul.f32 v3, v4;
	v3 =	vmax.f32 v6, $0.0e+00;
	v4 =	vadd.f32 v14, v21  }
0x1e4: {  	[tilespmem:s17+$0xFFFFFF70] =	vst v1;
	v1 =	vmul.f32 v3, v18;
	v3 =	vmax.f32 v7, $0.0e+00;
	v6 =	vadd.f32 v11, v12  }
0x1e5: {  	[tilespmem:s17+$0xF0] =	vst v2;
	v2 =	vmul.f32 v3, v19;
	v3 =	vmax.f32 v4, $0.0e+00  }
0x1e6: {  	[tilespmem:s21+$0x70] =	vst v1;
	v1 =	vmul.f32 v3, v15;
	v3 =	vmax.f32 v6, $0.0e+00  }
0x1e7: {  	[tilespmem:s21+$0xFFFFFFF0] =	vst v2;
	v2 =	vmul.f32 v3, v5  }
0x1e8: {  	[tilespmem:s21+$0xFFFFFF70] =	vst v1  }
0x1e9: {  	[tilespmem:s21+$0xF0] =	vst v2  }
0x1ea: {  	[spmem:s2] =	stream.indirect.scatter.add.f32 [tilespmem:s14], [sflag:$0x5], $0x80, s16, s22, $0xb8;
	[tilespmem:$0x1E600] =	vst v63  }
0x1eb: {  	s12 =	smul.u32 $0xA0, s4;
	_ =	swait.ge [sflag:s15], $0x2800  }
0x1ec: {  	s0 =	rddreg [dreg:$0xd]  }
0x1ed: {  	s17 =	sadd.s32 s12, s0  }
0x1ee: {  	[sflag:s15] =	ssyncset.done $0x0;
	s0 =	sshrl.u32 s17, $0x3  }
0x1ef: {  	s18 =	simm.s32 $0x0;
	[sflag:s15] =	ssyncadd.s32 $0xFFFFD800;
	s21 =	sadd.s32 s6, s0  }
0x1f0: {  	[tilespmem:s18], [sflag:$0x1] =	stream.linear.gather [hbm4b:s21+s18], $0x50, $0x38;
	[tilespmem:$0x1E600] =	vst v63  }
0x1f1: {  	s23 =	sadd.s32 s7, s0  }
0x1f2: {  	[tilespmem:s16], [sflag:$0x1] =	stream.linear.gather [hbm4b:s23+s18], $0x50, $0x38;
	[tilespmem:$0x1E600] =	vst v63  }
0x1f3: {  	s24 =	simm.s32 $0x100;
	s17 =	sshll.u32 s17, $0x4;
	s20 =	sadd.s32 s8, s0  }
0x1f4: {  	[tilespmem:s24], [sflag:$0x1] =	stream.linear.gather [hbm4b:s20+s18], $0x50, $0x38;
	[tilespmem:$0x1E600] =	vst v63  }
0x1f5: {  	s17 =	sadd.s32 s5, s17;
	s21 =	simm.s32 $0x2B00  }
0x1f6: {  	[tilespmem:s21], [sflag:$0x1] =	stream.linear.gather [hbm4b:s17+s18], $0x2800, $0x38;
	[tilespmem:$0x1E600] =	vst v63  }
0x1f7: {  	_ =	swait.ge [sflag:s11], $0x2800  }
0x1f8: {  	[sflag:s11] =	ssyncset.done $0x0  }
0x1f9: {  	[sflag:s11] =	ssyncadd.s32 $0xFFFFD800  }
0x1fa: {  	_ =	swait.ge [sflag:s11], $0x50  }
0x1fb: {  	[sflag:s11] =	ssyncset.done $0x0  }
0x1fc: {  	[sflag:s11] =	ssyncadd.s32 $0xFFFFFFB0  }
0x1fd: {  	_ =	swait.ge [sflag:s11], $0x50  }
0x1fe: {  	[sflag:s11] =	ssyncset.done $0x0  }
0x1ff: {  	[sflag:s11] =	ssyncadd.s32 $0xFFFFFFB0  }
0x200: {  	_ =	swait.ge [sflag:s19], $0x50  }
0x201: {  	[sflag:s19] =	ssyncset.done $0x0  }
0x202: {  	[sflag:s19] =	ssyncadd.s32 $0xFFFFFFB0  }
0x203: {  	_ =	swait.ge [sflag:s19], $0x50  }
0x204: {  	[sflag:s19] =	ssyncset.done $0x0  }
0x205: {  	[sflag:s19] =	ssyncadd.s32 $0xFFFFFFB0  }
0x206: {  	_ =	swait.ge [sflag:s19], $0x50  }
0x207: {  	[sflag:s19] =	ssyncset.done $0x0  }
0x208: {  	[sflag:s19] =	ssyncadd.s32 $0xFFFFFFB0  }
0x209: {  	_ =	swait.ge [sflag:s19], $0x2800  }
0x20a: {  	[sflag:s19] =	ssyncset.done $0x0  }
0x20b: {  	[sflag:s19] =	ssyncadd.s32 $0xFFFFD800  }
0x20c: {  	[tilespmem:s14], [sflag:$0x2] =	stream.indirect.gather [hbm4b:s1+s22], $0x80, s18, s22, $0xb8;
	[tilespmem:$0x1E600] =	vst v63  }
0x20d: {  	s23 =	simm.s32 $0x180  }
0x20e: {  	[tilespmem:s23], [sflag:$0x2] =	stream.indirect.gather [hbm4b:s9+s22], $0x1, s18, s22, $0xb8;
	[tilespmem:$0x1E600] =	vst v63  }
0x20f: {  	s24 =	simm.s32 $0x200  }
0x210: {  	[tilespmem:s24], [sflag:$0x2] =	stream.indirect.gather [hbm4b:s10+s22], $0x1, s16, s22, $0xb8;
	[tilespmem:$0x1E600] =	vst v63  }
0x211: {  	v1 =	vld [tilespmem:$0x5480]  }
0x212: {  	v2 =	vld [tilespmem:$0x5500];
	_ =	sdelay $0x1  }
0x213: {  	v3 =	vld [tilespmem:$0x5400];
	_ =	sdelay $0x2  }
0x214: {  	v1 =	vadd.f32 v2, v1;
	_ =	sdelay $0x1  }
0x215: {  	v1 =	vadd.f32 v3, v1;
	_ =	sdelay $0x1  }
0x216: {  	v1 =	vsub.f32 $0.0e+00, v1;
	_ =	sdelay $0x1  }
0x217: {  	v1 =	vmul.f32 $1.442695020e+00, v1  }
0x218: {  	v2 =	vld [tilespmem:$0x5490]  }
0x219: {  	(erf) = vpow2.f32 v1;
	v1 =	vld [tilespmem:$0x5510];
	_ =	sdelay $0x1  }
0x21a: {  	v3 =	vld [tilespmem:$0x5410];
	_ =	sdelay $0x2  }
0x21b: {  	v1 =	vadd.f32 v1, v2;
	_ =	sdelay $0x1  }
0x21c: {  	v1 =	vadd.f32 v3, v1;
	_ =	sdelay $0x1  }
0x21d: {  	v2 =	vpop (erf);
	v1 =	vsub.f32 $0.0e+00, v1  }
0x21e: {  	v2 =	vadd.f32 $1.000000000e+00, v2  }
0x21f: {  	v1 =	vmul.f32 $1.442695020e+00, v1  }
0x220: {  	(erf) = vrcp.f32 v2;
	v2 =	vld [tilespmem:$0x54A0]  }
0x221: {  	(erf) = vpow2.f32 v1;
	v1 =	vld [tilespmem:$0x5520];
	_ =	sdelay $0x1  }
0x222: {  	v3 =	vld [tilespmem:$0x5420];
	_ =	sdelay $0x2  }
0x223: {  	v1 =	vadd.f32 v1, v2;
	_ =	sdelay $0x1  }
0x224: {  	v1 =	vadd.f32 v3, v1  }
0x225: {  	v2 =	vpop (erf)  }
0x226: {  	v3 =	vpop (erf);
	v1 =	vsub.f32 $0.0e+00, v1  }
0x227: {  	v3 =	vadd.f32 $1.000000000e+00, v3  }
0x228: {  	v1 =	vmul.f32 $1.442695020e+00, v1  }
0x229: {  	(erf) = vrcp.f32 v3;
	v3 =	vld [tilespmem:$0x54B0]  }
0x22a: {  	(erf) = vpow2.f32 v1;
	v1 =	vld [tilespmem:$0x5530];
	_ =	sdelay $0x1  }
0x22b: {  	v4 =	vld [tilespmem:$0x5430];
	_ =	sdelay $0x2  }
0x22c: {  	v1 =	vadd.f32 v1, v3;
	_ =	sdelay $0x1  }
0x22d: {  	v1 =	vadd.f32 v4, v1  }
0x22e: {  	v3 =	vpop (erf)  }
0x22f: {  	v4 =	vpop (erf);
	v1 =	vsub.f32 $0.0e+00, v1  }
0x230: {  	v4 =	vadd.f32 $1.000000000e+00, v4  }
0x231: {  	v1 =	vmul.f32 $1.442695020e+00, v1  }
0x232: {  	(erf) = vrcp.f32 v4;
	v4 =	vld [tilespmem:$0x54C0]  }
0x233: {  	(erf) = vpow2.f32 v1;
	v1 =	vld [tilespmem:$0x5540];
	_ =	sdelay $0x1  }
0x234: {  	v5 =	vld [tilespmem:$0x5440];
	_ =	sdelay $0x2  }
0x235: {  	v1 =	vadd.f32 v1, v4;
	_ =	sdelay $0x1  }
0x236: {  	v1 =	vadd.f32 v5, v1  }
0x237: {  	v4 =	vpop (erf)  }
0x238: {  	v5 =	vpop (erf);
	v1 =	vsub.f32 $0.0e+00, v1  }
0x239: {  	v5 =	vadd.f32 $1.000000000e+00, v5  }
0x23a: {  	v1 =	vmul.f32 $1.442695020e+00, v1  }
0x23b: {  	(erf) = vrcp.f32 v5  }
0x23c: {  	(erf) = vpow2.f32 v1;
	_ =	sdelay $0x7  }
0x23d: {  	v1 =	vpop (erf)  }
0x23e: {  	v5 =	vpop (erf)  }
0x23f: {  	v5 =	vadd.f32 $1.000000000e+00, v5;
	_ =	sdelay $0x1  }
0x240: {  	(erf) = vrcp.f32 v5;
	_ =	sdelay $0x5  }
0x241: {  	[tilespmem:$0x5580] =	vst v2  }
0x242: {  	s0 =	simm.s32 $0x2;
	[tilespmem:$0x5590] =	vst v3  }
0x243: {  	v2 =	vmov s0;
	[tilespmem:$0x55A0] =	vst v4  }
0x244: {  	v2 =	vand.u32 $0xFFFFFFFE, v2;
	[tilespmem:$0x55B0] =	vst v1;
	v1 =	vpop (erf)  }
0x245: {  	s17 =	simm.s32 $0x5700;
	v2 =	vbroadcast v2, $0x0;
	[tilespmem:$0x55C0] =	vst v1;
	v1 =	vmov s18  }
0x246: {  	s24 =	simm.s32 $0x7F00;
	v1 =	vand.u32 $0xFFFFFFFC, v1;
	v3 =	vld [tilespmem:s17+$0x0]  }
0x247: {  	v4 =	vld [tilespmem:s24+$0x0];
	v1 =	vbroadcast v1, $0x0;
	_ =	sdelay $0x3  }
0x248: {  	s20 =	simm.s32 $0x1;
	v8 =	vld.idx.msk [tilespmem:v2+s28+$0x0], $0xffff  }
0x249: {  	v2 =	vadd.f32 v4, v3;
	v3 =	vmov s20  }
0x24a: {  	v5 =	vld.idx.msk [tilespmem:v1+s28+$0x0], $0xffff;
	v1 =	vand.u32 $0xFFFFFFFD, v3  }
0x24b: {  	v4 =	vld [tilespmem:s24+$0xFFFFFF00];
	v1 =	vbroadcast v1, $0x0  }
0x24c: {  	v3 =	vld [tilespmem:s17+$0xFFFFFF00];
	v2 =	vmax.f32 v2, $0.0e+00  }
0x24d: {  	v6 =	vld [tilespmem:s17+$0xFFFFFF80];
	v2 =	vmul.f32 v2, v8  }
0x24e: {  	v9 =	vld [tilespmem:s24+$0xFFFFFF80]  }
0x24f: {  	s21 =	simm.s32 $0x3;
	[tilespmem:s17+$0x0] =	vst v2;
	v2 =	vld [tilespmem:s17+$0x10]  }
0x250: {  	v10 =	vmov s21;
	v11 =	vld [tilespmem:s24+$0x10]  }
0x251: {  	v7 =	vld.idx.msk [tilespmem:v1+s28+$0x0], $0xffff;
	v1 =	vadd.f32 v4, v3;
	_ =	sdelay $0x1  }
0x252: {  	v6 =	vadd.f32 v9, v6;
	v3 =	vld [tilespmem:s17+$0x80];
	v1 =	vmax.f32 v1, $0.0e+00  }
0x253: {  	v4 =	vld [tilespmem:s24+$0x80];
	v1 =	vmul.f32 v1, v5  }
0x254: {  	v15 =	vld.idx.msk [tilespmem:v10+s28+$0x0], $0xffff;
	v6 =	vmax.f32 v6, $0.0e+00  }
0x255: {  	v9 =	vld [tilespmem:s17+$0xFFFFFF10];
	v2 =	vadd.f32 v11, v2;
	[tilespmem:s17+$0xFFFFFF00] =	vst v1;
	v1 =	vmul.f32 v6, v7  }
0x256: {  	v10 =	vld [tilespmem:s24+$0xFFFFFF10]  }
0x257: {  	v2 =	vmax.f32 v2, $0.0e+00;
	v6 =	vld [tilespmem:s17+$0xFFFFFF90];
	[tilespmem:s17+$0xFFFFFF80] =	vst v1  }
0x258: {  	v2 =	vmul.f32 v2, v8;
	v3 =	vadd.f32 v4, v3;
	v1 =	vld [tilespmem:s24+$0xFFFFFF90];
	_ =	sdelay $0x1  }
0x259: {  	[tilespmem:s17+$0x10] =	vst v2;
	v2 =	vmax.f32 v3, $0.0e+00;
	v3 =	vld [tilespmem:s17+$0x20]  }
0x25a: {  	v2 =	vmul.f32 v2, v15;
	v4 =	vld [tilespmem:s24+$0x20];
	v9 =	vadd.f32 v10, v9;
	_ =	sdelay $0x1  }
0x25b: {  	v11 =	vld [tilespmem:s17+$0x90];
	[tilespmem:s17+$0x80] =	vst v2;
	v9 =	vmax.f32 v9, $0.0e+00;
	v1 =	vadd.f32 v1, v6  }
0x25c: {  	v2 =	vld [tilespmem:s24+$0x90];
	v9 =	vmul.f32 v9, v5  }
0x25d: {  	v14 =	vld [tilespmem:s17+$0xFFFFFF30];
	v1 =	vmax.f32 v1, $0.0e+00  }
0x25e: {  	v10 =	vld [tilespmem:s17+$0xFFFFFF20];
	v3 =	vadd.f32 v4, v3;
	[tilespmem:s17+$0xFFFFFF10] =	vst v9;
	v1 =	vmul.f32 v1, v7  }
0x25f: {  	v9 =	vld [tilespmem:s24+$0xFFFFFF20]  }
0x260: {  	v6 =	vld [tilespmem:s17+$0xFFFFFFA0];
	v3 =	vmax.f32 v3, $0.0e+00;
	[tilespmem:s17+$0xFFFFFF90] =	vst v1  }
0x261: {  	v2 =	vadd.f32 v2, v11;
	v1 =	vmul.f32 v3, v8;
	v3 =	vld [tilespmem:s24+$0xFFFFFFA0]  }
0x262: {  	v13 =	vld [tilespmem:s17+$0xA0]  }
0x263: {  	v17 =	vld [tilespmem:s17+$0xFFFFFF40];
	v2 =	vmax.f32 v2, $0.0e+00  }
0x264: {  	[tilespmem:s17+$0x20] =	vst v1;
	v1 =	vmul.f32 v2, v15;
	v2 =	vld [tilespmem:s17+$0x30];
	v9 =	vadd.f32 v9, v10  }
0x265: {  	v16 =	vld [tilespmem:s24+$0x30]  }
0x266: {  	v19 =	vld [tilespmem:s17+$0xFFFFFFC0];
	[tilespmem:s17+$0x90] =	vst v1;
	v9 =	vmax.f32 v9, $0.0e+00;
	v3 =	vadd.f32 v3, v6  }
0x267: {  	v1 =	vld [tilespmem:s24+$0xA0];
	v6 =	vmul.f32 v9, v5  }
0x268: {  	v12 =	vld [tilespmem:s17+$0xFFFFFFD0];
	v3 =	vmax.f32 v3, $0.0e+00  }
0x269: {  	v20 =	vld [tilespmem:s17+$0xC0];
	[tilespmem:s17+$0xFFFFFF20] =	vst v6;
	v3 =	vmul.f32 v3, v7  }
0x26a: {  	v2 =	vadd.f32 v16, v2;
	v6 =	vld [tilespmem:s24+$0xFFFFFF30]  }
0x26b: {  	v4 =	vld [tilespmem:s17+$0xFFFFFFB0];
	[tilespmem:s17+$0xFFFFFFA0] =	vst v3  }
0x26c: {  	v2 =	vmax.f32 v2, $0.0e+00;
	v1 =	vadd.f32 v1, v13;
	v3 =	vld [tilespmem:s24+$0xFFFFFFB0]  }
0x26d: {  	s18 =	simm.s32 $0x5900;
	v18 =	vld [tilespmem:s17+$0xE0];
	v2 =	vmul.f32 v2, v8  }
0x26e: {  	v23 =	vld [tilespmem:s18+$0x0];
	v1 =	vmax.f32 v1, $0.0e+00  }
0x26f: {  	v11 =	vld [tilespmem:s17+$0xB0];
	[tilespmem:s17+$0x30] =	vst v2;
	v1 =	vmul.f32 v1, v15;
	v2 =	vadd.f32 v6, v14  }
0x270: {  	v16 =	vld [tilespmem:s24+$0x40]  }
0x271: {  	v14 =	vld [tilespmem:s17+$0x40];
	[tilespmem:s17+$0xA0] =	vst v1;
	v1 =	vmax.f32 v2, $0.0e+00;
	v2 =	vadd.f32 v3, v4  }
0x272: {  	v3 =	vld [tilespmem:s24+$0xB0];
	v1 =	vmul.f32 v1, v5  }
0x273: {  	v56 =	vld [tilespmem:s18+$0xFFFFFF00];
	v2 =	vmax.f32 v2, $0.0e+00  }
0x274: {  	v58 =	vld [tilespmem:s18+$0xFFFFFF80];
	[tilespmem:s17+$0xFFFFFF30] =	vst v1;
	v1 =	vmul.f32 v2, v7  }
0x275: {  	v2 =	vld [tilespmem:s24+$0xFFFFFF40]  }
0x276: {  	v63 =	vld [tilespmem:s17+$0x70];
	v4 =	vadd.f32 v16, v14;
	[tilespmem:s17+$0xFFFFFFB0] =	vst v1  }
0x277: {  	v1 =	vadd.f32 v3, v11;
	v3 =	vld [tilespmem:s24+$0xFFFFFFC0]  }
0x278: {  	v33 =	vld [tilespmem:s18+$0xFFFFFF10];
	v4 =	vmax.f32 v4, $0.0e+00  }
0x279: {  	v34 =	vld [tilespmem:s18+$0xFFFFFF90];
	v4 =	vmul.f32 v4, v8;
	v1 =	vmax.f32 v1, $0.0e+00  }
0x27a: {  	s23 =	simm.s32 $0x4;
	v37 =	vld [tilespmem:s18+$0xFFFFFF20];
	v1 =	vmul.f32 v1, v15;
	v2 =	vadd.f32 v2, v17  }
0x27b: {  	v14 =	vld [tilespmem:s17+$0x50];
	[tilespmem:s17+$0x40] =	vst v4;
	v4 =	vmov s23  }
0x27c: {  	[tilespmem:s17+$0xB0] =	vst v1;
	v1 =	vand.u32 $0xFFFFFFFC, v4;
	v4 =	vld [tilespmem:s24+$0x50];
	v2 =	vmax.f32 v2, $0.0e+00;
	v3 =	vadd.f32 v3, v19  }
0x27d: {  	s0 =	simm.s32 $0x5;
	v38 =	vld [tilespmem:s18+$0x20];
	v2 =	vmul.f32 v2, v5  }
0x27e: {  	v40 =	vld [tilespmem:s18+$0xFFFFFFA0];
	v11 =	vmov s0;
	v3 =	vmax.f32 v3, $0.0e+00  }
0x27f: {  	v41 =	vld [tilespmem:s18+$0xA0];
	s20 =	simm.s32 $0x6;
	v17 =	vand.u32 $0xFFFFFFFD, v11;
	[tilespmem:s17+$0xFFFFFF40] =	vst v2;
	v2 =	vmul.f32 v3, v7  }
0x280: {  	v42 =	vld [tilespmem:s18+$0xFFFFFF30];
	v22 =	vmov s20;
	v3 =	vbroadcast v17, $0x0  }
0x281: {  	v32 =	vld [tilespmem:s18+$0xFFFFFF40];
	[tilespmem:s17+$0xFFFFFFC0] =	vst v2;
	v2 =	vadd.f32 v4, v14;
	v4 =	vand.u32 $0xFFFFFFFE, v22  }
0x282: {  	v46 =	vld [tilespmem:s18+$0xFFFFFFC0];
	v4 =	vbroadcast v4, $0x0  }
0x283: {  	v10 =	vld [tilespmem:s17+$0xFFFFFF50];
	s23 =	simm.s32 $0x8100  }
0x284: {  	v55 =	vld [tilespmem:s23+$0x0];
	v2 =	vmax.f32 v2, $0.0e+00  }
0x285: {  	v19 =	vld [tilespmem:s24+$0xC0];
	v22 =	vmul.f32 v2, v8  }
0x286: {  	v2 =	vld.idx.msk [tilespmem:v3+s28+$0x0], $0xffff  }
0x287: {  	v1 =	vbroadcast v1, $0x0;
	[tilespmem:s17+$0x50] =	vst v22;
	v22 =	vld [tilespmem:s17+$0x60]  }
0x288: {  	v3 =	vld.idx.msk [tilespmem:v4+s28+$0x0], $0xffff  }
0x289: {  	v4 =	vld [tilespmem:s24+$0x60]  }
0x28a: {  	v57 =	vld [tilespmem:s23+$0xFFFFFF00];
	v23 =	vadd.f32 v55, v23  }
0x28b: {  	s21 =	simm.s32 $0x7;
	v60 =	vld [tilespmem:s23+$0x80]  }
0x28c: {  	v59 =	vmov s21;
	v23 =	vmax.f32 v23, $0.0e+00;
	v19 =	vadd.f32 v19, v20;
	v20 =	vld [tilespmem:s23+$0xFFFFFF80]  }
0x28d: {  	v1 =	vld.idx.msk [tilespmem:v1+s28+$0x0], $0xffff;
	v23 =	vmul.f32 v23, v3  }
0x28e: {  	v4 =	vadd.f32 v4, v22;
	v22 =	vld [tilespmem:s18+$0x80]  }
0x28f: {  	v24 =	vadd.f32 v57, v56;
	[tilespmem:s18+$0x0] =	vst v23;
	v23 =	vld [tilespmem:s18+$0x10]  }
0x290: {  	v4 =	vmax.f32 v4, $0.0e+00;
	v62 =	vld [tilespmem:s23+$0x10]  }
0x291: {  	v24 =	vmax.f32 v24, $0.0e+00;
	v20 =	vadd.f32 v20, v58;
	v61 =	vmul.f32 v4, v8;
	v4 =	vld.idx.msk [tilespmem:v59+s28+$0x0], $0xffff  }
0x292: {  	v9 =	vld [tilespmem:s17+$0xFFFFFFE0];
	v24 =	vmul.f32 v24, v1  }
0x293: {  	v13 =	vld [tilespmem:s17+$0xD0];
	v20 =	vmax.f32 v20, $0.0e+00;
	v22 =	vadd.f32 v60, v22  }
0x294: {  	v6 =	vld [tilespmem:s17+$0xFFFFFF60];
	[tilespmem:s18+$0xFFFFFF00] =	vst v24;
	v20 =	vmul.f32 v20, v2  }
0x295: {  	v35 =	vld [tilespmem:s23+$0xFFFFFF10];
	v22 =	vmax.f32 v22, $0.0e+00;
	v23 =	vadd.f32 v62, v23  }
0x296: {  	v16 =	vld [tilespmem:s17+$0xFFFFFF70];
	[tilespmem:s18+$0xFFFFFF80] =	vst v20;
	v20 =	vmul.f32 v22, v4  }
0x297: {  	v36 =	vld [tilespmem:s23+$0xFFFFFF90];
	v23 =	vmax.f32 v23, $0.0e+00  }
0x298: {  	v22 =	vld [tilespmem:s18+$0x90];
	[tilespmem:s18+$0x80] =	vst v20;
	v23 =	vmul.f32 v23, v3  }
0x299: {  	v20 =	vld [tilespmem:s23+$0x90]  }
0x29a: {  	v14 =	vld [tilespmem:s24+$0xFFFFFFD0];
	v19 =	vmax.f32 v19, $0.0e+00;
	[tilespmem:s18+$0x10] =	vst v23;
	v23 =	vadd.f32 v35, v33  }
0x29b: {  	v21 =	vld [tilespmem:s24+$0xFFFFFF50];
	v19 =	vmul.f32 v19, v15  }
0x29c: {  	v24 =	vadd.f32 v36, v34;
	v39 =	vld [tilespmem:s23+$0x20];
	v23 =	vmax.f32 v23, $0.0e+00  }
0x29d: {  	v11 =	vld [tilespmem:s17+$0xFFFFFFF0];
	[tilespmem:s17+$0xC0] =	vst v19;
	v23 =	vmul.f32 v23, v1  }
0x29e: {  	v19 =	vld [tilespmem:s24+$0xD0];
	v24 =	vmax.f32 v24, $0.0e+00;
	v20 =	vadd.f32 v20, v22  }
0x29f: {  	v17 =	vld [tilespmem:s17+$0xF0];
	v14 =	vadd.f32 v14, v12;
	v22 =	vmul.f32 v24, v2;
	[tilespmem:s18+$0xFFFFFF10] =	vst v23  }
0x2a0: {  	v10 =	vadd.f32 v21, v10;
	v20 =	vmax.f32 v20, $0.0e+00;
	v43 =	vld [tilespmem:s23+$0xFFFFFF20]  }
0x2a1: {  	v12 =	vld [tilespmem:s18+$0xFFFFFF50];
	v21 =	vmax.f32 v14, $0.0e+00;
	[tilespmem:s18+$0xFFFFFF90] =	vst v22;
	v25 =	vadd.f32 v39, v38;
	v20 =	vmul.f32 v20, v4  }
0x2a2: {  	v21 =	vmul.f32 v21, v7;
	v44 =	vld [tilespmem:s23+$0xFFFFFFA0]  }
0x2a3: {  	v14 =	vld [tilespmem:s18+$0xFFFFFFD0];
	v19 =	vadd.f32 v19, v13;
	v25 =	vmax.f32 v25, $0.0e+00;
	[tilespmem:s18+$0x90] =	vst v20  }
0x2a4: {  	v10 =	vmax.f32 v10, $0.0e+00;
	[tilespmem:s17+$0xFFFFFFD0] =	vst v21;
	v20 =	vmul.f32 v25, v3;
	v45 =	vld [tilespmem:s23+$0xA0]  }
0x2a5: {  	v10 =	vmul.f32 v10, v5;
	v51 =	vld [tilespmem:s24+$0xFFFFFFE0];
	v19 =	vmax.f32 v19, $0.0e+00;
	v24 =	vadd.f32 v43, v37  }
0x2a6: {  	v19 =	vmul.f32 v19, v15;
	[tilespmem:s18+$0x20] =	vst v20;
	v20 =	vld [tilespmem:s18+$0x30]  }
0x2a7: {  	[tilespmem:s17+$0xFFFFFF50] =	vst v10;
	v27 =	vadd.f32 v44, v40;
	v47 =	vld [tilespmem:s23+$0x30];
	v24 =	vmax.f32 v24, $0.0e+00  }
0x2a8: {  	[tilespmem:s17+$0xD0] =	vst v19;
	v19 =	vld [tilespmem:s24+$0xFFFFFF60];
	v24 =	vmul.f32 v24, v1  }
0x2a9: {  	[tilespmem:s17+$0x60] =	vst v61;
	v53 =	vld [tilespmem:s24+$0xE0];
	v27 =	vmax.f32 v27, $0.0e+00;
	v25 =	vadd.f32 v45, v41  }
0x2aa: {  	v61 =	vld [tilespmem:s18+$0x50];
	v48 =	vmul.f32 v27, v2;
	[tilespmem:s18+$0xFFFFFF20] =	vst v24  }
0x2ab: {  	v13 =	vmax.f32 v25, $0.0e+00;
	v49 =	vld [tilespmem:s23+$0xFFFFFF30]  }
0x2ac: {  	v23 =	vld [tilespmem:s18+$0xFFFFFFB0];
	[tilespmem:s18+$0xFFFFFFA0] =	vst v48;
	v50 =	vmul.f32 v13, v4;
	v20 =	vadd.f32 v47, v20  }
0x2ad: {  	v21 =	vld [tilespmem:s23+$0xFFFFFFB0]  }
0x2ae: {  	v19 =	vadd.f32 v19, v6;
	v22 =	vld [tilespmem:s18+$0xB0];
	[tilespmem:s18+$0xA0] =	vst v50;
	v20 =	vmax.f32 v20, $0.0e+00  }
0x2af: {  	v18 =	vadd.f32 v53, v18;
	v10 =	vld [tilespmem:s23+$0xB0];
	v20 =	vmul.f32 v20, v3  }
0x2b0: {  	v54 =	vld [tilespmem:s24+$0x70];
	v19 =	vmax.f32 v19, $0.0e+00;
	v52 =	vadd.f32 v49, v42  }
0x2b1: {  	v19 =	vmul.f32 v19, v5;
	v18 =	vmax.f32 v18, $0.0e+00;
	[tilespmem:s18+$0x30] =	vst v20;
	v20 =	vld [tilespmem:s18+$0x40]  }
0x2b2: {  	v18 =	vmul.f32 v18, v15;
	v21 =	vadd.f32 v21, v23;
	v23 =	vld [tilespmem:s23+$0x40];
	v25 =	vmax.f32 v52, $0.0e+00  }
0x2b3: {  	v33 =	vld [tilespmem:s18+$0xC0];
	[tilespmem:s17+$0xFFFFFF60] =	vst v19;
	v24 =	vadd.f32 v51, v9;
	v9 =	vmul.f32 v25, v1  }
0x2b4: {  	v58 =	vld [tilespmem:s24+$0xFFFFFF70];
	[tilespmem:s17+$0xE0] =	vst v18;
	v21 =	vmax.f32 v21, $0.0e+00;
	v22 =	vadd.f32 v10, v22  }
0x2b5: {  	v59 =	vld [tilespmem:s24+$0xF0];
	v6 =	vmax.f32 v24, $0.0e+00;
	v21 =	vmul.f32 v21, v2;
	[tilespmem:s18+$0xFFFFFF30] =	vst v9  }
0x2b6: {  	v56 =	vmul.f32 v6, v7;
	v22 =	vmax.f32 v22, $0.0e+00;
	v55 =	vld [tilespmem:s23+$0xFFFFFF40]  }
0x2b7: {  	v13 =	vld [tilespmem:s18+$0xD0];
	[tilespmem:s18+$0xFFFFFFB0] =	vst v21;
	v21 =	vmul.f32 v22, v4;
	v20 =	vadd.f32 v23, v20  }
0x2b8: {  	[tilespmem:s17+$0xFFFFFFE0] =	vst v56;
	v22 =	vld [tilespmem:s23+$0xFFFFFFC0];
	v23 =	vadd.f32 v54, v63  }
0x2b9: {  	s0 =	simm.s32 $0x8;
	v16 =	vadd.f32 v58, v16;
	[tilespmem:s18+$0xB0] =	vst v21;
	v21 =	vld [tilespmem:s24+$0xFFFFFFF0];
	v20 =	vmax.f32 v20, $0.0e+00  }
0x2ba: {  	v57 =	vld [tilespmem:s23+$0xC0];
	v19 =	vmul.f32 v20, v3;
	v20 =	vmax.f32 v23, $0.0e+00;
	v23 =	vmov s0;
	s0 =	simm.s32 $0xB  }
0x2bb: {  	v17 =	vadd.f32 v59, v17;
	v6 =	vld [tilespmem:s18+$0xE0];
	v60 =	vmov s0;
	v24 =	vadd.f32 v55, v32  }
0x2bc: {  	s21 =	simm.s32 $0x9;
	v16 =	vmax.f32 v16, $0.0e+00;
	v10 =	vld [tilespmem:s18+$0xFFFFFF60];
	v20 =	vmul.f32 v20, v8;
	v8 =	vand.u32 $0xFFFFFFFC, v23  }
0x2bd: {  	v9 =	vld [tilespmem:s18+$0xFFFFFFE0];
	v23 =	vmov s21;
	[tilespmem:s18+$0x40] =	vst v19;
	v22 =	vadd.f32 v22, v46;
	v19 =	vmax.f32 v24, $0.0e+00  }
0x2be: {  	v18 =	vbroadcast v8, $0x0;
	v62 =	vld [tilespmem:s23+$0x50];
	v8 =	vmul.f32 v19, v1;
	v19 =	vadd.f32 v21, v11  }
0x2bf: {  	v22 =	vmax.f32 v22, $0.0e+00;
	v21 =	vand.u32 $0xFFFFFFFD, v23;
	v23 =	vadd.f32 v57, v33;
	v11 =	vld [tilespmem:s18+$0xFFFFFF70]  }
0x2c0: {  	v16 =	vmul.f32 v16, v5;
	v22 =	vmul.f32 v22, v2;
	v5 =	vld.idx.msk [tilespmem:v60+s28+$0x0], $0xffff;
	[tilespmem:s18+$0xFFFFFF40] =	vst v8;
	v19 =	vmax.f32 v19, $0.0e+00  }
0x2c1: {  	[tilespmem:s17+$0x70] =	vst v20;
	v23 =	vmax.f32 v23, $0.0e+00;
	v20 =	vld [tilespmem:s23+$0xFFFFFF50];
	v63 =	vmul.f32 v19, v7;
	v19 =	vbroadcast v21, $0x0  }
0x2c2: {  	v8 =	vld [tilespmem:s18+$0xFFFFFFF0];
	[tilespmem:s18+$0xFFFFFFC0] =	vst v22;
	v23 =	vmul.f32 v23, v4  }
0x2c3: {  	v17 =	vmax.f32 v17, $0.0e+00;
	v21 =	vld [tilespmem:s23+$0xFFFFFFD0];
	v22 =	vadd.f32 v62, v61;
	[tilespmem:s17+$0xFFFFFFF0] =	vst v63  }
0x2c4: {  	s20 =	simm.s32 $0xC;
	v17 =	vmul.f32 v17, v15;
	s24 =	simm.s32 $0x8100;
	s21 =	simm.s32 $0xA;
	v7 =	vld [tilespmem:s18+$0xF0];
	[tilespmem:s18+$0xC0] =	vst v23  }
.LBB2_7:
0x2c5: {  	p0 =	slt.u32 s20, $0x4C;
	v23 =	vmov s21;
	v22 =	vmax.f32 v22, $0.0e+00;
	v24 =	vld [tilespmem:s23+$0xD0];
	[tilespmem:s17+$0xFFFFFF70] =	vst v16  }
0x2c6: {  	v15 =	vld.idx.msk [tilespmem:v18+s28+$0x0], $0xffff;
	v18 =	vand.u32 $0xFFFFFFFE, v23;
	v12 =	vadd.f32 v20, v12;
	v20 =	vmul.f32 v22, v3;
	[tilespmem:s17+$0xF0] =	vst v17;
	s17 =	smov.u32 s18  }
0x2c7: {  	v16 =	vld.idx.msk [tilespmem:v19+s28+$0x0], $0xffff;
	v17 =	vbroadcast v18, $0x0  }
0x2c8: {  	v12 =	vmax.f32 v12, $0.0e+00;
	v14 =	vadd.f32 v21, v14;
	[tilespmem:s18+$0x50] =	vst v20;
	v18 =	vld [tilespmem:s18+$0x60]  }
0x2c9: {  	s18 =	sadd.s32 $0x200, s18;
	v12 =	vmul.f32 v12, v1;
	v19 =	vld [tilespmem:s23+$0x60]  }
0x2ca: {  	s23 =	sadd.s32 $0x200, s23;
	v20 =	vld [tilespmem:s18+$0x0];
	v14 =	vmax.f32 v14, $0.0e+00;
	v13 =	vadd.f32 v24, v13  }
0x2cb: {  	v21 =	vld [tilespmem:s23+$0x0];
	[tilespmem:s17+$0xFFFFFF50] =	vst v12;
	v12 =	vmul.f32 v14, v2  }
0x2cc: {  	v14 =	vld [tilespmem:s18+$0xFFFFFF00];
	v13 =	vmax.f32 v13, $0.0e+00  }
0x2cd: {  	v17 =	vld.idx.msk [tilespmem:v17+s28+$0x0], $0xffff;
	[tilespmem:s17+$0xFFFFFFD0] =	vst v12;
	v12 =	vmul.f32 v13, v4  }
0x2ce: {  	v13 =	vld [tilespmem:s23+$0xFFFFFF00];
	v18 =	vadd.f32 v19, v18  }
0x2cf: {  	v19 =	vld [tilespmem:s18+$0xFFFFFF80];
	[tilespmem:s17+$0xD0] =	vst v12  }
0x2d0: {  	v12 =	vld [tilespmem:s23+$0xFFFFFF80];
	v20 =	vadd.f32 v21, v20;
	v18 =	vmax.f32 v18, $0.0e+00  }
0x2d1: {  	v21 =	vld [tilespmem:s18+$0x80];
	v18 =	vmul.f32 v18, v3  }
0x2d2: {  	v20 =	vmax.f32 v20, $0.0e+00;
	v22 =	vld [tilespmem:s23+$0x80]  }
0x2d3: {  	v13 =	vadd.f32 v13, v14;
	v14 =	vmul.f32 v20, v17;
	[tilespmem:s17+$0x60] =	vst v18;
	v18 =	vld [tilespmem:s17+$0x70]  }
0x2d4: {  	v20 =	vld [tilespmem:s24+$0x70]  }
0x2d5: {  	v13 =	vmax.f32 v13, $0.0e+00;
	v12 =	vadd.f32 v12, v19;
	[tilespmem:s18+$0x0] =	vst v14;
	v14 =	vld [tilespmem:s18+$0x10]  }
0x2d6: {  	v13 =	vmul.f32 v13, v15;
	v19 =	vld [tilespmem:s23+$0x10]  }
0x2d7: {  	v23 =	vld [tilespmem:s18+$0xFFFFFF10];
	v12 =	vmax.f32 v12, $0.0e+00;
	v21 =	vadd.f32 v22, v21  }
0x2d8: {  	[tilespmem:s18+$0xFFFFFF00] =	vst v13;
	v12 =	vmul.f32 v12, v16;
	v13 =	vld [tilespmem:s18+$0xFFFFFF90]  }
0x2d9: {  	v22 =	vld [tilespmem:s23+$0xFFFFFF10];
	v21 =	vmax.f32 v21, $0.0e+00;
	v18 =	vadd.f32 v20, v18  }
0x2da: {  	[tilespmem:s18+$0xFFFFFF80] =	vst v12;
	v12 =	vmul.f32 v21, v5;
	v20 =	vld [tilespmem:s18+$0x90]  }
0x2db: {  	v21 =	vld [tilespmem:s23+$0xFFFFFF90];
	v14 =	vadd.f32 v19, v14;
	v18 =	vmax.f32 v18, $0.0e+00  }
0x2dc: {  	v19 =	vld [tilespmem:s18+$0xFFFFFF20];
	[tilespmem:s18+$0x80] =	vst v12;
	v12 =	vmul.f32 v18, v3;
	v3 =	vmov v17  }
0x2dd: {  	v14 =	vmax.f32 v14, $0.0e+00;
	v17 =	vld [tilespmem:s23+$0x90]  }
0x2de: {  	v18 =	vadd.f32 v22, v23;
	v22 =	vld [tilespmem:s18+$0xFFFFFFA0];
	v14 =	vmul.f32 v14, v3;
	[tilespmem:s17+$0x70] =	vst v12  }
0x2df: {  	v23 =	vld [tilespmem:s18+$0xA0]  }
0x2e0: {  	v12 =	vmax.f32 v18, $0.0e+00;
	v13 =	vadd.f32 v21, v13;
	[tilespmem:s18+$0x10] =	vst v14;
	v14 =	vld [tilespmem:s18+$0x20]  }
0x2e1: {  	v12 =	vmul.f32 v12, v15;
	v18 =	vld [tilespmem:s23+$0x20]  }
0x2e2: {  	v21 =	vld [tilespmem:s18+$0xFFFFFF30];
	v13 =	vmax.f32 v13, $0.0e+00;
	v17 =	vadd.f32 v17, v20  }
0x2e3: {  	[tilespmem:s18+$0xFFFFFF10] =	vst v12;
	v12 =	vmul.f32 v13, v16;
	v20 =	vld [tilespmem:s18+$0xFFFFFFB0]  }
0x2e4: {  	v13 =	vld [tilespmem:s23+$0xFFFFFF20];
	v17 =	vmax.f32 v17, $0.0e+00  }
0x2e5: {  	[tilespmem:s18+$0xFFFFFF90] =	vst v12;
	v12 =	vmul.f32 v17, v5;
	v17 =	vld [tilespmem:s18+$0xB0]  }
0x2e6: {  	v24 =	vld [tilespmem:s23+$0xFFFFFFA0];
	v14 =	vadd.f32 v18, v14  }
0x2e7: {  	v18 =	vld [tilespmem:s18+$0xFFFFFF40];
	[tilespmem:s18+$0x90] =	vst v12  }
0x2e8: {  	v12 =	vmax.f32 v14, $0.0e+00;
	v14 =	vld [tilespmem:s23+$0xA0]  }
0x2e9: {  	v13 =	vadd.f32 v13, v19;
	v19 =	vld [tilespmem:s18+$0xFFFFFFC0];
	v12 =	vmul.f32 v12, v3  }
0x2ea: {  	v25 =	vld [tilespmem:s18+$0xC0]  }
0x2eb: {  	v13 =	vmax.f32 v13, $0.0e+00;
	v22 =	vadd.f32 v24, v22;
	[tilespmem:s18+$0x20] =	vst v12;
	v24 =	vld [tilespmem:s18+$0x30]  }
0x2ec: {  	v13 =	vmul.f32 v13, v15;
	v26 =	vld [tilespmem:s23+$0x30]  }
0x2ed: {  	v12 =	vld [tilespmem:s18+$0xFFFFFF50];
	v22 =	vmax.f32 v22, $0.0e+00;
	v23 =	vadd.f32 v14, v23  }
0x2ee: {  	[tilespmem:s18+$0xFFFFFF20] =	vst v13;
	v13 =	vmul.f32 v22, v16;
	v14 =	vld [tilespmem:s18+$0xFFFFFFD0]  }
0x2ef: {  	v22 =	vld [tilespmem:s23+$0xFFFFFF30];
	v23 =	vmax.f32 v23, $0.0e+00  }
0x2f0: {  	[tilespmem:s18+$0xFFFFFFA0] =	vst v13;
	v23 =	vmul.f32 v23, v5;
	v13 =	vld [tilespmem:s18+$0xD0]  }
0x2f1: {  	v27 =	vld [tilespmem:s23+$0xFFFFFFB0];
	v24 =	vadd.f32 v26, v24  }
0x2f2: {  	[tilespmem:s18+$0xA0] =	vst v23;
	v23 =	vld [tilespmem:s24+$0xFFFFFFE0]  }
0x2f3: {  	v24 =	vmax.f32 v24, $0.0e+00;
	v26 =	vld [tilespmem:s23+$0xB0]  }
0x2f4: {  	v21 =	vadd.f32 v22, v21;
	v22 =	vmul.f32 v24, v3;
	v24 =	vld [tilespmem:s24+$0xFFFFFF60]  }
0x2f5: {  	v28 =	vld [tilespmem:s24+$0xE0]  }
0x2f6: {  	v21 =	vmax.f32 v21, $0.0e+00;
	v20 =	vadd.f32 v27, v20;
	[tilespmem:s18+$0x30] =	vst v22;
	v22 =	vld [tilespmem:s18+$0x40]  }
0x2f7: {  	v21 =	vmul.f32 v21, v15;
	v27 =	vld [tilespmem:s23+$0x40];
	v23 =	vadd.f32 v23, v9  }
0x2f8: {  	v29 =	vld [tilespmem:s18+$0xFFFFFF60];
	v9 =	vmax.f32 v20, $0.0e+00;
	v17 =	vadd.f32 v26, v17  }
0x2f9: {  	[tilespmem:s18+$0xFFFFFF30] =	vst v21;
	v20 =	vmul.f32 v9, v16;
	v9 =	vld [tilespmem:s18+$0xFFFFFFE0];
	v10 =	vadd.f32 v24, v10;
	v21 =	vmax.f32 v23, $0.0e+00  }
0x2fa: {  	v23 =	vld [tilespmem:s23+$0xFFFFFF40];
	v17 =	vmax.f32 v17, $0.0e+00;
	v21 =	vmul.f32 v21, v2;
	v24 =	vadd.f32 v28, v6  }
0x2fb: {  	[tilespmem:s18+$0xFFFFFFB0] =	vst v20;
	v17 =	vmul.f32 v17, v5;
	v6 =	vld [tilespmem:s18+$0xE0];
	v28 =	vmax.f32 v10, $0.0e+00  }
0x2fc: {  	v20 =	vld [tilespmem:s23+$0xFFFFFFC0];
	v22 =	vadd.f32 v27, v22;
	v26 =	vmul.f32 v28, v1;
	[tilespmem:s17+$0xFFFFFFE0] =	vst v21;
	v24 =	vmax.f32 v24, $0.0e+00  }
0x2fd: {  	[tilespmem:s18+$0xB0] =	vst v17;
	v17 =	vld [tilespmem:s24+$0xFFFFFFF0];
	v21 =	vmul.f32 v24, v4;
	v10 =	vmov v29  }
0x2fe: {  	v22 =	vmax.f32 v22, $0.0e+00;
	v24 =	vld [tilespmem:s23+$0xC0];
	[tilespmem:s17+$0xFFFFFF60] =	vst v26  }
0x2ff: {  	s21 =	sadd.s32 $0x1, s20;
	s0 =	sadd.s32 $0x3, s20;
	v26 =	vmov s20;
	v23 =	vadd.f32 v23, v18;
	v22 =	vmul.f32 v22, v3;
	v27 =	vld [tilespmem:s24+$0xFFFFFF70];
	[tilespmem:s17+$0xE0] =	vst v21  }
0x300: {  	v18 =	vand.u32 $0xFFFFFFFC, v26;
	v21 =	vmov s21;
	v26 =	vmov s0;
	v28 =	vld [tilespmem:s24+$0xF0];
	s24 =	smov.u32 s23  }
0x301: {  	v18 =	vbroadcast v18, $0x0;
	v23 =	vmax.f32 v23, $0.0e+00;
	v20 =	vadd.f32 v20, v19;
	[tilespmem:s18+$0x40] =	vst v22;
	v22 =	vld [tilespmem:s18+$0x50]  }
0x302: {  	v19 =	vand.u32 $0xFFFFFFFD, v21;
	v21 =	vmul.f32 v23, v15;
	v23 =	vld [tilespmem:s23+$0x50];
	v17 =	vadd.f32 v17, v8  }
0x303: {  	v19 =	vbroadcast v19, $0x0;
	v29 =	vld [tilespmem:s18+$0xFFFFFF70];
	v8 =	vmax.f32 v20, $0.0e+00;
	v24 =	vadd.f32 v24, v25  }
.Ltmp2:
0x304: {  	[tilespmem:s18+$0xFFFFFF40] =	vst v21;
	v21 =	vmul.f32 v8, v16;
	v8 =	vld [tilespmem:s18+$0xFFFFFFF0];
	v11 =	vadd.f32 v27, v11;
	v17 =	vmax.f32 v17, $0.0e+00;
	(pc) =	sbr.rel @p0 .LBB2_7-.Ltmp2, $4  }
0x305: {  	v20 =	vld [tilespmem:s23+$0xFFFFFF50];
	v24 =	vmax.f32 v24, $0.0e+00;
	v17 =	vmul.f32 v17, v2;
	v25 =	vadd.f32 v28, v7;
	v2 =	vmovc v16  }
0x306: {  	[tilespmem:s18+$0xFFFFFFC0] =	vst v21;
	v24 =	vmul.f32 v24, v5;
	v7 =	vld [tilespmem:s18+$0xF0];
	v27 =	vmax.f32 v11, $0.0e+00  }
0x307: {  	v21 =	vld [tilespmem:s23+$0xFFFFFFD0];
	v22 =	vadd.f32 v23, v22;
	v16 =	vmul.f32 v27, v1;
	[tilespmem:s17+$0xFFFFFFF0] =	vst v17;
	v23 =	vmax.f32 v25, $0.0e+00;
	v1 =	vmovc v15  }
0x308: {  	s21 =	sadd.s32 $0x2, s20;
	s20 =	sadd.s32 $0x4, s20;
	[tilespmem:s18+$0xC0] =	vst v24;
	v17 =	vmul.f32 v23, v4;
	v11 =	vmov v29;
	v4 =	vmov v5;
	v5 =	vld.idx.msk [tilespmem:v26+s28+$0x0], $0xffff  }
0x309: {  	s20 =	sadd.s32 $0x200, s18  }
0x30a: {  	s0 =	sadd.s32 $0x200, s23;
	v24 =	vld [tilespmem:s20+$0x0]  }
0x30b: {  	v15 =	vmov s21;
	v25 =	vld [tilespmem:s0+$0x0]  }
0x30c: {  	v15 =	vand.u32 $0xFFFFFFFE, v15;
	v26 =	vld [tilespmem:s20+$0xFFFFFF00]  }
0x30d: {  	v58 =	vld [tilespmem:s0+$0xFFFFFF00];
	v23 =	vbroadcast v15, $0x0  }
0x30e: {  	v27 =	vld [tilespmem:s20+$0xFFFFFF80]  }
0x30f: {  	v28 =	vld [tilespmem:s0+$0xFFFFFF80]  }
0x310: {  	v59 =	vld [tilespmem:s20+$0x80]  }
0x311: {  	v29 =	vld [tilespmem:s0+$0x80]  }
0x312: {  	v15 =	vld.idx.msk [tilespmem:v18+s28+$0x0], $0xffff  }
0x313: {  	v18 =	vld.idx.msk [tilespmem:v23+s28+$0x0], $0xffff  }
0x314: {  	v19 =	vld.idx.msk [tilespmem:v19+s28+$0x0], $0xffff  }
0x315: {  	v24 =	vadd.f32 v25, v24  }
0x316: {  	v60 =	vadd.f32 v28, v27  }
0x317: {  	v61 =	vld [tilespmem:s20+$0x10];
	v24 =	vmax.f32 v24, $0.0e+00;
	v23 =	vadd.f32 v58, v26  }
0x318: {  	v63 =	vld [tilespmem:s20+$0xFFFFFF10];
	v25 =	vadd.f32 v29, v59;
	v26 =	vmax.f32 v60, $0.0e+00;
	v24 =	vmul.f32 v24, v18  }
0x319: {  	v33 =	vld [tilespmem:s20+$0xFFFFFF90];
	v26 =	vmul.f32 v26, v19;
	v23 =	vmax.f32 v23, $0.0e+00  }
0x31a: {  	v30 =	vld [tilespmem:s20+$0x90];
	v25 =	vmax.f32 v25, $0.0e+00;
	v23 =	vmul.f32 v23, v15;
	[tilespmem:s20+$0x0] =	vst v24  }
0x31b: {  	v25 =	vmul.f32 v25, v5;
	[tilespmem:s20+$0xFFFFFF80] =	vst v26;
	v62 =	vld [tilespmem:s0+$0x10]  }
0x31c: {  	v26 =	vld [tilespmem:s0+$0xFFFFFF90];
	[tilespmem:s20+$0xFFFFFF00] =	vst v23  }
0x31d: {  	[tilespmem:s20+$0x80] =	vst v25;
	v34 =	vld [tilespmem:s0+$0xFFFFFF10]  }
0x31e: {  	v25 =	vld [tilespmem:s0+$0x90];
	_ =	sdelay $0x1  }
0x31f: {  	v24 =	vadd.f32 v62, v61  }
0x320: {  	v23 =	vadd.f32 v26, v33  }
0x321: {  	v35 =	vld [tilespmem:s20+$0xFFFFFF20];
	v36 =	vadd.f32 v34, v63;
	v24 =	vmax.f32 v24, $0.0e+00  }
0x322: {  	v37 =	vld [tilespmem:s20+$0xFFFFFFA0];
	v25 =	vadd.f32 v25, v30;
	v23 =	vmax.f32 v23, $0.0e+00;
	v24 =	vmul.f32 v24, v18  }
0x323: {  	v38 =	vld [tilespmem:s20+$0xA0];
	v23 =	vmul.f32 v23, v19;
	v27 =	vmax.f32 v36, $0.0e+00  }
0x324: {  	v39 =	vld [tilespmem:s20+$0x20];
	v25 =	vmax.f32 v25, $0.0e+00;
	v27 =	vmul.f32 v27, v15;
	[tilespmem:s20+$0x10] =	vst v24  }
0x325: {  	v41 =	vmul.f32 v25, v5;
	[tilespmem:s20+$0xFFFFFF90] =	vst v23;
	v40 =	vld [tilespmem:s0+$0x20]  }
0x326: {  	v42 =	vld [tilespmem:s0+$0xFFFFFFA0];
	[tilespmem:s20+$0xFFFFFF10] =	vst v27  }
0x327: {  	[tilespmem:s20+$0x90] =	vst v41;
	v27 =	vld [tilespmem:s0+$0xFFFFFF20]  }
0x328: {  	v23 =	vld [tilespmem:s0+$0xA0];
	_ =	sdelay $0x1  }
0x329: {  	v24 =	vadd.f32 v40, v39  }
0x32a: {  	v25 =	vadd.f32 v42, v37  }
0x32b: {  	v43 =	vld [tilespmem:s20+$0xFFFFFF30];
	v26 =	vadd.f32 v27, v35;
	v24 =	vmax.f32 v24, $0.0e+00  }
0x32c: {  	v44 =	vld [tilespmem:s20+$0xFFFFFFB0];
	v23 =	vadd.f32 v23, v38;
	v25 =	vmax.f32 v25, $0.0e+00;
	v24 =	vmul.f32 v24, v18  }
0x32d: {  	v45 =	vld [tilespmem:s20+$0xB0];
	v25 =	vmul.f32 v25, v19;
	v26 =	vmax.f32 v26, $0.0e+00  }
0x32e: {  	v46 =	vld [tilespmem:s20+$0x30];
	v23 =	vmax.f32 v23, $0.0e+00;
	v26 =	vmul.f32 v26, v15;
	[tilespmem:s20+$0x20] =	vst v24  }
0x32f: {  	v23 =	vmul.f32 v23, v5;
	[tilespmem:s20+$0xFFFFFFA0] =	vst v25;
	v47 =	vld [tilespmem:s0+$0x30]  }
0x330: {  	v25 =	vld [tilespmem:s0+$0xFFFFFFB0];
	[tilespmem:s20+$0xFFFFFF20] =	vst v26  }
0x331: {  	[tilespmem:s20+$0xA0] =	vst v23;
	v26 =	vld [tilespmem:s0+$0xFFFFFF30]  }
0x332: {  	v48 =	vld [tilespmem:s0+$0xB0]  }
0x333: {  	v22 =	vmax.f32 v22, $0.0e+00  }
0x334: {  	v49 =	vld [tilespmem:s18+$0x60];
	v22 =	vmul.f32 v22, v3;
	v24 =	vadd.f32 v47, v46  }
0x335: {  	v50 =	vld [tilespmem:s20+$0xFFFFFF40];
	v25 =	vadd.f32 v25, v44  }
0x336: {  	v51 =	vld [tilespmem:s20+$0xFFFFFFC0];
	[tilespmem:s18+$0x50] =	vst v22;
	v26 =	vadd.f32 v26, v43;
	v24 =	vmax.f32 v24, $0.0e+00  }
0x337: {  	v31 =	vld [tilespmem:s23+$0x60];
	v22 =	vadd.f32 v48, v45;
	v25 =	vmax.f32 v25, $0.0e+00;
	v24 =	vmul.f32 v24, v18  }
0x338: {  	v52 =	vld [tilespmem:s20+$0xC0];
	v25 =	vmul.f32 v25, v19;
	v26 =	vmax.f32 v26, $0.0e+00  }
0x339: {  	v53 =	vld [tilespmem:s20+$0x40];
	v22 =	vmax.f32 v22, $0.0e+00;
	v26 =	vmul.f32 v26, v15;
	[tilespmem:s20+$0x30] =	vst v24  }
0x33a: {  	v22 =	vmul.f32 v22, v5;
	[tilespmem:s20+$0xFFFFFFB0] =	vst v25;
	v54 =	vld [tilespmem:s0+$0x40]  }
0x33b: {  	v14 =	vadd.f32 v21, v14;
	v25 =	vld [tilespmem:s0+$0xFFFFFFC0];
	[tilespmem:s20+$0xFFFFFF30] =	vst v26  }
0x33c: {  	v23 =	vadd.f32 v31, v49;
	[tilespmem:s20+$0xB0] =	vst v22;
	v26 =	vld [tilespmem:s0+$0xFFFFFF40]  }
0x33d: {  	v14 =	vmax.f32 v14, $0.0e+00;
	v22 =	vld [tilespmem:s0+$0xC0]  }
0x33e: {  	v55 =	vld [tilespmem:s23+$0xD0];
	v14 =	vmul.f32 v14, v2;
	v23 =	vmax.f32 v23, $0.0e+00  }
0x33f: {  	v57 =	vld [tilespmem:s18+$0x70];
	v23 =	vmul.f32 v23, v3;
	v56 =	vadd.f32 v54, v53  }
0x340: {  	v59 =	vld [tilespmem:s20+$0xFFFFFF50];
	[tilespmem:s18+$0xFFFFFFD0] =	vst v14;
	v25 =	vadd.f32 v25, v51  }
0x341: {  	v60 =	vld [tilespmem:s20+$0xFFFFFFD0];
	[tilespmem:s18+$0x60] =	vst v23;
	v26 =	vadd.f32 v26, v50;
	v23 =	vmax.f32 v56, $0.0e+00  }
0x342: {  	v34 =	vld [tilespmem:s24+$0xFFFFFFE0];
	v22 =	vadd.f32 v22, v52;
	v25 =	vmax.f32 v25, $0.0e+00;
	v23 =	vmul.f32 v23, v18  }
0x343: {  	v13 =	vadd.f32 v55, v13;
	v61 =	vld [tilespmem:s20+$0xD0];
	v25 =	vmul.f32 v25, v19;
	v26 =	vmax.f32 v26, $0.0e+00  }
0x344: {  	v12 =	vadd.f32 v20, v12;
	v62 =	vld [tilespmem:s20+$0x50];
	v22 =	vmax.f32 v22, $0.0e+00;
	v63 =	vmul.f32 v26, v15;
	[tilespmem:s20+$0x40] =	vst v23  }
0x345: {  	v13 =	vmax.f32 v13, $0.0e+00;
	v22 =	vmul.f32 v22, v5;
	[tilespmem:s20+$0xFFFFFFC0] =	vst v25;
	v30 =	vld [tilespmem:s0+$0x50]  }
0x346: {  	v12 =	vmax.f32 v12, $0.0e+00;
	v13 =	vmul.f32 v13, v4;
	v31 =	vld [tilespmem:s0+$0xFFFFFFD0];
	[tilespmem:s20+$0xFFFFFF40] =	vst v63  }
0x347: {  	v12 =	vmul.f32 v12, v1;
	[tilespmem:s20+$0xC0] =	vst v22;
	v32 =	vld [tilespmem:s0+$0xFFFFFF50]  }
0x348: {  	[tilespmem:s18+$0xD0] =	vst v13;
	v33 =	vld [tilespmem:s0+$0xD0]  }
0x349: {  	[tilespmem:s18+$0xFFFFFF50] =	vst v12;
	v36 =	vld [tilespmem:s24+$0xE0]  }
0x34a: {  	v35 =	vld [tilespmem:s24+$0xFFFFFF60];
	v20 =	vadd.f32 v30, v62  }
0x34b: {  	v37 =	vld [tilespmem:s20+$0xFFFFFF60];
	v23 =	vadd.f32 v31, v60  }
0x34c: {  	v38 =	vld [tilespmem:s20+$0xFFFFFFE0];
	v22 =	vadd.f32 v32, v59;
	v20 =	vmax.f32 v20, $0.0e+00  }
0x34d: {  	v42 =	vld [tilespmem:s20+$0x60];
	v14 =	vadd.f32 v33, v61;
	v23 =	vmax.f32 v23, $0.0e+00;
	v20 =	vmul.f32 v20, v18  }
0x34e: {  	v9 =	vadd.f32 v34, v9;
	v39 =	vld [tilespmem:s20+$0xE0];
	v41 =	vmul.f32 v23, v19;
	v40 =	vmax.f32 v22, $0.0e+00  }
0x34f: {  	v10 =	vadd.f32 v35, v10;
	v58 =	vld [tilespmem:s24+$0x70];
	v14 =	vmax.f32 v14, $0.0e+00;
	v43 =	vmul.f32 v40, v15;
	[tilespmem:s20+$0x50] =	vst v20  }
0x350: {  	v9 =	vmax.f32 v9, $0.0e+00;
	v14 =	vmul.f32 v14, v5;
	[tilespmem:s20+$0xFFFFFFD0] =	vst v41;
	v44 =	vld [tilespmem:s0+$0x60]  }
0x351: {  	v9 =	vmul.f32 v9, v2;
	v10 =	vmax.f32 v10, $0.0e+00;
	v45 =	vld [tilespmem:s0+$0xFFFFFFE0];
	[tilespmem:s20+$0xFFFFFF50] =	vst v43  }
0x352: {  	v6 =	vadd.f32 v36, v6;
	v10 =	vmul.f32 v10, v1;
	[tilespmem:s20+$0xD0] =	vst v14;
	v46 =	vld [tilespmem:s0+$0xFFFFFF60]  }
0x353: {  	[tilespmem:s18+$0xFFFFFFE0] =	vst v9;
	v47 =	vld [tilespmem:s0+$0xE0]  }
0x354: {  	v6 =	vmax.f32 v6, $0.0e+00;
	v48 =	vld [tilespmem:s24+$0xFFFFFFF0];
	[tilespmem:s18+$0xFFFFFF60] =	vst v10  }
0x355: {  	v6 =	vmul.f32 v6, v4;
	v10 =	vld [tilespmem:s24+$0xFFFFFF70];
	v49 =	vadd.f32 v44, v42  }
0x356: {  	v51 =	vld [tilespmem:s20+$0xFFFFFF70];
	v20 =	vadd.f32 v45, v38  }
0x357: {  	[tilespmem:s18+$0xE0] =	vst v6;
	v52 =	vld [tilespmem:s20+$0xFFFFFFF0];
	v14 =	vadd.f32 v46, v37;
	v6 =	vmax.f32 v49, $0.0e+00  }
0x358: {  	v50 =	vld [tilespmem:s24+$0xF0];
	v9 =	vadd.f32 v47, v39;
	v20 =	vmax.f32 v20, $0.0e+00;
	v6 =	vmul.f32 v6, v18  }
0x359: {  	v53 =	vld [tilespmem:s20+$0xF0];
	v20 =	vmul.f32 v20, v19;
	v14 =	vmax.f32 v14, $0.0e+00  }
0x35a: {  	v54 =	vld [tilespmem:s20+$0x70];
	v9 =	vmax.f32 v9, $0.0e+00;
	v14 =	vmul.f32 v14, v15;
	[tilespmem:s20+$0x60] =	vst v6  }
0x35b: {  	v9 =	vmul.f32 v9, v5;
	[tilespmem:s20+$0xFFFFFFE0] =	vst v20;
	v55 =	vld [tilespmem:s0+$0x70]  }
0x35c: {  	v56 =	vadd.f32 v58, v57;
	v57 =	vld [tilespmem:s0+$0xFFFFFFF0];
	[tilespmem:s20+$0xFFFFFF60] =	vst v14  }
0x35d: {  	v8 =	vadd.f32 v48, v8;
	[tilespmem:s20+$0xE0] =	vst v9;
	v14 =	vld [tilespmem:s0+$0xFFFFFF70]  }
0x35e: {  	v10 =	vadd.f32 v10, v11;
	v58 =	vmax.f32 v56, $0.0e+00;
	v59 =	vld [tilespmem:s0+$0xF0]  }
0x35f: {  	[tilespmem:s17+$0xFFFFFF70] =	vst v16;
	v8 =	vmax.f32 v8, $0.0e+00;
	v7 =	vadd.f32 v50, v7;
	v3 =	vmul.f32 v58, v3  }
0x360: {  	[tilespmem:s17+$0xF0] =	vst v17;
	v2 =	vmul.f32 v8, v2;
	v60 =	vmax.f32 v10, $0.0e+00;
	v6 =	vadd.f32 v55, v54  }
0x361: {  	[tilespmem:s18+$0x70] =	vst v3;
	v3 =	vmax.f32 v7, $0.0e+00;
	v1 =	vmul.f32 v60, v1;
	v61 =	vadd.f32 v57, v52  }
0x362: {  	[tilespmem:s18+$0xFFFFFFF0] =	vst v2;
	v2 =	vmul.f32 v3, v4;
	v62 =	vadd.f32 v14, v51;
	v3 =	vmax.f32 v6, $0.0e+00  }
0x363: {  	[tilespmem:s18+$0xFFFFFF70] =	vst v1;
	v63 =	vadd.f32 v59, v53;
	v1 =	vmul.f32 v3, v18;
	v3 =	vmax.f32 v61, $0.0e+00  }
0x364: {  	[tilespmem:s18+$0xF0] =	vst v2;
	v2 =	vmul.f32 v3, v19;
	v3 =	vmax.f32 v62, $0.0e+00  }
0x365: {  	[tilespmem:s20+$0x70] =	vst v1;
	v1 =	vmul.f32 v3, v15;
	v3 =	vmax.f32 v63, $0.0e+00  }
0x366: {  	[tilespmem:s20+$0xFFFFFFF0] =	vst v2;
	v2 =	vmul.f32 v3, v5  }
0x367: {  	[tilespmem:s20+$0xFFFFFF70] =	vst v1  }
0x368: {  	s23 =	simm.s32 $0x5600;
	[tilespmem:s20+$0xF0] =	vst v2  }
0x369: {  	[spmem:s2] =	stream.indirect.scatter.add.f32 [tilespmem:s23], [sflag:$0x5], $0x80, s26, s22, $0xb8;
	[tilespmem:$0x1E600] =	vst v63  }
0x36a: {  	_ =	swait.ge [sflag:s15], $0x2800  }
0x36b: {  	s0 =	rddreg [dreg:$0xe]  }
0x36c: {  	s0 =	sadd.s32 s12, s0  }
0x36d: {  	[sflag:s15] =	ssyncset.done $0x0;
	s12 =	sshrl.u32 s0, $0x3  }
0x36e: {  	s4 =	sadd.s32 $0x1, s4;
	[sflag:s15] =	ssyncadd.s32 $0xFFFFD800;
	s18 =	sadd.s32 s6, s12  }
0x36f: {  	[tilespmem:s25], [sflag:$0x3] =	stream.linear.gather [hbm4b:s18+s3], $0x50, $0x38;
	[tilespmem:$0x1E600] =	vst v63  }
0x370: {  	p0 =	sne.s32 s4, $0x3D;
	s20 =	sadd.s32 s7, s12  }
0x371: {  	[tilespmem:s26], [sflag:$0x3] =	stream.linear.gather [hbm4b:s20+s3], $0x50, $0x38;
	[tilespmem:$0x1E600] =	vst v63  }
.Ltmp3:
0x372: {  	_ = 	snop;
	(pc) =	sbr.rel @p0 .LBB2_4-.Ltmp3, $4  }
0x373: {  	s21 =	simm.s32 $0x5400;
	s0 =	sshll.u32 s0, $0x4;
	s12 =	sadd.s32 s8, s12  }
0x374: {  	[tilespmem:s21], [sflag:$0x3] =	stream.linear.gather [hbm4b:s12+s3], $0x50, $0x38;
	[tilespmem:$0x1E600] =	vst v63  }
0x375: {  	s24 =	simm.s32 $0x7E00;
	s0 =	sadd.s32 s5, s0  }
0x376: {  	[tilespmem:s24], [sflag:$0x3] =	stream.linear.gather [hbm4b:s0+s3], $0x2800, $0x38;
	[tilespmem:$0x1E600] =	vst v63  }
0x377: {  	_ =	swait.ge [sflag:s30], $0x2800  }
0x378: {  	[sflag:s30] =	ssyncset.done $0x0  }
0x379: {  	[sflag:s30] =	ssyncadd.s32 $0xFFFFD800  }
0x37a: {  	_ =	swait.ge [sflag:s30], $0x50  }
0x37b: {  	[sflag:s30] =	ssyncset.done $0x0  }
0x37c: {  	[sflag:s30] =	ssyncadd.s32 $0xFFFFFFB0  }
0x37d: {  	_ =	swait.ge [sflag:s30], $0x50  }
0x37e: {  	[sflag:s30] =	ssyncset.done $0x0  }
0x37f: {  	[sflag:s30] =	ssyncadd.s32 $0xFFFFFFB0  }
0x380: {  	_ =	swait.ge [sflag:s31], $0x50  }
0x381: {  	[sflag:s31] =	ssyncset.done $0x0  }
0x382: {  	[sflag:s31] =	ssyncadd.s32 $0xFFFFFFB0  }
0x383: {  	_ =	swait.ge [sflag:s31], $0x50  }
0x384: {  	[sflag:s31] =	ssyncset.done $0x0  }
0x385: {  	[sflag:s31] =	ssyncadd.s32 $0xFFFFFFB0  }
0x386: {  	_ =	swait.ge [sflag:s31], $0x50  }
0x387: {  	[sflag:s31] =	ssyncset.done $0x0  }
0x388: {  	[sflag:s31] =	ssyncadd.s32 $0xFFFFFFB0  }
0x389: {  	_ =	swait.ge [sflag:s31], $0x2800  }
0x38a: {  	[sflag:s31] =	ssyncset.done $0x0  }
0x38b: {  	[sflag:s31] =	ssyncadd.s32 $0xFFFFD800  }
0x38c: {  	[tilespmem:s23], [sflag:$0x4] =	stream.indirect.gather [hbm4b:s1+s22], $0x80, s25, s22, $0xb8;
	[tilespmem:$0x1E600] =	vst v63  }
0x38d: {  	s0 =	simm.s32 $0x5480  }
0x38e: {  	[tilespmem:s0], [sflag:$0x4] =	stream.indirect.gather [hbm4b:s9+s22], $0x1, s25, s22, $0xb8;
	[tilespmem:$0x1E600] =	vst v63  }
0x38f: {  	s12 =	simm.s32 $0x5500  }
0x390: {  	[tilespmem:s12], [sflag:$0x4] =	stream.indirect.gather [hbm4b:s10+s22], $0x1, s26, s22, $0xb8;
	[tilespmem:$0x1E600] =	vst v63  }
0x391: {  	v1 =	vld [tilespmem:$0x180]  }
0x392: {  	v2 =	vld [tilespmem:$0x200];
	_ =	sdelay $0x1  }
0x393: {  	v3 =	vld [tilespmem:$0x100];
	_ =	sdelay $0x2  }
0x394: {  	v1 =	vadd.f32 v2, v1;
	_ =	sdelay $0x1  }
0x395: {  	v1 =	vadd.f32 v3, v1;
	_ =	sdelay $0x1  }
0x396: {  	v1 =	vsub.f32 $0.0e+00, v1;
	_ =	sdelay $0x1  }
0x397: {  	v1 =	vmul.f32 $1.442695020e+00, v1  }
0x398: {  	v2 =	vld [tilespmem:$0x190]  }
0x399: {  	(erf) = vpow2.f32 v1;
	v1 =	vld [tilespmem:$0x210];
	_ =	sdelay $0x1  }
0x39a: {  	v3 =	vld [tilespmem:$0x110];
	_ =	sdelay $0x2  }
0x39b: {  	v1 =	vadd.f32 v1, v2;
	_ =	sdelay $0x1  }
0x39c: {  	v1 =	vadd.f32 v3, v1;
	_ =	sdelay $0x1  }
0x39d: {  	v2 =	vpop (erf);
	v1 =	vsub.f32 $0.0e+00, v1  }
0x39e: {  	v2 =	vadd.f32 $1.000000000e+00, v2  }
0x39f: {  	v1 =	vmul.f32 $1.442695020e+00, v1  }
0x3a0: {  	(erf) = vrcp.f32 v2;
	v2 =	vld [tilespmem:$0x1A0]  }
0x3a1: {  	(erf) = vpow2.f32 v1;
	v1 =	vld [tilespmem:$0x220];
	_ =	sdelay $0x1  }
0x3a2: {  	v3 =	vld [tilespmem:$0x120];
	_ =	sdelay $0x2  }
0x3a3: {  	v1 =	vadd.f32 v1, v2;
	_ =	sdelay $0x1  }
0x3a4: {  	v1 =	vadd.f32 v3, v1  }
0x3a5: {  	v2 =	vpop (erf)  }
0x3a6: {  	v3 =	vpop (erf);
	v1 =	vsub.f32 $0.0e+00, v1  }
0x3a7: {  	v3 =	vadd.f32 $1.000000000e+00, v3  }
0x3a8: {  	v1 =	vmul.f32 $1.442695020e+00, v1  }
0x3a9: {  	(erf) = vrcp.f32 v3;
	v3 =	vld [tilespmem:$0x1B0]  }
0x3aa: {  	(erf) = vpow2.f32 v1;
	v1 =	vld [tilespmem:$0x230];
	_ =	sdelay $0x1  }
0x3ab: {  	v4 =	vld [tilespmem:$0x130];
	_ =	sdelay $0x2  }
0x3ac: {  	v1 =	vadd.f32 v1, v3;
	_ =	sdelay $0x1  }
0x3ad: {  	v1 =	vadd.f32 v4, v1  }
0x3ae: {  	v3 =	vpop (erf)  }
0x3af: {  	v4 =	vpop (erf);
	v1 =	vsub.f32 $0.0e+00, v1  }
0x3b0: {  	v4 =	vadd.f32 $1.000000000e+00, v4  }
0x3b1: {  	v1 =	vmul.f32 $1.442695020e+00, v1  }
0x3b2: {  	(erf) = vrcp.f32 v4;
	v4 =	vld [tilespmem:$0x1C0]  }
0x3b3: {  	(erf) = vpow2.f32 v1;
	v1 =	vld [tilespmem:$0x240];
	_ =	sdelay $0x1  }
0x3b4: {  	v5 =	vld [tilespmem:$0x140];
	_ =	sdelay $0x2  }
0x3b5: {  	v1 =	vadd.f32 v1, v4;
	_ =	sdelay $0x1  }
0x3b6: {  	v1 =	vadd.f32 v5, v1  }
0x3b7: {  	v4 =	vpop (erf)  }
0x3b8: {  	v5 =	vpop (erf);
	v1 =	vsub.f32 $0.0e+00, v1  }
0x3b9: {  	v5 =	vadd.f32 $1.000000000e+00, v5  }
0x3ba: {  	v1 =	vmul.f32 $1.442695020e+00, v1  }
0x3bb: {  	(erf) = vrcp.f32 v5  }
0x3bc: {  	(erf) = vpow2.f32 v1;
	_ =	sdelay $0x7  }
0x3bd: {  	v1 =	vpop (erf)  }
0x3be: {  	v5 =	vpop (erf)  }
0x3bf: {  	v5 =	vadd.f32 $1.000000000e+00, v5;
	_ =	sdelay $0x1  }
0x3c0: {  	(erf) = vrcp.f32 v5;
	_ =	sdelay $0x5  }
0x3c1: {  	[tilespmem:$0x280] =	vst v2  }
0x3c2: {  	s17 =	simm.s32 $0x2;
	[tilespmem:$0x290] =	vst v3  }
0x3c3: {  	v2 =	vmov s17;
	[tilespmem:$0x2A0] =	vst v4  }
0x3c4: {  	s18 =	simm.s32 $0x0;
	v2 =	vand.u32 $0xFFFFFFFE, v2;
	[tilespmem:$0x2B0] =	vst v1;
	v1 =	vpop (erf)  }
0x3c5: {  	s4 =	simm.s32 $0x400;
	v2 =	vbroadcast v2, $0x0;
	[tilespmem:$0x2C0] =	vst v1;
	v1 =	vmov s18  }
0x3c6: {  	s18 =	simm.s32 $0x2C00;
	v1 =	vand.u32 $0xFFFFFFFC, v1;
	v3 =	vld [tilespmem:s4+$0x0]  }
0x3c7: {  	v4 =	vld [tilespmem:s18+$0x0];
	v1 =	vbroadcast v1, $0x0;
	_ =	sdelay $0x3  }
0x3c8: {  	s20 =	simm.s32 $0x1;
	v8 =	vld.idx.msk [tilespmem:v2+s13+$0x0], $0xffff  }
0x3c9: {  	v2 =	vadd.f32 v4, v3;
	v3 =	vmov s20  }
0x3ca: {  	v5 =	vld.idx.msk [tilespmem:v1+s13+$0x0], $0xffff;
	v1 =	vand.u32 $0xFFFFFFFD, v3  }
0x3cb: {  	v4 =	vld [tilespmem:s18+$0xFFFFFF00];
	v1 =	vbroadcast v1, $0x0  }
0x3cc: {  	v3 =	vld [tilespmem:s4+$0xFFFFFF00];
	v2 =	vmax.f32 v2, $0.0e+00  }
0x3cd: {  	v6 =	vld [tilespmem:s4+$0xFFFFFF80];
	v2 =	vmul.f32 v2, v8  }
0x3ce: {  	v9 =	vld [tilespmem:s18+$0xFFFFFF80]  }
0x3cf: {  	s21 =	simm.s32 $0x3;
	[tilespmem:s4+$0x0] =	vst v2;
	v2 =	vld [tilespmem:s4+$0x10]  }
0x3d0: {  	v10 =	vmov s21;
	v11 =	vld [tilespmem:s18+$0x10]  }
0x3d1: {  	v7 =	vld.idx.msk [tilespmem:v1+s13+$0x0], $0xffff;
	v1 =	vadd.f32 v4, v3;
	_ =	sdelay $0x1  }
0x3d2: {  	v6 =	vadd.f32 v9, v6;
	v3 =	vld [tilespmem:s4+$0x80];
	v1 =	vmax.f32 v1, $0.0e+00  }
0x3d3: {  	v4 =	vld [tilespmem:s18+$0x80];
	v1 =	vmul.f32 v1, v5  }
0x3d4: {  	v15 =	vld.idx.msk [tilespmem:v10+s13+$0x0], $0xffff;
	v6 =	vmax.f32 v6, $0.0e+00  }
0x3d5: {  	v9 =	vld [tilespmem:s4+$0xFFFFFF10];
	v2 =	vadd.f32 v11, v2;
	[tilespmem:s4+$0xFFFFFF00] =	vst v1;
	v1 =	vmul.f32 v6, v7  }
0x3d6: {  	v10 =	vld [tilespmem:s18+$0xFFFFFF10]  }
0x3d7: {  	v2 =	vmax.f32 v2, $0.0e+00;
	v6 =	vld [tilespmem:s4+$0xFFFFFF90];
	[tilespmem:s4+$0xFFFFFF80] =	vst v1  }
0x3d8: {  	v2 =	vmul.f32 v2, v8;
	v3 =	vadd.f32 v4, v3;
	v1 =	vld [tilespmem:s18+$0xFFFFFF90];
	_ =	sdelay $0x1  }
0x3d9: {  	[tilespmem:s4+$0x10] =	vst v2;
	v2 =	vmax.f32 v3, $0.0e+00;
	v3 =	vld [tilespmem:s4+$0x20]  }
0x3da: {  	v2 =	vmul.f32 v2, v15;
	v4 =	vld [tilespmem:s18+$0x20];
	v9 =	vadd.f32 v10, v9;
	_ =	sdelay $0x1  }
0x3db: {  	v11 =	vld [tilespmem:s4+$0x90];
	[tilespmem:s4+$0x80] =	vst v2;
	v9 =	vmax.f32 v9, $0.0e+00;
	v1 =	vadd.f32 v1, v6  }
0x3dc: {  	v2 =	vld [tilespmem:s18+$0x90];
	v9 =	vmul.f32 v9, v5  }
0x3dd: {  	v14 =	vld [tilespmem:s4+$0xFFFFFF30];
	v1 =	vmax.f32 v1, $0.0e+00  }
0x3de: {  	v10 =	vld [tilespmem:s4+$0xFFFFFF20];
	v3 =	vadd.f32 v4, v3;
	[tilespmem:s4+$0xFFFFFF10] =	vst v9;
	v1 =	vmul.f32 v1, v7  }
0x3df: {  	v9 =	vld [tilespmem:s18+$0xFFFFFF20]  }
0x3e0: {  	v6 =	vld [tilespmem:s4+$0xFFFFFFA0];
	v3 =	vmax.f32 v3, $0.0e+00;
	[tilespmem:s4+$0xFFFFFF90] =	vst v1  }
0x3e1: {  	v2 =	vadd.f32 v2, v11;
	v1 =	vmul.f32 v3, v8;
	v3 =	vld [tilespmem:s18+$0xFFFFFFA0]  }
0x3e2: {  	v13 =	vld [tilespmem:s4+$0xA0]  }
0x3e3: {  	v17 =	vld [tilespmem:s4+$0xFFFFFF40];
	v2 =	vmax.f32 v2, $0.0e+00  }
0x3e4: {  	[tilespmem:s4+$0x20] =	vst v1;
	v1 =	vmul.f32 v2, v15;
	v2 =	vld [tilespmem:s4+$0x30];
	v9 =	vadd.f32 v9, v10  }
0x3e5: {  	v16 =	vld [tilespmem:s18+$0x30]  }
0x3e6: {  	v19 =	vld [tilespmem:s4+$0xFFFFFFC0];
	[tilespmem:s4+$0x90] =	vst v1;
	v9 =	vmax.f32 v9, $0.0e+00;
	v3 =	vadd.f32 v3, v6  }
0x3e7: {  	v1 =	vld [tilespmem:s18+$0xA0];
	v6 =	vmul.f32 v9, v5  }
0x3e8: {  	v12 =	vld [tilespmem:s4+$0xFFFFFFD0];
	v3 =	vmax.f32 v3, $0.0e+00  }
0x3e9: {  	v20 =	vld [tilespmem:s4+$0xC0];
	[tilespmem:s4+$0xFFFFFF20] =	vst v6;
	v3 =	vmul.f32 v3, v7  }
0x3ea: {  	v2 =	vadd.f32 v16, v2;
	v6 =	vld [tilespmem:s18+$0xFFFFFF30]  }
0x3eb: {  	v4 =	vld [tilespmem:s4+$0xFFFFFFB0];
	[tilespmem:s4+$0xFFFFFFA0] =	vst v3  }
0x3ec: {  	s17 =	simm.s32 $0x6;
	v2 =	vmax.f32 v2, $0.0e+00;
	v1 =	vadd.f32 v1, v13;
	v3 =	vld [tilespmem:s18+$0xFFFFFFB0]  }
0x3ed: {  	v22 =	vmov s17;
	s17 =	simm.s32 $0x2E00;
	v18 =	vld [tilespmem:s4+$0xE0];
	v2 =	vmul.f32 v2, v8  }
0x3ee: {  	v24 =	vld [tilespmem:s17+$0x0];
	v1 =	vmax.f32 v1, $0.0e+00  }
0x3ef: {  	v11 =	vld [tilespmem:s4+$0xB0];
	[tilespmem:s4+$0x30] =	vst v2;
	v1 =	vmul.f32 v1, v15;
	v2 =	vadd.f32 v6, v14  }
0x3f0: {  	v16 =	vld [tilespmem:s18+$0x40]  }
0x3f1: {  	v14 =	vld [tilespmem:s4+$0x40];
	[tilespmem:s4+$0xA0] =	vst v1;
	v1 =	vmax.f32 v2, $0.0e+00;
	v2 =	vadd.f32 v3, v4  }
0x3f2: {  	v3 =	vld [tilespmem:s18+$0xB0];
	v1 =	vmul.f32 v1, v5  }
0x3f3: {  	v61 =	vld [tilespmem:s17+$0xFFFFFF00];
	v2 =	vmax.f32 v2, $0.0e+00  }
0x3f4: {  	v28 =	vld [tilespmem:s17+$0x80];
	[tilespmem:s4+$0xFFFFFF30] =	vst v1;
	v1 =	vmul.f32 v2, v7  }
0x3f5: {  	v2 =	vld [tilespmem:s18+$0xFFFFFF40]  }
0x3f6: {  	v63 =	vld [tilespmem:s4+$0x70];
	v4 =	vadd.f32 v16, v14;
	[tilespmem:s4+$0xFFFFFFB0] =	vst v1  }
0x3f7: {  	v1 =	vadd.f32 v3, v11;
	v3 =	vld [tilespmem:s18+$0xFFFFFFC0]  }
0x3f8: {  	v10 =	vld [tilespmem:s4+$0xFFFFFF50];
	v4 =	vmax.f32 v4, $0.0e+00  }
0x3f9: {  	v9 =	vld [tilespmem:s4+$0xFFFFFFE0];
	v4 =	vmul.f32 v4, v8;
	v1 =	vmax.f32 v1, $0.0e+00  }
0x3fa: {  	s24 =	simm.s32 $0x4;
	v13 =	vld [tilespmem:s4+$0xD0];
	v1 =	vmul.f32 v1, v15;
	v2 =	vadd.f32 v2, v17  }
0x3fb: {  	v14 =	vld [tilespmem:s4+$0x50];
	[tilespmem:s4+$0x40] =	vst v4;
	v4 =	vmov s24  }
0x3fc: {  	[tilespmem:s4+$0xB0] =	vst v1;
	v1 =	vand.u32 $0xFFFFFFFC, v4;
	v4 =	vld [tilespmem:s18+$0x50];
	v2 =	vmax.f32 v2, $0.0e+00;
	v3 =	vadd.f32 v3, v19  }
0x3fd: {  	s12 =	simm.s32 $0x5;
	v6 =	vld [tilespmem:s4+$0xFFFFFF60];
	v2 =	vmul.f32 v2, v5  }
0x3fe: {  	v16 =	vld [tilespmem:s4+$0xFFFFFF70];
	v11 =	vmov s12;
	s12 =	simm.s32 $0x600;
	v3 =	vmax.f32 v3, $0.0e+00  }
0x3ff: {  	v23 =	vld [tilespmem:s12+$0x0];
	v17 =	vand.u32 $0xFFFFFFFD, v11;
	[tilespmem:s4+$0xFFFFFF40] =	vst v2;
	v2 =	vmul.f32 v3, v7  }
0x400: {  	v25 =	vld [tilespmem:s12+$0xFFFFFF00];
	v3 =	vbroadcast v17, $0x0  }
0x401: {  	v26 =	vld [tilespmem:s12+$0xFFFFFF80];
	[tilespmem:s4+$0xFFFFFFC0] =	vst v2;
	v2 =	vadd.f32 v4, v14;
	v4 =	vand.u32 $0xFFFFFFFE, v22  }
0x402: {  	v35 =	vld [tilespmem:s12+$0xFFFFFF10];
	v4 =	vbroadcast v4, $0x0  }
0x403: {  	v36 =	vld [tilespmem:s12+$0xFFFFFF90]  }
0x404: {  	v39 =	vld [tilespmem:s12+$0xFFFFFF20];
	v2 =	vmax.f32 v2, $0.0e+00  }
0x405: {  	v19 =	vld [tilespmem:s18+$0xC0];
	v22 =	vmul.f32 v2, v8  }
0x406: {  	v2 =	vld.idx.msk [tilespmem:v3+s13+$0x0], $0xffff  }
0x407: {  	v1 =	vbroadcast v1, $0x0;
	[tilespmem:s4+$0x50] =	vst v22;
	v22 =	vld [tilespmem:s4+$0x60]  }
0x408: {  	v3 =	vld.idx.msk [tilespmem:v4+s13+$0x0], $0xffff  }
0x409: {  	v4 =	vld [tilespmem:s18+$0x60]  }
0x40a: {  	v40 =	vld [tilespmem:s12+$0x20];
	v23 =	vadd.f32 v24, v23  }
0x40b: {  	s20 =	simm.s32 $0x7;
	v30 =	vld [tilespmem:s12+$0xFFFFFFA0]  }
0x40c: {  	v27 =	vmov s20;
	v23 =	vmax.f32 v23, $0.0e+00;
	v19 =	vadd.f32 v19, v20;
	v20 =	vld [tilespmem:s17+$0xFFFFFF80]  }
0x40d: {  	v1 =	vld.idx.msk [tilespmem:v1+s13+$0x0], $0xffff;
	v23 =	vmul.f32 v23, v3  }
0x40e: {  	v24 =	vadd.f32 v61, v25;
	v4 =	vadd.f32 v4, v22;
	v22 =	vld [tilespmem:s12+$0x80]  }
0x40f: {  	[tilespmem:s12+$0x0] =	vst v23;
	v23 =	vld [tilespmem:s12+$0x10]  }
0x410: {  	v24 =	vmax.f32 v24, $0.0e+00;
	v19 =	vmax.f32 v19, $0.0e+00;
	v4 =	vmax.f32 v4, $0.0e+00;
	v62 =	vld [tilespmem:s17+$0x10]  }
0x411: {  	v19 =	vmul.f32 v19, v15;
	v20 =	vadd.f32 v20, v26;
	v29 =	vmul.f32 v4, v8;
	v4 =	vld.idx.msk [tilespmem:v27+s13+$0x0], $0xffff  }
0x412: {  	v42 =	vld [tilespmem:s12+$0xA0];
	v24 =	vmul.f32 v24, v1  }
0x413: {  	v21 =	vld [tilespmem:s18+$0xFFFFFF50];
	[tilespmem:s4+$0xC0] =	vst v19;
	v20 =	vmax.f32 v20, $0.0e+00;
	v22 =	vadd.f32 v28, v22  }
0x414: {  	v19 =	vld [tilespmem:s18+$0xD0];
	[tilespmem:s12+$0xFFFFFF00] =	vst v24;
	v20 =	vmul.f32 v20, v2  }
0x415: {  	v37 =	vld [tilespmem:s17+$0xFFFFFF10];
	v22 =	vmax.f32 v22, $0.0e+00;
	v23 =	vadd.f32 v62, v23  }
0x416: {  	v31 =	vld [tilespmem:s12+$0xFFFFFF30];
	[tilespmem:s12+$0xFFFFFF80] =	vst v20;
	v20 =	vmul.f32 v22, v4  }
0x417: {  	v38 =	vld [tilespmem:s17+$0xFFFFFF90];
	v23 =	vmax.f32 v23, $0.0e+00  }
0x418: {  	v10 =	vadd.f32 v21, v10;
	v22 =	vld [tilespmem:s12+$0x90];
	[tilespmem:s12+$0x80] =	vst v20;
	v23 =	vmul.f32 v23, v3  }
0x419: {  	v19 =	vadd.f32 v19, v13;
	v20 =	vld [tilespmem:s17+$0x90]  }
0x41a: {  	v32 =	vld [tilespmem:s12+$0xFFFFFF40];
	v10 =	vmax.f32 v10, $0.0e+00;
	[tilespmem:s12+$0x10] =	vst v23;
	v23 =	vadd.f32 v37, v35  }
0x41b: {  	v46 =	vld [tilespmem:s12+$0xFFFFFFC0];
	v10 =	vmul.f32 v10, v5;
	v19 =	vmax.f32 v19, $0.0e+00  }
0x41c: {  	v19 =	vmul.f32 v19, v15;
	v24 =	vadd.f32 v38, v36;
	v41 =	vld [tilespmem:s17+$0x20];
	v23 =	vmax.f32 v23, $0.0e+00  }
0x41d: {  	v14 =	vld [tilespmem:s18+$0xFFFFFFD0];
	[tilespmem:s4+$0xFFFFFF50] =	vst v10;
	v23 =	vmul.f32 v23, v1  }
0x41e: {  	v33 =	vld [tilespmem:s12+$0xC0];
	[tilespmem:s4+$0xD0] =	vst v19;
	v24 =	vmax.f32 v24, $0.0e+00;
	v20 =	vadd.f32 v20, v22  }
0x41f: {  	v19 =	vld [tilespmem:s18+$0xFFFFFF60];
	v22 =	vmul.f32 v24, v2;
	[tilespmem:s12+$0xFFFFFF10] =	vst v23  }
0x420: {  	v20 =	vmax.f32 v20, $0.0e+00;
	v43 =	vld [tilespmem:s17+$0xFFFFFF20]  }
0x421: {  	v11 =	vld [tilespmem:s4+$0xFFFFFFF0];
	[tilespmem:s12+$0xFFFFFF90] =	vst v22;
	v25 =	vadd.f32 v41, v40;
	v20 =	vmul.f32 v20, v4  }
0x422: {  	v14 =	vadd.f32 v14, v12;
	v44 =	vld [tilespmem:s17+$0xFFFFFFA0]  }
0x423: {  	v61 =	vld [tilespmem:s12+$0x50];
	v25 =	vmax.f32 v25, $0.0e+00;
	[tilespmem:s12+$0x90] =	vst v20  }
0x424: {  	v21 =	vmax.f32 v14, $0.0e+00;
	v19 =	vadd.f32 v19, v6;
	v20 =	vmul.f32 v25, v3;
	v45 =	vld [tilespmem:s17+$0xA0]  }
0x425: {  	v17 =	vld [tilespmem:s4+$0xF0];
	v21 =	vmul.f32 v21, v7;
	v24 =	vadd.f32 v43, v39  }
0x426: {  	v19 =	vmax.f32 v19, $0.0e+00;
	[tilespmem:s12+$0x20] =	vst v20;
	v20 =	vld [tilespmem:s12+$0x30]  }
0x427: {  	[tilespmem:s4+$0xFFFFFFD0] =	vst v21;
	v19 =	vmul.f32 v19, v5;
	v27 =	vadd.f32 v44, v30;
	v47 =	vld [tilespmem:s17+$0x30];
	v24 =	vmax.f32 v24, $0.0e+00  }
0x428: {  	v51 =	vld [tilespmem:s18+$0xFFFFFFE0];
	v24 =	vmul.f32 v24, v1  }
0x429: {  	v53 =	vld [tilespmem:s18+$0xE0];
	[tilespmem:s4+$0xFFFFFF60] =	vst v19;
	v27 =	vmax.f32 v27, $0.0e+00;
	v25 =	vadd.f32 v45, v42  }
0x42a: {  	v58 =	vld [tilespmem:s18+$0xFFFFFF70];
	v48 =	vmul.f32 v27, v2;
	[tilespmem:s12+$0xFFFFFF20] =	vst v24  }
0x42b: {  	v13 =	vmax.f32 v25, $0.0e+00;
	v49 =	vld [tilespmem:s17+$0xFFFFFF30]  }
0x42c: {  	v23 =	vld [tilespmem:s12+$0xFFFFFFB0];
	[tilespmem:s12+$0xFFFFFFA0] =	vst v48;
	v50 =	vmul.f32 v13, v4;
	v20 =	vadd.f32 v47, v20  }
0x42d: {  	v21 =	vld [tilespmem:s17+$0xFFFFFFB0]  }
0x42e: {  	v22 =	vld [tilespmem:s12+$0xB0];
	[tilespmem:s12+$0xA0] =	vst v50;
	v20 =	vmax.f32 v20, $0.0e+00  }
0x42f: {  	v18 =	vadd.f32 v53, v18;
	v10 =	vld [tilespmem:s17+$0xB0];
	v20 =	vmul.f32 v20, v3  }
0x430: {  	s20 =	simm.s32 $0xB;
	v12 =	vld [tilespmem:s12+$0xFFFFFF50];
	v52 =	vadd.f32 v49, v31  }
0x431: {  	v60 =	vmov s20;
	v18 =	vmax.f32 v18, $0.0e+00;
	[tilespmem:s12+$0x30] =	vst v20;
	v20 =	vld [tilespmem:s12+$0x40]  }
0x432: {  	v18 =	vmul.f32 v18, v15;
	v21 =	vadd.f32 v21, v23;
	v23 =	vld [tilespmem:s17+$0x40];
	v25 =	vmax.f32 v52, $0.0e+00  }
0x433: {  	v14 =	vld [tilespmem:s12+$0xFFFFFFD0];
	[tilespmem:s4+$0x60] =	vst v29;
	v16 =	vadd.f32 v58, v16;
	v24 =	vadd.f32 v51, v9;
	v9 =	vmul.f32 v25, v1  }
0x434: {  	v54 =	vld [tilespmem:s18+$0x70];
	[tilespmem:s4+$0xE0] =	vst v18;
	v21 =	vmax.f32 v21, $0.0e+00;
	v22 =	vadd.f32 v10, v22  }
0x435: {  	v59 =	vld [tilespmem:s18+$0xF0];
	v16 =	vmax.f32 v16, $0.0e+00;
	v6 =	vmax.f32 v24, $0.0e+00;
	v21 =	vmul.f32 v21, v2;
	[tilespmem:s12+$0xFFFFFF30] =	vst v9  }
0x436: {  	v16 =	vmul.f32 v16, v5;
	v56 =	vmul.f32 v6, v7;
	v22 =	vmax.f32 v22, $0.0e+00;
	v55 =	vld [tilespmem:s17+$0xFFFFFF40]  }
0x437: {  	v5 =	vld.idx.msk [tilespmem:v60+s13+$0x0], $0xffff;
	[tilespmem:s12+$0xFFFFFFB0] =	vst v21;
	v21 =	vmul.f32 v22, v4;
	v20 =	vadd.f32 v23, v20  }
0x438: {  	[tilespmem:s4+$0xFFFFFFE0] =	vst v56;
	v22 =	vld [tilespmem:s17+$0xFFFFFFC0]  }
0x439: {  	v23 =	vadd.f32 v54, v63;
	[tilespmem:s12+$0xB0] =	vst v21;
	v21 =	vld [tilespmem:s18+$0xFFFFFFF0];
	v20 =	vmax.f32 v20, $0.0e+00  }
0x43a: {  	s21 =	simm.s32 $0x8;
	v57 =	vld [tilespmem:s17+$0xC0];
	v19 =	vmul.f32 v20, v3  }
0x43b: {  	v13 =	vld [tilespmem:s12+$0xD0];
	v20 =	vmax.f32 v23, $0.0e+00;
	v23 =	vmov s21;
	v24 =	vadd.f32 v55, v32  }
0x43c: {  	s24 =	simm.s32 $0x9;
	v6 =	vld [tilespmem:s12+$0xE0];
	v20 =	vmul.f32 v20, v8;
	v8 =	vand.u32 $0xFFFFFFFC, v23  }
0x43d: {  	v10 =	vld [tilespmem:s12+$0xFFFFFF60];
	v23 =	vmov s24;
	[tilespmem:s12+$0x40] =	vst v19;
	v22 =	vadd.f32 v22, v46;
	v19 =	vmax.f32 v24, $0.0e+00  }
0x43e: {  	v18 =	vbroadcast v8, $0x0;
	v62 =	vld [tilespmem:s17+$0x50];
	v8 =	vmul.f32 v19, v1;
	v19 =	vadd.f32 v21, v11  }
0x43f: {  	v9 =	vld [tilespmem:s12+$0xFFFFFFE0];
	v22 =	vmax.f32 v22, $0.0e+00;
	v21 =	vand.u32 $0xFFFFFFFD, v23;
	v23 =	vadd.f32 v57, v33  }
0x440: {  	v17 =	vadd.f32 v59, v17;
	v11 =	vld [tilespmem:s12+$0xFFFFFF70];
	v22 =	vmul.f32 v22, v2;
	[tilespmem:s12+$0xFFFFFF40] =	vst v8;
	v19 =	vmax.f32 v19, $0.0e+00  }
0x441: {  	[tilespmem:s4+$0x70] =	vst v20;
	v23 =	vmax.f32 v23, $0.0e+00;
	v20 =	vld [tilespmem:s17+$0xFFFFFF50];
	v63 =	vmul.f32 v19, v7;
	v19 =	vbroadcast v21, $0x0  }
0x442: {  	v8 =	vld [tilespmem:s12+$0xFFFFFFF0];
	[tilespmem:s12+$0xFFFFFFC0] =	vst v22;
	v23 =	vmul.f32 v23, v4  }
0x443: {  	v17 =	vmax.f32 v17, $0.0e+00;
	v21 =	vld [tilespmem:s17+$0xFFFFFFD0];
	v22 =	vadd.f32 v62, v61;
	[tilespmem:s4+$0xFFFFFFF0] =	vst v63  }
0x444: {  	s20 =	simm.s32 $0xC;
	v17 =	vmul.f32 v17, v15;
	s18 =	simm.s32 $0x2E00;
	s21 =	simm.s32 $0xA;
	v7 =	vld [tilespmem:s12+$0xF0];
	[tilespmem:s12+$0xC0] =	vst v23  }
.LBB2_10:
0x445: {  	p0 =	slt.u32 s20, $0x4C;
	v23 =	vmov s21;
	v22 =	vmax.f32 v22, $0.0e+00;
	v24 =	vld [tilespmem:s17+$0xD0];
	[tilespmem:s4+$0xFFFFFF70] =	vst v16  }
0x446: {  	v15 =	vld.idx.msk [tilespmem:v18+s13+$0x0], $0xffff;
	v18 =	vand.u32 $0xFFFFFFFE, v23;
	v12 =	vadd.f32 v20, v12;
	v20 =	vmul.f32 v22, v3;
	[tilespmem:s4+$0xF0] =	vst v17;
	s4 =	smov.u32 s12  }
0x447: {  	v16 =	vld.idx.msk [tilespmem:v19+s13+$0x0], $0xffff;
	v17 =	vbroadcast v18, $0x0  }
0x448: {  	v12 =	vmax.f32 v12, $0.0e+00;
	v14 =	vadd.f32 v21, v14;
	[tilespmem:s12+$0x50] =	vst v20;
	v18 =	vld [tilespmem:s12+$0x60]  }
0x449: {  	s12 =	sadd.s32 $0x200, s12;
	v12 =	vmul.f32 v12, v1;
	v19 =	vld [tilespmem:s17+$0x60]  }
0x44a: {  	s17 =	sadd.s32 $0x200, s17;
	v20 =	vld [tilespmem:s12+$0x0];
	v14 =	vmax.f32 v14, $0.0e+00;
	v13 =	vadd.f32 v24, v13  }
0x44b: {  	v21 =	vld [tilespmem:s17+$0x0];
	[tilespmem:s4+$0xFFFFFF50] =	vst v12;
	v12 =	vmul.f32 v14, v2  }
0x44c: {  	v14 =	vld [tilespmem:s12+$0xFFFFFF00];
	v13 =	vmax.f32 v13, $0.0e+00  }
0x44d: {  	v17 =	vld.idx.msk [tilespmem:v17+s13+$0x0], $0xffff;
	[tilespmem:s4+$0xFFFFFFD0] =	vst v12;
	v12 =	vmul.f32 v13, v4  }
0x44e: {  	v13 =	vld [tilespmem:s17+$0xFFFFFF00];
	v18 =	vadd.f32 v19, v18  }
0x44f: {  	v19 =	vld [tilespmem:s12+$0xFFFFFF80];
	[tilespmem:s4+$0xD0] =	vst v12  }
0x450: {  	v12 =	vld [tilespmem:s17+$0xFFFFFF80];
	v20 =	vadd.f32 v21, v20;
	v18 =	vmax.f32 v18, $0.0e+00  }
0x451: {  	v21 =	vld [tilespmem:s12+$0x80];
	v18 =	vmul.f32 v18, v3  }
0x452: {  	v20 =	vmax.f32 v20, $0.0e+00;
	v22 =	vld [tilespmem:s17+$0x80]  }
0x453: {  	v13 =	vadd.f32 v13, v14;
	v14 =	vmul.f32 v20, v17;
	[tilespmem:s4+$0x60] =	vst v18;
	v18 =	vld [tilespmem:s4+$0x70]  }
0x454: {  	v20 =	vld [tilespmem:s18+$0x70]  }
0x455: {  	v13 =	vmax.f32 v13, $0.0e+00;
	v12 =	vadd.f32 v12, v19;
	[tilespmem:s12+$0x0] =	vst v14;
	v14 =	vld [tilespmem:s12+$0x10]  }
0x456: {  	v13 =	vmul.f32 v13, v15;
	v19 =	vld [tilespmem:s17+$0x10]  }
0x457: {  	v23 =	vld [tilespmem:s12+$0xFFFFFF10];
	v12 =	vmax.f32 v12, $0.0e+00;
	v21 =	vadd.f32 v22, v21  }
0x458: {  	[tilespmem:s12+$0xFFFFFF00] =	vst v13;
	v12 =	vmul.f32 v12, v16;
	v13 =	vld [tilespmem:s12+$0xFFFFFF90]  }
0x459: {  	v22 =	vld [tilespmem:s17+$0xFFFFFF10];
	v21 =	vmax.f32 v21, $0.0e+00;
	v18 =	vadd.f32 v20, v18  }
0x45a: {  	[tilespmem:s12+$0xFFFFFF80] =	vst v12;
	v12 =	vmul.f32 v21, v5;
	v20 =	vld [tilespmem:s12+$0x90]  }
0x45b: {  	v21 =	vld [tilespmem:s17+$0xFFFFFF90];
	v14 =	vadd.f32 v19, v14;
	v18 =	vmax.f32 v18, $0.0e+00  }
0x45c: {  	v19 =	vld [tilespmem:s12+$0xFFFFFF20];
	[tilespmem:s12+$0x80] =	vst v12;
	v12 =	vmul.f32 v18, v3;
	v3 =	vmov v17  }
0x45d: {  	v14 =	vmax.f32 v14, $0.0e+00;
	v17 =	vld [tilespmem:s17+$0x90]  }
0x45e: {  	v18 =	vadd.f32 v22, v23;
	v22 =	vld [tilespmem:s12+$0xFFFFFFA0];
	v14 =	vmul.f32 v14, v3;
	[tilespmem:s4+$0x70] =	vst v12  }
0x45f: {  	v23 =	vld [tilespmem:s12+$0xA0]  }
0x460: {  	v12 =	vmax.f32 v18, $0.0e+00;
	v13 =	vadd.f32 v21, v13;
	[tilespmem:s12+$0x10] =	vst v14;
	v14 =	vld [tilespmem:s12+$0x20]  }
0x461: {  	v12 =	vmul.f32 v12, v15;
	v18 =	vld [tilespmem:s17+$0x20]  }
0x462: {  	v21 =	vld [tilespmem:s12+$0xFFFFFF30];
	v13 =	vmax.f32 v13, $0.0e+00;
	v17 =	vadd.f32 v17, v20  }
0x463: {  	[tilespmem:s12+$0xFFFFFF10] =	vst v12;
	v12 =	vmul.f32 v13, v16;
	v20 =	vld [tilespmem:s12+$0xFFFFFFB0]  }
0x464: {  	v13 =	vld [tilespmem:s17+$0xFFFFFF20];
	v17 =	vmax.f32 v17, $0.0e+00  }
0x465: {  	[tilespmem:s12+$0xFFFFFF90] =	vst v12;
	v12 =	vmul.f32 v17, v5;
	v17 =	vld [tilespmem:s12+$0xB0]  }
0x466: {  	v24 =	vld [tilespmem:s17+$0xFFFFFFA0];
	v14 =	vadd.f32 v18, v14  }
0x467: {  	v18 =	vld [tilespmem:s12+$0xFFFFFF40];
	[tilespmem:s12+$0x90] =	vst v12  }
0x468: {  	v12 =	vmax.f32 v14, $0.0e+00;
	v14 =	vld [tilespmem:s17+$0xA0]  }
0x469: {  	v13 =	vadd.f32 v13, v19;
	v19 =	vld [tilespmem:s12+$0xFFFFFFC0];
	v12 =	vmul.f32 v12, v3  }
0x46a: {  	v25 =	vld [tilespmem:s12+$0xC0]  }
0x46b: {  	v13 =	vmax.f32 v13, $0.0e+00;
	v22 =	vadd.f32 v24, v22;
	[tilespmem:s12+$0x20] =	vst v12;
	v24 =	vld [tilespmem:s12+$0x30]  }
0x46c: {  	v13 =	vmul.f32 v13, v15;
	v26 =	vld [tilespmem:s17+$0x30]  }
0x46d: {  	v12 =	vld [tilespmem:s12+$0xFFFFFF50];
	v22 =	vmax.f32 v22, $0.0e+00;
	v23 =	vadd.f32 v14, v23  }
0x46e: {  	[tilespmem:s12+$0xFFFFFF20] =	vst v13;
	v13 =	vmul.f32 v22, v16;
	v14 =	vld [tilespmem:s12+$0xFFFFFFD0]  }
0x46f: {  	v22 =	vld [tilespmem:s17+$0xFFFFFF30];
	v23 =	vmax.f32 v23, $0.0e+00  }
0x470: {  	[tilespmem:s12+$0xFFFFFFA0] =	vst v13;
	v23 =	vmul.f32 v23, v5;
	v13 =	vld [tilespmem:s12+$0xD0]  }
0x471: {  	v27 =	vld [tilespmem:s17+$0xFFFFFFB0];
	v24 =	vadd.f32 v26, v24  }
0x472: {  	[tilespmem:s12+$0xA0] =	vst v23;
	v23 =	vld [tilespmem:s18+$0xFFFFFFE0]  }
0x473: {  	v24 =	vmax.f32 v24, $0.0e+00;
	v26 =	vld [tilespmem:s17+$0xB0]  }
0x474: {  	v21 =	vadd.f32 v22, v21;
	v22 =	vmul.f32 v24, v3;
	v24 =	vld [tilespmem:s18+$0xFFFFFF60]  }
0x475: {  	v28 =	vld [tilespmem:s18+$0xE0]  }
0x476: {  	v21 =	vmax.f32 v21, $0.0e+00;
	v20 =	vadd.f32 v27, v20;
	[tilespmem:s12+$0x30] =	vst v22;
	v22 =	vld [tilespmem:s12+$0x40]  }
0x477: {  	v21 =	vmul.f32 v21, v15;
	v27 =	vld [tilespmem:s17+$0x40];
	v23 =	vadd.f32 v23, v9  }
0x478: {  	v29 =	vld [tilespmem:s12+$0xFFFFFF60];
	v9 =	vmax.f32 v20, $0.0e+00;
	v17 =	vadd.f32 v26, v17  }
0x479: {  	[tilespmem:s12+$0xFFFFFF30] =	vst v21;
	v20 =	vmul.f32 v9, v16;
	v9 =	vld [tilespmem:s12+$0xFFFFFFE0];
	v10 =	vadd.f32 v24, v10;
	v21 =	vmax.f32 v23, $0.0e+00  }
0x47a: {  	v23 =	vld [tilespmem:s17+$0xFFFFFF40];
	v17 =	vmax.f32 v17, $0.0e+00;
	v21 =	vmul.f32 v21, v2;
	v24 =	vadd.f32 v28, v6  }
0x47b: {  	[tilespmem:s12+$0xFFFFFFB0] =	vst v20;
	v17 =	vmul.f32 v17, v5;
	v6 =	vld [tilespmem:s12+$0xE0];
	v28 =	vmax.f32 v10, $0.0e+00  }
0x47c: {  	v20 =	vld [tilespmem:s17+$0xFFFFFFC0];
	v22 =	vadd.f32 v27, v22;
	v26 =	vmul.f32 v28, v1;
	[tilespmem:s4+$0xFFFFFFE0] =	vst v21;
	v24 =	vmax.f32 v24, $0.0e+00  }
0x47d: {  	[tilespmem:s12+$0xB0] =	vst v17;
	v17 =	vld [tilespmem:s18+$0xFFFFFFF0];
	v21 =	vmul.f32 v24, v4;
	v10 =	vmov v29  }
0x47e: {  	v22 =	vmax.f32 v22, $0.0e+00;
	v24 =	vld [tilespmem:s17+$0xC0];
	[tilespmem:s4+$0xFFFFFF60] =	vst v26  }
0x47f: {  	s0 =	sadd.s32 $0x1, s20;
	s21 =	sadd.s32 $0x3, s20;
	v26 =	vmov s20;
	v23 =	vadd.f32 v23, v18;
	v22 =	vmul.f32 v22, v3;
	v27 =	vld [tilespmem:s18+$0xFFFFFF70];
	[tilespmem:s4+$0xE0] =	vst v21  }
0x480: {  	v18 =	vand.u32 $0xFFFFFFFC, v26;
	v21 =	vmov s0;
	v26 =	vmov s21;
	v28 =	vld [tilespmem:s18+$0xF0];
	s18 =	smov.u32 s17  }
0x481: {  	v18 =	vbroadcast v18, $0x0;
	v23 =	vmax.f32 v23, $0.0e+00;
	v20 =	vadd.f32 v20, v19;
	[tilespmem:s12+$0x40] =	vst v22;
	v22 =	vld [tilespmem:s12+$0x50]  }
0x482: {  	v19 =	vand.u32 $0xFFFFFFFD, v21;
	v21 =	vmul.f32 v23, v15;
	v23 =	vld [tilespmem:s17+$0x50];
	v17 =	vadd.f32 v17, v8  }
0x483: {  	v19 =	vbroadcast v19, $0x0;
	v29 =	vld [tilespmem:s12+$0xFFFFFF70];
	v8 =	vmax.f32 v20, $0.0e+00;
	v24 =	vadd.f32 v24, v25  }
.Ltmp4:
0x484: {  	[tilespmem:s12+$0xFFFFFF40] =	vst v21;
	v21 =	vmul.f32 v8, v16;
	v8 =	vld [tilespmem:s12+$0xFFFFFFF0];
	v11 =	vadd.f32 v27, v11;
	v17 =	vmax.f32 v17, $0.0e+00;
	(pc) =	sbr.rel @p0 .LBB2_10-.Ltmp4, $4  }
0x485: {  	v20 =	vld [tilespmem:s17+$0xFFFFFF50];
	v24 =	vmax.f32 v24, $0.0e+00;
	v17 =	vmul.f32 v17, v2;
	v25 =	vadd.f32 v28, v7;
	v2 =	vmovc v16  }
0x486: {  	[tilespmem:s12+$0xFFFFFFC0] =	vst v21;
	v24 =	vmul.f32 v24, v5;
	v7 =	vld [tilespmem:s12+$0xF0];
	v27 =	vmax.f32 v11, $0.0e+00  }
0x487: {  	v21 =	vld [tilespmem:s17+$0xFFFFFFD0];
	v22 =	vadd.f32 v23, v22;
	v16 =	vmul.f32 v27, v1;
	[tilespmem:s4+$0xFFFFFFF0] =	vst v17;
	v23 =	vmax.f32 v25, $0.0e+00;
	v1 =	vmovc v15  }
0x488: {  	s21 =	sadd.s32 $0x2, s20;
	s20 =	sadd.s32 $0x4, s20;
	[tilespmem:s12+$0xC0] =	vst v24;
	v17 =	vmul.f32 v23, v4;
	v11 =	vmov v29;
	v4 =	vmov v5;
	v5 =	vld.idx.msk [tilespmem:v26+s13+$0x0], $0xffff  }
0x489: {  	_ =	sdelay $0x3  }
0x48a: {  	v15 =	vmov s21;
	s20 =	sadd.s32 $0x200, s12;
	v19 =	vld.idx.msk [tilespmem:v19+s13+$0x0], $0xffff  }
0x48b: {  	s0 =	sadd.s32 $0x200, s17;
	v15 =	vand.u32 $0xFFFFFFFE, v15;
	v24 =	vld [tilespmem:s20+$0x0]  }
0x48c: {  	v25 =	vld [tilespmem:s0+$0x0];
	v23 =	vbroadcast v15, $0x0  }
0x48d: {  	v26 =	vld [tilespmem:s20+$0xFFFFFF00]  }
0x48e: {  	v27 =	vld [tilespmem:s20+$0xFFFFFF80]  }
0x48f: {  	v28 =	vld [tilespmem:s0+$0xFFFFFF80]  }
0x490: {  	v52 =	vld [tilespmem:s20+$0x80]  }
0x491: {  	v15 =	vld.idx.msk [tilespmem:v18+s13+$0x0], $0xffff  }
0x492: {  	v18 =	vld.idx.msk [tilespmem:v23+s13+$0x0], $0xffff  }
0x493: {  	v23 =	vld [tilespmem:s0+$0xFFFFFF00]  }
0x494: {  	v29 =	vld [tilespmem:s0+$0x80]  }
0x495: {  	v24 =	vadd.f32 v25, v24  }
0x496: {  	v53 =	vadd.f32 v28, v27  }
0x497: {  	v24 =	vmax.f32 v24, $0.0e+00  }
0x498: {  	v54 =	vld [tilespmem:s20+$0x10];
	v23 =	vadd.f32 v23, v26;
	v24 =	vmul.f32 v24, v18;
	v26 =	vmax.f32 v53, $0.0e+00  }
0x499: {  	v56 =	vld [tilespmem:s20+$0xFFFFFF10];
	v25 =	vadd.f32 v29, v52;
	v26 =	vmul.f32 v26, v19  }
0x49a: {  	v30 =	vld [tilespmem:s20+$0x90];
	v23 =	vmax.f32 v23, $0.0e+00;
	[tilespmem:s20+$0x0] =	vst v24  }
0x49b: {  	v25 =	vmax.f32 v25, $0.0e+00;
	v23 =	vmul.f32 v23, v15;
	v55 =	vld [tilespmem:s0+$0x10];
	[tilespmem:s20+$0xFFFFFF80] =	vst v26  }
0x49c: {  	v25 =	vmul.f32 v25, v5;
	v26 =	vld [tilespmem:s0+$0xFFFFFF90]  }
0x49d: {  	[tilespmem:s20+$0xFFFFFF00] =	vst v23;
	v23 =	vld [tilespmem:s20+$0xFFFFFF90]  }
0x49e: {  	[tilespmem:s20+$0x80] =	vst v25;
	v57 =	vld [tilespmem:s0+$0xFFFFFF10]  }
0x49f: {  	v25 =	vld [tilespmem:s0+$0x90];
	_ =	sdelay $0x1  }
0x4a0: {  	v24 =	vadd.f32 v55, v54  }
0x4a1: {  	v23 =	vadd.f32 v26, v23  }
0x4a2: {  	v58 =	vld [tilespmem:s20+$0xFFFFFF20];
	v24 =	vmax.f32 v24, $0.0e+00;
	v59 =	vadd.f32 v57, v56  }
0x4a3: {  	v60 =	vld [tilespmem:s20+$0xFFFFFFA0];
	v25 =	vadd.f32 v25, v30;
	v24 =	vmul.f32 v24, v18;
	v23 =	vmax.f32 v23, $0.0e+00  }
0x4a4: {  	v61 =	vld [tilespmem:s20+$0xA0];
	v27 =	vmax.f32 v59, $0.0e+00;
	v23 =	vmul.f32 v23, v19  }
0x4a5: {  	v62 =	vld [tilespmem:s20+$0x20];
	v25 =	vmax.f32 v25, $0.0e+00;
	[tilespmem:s20+$0x10] =	vst v24;
	v27 =	vmul.f32 v27, v15  }
0x4a6: {  	v63 =	vld [tilespmem:s0+$0x20];
	[tilespmem:s20+$0xFFFFFF90] =	vst v23;
	v23 =	vmul.f32 v25, v5  }
0x4a7: {  	[tilespmem:s20+$0xFFFFFF10] =	vst v27;
	v32 =	vld [tilespmem:s0+$0xFFFFFFA0]  }
0x4a8: {  	v27 =	vld [tilespmem:s0+$0xFFFFFF20];
	[tilespmem:s20+$0x90] =	vst v23  }
0x4a9: {  	v23 =	vld [tilespmem:s0+$0xA0];
	_ =	sdelay $0x1  }
0x4aa: {  	v24 =	vadd.f32 v63, v62  }
0x4ab: {  	v25 =	vadd.f32 v32, v60  }
0x4ac: {  	v33 =	vld [tilespmem:s20+$0xFFFFFF30];
	v24 =	vmax.f32 v24, $0.0e+00;
	v26 =	vadd.f32 v27, v58  }
0x4ad: {  	v34 =	vld [tilespmem:s20+$0xFFFFFFB0];
	v24 =	vmul.f32 v24, v18;
	v25 =	vmax.f32 v25, $0.0e+00;
	v23 =	vadd.f32 v23, v61  }
0x4ae: {  	v35 =	vld [tilespmem:s20+$0xB0];
	v26 =	vmax.f32 v26, $0.0e+00;
	v25 =	vmul.f32 v25, v19  }
0x4af: {  	v36 =	vld [tilespmem:s20+$0x30];
	[tilespmem:s20+$0x20] =	vst v24;
	v26 =	vmul.f32 v26, v15;
	v23 =	vmax.f32 v23, $0.0e+00  }
0x4b0: {  	v22 =	vmax.f32 v22, $0.0e+00;
	v37 =	vld [tilespmem:s0+$0x30];
	[tilespmem:s20+$0xFFFFFFA0] =	vst v25;
	v23 =	vmul.f32 v23, v5  }
0x4b1: {  	v22 =	vmul.f32 v22, v3;
	[tilespmem:s20+$0xFFFFFF20] =	vst v26;
	v25 =	vld [tilespmem:s0+$0xFFFFFFB0]  }
0x4b2: {  	v26 =	vld [tilespmem:s0+$0xFFFFFF30];
	[tilespmem:s20+$0xA0] =	vst v23  }
0x4b3: {  	[tilespmem:s12+$0x50] =	vst v22;
	v22 =	vld [tilespmem:s0+$0xB0];
	_ =	sdelay $0x1  }
0x4b4: {  	v43 =	vld [tilespmem:s17+$0xD0];
	v24 =	vadd.f32 v37, v36  }
0x4b5: {  	v38 =	vld [tilespmem:s20+$0xFFFFFF40];
	v25 =	vadd.f32 v25, v34  }
0x4b6: {  	v39 =	vld [tilespmem:s20+$0xFFFFFFC0];
	v24 =	vmax.f32 v24, $0.0e+00;
	v26 =	vadd.f32 v26, v33  }
0x4b7: {  	v40 =	vld [tilespmem:s20+$0xC0];
	v24 =	vmul.f32 v24, v18;
	v25 =	vmax.f32 v25, $0.0e+00;
	v22 =	vadd.f32 v22, v35  }
0x4b8: {  	v41 =	vld [tilespmem:s20+$0x40];
	v26 =	vmax.f32 v26, $0.0e+00;
	v25 =	vmul.f32 v25, v19  }
0x4b9: {  	v45 =	vld [tilespmem:s20+$0xFFFFFF50];
	[tilespmem:s20+$0x30] =	vst v24;
	v26 =	vmul.f32 v26, v15;
	v22 =	vmax.f32 v22, $0.0e+00  }
0x4ba: {  	v42 =	vld [tilespmem:s0+$0x40];
	[tilespmem:s20+$0xFFFFFFB0] =	vst v25;
	v22 =	vmul.f32 v22, v5  }
0x4bb: {  	[tilespmem:s20+$0xFFFFFF30] =	vst v26;
	v25 =	vld [tilespmem:s0+$0xFFFFFFC0]  }
0x4bc: {  	v12 =	vadd.f32 v20, v12;
	v26 =	vld [tilespmem:s0+$0xFFFFFF40];
	[tilespmem:s20+$0xB0] =	vst v22  }
0x4bd: {  	v14 =	vadd.f32 v21, v14;
	v22 =	vld [tilespmem:s0+$0xC0]  }
0x4be: {  	v46 =	vld [tilespmem:s20+$0xFFFFFFD0];
	v12 =	vmax.f32 v12, $0.0e+00;
	v13 =	vadd.f32 v43, v13  }
0x4bf: {  	v20 =	vld [tilespmem:s20+$0x50];
	v12 =	vmul.f32 v12, v1;
	v14 =	vmax.f32 v14, $0.0e+00;
	v24 =	vadd.f32 v42, v41  }
0x4c0: {  	v51 =	vld [tilespmem:s20+$0xFFFFFF60];
	v14 =	vmul.f32 v14, v2;
	v13 =	vmax.f32 v13, $0.0e+00;
	v25 =	vadd.f32 v25, v39  }
0x4c1: {  	v21 =	vld [tilespmem:s20+$0xD0];
	[tilespmem:s12+$0xFFFFFF50] =	vst v12;
	v13 =	vmul.f32 v13, v4;
	v24 =	vmax.f32 v24, $0.0e+00;
	v26 =	vadd.f32 v26, v38  }
0x4c2: {  	v31 =	vld [tilespmem:s17+$0x60];
	[tilespmem:s12+$0xFFFFFFD0] =	vst v14;
	v24 =	vmul.f32 v24, v18;
	v25 =	vmax.f32 v25, $0.0e+00;
	v22 =	vadd.f32 v22, v40  }
0x4c3: {  	v12 =	vld [tilespmem:s18+$0xFFFFFFE0];
	[tilespmem:s12+$0xD0] =	vst v13;
	v26 =	vmax.f32 v26, $0.0e+00;
	v25 =	vmul.f32 v25, v19  }
0x4c4: {  	v13 =	vld [tilespmem:s18+$0xFFFFFF60];
	[tilespmem:s20+$0x40] =	vst v24;
	v47 =	vmul.f32 v26, v15;
	v22 =	vmax.f32 v22, $0.0e+00  }
0x4c5: {  	v48 =	vld [tilespmem:s0+$0x50];
	[tilespmem:s20+$0xFFFFFFC0] =	vst v25;
	v22 =	vmul.f32 v22, v5  }
0x4c6: {  	[tilespmem:s20+$0xFFFFFF40] =	vst v47;
	v49 =	vld [tilespmem:s0+$0xFFFFFFD0]  }
0x4c7: {  	v50 =	vld [tilespmem:s0+$0xFFFFFF50];
	[tilespmem:s20+$0xC0] =	vst v22  }
0x4c8: {  	v14 =	vld [tilespmem:s0+$0xD0]  }
0x4c9: {  	v52 =	vld [tilespmem:s20+$0xFFFFFFE0];
	v10 =	vadd.f32 v13, v10  }
0x4ca: {  	v23 =	vld [tilespmem:s12+$0x60];
	v20 =	vadd.f32 v48, v20  }
0x4cb: {  	v9 =	vadd.f32 v12, v9;
	v10 =	vmax.f32 v10, $0.0e+00;
	v22 =	vld [tilespmem:s18+$0xE0];
	v24 =	vadd.f32 v49, v46  }
0x4cc: {  	v53 =	vld [tilespmem:s20+$0xFFFFFFF0];
	v10 =	vmul.f32 v10, v1;
	v20 =	vmax.f32 v20, $0.0e+00;
	v25 =	vadd.f32 v50, v45  }
0x4cd: {  	v12 =	vld [tilespmem:s20+$0xE0];
	v20 =	vmul.f32 v20, v18;
	v24 =	vmax.f32 v24, $0.0e+00;
	v14 =	vadd.f32 v14, v21  }
0x4ce: {  	v13 =	vld [tilespmem:s20+$0x60];
	[tilespmem:s12+$0xFFFFFF60] =	vst v10;
	v21 =	vmax.f32 v25, $0.0e+00;
	v24 =	vmul.f32 v24, v19  }
0x4cf: {  	v10 =	vld [tilespmem:s18+$0xFFFFFF70];
	v23 =	vadd.f32 v31, v23;
	[tilespmem:s20+$0x50] =	vst v20;
	v20 =	vmul.f32 v21, v15;
	v14 =	vmax.f32 v14, $0.0e+00  }
0x4d0: {  	v9 =	vmax.f32 v9, $0.0e+00;
	v6 =	vadd.f32 v22, v6;
	v21 =	vld [tilespmem:s0+$0x60];
	[tilespmem:s20+$0xFFFFFFD0] =	vst v24;
	v14 =	vmul.f32 v14, v5  }
0x4d1: {  	v9 =	vmul.f32 v9, v2;
	v23 =	vmax.f32 v23, $0.0e+00;
	[tilespmem:s20+$0xFFFFFF50] =	vst v20;
	v20 =	vld [tilespmem:s0+$0xFFFFFFE0]  }
0x4d2: {  	v23 =	vmul.f32 v23, v3;
	v6 =	vmax.f32 v6, $0.0e+00;
	[tilespmem:s20+$0xD0] =	vst v14;
	v14 =	vld [tilespmem:s0+$0xFFFFFF60]  }
0x4d3: {  	[tilespmem:s12+$0xFFFFFFE0] =	vst v9;
	v6 =	vmul.f32 v6, v4;
	v9 =	vld [tilespmem:s0+$0xE0]  }
0x4d4: {  	[tilespmem:s12+$0x60] =	vst v23;
	v23 =	vld [tilespmem:s12+$0x70]  }
0x4d5: {  	v44 =	vld [tilespmem:s18+$0x70];
	[tilespmem:s12+$0xE0] =	vst v6;
	v6 =	vadd.f32 v21, v13  }
0x4d6: {  	v22 =	vld [tilespmem:s18+$0xFFFFFFF0];
	v20 =	vadd.f32 v20, v52  }
0x4d7: {  	v13 =	vld [tilespmem:s18+$0xF0];
	v6 =	vmax.f32 v6, $0.0e+00;
	v14 =	vadd.f32 v14, v51  }
0x4d8: {  	v21 =	vld [tilespmem:s20+$0xFFFFFF70];
	v6 =	vmul.f32 v6, v18;
	v20 =	vmax.f32 v20, $0.0e+00;
	v9 =	vadd.f32 v9, v12  }
0x4d9: {  	v12 =	vld [tilespmem:s20+$0xF0];
	v20 =	vmul.f32 v20, v19;
	v14 =	vmax.f32 v14, $0.0e+00  }
0x4da: {  	[tilespmem:s20+$0x60] =	vst v6;
	v6 =	vld [tilespmem:s20+$0x70];
	v14 =	vmul.f32 v14, v15;
	v9 =	vmax.f32 v9, $0.0e+00  }
0x4db: {  	v54 =	vld [tilespmem:s0+$0x70];
	[tilespmem:s20+$0xFFFFFFE0] =	vst v20;
	v9 =	vmul.f32 v9, v5  }
0x4dc: {  	v20 =	vadd.f32 v44, v23;
	v23 =	vld [tilespmem:s0+$0xFFFFFFF0];
	[tilespmem:s20+$0xFFFFFF60] =	vst v14  }
0x4dd: {  	v8 =	vadd.f32 v22, v8;
	v14 =	vld [tilespmem:s0+$0xFFFFFF70];
	[tilespmem:s20+$0xE0] =	vst v9  }
0x4de: {  	v10 =	vadd.f32 v10, v11;
	v9 =	vmax.f32 v20, $0.0e+00;
	v11 =	vld [tilespmem:s0+$0xF0]  }
0x4df: {  	[tilespmem:s4+$0xFFFFFF70] =	vst v16;
	v8 =	vmax.f32 v8, $0.0e+00;
	v7 =	vadd.f32 v13, v7;
	v3 =	vmul.f32 v9, v3  }
0x4e0: {  	[tilespmem:s4+$0xF0] =	vst v17;
	v2 =	vmul.f32 v8, v2;
	v8 =	vmax.f32 v10, $0.0e+00;
	v6 =	vadd.f32 v54, v6  }
0x4e1: {  	v1 =	vmul.f32 v8, v1;
	[tilespmem:s12+$0x70] =	vst v3;
	v3 =	vmax.f32 v7, $0.0e+00;
	v7 =	vadd.f32 v23, v53  }
0x4e2: {  	[tilespmem:s12+$0xFFFFFFF0] =	vst v2;
	v2 =	vmul.f32 v3, v4;
	v3 =	vmax.f32 v6, $0.0e+00;
	v4 =	vadd.f32 v14, v21  }
0x4e3: {  	[tilespmem:s12+$0xFFFFFF70] =	vst v1;
	v1 =	vmul.f32 v3, v18;
	v3 =	vmax.f32 v7, $0.0e+00;
	v6 =	vadd.f32 v11, v12  }
0x4e4: {  	[tilespmem:s12+$0xF0] =	vst v2;
	v2 =	vmul.f32 v3, v19;
	v3 =	vmax.f32 v4, $0.0e+00  }
0x4e5: {  	[tilespmem:s20+$0x70] =	vst v1;
	v1 =	vmul.f32 v3, v15;
	v3 =	vmax.f32 v6, $0.0e+00  }
0x4e6: {  	[tilespmem:s20+$0xFFFFFFF0] =	vst v2;
	v2 =	vmul.f32 v3, v5  }
0x4e7: {  	[tilespmem:s20+$0xFFFFFF70] =	vst v1  }
0x4e8: {  	[tilespmem:s20+$0xF0] =	vst v2  }
0x4e9: {  	[spmem:s2] =	stream.indirect.scatter.add.f32 [tilespmem:s14], [sflag:$0x5], $0x80, s16, s22, $0xb8;
	[tilespmem:$0x1E600] =	vst v63  }
0x4ea: {  	_ =	swait.ge [sflag:s15], $0x2800  }
0x4eb: {  	[sflag:s15] =	ssyncset.done $0x0  }
0x4ec: {  	s12 =	simm.s32 $0x0;
	s0 =	rddreg [dreg:$0xf];
	[sflag:s15] =	ssyncadd.s32 $0xFFFFD800  }
0x4ed: {  	[tilespmem:s12], [sflag:$0x1] =	stream.linear.gather [hbm4b:s0+s12], $0x50, $0x38;
	[tilespmem:$0x1E600] =	vst v63  }
0x4ee: {  	s20 =	rddreg [dreg:$0x10]  }
0x4ef: {  	[tilespmem:s16], [sflag:$0x1] =	stream.linear.gather [hbm4b:s20+s12], $0x50, $0x38;
	[tilespmem:$0x1E600] =	vst v63  }
0x4f0: {  	s24 =	simm.s32 $0x100;
	s21 =	rddreg [dreg:$0x11]  }
0x4f1: {  	[tilespmem:s24], [sflag:$0x1] =	stream.linear.gather [hbm4b:s21+s12], $0x50, $0x38;
	[tilespmem:$0x1E600] =	vst v63  }
0x4f2: {  	s17 =	simm.s32 $0x2B00;
	s4 =	rddreg [dreg:$0x12]  }
0x4f3: {  	[tilespmem:s17], [sflag:$0x1] =	stream.linear.gather [hbm4b:s4+s12], $0x2800, $0x38;
	[tilespmem:$0x1E600] =	vst v63  }
0x4f4: {  	_ =	swait.ge [sflag:s11], $0x2800  }
0x4f5: {  	[sflag:s11] =	ssyncset.done $0x0  }
0x4f6: {  	[sflag:s11] =	ssyncadd.s32 $0xFFFFD800  }
0x4f7: {  	_ =	swait.ge [sflag:s11], $0x50  }
0x4f8: {  	[sflag:s11] =	ssyncset.done $0x0  }
0x4f9: {  	[sflag:s11] =	ssyncadd.s32 $0xFFFFFFB0  }
0x4fa: {  	_ =	swait.ge [sflag:s11], $0x50  }
0x4fb: {  	[sflag:s11] =	ssyncset.done $0x0  }
0x4fc: {  	[sflag:s11] =	ssyncadd.s32 $0xFFFFFFB0  }
0x4fd: {  	_ =	swait.ge [sflag:s19], $0x50  }
0x4fe: {  	[sflag:s19] =	ssyncset.done $0x0  }
0x4ff: {  	[sflag:s19] =	ssyncadd.s32 $0xFFFFFFB0  }
0x500: {  	_ =	swait.ge [sflag:s19], $0x50  }
0x501: {  	[sflag:s19] =	ssyncset.done $0x0  }
0x502: {  	[sflag:s19] =	ssyncadd.s32 $0xFFFFFFB0  }
0x503: {  	_ =	swait.ge [sflag:s19], $0x50  }
0x504: {  	[sflag:s19] =	ssyncset.done $0x0  }
0x505: {  	[sflag:s19] =	ssyncadd.s32 $0xFFFFFFB0  }
0x506: {  	_ =	swait.ge [sflag:s19], $0x2800  }
0x507: {  	[sflag:s19] =	ssyncset.done $0x0  }
0x508: {  	[sflag:s19] =	ssyncadd.s32 $0xFFFFD800  }
0x509: {  	[tilespmem:s14], [sflag:$0x2] =	stream.indirect.gather [hbm4b:s1+s22], $0x80, s12, s22, $0xb8;
	[tilespmem:$0x1E600] =	vst v63  }
0x50a: {  	s18 =	simm.s32 $0x180  }
0x50b: {  	[tilespmem:s18], [sflag:$0x2] =	stream.indirect.gather [hbm4b:s9+s22], $0x1, s12, s22, $0xb8;
	[tilespmem:$0x1E600] =	vst v63  }
0x50c: {  	s20 =	simm.s32 $0x200  }
0x50d: {  	[tilespmem:s20], [sflag:$0x2] =	stream.indirect.gather [hbm4b:s10+s22], $0x1, s16, s22, $0xb8;
	[tilespmem:$0x1E600] =	vst v63  }
0x50e: {  	v1 =	vld [tilespmem:$0x5480]  }
0x50f: {  	v2 =	vld [tilespmem:$0x5500];
	_ =	sdelay $0x1  }
0x510: {  	v3 =	vld [tilespmem:$0x5400];
	_ =	sdelay $0x2  }
0x511: {  	v1 =	vadd.f32 v2, v1;
	_ =	sdelay $0x1  }
0x512: {  	v1 =	vadd.f32 v3, v1;
	_ =	sdelay $0x1  }
0x513: {  	v1 =	vsub.f32 $0.0e+00, v1;
	_ =	sdelay $0x1  }
0x514: {  	v1 =	vmul.f32 $1.442695020e+00, v1  }
0x515: {  	v2 =	vld [tilespmem:$0x5490]  }
0x516: {  	(erf) = vpow2.f32 v1;
	v1 =	vld [tilespmem:$0x5510];
	_ =	sdelay $0x1  }
0x517: {  	v3 =	vld [tilespmem:$0x5410];
	_ =	sdelay $0x2  }
0x518: {  	v1 =	vadd.f32 v1, v2;
	_ =	sdelay $0x1  }
0x519: {  	v1 =	vadd.f32 v3, v1;
	_ =	sdelay $0x1  }
0x51a: {  	v2 =	vpop (erf);
	v1 =	vsub.f32 $0.0e+00, v1  }
0x51b: {  	v2 =	vadd.f32 $1.000000000e+00, v2  }
0x51c: {  	v1 =	vmul.f32 $1.442695020e+00, v1  }
0x51d: {  	(erf) = vrcp.f32 v2;
	v2 =	vld [tilespmem:$0x54A0]  }
0x51e: {  	(erf) = vpow2.f32 v1;
	v1 =	vld [tilespmem:$0x5520];
	_ =	sdelay $0x1  }
0x51f: {  	v3 =	vld [tilespmem:$0x5420];
	_ =	sdelay $0x2  }
0x520: {  	v1 =	vadd.f32 v1, v2;
	_ =	sdelay $0x1  }
0x521: {  	v1 =	vadd.f32 v3, v1  }
0x522: {  	v2 =	vpop (erf)  }
0x523: {  	v3 =	vpop (erf);
	v1 =	vsub.f32 $0.0e+00, v1  }
0x524: {  	v3 =	vadd.f32 $1.000000000e+00, v3  }
0x525: {  	v1 =	vmul.f32 $1.442695020e+00, v1  }
0x526: {  	(erf) = vrcp.f32 v3;
	v3 =	vld [tilespmem:$0x54B0]  }
0x527: {  	(erf) = vpow2.f32 v1;
	v1 =	vld [tilespmem:$0x5530];
	_ =	sdelay $0x1  }
0x528: {  	v4 =	vld [tilespmem:$0x5430];
	_ =	sdelay $0x2  }
0x529: {  	v1 =	vadd.f32 v1, v3;
	_ =	sdelay $0x1  }
0x52a: {  	v1 =	vadd.f32 v4, v1  }
0x52b: {  	v3 =	vpop (erf)  }
0x52c: {  	v4 =	vpop (erf);
	v1 =	vsub.f32 $0.0e+00, v1  }
0x52d: {  	v4 =	vadd.f32 $1.000000000e+00, v4  }
0x52e: {  	v1 =	vmul.f32 $1.442695020e+00, v1  }
0x52f: {  	(erf) = vrcp.f32 v4;
	v4 =	vld [tilespmem:$0x54C0]  }
0x530: {  	(erf) = vpow2.f32 v1;
	v1 =	vld [tilespmem:$0x5540];
	_ =	sdelay $0x1  }
0x531: {  	v5 =	vld [tilespmem:$0x5440];
	_ =	sdelay $0x2  }
0x532: {  	v1 =	vadd.f32 v1, v4;
	_ =	sdelay $0x1  }
0x533: {  	v1 =	vadd.f32 v5, v1  }
0x534: {  	v4 =	vpop (erf)  }
0x535: {  	v5 =	vpop (erf);
	v1 =	vsub.f32 $0.0e+00, v1  }
0x536: {  	v5 =	vadd.f32 $1.000000000e+00, v5  }
0x537: {  	v1 =	vmul.f32 $1.442695020e+00, v1  }
0x538: {  	(erf) = vrcp.f32 v5  }
0x539: {  	(erf) = vpow2.f32 v1;
	_ =	sdelay $0x7  }
0x53a: {  	v1 =	vpop (erf)  }
0x53b: {  	v5 =	vpop (erf)  }
0x53c: {  	v5 =	vadd.f32 $1.000000000e+00, v5;
	_ =	sdelay $0x1  }
0x53d: {  	(erf) = vrcp.f32 v5;
	_ =	sdelay $0x5  }
0x53e: {  	[tilespmem:$0x5580] =	vst v2  }
0x53f: {  	s21 =	simm.s32 $0x2;
	[tilespmem:$0x5590] =	vst v3  }
0x540: {  	v2 =	vmov s21;
	[tilespmem:$0x55A0] =	vst v4  }
0x541: {  	v2 =	vand.u32 $0xFFFFFFFE, v2;
	[tilespmem:$0x55B0] =	vst v1;
	v1 =	vpop (erf)  }
0x542: {  	s4 =	simm.s32 $0x5700;
	v2 =	vbroadcast v2, $0x0;
	[tilespmem:$0x55C0] =	vst v1;
	v1 =	vmov s12  }
0x543: {  	s18 =	simm.s32 $0x7F00;
	v1 =	vand.u32 $0xFFFFFFFC, v1;
	v3 =	vld [tilespmem:s4+$0x0]  }
0x544: {  	v4 =	vld [tilespmem:s18+$0x0];
	v1 =	vbroadcast v1, $0x0;
	_ =	sdelay $0x3  }
0x545: {  	s24 =	simm.s32 $0x1;
	v8 =	vld.idx.msk [tilespmem:v2+s28+$0x0], $0xffff  }
0x546: {  	v2 =	vadd.f32 v4, v3;
	v3 =	vmov s24  }
0x547: {  	v5 =	vld.idx.msk [tilespmem:v1+s28+$0x0], $0xffff;
	v1 =	vand.u32 $0xFFFFFFFD, v3  }
0x548: {  	v4 =	vld [tilespmem:s18+$0xFFFFFF00];
	v1 =	vbroadcast v1, $0x0  }
0x549: {  	v3 =	vld [tilespmem:s4+$0xFFFFFF00];
	v2 =	vmax.f32 v2, $0.0e+00  }
0x54a: {  	v6 =	vld [tilespmem:s4+$0xFFFFFF80];
	v2 =	vmul.f32 v2, v8  }
0x54b: {  	v9 =	vld [tilespmem:s18+$0xFFFFFF80]  }
0x54c: {  	s12 =	simm.s32 $0x3;
	[tilespmem:s4+$0x0] =	vst v2;
	v2 =	vld [tilespmem:s4+$0x10]  }
0x54d: {  	v10 =	vmov s12;
	v11 =	vld [tilespmem:s18+$0x10]  }
0x54e: {  	v7 =	vld.idx.msk [tilespmem:v1+s28+$0x0], $0xffff;
	v1 =	vadd.f32 v4, v3;
	_ =	sdelay $0x1  }
0x54f: {  	v6 =	vadd.f32 v9, v6;
	v3 =	vld [tilespmem:s4+$0x80];
	v1 =	vmax.f32 v1, $0.0e+00  }
0x550: {  	v4 =	vld [tilespmem:s18+$0x80];
	v1 =	vmul.f32 v1, v5  }
0x551: {  	v15 =	vld.idx.msk [tilespmem:v10+s28+$0x0], $0xffff;
	v6 =	vmax.f32 v6, $0.0e+00  }
0x552: {  	v9 =	vld [tilespmem:s4+$0xFFFFFF10];
	v2 =	vadd.f32 v11, v2;
	[tilespmem:s4+$0xFFFFFF00] =	vst v1;
	v1 =	vmul.f32 v6, v7  }
0x553: {  	v10 =	vld [tilespmem:s18+$0xFFFFFF10]  }
0x554: {  	v2 =	vmax.f32 v2, $0.0e+00;
	v6 =	vld [tilespmem:s4+$0xFFFFFF90];
	[tilespmem:s4+$0xFFFFFF80] =	vst v1  }
0x555: {  	v2 =	vmul.f32 v2, v8;
	v3 =	vadd.f32 v4, v3;
	v1 =	vld [tilespmem:s18+$0xFFFFFF90];
	_ =	sdelay $0x1  }
0x556: {  	[tilespmem:s4+$0x10] =	vst v2;
	v2 =	vmax.f32 v3, $0.0e+00;
	v3 =	vld [tilespmem:s4+$0x20]  }
0x557: {  	v2 =	vmul.f32 v2, v15;
	v4 =	vld [tilespmem:s18+$0x20];
	v9 =	vadd.f32 v10, v9;
	_ =	sdelay $0x1  }
0x558: {  	v11 =	vld [tilespmem:s4+$0x90];
	[tilespmem:s4+$0x80] =	vst v2;
	v9 =	vmax.f32 v9, $0.0e+00;
	v1 =	vadd.f32 v1, v6  }
0x559: {  	v2 =	vld [tilespmem:s18+$0x90];
	v9 =	vmul.f32 v9, v5  }
0x55a: {  	v14 =	vld [tilespmem:s4+$0xFFFFFF30];
	v1 =	vmax.f32 v1, $0.0e+00  }
0x55b: {  	v10 =	vld [tilespmem:s4+$0xFFFFFF20];
	v3 =	vadd.f32 v4, v3;
	[tilespmem:s4+$0xFFFFFF10] =	vst v9;
	v1 =	vmul.f32 v1, v7  }
0x55c: {  	v9 =	vld [tilespmem:s18+$0xFFFFFF20]  }
0x55d: {  	v6 =	vld [tilespmem:s4+$0xFFFFFFA0];
	v3 =	vmax.f32 v3, $0.0e+00;
	[tilespmem:s4+$0xFFFFFF90] =	vst v1  }
0x55e: {  	v2 =	vadd.f32 v2, v11;
	v1 =	vmul.f32 v3, v8;
	v3 =	vld [tilespmem:s18+$0xFFFFFFA0]  }
0x55f: {  	v13 =	vld [tilespmem:s4+$0xA0]  }
0x560: {  	v17 =	vld [tilespmem:s4+$0xFFFFFF40];
	v2 =	vmax.f32 v2, $0.0e+00  }
0x561: {  	[tilespmem:s4+$0x20] =	vst v1;
	v1 =	vmul.f32 v2, v15;
	v2 =	vld [tilespmem:s4+$0x30];
	v9 =	vadd.f32 v9, v10  }
0x562: {  	v16 =	vld [tilespmem:s18+$0x30]  }
0x563: {  	v19 =	vld [tilespmem:s4+$0xFFFFFFC0];
	[tilespmem:s4+$0x90] =	vst v1;
	v9 =	vmax.f32 v9, $0.0e+00;
	v3 =	vadd.f32 v3, v6  }
0x564: {  	v1 =	vld [tilespmem:s18+$0xA0];
	v6 =	vmul.f32 v9, v5  }
0x565: {  	v12 =	vld [tilespmem:s4+$0xFFFFFFD0];
	v3 =	vmax.f32 v3, $0.0e+00  }
0x566: {  	v20 =	vld [tilespmem:s4+$0xC0];
	[tilespmem:s4+$0xFFFFFF20] =	vst v6;
	v3 =	vmul.f32 v3, v7  }
0x567: {  	v2 =	vadd.f32 v16, v2;
	v6 =	vld [tilespmem:s18+$0xFFFFFF30]  }
0x568: {  	v4 =	vld [tilespmem:s4+$0xFFFFFFB0];
	[tilespmem:s4+$0xFFFFFFA0] =	vst v3  }
0x569: {  	v2 =	vmax.f32 v2, $0.0e+00;
	v1 =	vadd.f32 v1, v13;
	v3 =	vld [tilespmem:s18+$0xFFFFFFB0]  }
0x56a: {  	v18 =	vld [tilespmem:s4+$0xE0];
	v2 =	vmul.f32 v2, v8  }
0x56b: {  	v63 =	vld [tilespmem:s4+$0x70];
	v1 =	vmax.f32 v1, $0.0e+00  }
0x56c: {  	v11 =	vld [tilespmem:s4+$0xB0];
	[tilespmem:s4+$0x30] =	vst v2;
	v1 =	vmul.f32 v1, v15;
	v2 =	vadd.f32 v6, v14  }
0x56d: {  	v16 =	vld [tilespmem:s18+$0x40]  }
0x56e: {  	v14 =	vld [tilespmem:s4+$0x40];
	[tilespmem:s4+$0xA0] =	vst v1;
	v1 =	vmax.f32 v2, $0.0e+00;
	v2 =	vadd.f32 v3, v4  }
0x56f: {  	s12 =	simm.s32 $0x5900;
	v3 =	vld [tilespmem:s18+$0xB0];
	v1 =	vmul.f32 v1, v5  }
0x570: {  	v23 =	vld [tilespmem:s12+$0x0];
	v2 =	vmax.f32 v2, $0.0e+00  }
0x571: {  	v56 =	vld [tilespmem:s12+$0xFFFFFF00];
	[tilespmem:s4+$0xFFFFFF30] =	vst v1;
	v1 =	vmul.f32 v2, v7  }
0x572: {  	v2 =	vld [tilespmem:s18+$0xFFFFFF40]  }
0x573: {  	v58 =	vld [tilespmem:s12+$0xFFFFFF80];
	v4 =	vadd.f32 v16, v14;
	[tilespmem:s4+$0xFFFFFFB0] =	vst v1  }
0x574: {  	v1 =	vadd.f32 v3, v11;
	v3 =	vld [tilespmem:s18+$0xFFFFFFC0]  }
0x575: {  	v33 =	vld [tilespmem:s12+$0xFFFFFF10];
	v4 =	vmax.f32 v4, $0.0e+00  }
0x576: {  	v34 =	vld [tilespmem:s12+$0xFFFFFF90];
	v4 =	vmul.f32 v4, v8;
	v1 =	vmax.f32 v1, $0.0e+00  }
0x577: {  	s17 =	simm.s32 $0x4;
	v37 =	vld [tilespmem:s12+$0xFFFFFF20];
	v1 =	vmul.f32 v1, v15;
	v2 =	vadd.f32 v2, v17  }
0x578: {  	v14 =	vld [tilespmem:s4+$0x50];
	[tilespmem:s4+$0x40] =	vst v4;
	v4 =	vmov s17  }
0x579: {  	[tilespmem:s4+$0xB0] =	vst v1;
	v1 =	vand.u32 $0xFFFFFFFC, v4;
	v4 =	vld [tilespmem:s18+$0x50];
	v2 =	vmax.f32 v2, $0.0e+00;
	v3 =	vadd.f32 v3, v19  }
0x57a: {  	s20 =	simm.s32 $0x5;
	v38 =	vld [tilespmem:s12+$0x20];
	v2 =	vmul.f32 v2, v5  }
0x57b: {  	v40 =	vld [tilespmem:s12+$0xFFFFFFA0];
	v11 =	vmov s20;
	v3 =	vmax.f32 v3, $0.0e+00  }
0x57c: {  	s21 =	simm.s32 $0x6;
	v41 =	vld [tilespmem:s12+$0xA0];
	v17 =	vand.u32 $0xFFFFFFFD, v11;
	[tilespmem:s4+$0xFFFFFF40] =	vst v2;
	v2 =	vmul.f32 v3, v7  }
0x57d: {  	v22 =	vmov s21;
	v42 =	vld [tilespmem:s12+$0xFFFFFF30];
	v3 =	vbroadcast v17, $0x0  }
0x57e: {  	v32 =	vld [tilespmem:s12+$0xFFFFFF40];
	[tilespmem:s4+$0xFFFFFFC0] =	vst v2;
	v2 =	vadd.f32 v4, v14;
	v4 =	vand.u32 $0xFFFFFFFE, v22  }
0x57f: {  	v46 =	vld [tilespmem:s12+$0xFFFFFFC0];
	s17 =	simm.s32 $0x8100;
	v4 =	vbroadcast v4, $0x0  }
0x580: {  	v55 =	vld [tilespmem:s17+$0x0]  }
0x581: {  	v57 =	vld [tilespmem:s17+$0xFFFFFF00];
	v2 =	vmax.f32 v2, $0.0e+00  }
0x582: {  	v19 =	vld [tilespmem:s18+$0xC0];
	v22 =	vmul.f32 v2, v8  }
0x583: {  	v2 =	vld.idx.msk [tilespmem:v3+s28+$0x0], $0xffff  }
0x584: {  	v1 =	vbroadcast v1, $0x0;
	[tilespmem:s4+$0x50] =	vst v22;
	v22 =	vld [tilespmem:s4+$0x60]  }
0x585: {  	v3 =	vld.idx.msk [tilespmem:v4+s28+$0x0], $0xffff  }
0x586: {  	v4 =	vld [tilespmem:s18+$0x60]  }
0x587: {  	v10 =	vld [tilespmem:s4+$0xFFFFFF50];
	v23 =	vadd.f32 v55, v23  }
0x588: {  	s24 =	simm.s32 $0x7;
	v60 =	vld [tilespmem:s17+$0x80]  }
0x589: {  	v59 =	vmov s24;
	v23 =	vmax.f32 v23, $0.0e+00;
	v19 =	vadd.f32 v19, v20;
	v20 =	vld [tilespmem:s17+$0xFFFFFF80]  }
0x58a: {  	v1 =	vld.idx.msk [tilespmem:v1+s28+$0x0], $0xffff;
	v23 =	vmul.f32 v23, v3  }
0x58b: {  	v24 =	vadd.f32 v57, v56;
	v4 =	vadd.f32 v4, v22;
	v22 =	vld [tilespmem:s12+$0x80]  }
0x58c: {  	[tilespmem:s12+$0x0] =	vst v23;
	v23 =	vld [tilespmem:s12+$0x10]  }
0x58d: {  	v24 =	vmax.f32 v24, $0.0e+00;
	v19 =	vmax.f32 v19, $0.0e+00;
	v4 =	vmax.f32 v4, $0.0e+00;
	v62 =	vld [tilespmem:s17+$0x10]  }
0x58e: {  	v19 =	vmul.f32 v19, v15;
	v20 =	vadd.f32 v20, v58;
	v61 =	vmul.f32 v4, v8;
	v4 =	vld.idx.msk [tilespmem:v59+s28+$0x0], $0xffff  }
0x58f: {  	v13 =	vld [tilespmem:s4+$0xD0];
	v24 =	vmul.f32 v24, v1  }
0x590: {  	v21 =	vld [tilespmem:s18+$0xFFFFFF50];
	[tilespmem:s4+$0xC0] =	vst v19;
	v20 =	vmax.f32 v20, $0.0e+00;
	v22 =	vadd.f32 v60, v22  }
0x591: {  	v19 =	vld [tilespmem:s18+$0xD0];
	[tilespmem:s12+$0xFFFFFF00] =	vst v24;
	v20 =	vmul.f32 v20, v2  }
0x592: {  	v35 =	vld [tilespmem:s17+$0xFFFFFF10];
	v22 =	vmax.f32 v22, $0.0e+00;
	v23 =	vadd.f32 v62, v23  }
0x593: {  	v9 =	vld [tilespmem:s4+$0xFFFFFFE0];
	[tilespmem:s12+$0xFFFFFF80] =	vst v20;
	v20 =	vmul.f32 v22, v4  }
0x594: {  	v36 =	vld [tilespmem:s17+$0xFFFFFF90];
	v23 =	vmax.f32 v23, $0.0e+00  }
0x595: {  	v10 =	vadd.f32 v21, v10;
	v22 =	vld [tilespmem:s12+$0x90];
	[tilespmem:s12+$0x80] =	vst v20;
	v23 =	vmul.f32 v23, v3  }
0x596: {  	v19 =	vadd.f32 v19, v13;
	v20 =	vld [tilespmem:s17+$0x90]  }
0x597: {  	v6 =	vld [tilespmem:s4+$0xFFFFFF60];
	v10 =	vmax.f32 v10, $0.0e+00;
	[tilespmem:s12+$0x10] =	vst v23;
	v23 =	vadd.f32 v35, v33  }
0x598: {  	v16 =	vld [tilespmem:s4+$0xFFFFFF70];
	v10 =	vmul.f32 v10, v5;
	v19 =	vmax.f32 v19, $0.0e+00  }
0x599: {  	v19 =	vmul.f32 v19, v15;
	v24 =	vadd.f32 v36, v34;
	v39 =	vld [tilespmem:s17+$0x20];
	v23 =	vmax.f32 v23, $0.0e+00  }
0x59a: {  	v14 =	vld [tilespmem:s18+$0xFFFFFFD0];
	[tilespmem:s4+$0xFFFFFF50] =	vst v10;
	v23 =	vmul.f32 v23, v1  }
0x59b: {  	v11 =	vld [tilespmem:s4+$0xFFFFFFF0];
	[tilespmem:s4+$0xD0] =	vst v19;
	v24 =	vmax.f32 v24, $0.0e+00;
	v20 =	vadd.f32 v20, v22  }
0x59c: {  	v19 =	vld [tilespmem:s18+$0xFFFFFF60];
	v22 =	vmul.f32 v24, v2;
	[tilespmem:s12+$0xFFFFFF10] =	vst v23  }
0x59d: {  	v20 =	vmax.f32 v20, $0.0e+00;
	v43 =	vld [tilespmem:s17+$0xFFFFFF20]  }
0x59e: {  	v17 =	vld [tilespmem:s4+$0xF0];
	[tilespmem:s12+$0xFFFFFF90] =	vst v22;
	v25 =	vadd.f32 v39, v38;
	v20 =	vmul.f32 v20, v4  }
0x59f: {  	v14 =	vadd.f32 v14, v12;
	v44 =	vld [tilespmem:s17+$0xFFFFFFA0]  }
0x5a0: {  	v12 =	vld [tilespmem:s12+$0xFFFFFF50];
	v25 =	vmax.f32 v25, $0.0e+00;
	[tilespmem:s12+$0x90] =	vst v20  }
0x5a1: {  	v21 =	vmax.f32 v14, $0.0e+00;
	v19 =	vadd.f32 v19, v6;
	v20 =	vmul.f32 v25, v3;
	v45 =	vld [tilespmem:s17+$0xA0]  }
0x5a2: {  	v14 =	vld [tilespmem:s12+$0xFFFFFFD0];
	v21 =	vmul.f32 v21, v7;
	v24 =	vadd.f32 v43, v37  }
0x5a3: {  	v19 =	vmax.f32 v19, $0.0e+00;
	[tilespmem:s12+$0x20] =	vst v20;
	v20 =	vld [tilespmem:s12+$0x30]  }
0x5a4: {  	[tilespmem:s4+$0xFFFFFFD0] =	vst v21;
	v19 =	vmul.f32 v19, v5;
	v27 =	vadd.f32 v44, v40;
	v47 =	vld [tilespmem:s17+$0x30];
	v24 =	vmax.f32 v24, $0.0e+00  }
0x5a5: {  	v51 =	vld [tilespmem:s18+$0xFFFFFFE0];
	v24 =	vmul.f32 v24, v1  }
0x5a6: {  	v53 =	vld [tilespmem:s18+$0xE0];
	[tilespmem:s4+$0xFFFFFF60] =	vst v19;
	v27 =	vmax.f32 v27, $0.0e+00;
	v25 =	vadd.f32 v45, v41  }
0x5a7: {  	v58 =	vld [tilespmem:s18+$0xFFFFFF70];
	v48 =	vmul.f32 v27, v2;
	[tilespmem:s12+$0xFFFFFF20] =	vst v24  }
0x5a8: {  	v13 =	vmax.f32 v25, $0.0e+00;
	v49 =	vld [tilespmem:s17+$0xFFFFFF30]  }
0x5a9: {  	v23 =	vld [tilespmem:s12+$0xFFFFFFB0];
	[tilespmem:s12+$0xFFFFFFA0] =	vst v48;
	v50 =	vmul.f32 v13, v4;
	v20 =	vadd.f32 v47, v20  }
0x5aa: {  	v21 =	vld [tilespmem:s17+$0xFFFFFFB0]  }
0x5ab: {  	v22 =	vld [tilespmem:s12+$0xB0];
	[tilespmem:s12+$0xA0] =	vst v50;
	v20 =	vmax.f32 v20, $0.0e+00  }
0x5ac: {  	v18 =	vadd.f32 v53, v18;
	v10 =	vld [tilespmem:s17+$0xB0];
	v20 =	vmul.f32 v20, v3  }
0x5ad: {  	s24 =	simm.s32 $0xB;
	[tilespmem:s4+$0x60] =	vst v61;
	v61 =	vld [tilespmem:s12+$0x50];
	v52 =	vadd.f32 v49, v42  }
0x5ae: {  	v60 =	vmov s24;
	v18 =	vmax.f32 v18, $0.0e+00;
	[tilespmem:s12+$0x30] =	vst v20;
	v20 =	vld [tilespmem:s12+$0x40]  }
0x5af: {  	v18 =	vmul.f32 v18, v15;
	v21 =	vadd.f32 v21, v23;
	v23 =	vld [tilespmem:s17+$0x40];
	v25 =	vmax.f32 v52, $0.0e+00  }
0x5b0: {  	v54 =	vld [tilespmem:s18+$0x70];
	v16 =	vadd.f32 v58, v16;
	v24 =	vadd.f32 v51, v9;
	v9 =	vmul.f32 v25, v1  }
0x5b1: {  	v33 =	vld [tilespmem:s12+$0xC0];
	[tilespmem:s4+$0xE0] =	vst v18;
	v21 =	vmax.f32 v21, $0.0e+00;
	v22 =	vadd.f32 v10, v22  }
0x5b2: {  	v59 =	vld [tilespmem:s18+$0xF0];
	v16 =	vmax.f32 v16, $0.0e+00;
	v6 =	vmax.f32 v24, $0.0e+00;
	v21 =	vmul.f32 v21, v2;
	[tilespmem:s12+$0xFFFFFF30] =	vst v9  }
0x5b3: {  	v16 =	vmul.f32 v16, v5;
	v56 =	vmul.f32 v6, v7;
	v22 =	vmax.f32 v22, $0.0e+00;
	v55 =	vld [tilespmem:s17+$0xFFFFFF40]  }
0x5b4: {  	v5 =	vld.idx.msk [tilespmem:v60+s28+$0x0], $0xffff;
	[tilespmem:s12+$0xFFFFFFB0] =	vst v21;
	v21 =	vmul.f32 v22, v4;
	v20 =	vadd.f32 v23, v20  }
0x5b5: {  	[tilespmem:s4+$0xFFFFFFE0] =	vst v56;
	v22 =	vld [tilespmem:s17+$0xFFFFFFC0]  }
0x5b6: {  	v23 =	vadd.f32 v54, v63;
	[tilespmem:s12+$0xB0] =	vst v21;
	v21 =	vld [tilespmem:s18+$0xFFFFFFF0];
	v20 =	vmax.f32 v20, $0.0e+00  }
0x5b7: {  	s20 =	simm.s32 $0x8;
	v57 =	vld [tilespmem:s17+$0xC0];
	v19 =	vmul.f32 v20, v3  }
0x5b8: {  	v13 =	vld [tilespmem:s12+$0xD0];
	v20 =	vmax.f32 v23, $0.0e+00;
	v23 =	vmov s20;
	v24 =	vadd.f32 v55, v32  }
0x5b9: {  	s21 =	simm.s32 $0x9;
	v6 =	vld [tilespmem:s12+$0xE0];
	v20 =	vmul.f32 v20, v8;
	v8 =	vand.u32 $0xFFFFFFFC, v23  }
0x5ba: {  	v10 =	vld [tilespmem:s12+$0xFFFFFF60];
	v23 =	vmov s21;
	[tilespmem:s12+$0x40] =	vst v19;
	v22 =	vadd.f32 v22, v46;
	v19 =	vmax.f32 v24, $0.0e+00  }
0x5bb: {  	v18 =	vbroadcast v8, $0x0;
	v62 =	vld [tilespmem:s17+$0x50];
	v8 =	vmul.f32 v19, v1;
	v19 =	vadd.f32 v21, v11  }
0x5bc: {  	v9 =	vld [tilespmem:s12+$0xFFFFFFE0];
	v22 =	vmax.f32 v22, $0.0e+00;
	v21 =	vand.u32 $0xFFFFFFFD, v23;
	v23 =	vadd.f32 v57, v33  }
0x5bd: {  	v17 =	vadd.f32 v59, v17;
	v11 =	vld [tilespmem:s12+$0xFFFFFF70];
	v22 =	vmul.f32 v22, v2;
	[tilespmem:s12+$0xFFFFFF40] =	vst v8;
	v19 =	vmax.f32 v19, $0.0e+00  }
0x5be: {  	[tilespmem:s4+$0x70] =	vst v20;
	v23 =	vmax.f32 v23, $0.0e+00;
	v20 =	vld [tilespmem:s17+$0xFFFFFF50];
	v63 =	vmul.f32 v19, v7;
	v19 =	vbroadcast v21, $0x0  }
0x5bf: {  	v8 =	vld [tilespmem:s12+$0xFFFFFFF0];
	[tilespmem:s12+$0xFFFFFFC0] =	vst v22;
	v23 =	vmul.f32 v23, v4  }
0x5c0: {  	v17 =	vmax.f32 v17, $0.0e+00;
	v21 =	vld [tilespmem:s17+$0xFFFFFFD0];
	v22 =	vadd.f32 v62, v61;
	[tilespmem:s4+$0xFFFFFFF0] =	vst v63  }
0x5c1: {  	v17 =	vmul.f32 v17, v15;
	s18 =	simm.s32 $0x8100;
	s20 =	simm.s32 $0xC;
	s21 =	simm.s32 $0xA;
	v7 =	vld [tilespmem:s12+$0xF0];
	[tilespmem:s12+$0xC0] =	vst v23  }
.LBB2_12:
0x5c2: {  	p0 =	slt.u32 s20, $0x4C;
	v23 =	vmov s21;
	v22 =	vmax.f32 v22, $0.0e+00;
	v24 =	vld [tilespmem:s17+$0xD0];
	[tilespmem:s4+$0xFFFFFF70] =	vst v16  }
0x5c3: {  	v15 =	vld.idx.msk [tilespmem:v18+s28+$0x0], $0xffff;
	v18 =	vand.u32 $0xFFFFFFFE, v23;
	v12 =	vadd.f32 v20, v12;
	v20 =	vmul.f32 v22, v3;
	[tilespmem:s4+$0xF0] =	vst v17;
	s4 =	smov.u32 s12  }
0x5c4: {  	v16 =	vld.idx.msk [tilespmem:v19+s28+$0x0], $0xffff;
	v17 =	vbroadcast v18, $0x0  }
0x5c5: {  	v12 =	vmax.f32 v12, $0.0e+00;
	v14 =	vadd.f32 v21, v14;
	[tilespmem:s12+$0x50] =	vst v20;
	v18 =	vld [tilespmem:s12+$0x60]  }
0x5c6: {  	s12 =	sadd.s32 $0x200, s12;
	v12 =	vmul.f32 v12, v1;
	v19 =	vld [tilespmem:s17+$0x60]  }
0x5c7: {  	s17 =	sadd.s32 $0x200, s17;
	v20 =	vld [tilespmem:s12+$0x0];
	v14 =	vmax.f32 v14, $0.0e+00;
	v13 =	vadd.f32 v24, v13  }
0x5c8: {  	v21 =	vld [tilespmem:s17+$0x0];
	[tilespmem:s4+$0xFFFFFF50] =	vst v12;
	v12 =	vmul.f32 v14, v2  }
0x5c9: {  	v14 =	vld [tilespmem:s12+$0xFFFFFF00];
	v13 =	vmax.f32 v13, $0.0e+00  }
0x5ca: {  	v17 =	vld.idx.msk [tilespmem:v17+s28+$0x0], $0xffff;
	[tilespmem:s4+$0xFFFFFFD0] =	vst v12;
	v12 =	vmul.f32 v13, v4  }
0x5cb: {  	v13 =	vld [tilespmem:s17+$0xFFFFFF00];
	v18 =	vadd.f32 v19, v18  }
0x5cc: {  	v19 =	vld [tilespmem:s12+$0xFFFFFF80];
	[tilespmem:s4+$0xD0] =	vst v12  }
0x5cd: {  	v12 =	vld [tilespmem:s17+$0xFFFFFF80];
	v20 =	vadd.f32 v21, v20;
	v18 =	vmax.f32 v18, $0.0e+00  }
0x5ce: {  	v21 =	vld [tilespmem:s12+$0x80];
	v18 =	vmul.f32 v18, v3  }
0x5cf: {  	v20 =	vmax.f32 v20, $0.0e+00;
	v22 =	vld [tilespmem:s17+$0x80]  }
0x5d0: {  	v13 =	vadd.f32 v13, v14;
	v14 =	vmul.f32 v20, v17;
	[tilespmem:s4+$0x60] =	vst v18;
	v18 =	vld [tilespmem:s4+$0x70]  }
0x5d1: {  	v20 =	vld [tilespmem:s18+$0x70]  }
0x5d2: {  	v13 =	vmax.f32 v13, $0.0e+00;
	v12 =	vadd.f32 v12, v19;
	[tilespmem:s12+$0x0] =	vst v14;
	v14 =	vld [tilespmem:s12+$0x10]  }
0x5d3: {  	v13 =	vmul.f32 v13, v15;
	v19 =	vld [tilespmem:s17+$0x10]  }
0x5d4: {  	v23 =	vld [tilespmem:s12+$0xFFFFFF10];
	v12 =	vmax.f32 v12, $0.0e+00;
	v21 =	vadd.f32 v22, v21  }
0x5d5: {  	[tilespmem:s12+$0xFFFFFF00] =	vst v13;
	v12 =	vmul.f32 v12, v16;
	v13 =	vld [tilespmem:s12+$0xFFFFFF90]  }
0x5d6: {  	v22 =	vld [tilespmem:s17+$0xFFFFFF10];
	v21 =	vmax.f32 v21, $0.0e+00;
	v18 =	vadd.f32 v20, v18  }
0x5d7: {  	[tilespmem:s12+$0xFFFFFF80] =	vst v12;
	v12 =	vmul.f32 v21, v5;
	v20 =	vld [tilespmem:s12+$0x90]  }
0x5d8: {  	v21 =	vld [tilespmem:s17+$0xFFFFFF90];
	v14 =	vadd.f32 v19, v14;
	v18 =	vmax.f32 v18, $0.0e+00  }
0x5d9: {  	v19 =	vld [tilespmem:s12+$0xFFFFFF20];
	[tilespmem:s12+$0x80] =	vst v12;
	v12 =	vmul.f32 v18, v3;
	v3 =	vmov v17  }
0x5da: {  	v14 =	vmax.f32 v14, $0.0e+00;
	v17 =	vld [tilespmem:s17+$0x90]  }
0x5db: {  	v18 =	vadd.f32 v22, v23;
	v22 =	vld [tilespmem:s12+$0xFFFFFFA0];
	v14 =	vmul.f32 v14, v3;
	[tilespmem:s4+$0x70] =	vst v12  }
0x5dc: {  	v23 =	vld [tilespmem:s12+$0xA0]  }
0x5dd: {  	v12 =	vmax.f32 v18, $0.0e+00;
	v13 =	vadd.f32 v21, v13;
	[tilespmem:s12+$0x10] =	vst v14;
	v14 =	vld [tilespmem:s12+$0x20]  }
0x5de: {  	v12 =	vmul.f32 v12, v15;
	v18 =	vld [tilespmem:s17+$0x20]  }
0x5df: {  	v21 =	vld [tilespmem:s12+$0xFFFFFF30];
	v13 =	vmax.f32 v13, $0.0e+00;
	v17 =	vadd.f32 v17, v20  }
0x5e0: {  	[tilespmem:s12+$0xFFFFFF10] =	vst v12;
	v12 =	vmul.f32 v13, v16;
	v20 =	vld [tilespmem:s12+$0xFFFFFFB0]  }
0x5e1: {  	v13 =	vld [tilespmem:s17+$0xFFFFFF20];
	v17 =	vmax.f32 v17, $0.0e+00  }
0x5e2: {  	[tilespmem:s12+$0xFFFFFF90] =	vst v12;
	v12 =	vmul.f32 v17, v5;
	v17 =	vld [tilespmem:s12+$0xB0]  }
0x5e3: {  	v24 =	vld [tilespmem:s17+$0xFFFFFFA0];
	v14 =	vadd.f32 v18, v14  }
0x5e4: {  	v18 =	vld [tilespmem:s12+$0xFFFFFF40];
	[tilespmem:s12+$0x90] =	vst v12  }
0x5e5: {  	v12 =	vmax.f32 v14, $0.0e+00;
	v14 =	vld [tilespmem:s17+$0xA0]  }
0x5e6: {  	v13 =	vadd.f32 v13, v19;
	v19 =	vld [tilespmem:s12+$0xFFFFFFC0];
	v12 =	vmul.f32 v12, v3  }
0x5e7: {  	v25 =	vld [tilespmem:s12+$0xC0]  }
0x5e8: {  	v13 =	vmax.f32 v13, $0.0e+00;
	v22 =	vadd.f32 v24, v22;
	[tilespmem:s12+$0x20] =	vst v12;
	v24 =	vld [tilespmem:s12+$0x30]  }
0x5e9: {  	v13 =	vmul.f32 v13, v15;
	v26 =	vld [tilespmem:s17+$0x30]  }
0x5ea: {  	v12 =	vld [tilespmem:s12+$0xFFFFFF50];
	v22 =	vmax.f32 v22, $0.0e+00;
	v23 =	vadd.f32 v14, v23  }
0x5eb: {  	[tilespmem:s12+$0xFFFFFF20] =	vst v13;
	v13 =	vmul.f32 v22, v16;
	v14 =	vld [tilespmem:s12+$0xFFFFFFD0]  }
0x5ec: {  	v22 =	vld [tilespmem:s17+$0xFFFFFF30];
	v23 =	vmax.f32 v23, $0.0e+00  }
0x5ed: {  	[tilespmem:s12+$0xFFFFFFA0] =	vst v13;
	v23 =	vmul.f32 v23, v5;
	v13 =	vld [tilespmem:s12+$0xD0]  }
0x5ee: {  	v27 =	vld [tilespmem:s17+$0xFFFFFFB0];
	v24 =	vadd.f32 v26, v24  }
0x5ef: {  	[tilespmem:s12+$0xA0] =	vst v23;
	v23 =	vld [tilespmem:s18+$0xFFFFFFE0]  }
0x5f0: {  	v24 =	vmax.f32 v24, $0.0e+00;
	v26 =	vld [tilespmem:s17+$0xB0]  }
0x5f1: {  	v21 =	vadd.f32 v22, v21;
	v22 =	vmul.f32 v24, v3;
	v24 =	vld [tilespmem:s18+$0xFFFFFF60]  }
0x5f2: {  	v28 =	vld [tilespmem:s18+$0xE0]  }
0x5f3: {  	v21 =	vmax.f32 v21, $0.0e+00;
	v20 =	vadd.f32 v27, v20;
	[tilespmem:s12+$0x30] =	vst v22;
	v22 =	vld [tilespmem:s12+$0x40]  }
0x5f4: {  	v21 =	vmul.f32 v21, v15;
	v27 =	vld [tilespmem:s17+$0x40];
	v23 =	vadd.f32 v23, v9  }
0x5f5: {  	v29 =	vld [tilespmem:s12+$0xFFFFFF60];
	v9 =	vmax.f32 v20, $0.0e+00;
	v17 =	vadd.f32 v26, v17  }
0x5f6: {  	[tilespmem:s12+$0xFFFFFF30] =	vst v21;
	v20 =	vmul.f32 v9, v16;
	v9 =	vld [tilespmem:s12+$0xFFFFFFE0];
	v10 =	vadd.f32 v24, v10;
	v21 =	vmax.f32 v23, $0.0e+00  }
0x5f7: {  	v23 =	vld [tilespmem:s17+$0xFFFFFF40];
	v17 =	vmax.f32 v17, $0.0e+00;
	v21 =	vmul.f32 v21, v2;
	v24 =	vadd.f32 v28, v6  }
0x5f8: {  	[tilespmem:s12+$0xFFFFFFB0] =	vst v20;
	v17 =	vmul.f32 v17, v5;
	v6 =	vld [tilespmem:s12+$0xE0];
	v28 =	vmax.f32 v10, $0.0e+00  }
0x5f9: {  	v20 =	vld [tilespmem:s17+$0xFFFFFFC0];
	v22 =	vadd.f32 v27, v22;
	v26 =	vmul.f32 v28, v1;
	[tilespmem:s4+$0xFFFFFFE0] =	vst v21;
	v24 =	vmax.f32 v24, $0.0e+00  }
0x5fa: {  	[tilespmem:s12+$0xB0] =	vst v17;
	v17 =	vld [tilespmem:s18+$0xFFFFFFF0];
	v21 =	vmul.f32 v24, v4;
	v10 =	vmov v29  }
0x5fb: {  	v22 =	vmax.f32 v22, $0.0e+00;
	v24 =	vld [tilespmem:s17+$0xC0];
	[tilespmem:s4+$0xFFFFFF60] =	vst v26  }
0x5fc: {  	s0 =	sadd.s32 $0x1, s20;
	s21 =	sadd.s32 $0x3, s20;
	v26 =	vmov s20;
	v23 =	vadd.f32 v23, v18;
	v22 =	vmul.f32 v22, v3;
	v27 =	vld [tilespmem:s18+$0xFFFFFF70];
	[tilespmem:s4+$0xE0] =	vst v21  }
0x5fd: {  	v18 =	vand.u32 $0xFFFFFFFC, v26;
	v21 =	vmov s0;
	v26 =	vmov s21;
	v28 =	vld [tilespmem:s18+$0xF0];
	s18 =	smov.u32 s17  }
0x5fe: {  	v18 =	vbroadcast v18, $0x0;
	v23 =	vmax.f32 v23, $0.0e+00;
	v20 =	vadd.f32 v20, v19;
	[tilespmem:s12+$0x40] =	vst v22;
	v22 =	vld [tilespmem:s12+$0x50]  }
0x5ff: {  	v19 =	vand.u32 $0xFFFFFFFD, v21;
	v21 =	vmul.f32 v23, v15;
	v23 =	vld [tilespmem:s17+$0x50];
	v17 =	vadd.f32 v17, v8  }
0x600: {  	v19 =	vbroadcast v19, $0x0;
	v29 =	vld [tilespmem:s12+$0xFFFFFF70];
	v8 =	vmax.f32 v20, $0.0e+00;
	v24 =	vadd.f32 v24, v25  }
.Ltmp5:
0x601: {  	[tilespmem:s12+$0xFFFFFF40] =	vst v21;
	v21 =	vmul.f32 v8, v16;
	v8 =	vld [tilespmem:s12+$0xFFFFFFF0];
	v11 =	vadd.f32 v27, v11;
	v17 =	vmax.f32 v17, $0.0e+00;
	(pc) =	sbr.rel @p0 .LBB2_12-.Ltmp5, $4  }
0x602: {  	v20 =	vld [tilespmem:s17+$0xFFFFFF50];
	v24 =	vmax.f32 v24, $0.0e+00;
	v17 =	vmul.f32 v17, v2;
	v25 =	vadd.f32 v28, v7;
	v2 =	vmovc v16  }
0x603: {  	[tilespmem:s12+$0xFFFFFFC0] =	vst v21;
	v24 =	vmul.f32 v24, v5;
	v7 =	vld [tilespmem:s12+$0xF0];
	v27 =	vmax.f32 v11, $0.0e+00  }
0x604: {  	v21 =	vld [tilespmem:s17+$0xFFFFFFD0];
	v22 =	vadd.f32 v23, v22;
	v16 =	vmul.f32 v27, v1;
	[tilespmem:s4+$0xFFFFFFF0] =	vst v17;
	v23 =	vmax.f32 v25, $0.0e+00;
	v1 =	vmovc v15  }
0x605: {  	s21 =	sadd.s32 $0x2, s20;
	s20 =	sadd.s32 $0x4, s20;
	[tilespmem:s12+$0xC0] =	vst v24;
	v17 =	vmul.f32 v23, v4;
	v11 =	vmov v29;
	v4 =	vmov v5;
	v5 =	vld.idx.msk [tilespmem:v26+s28+$0x0], $0xffff  }
0x606: {  	_ =	sdelay $0x3  }
0x607: {  	v15 =	vmov s21;
	s20 =	sadd.s32 $0x200, s12;
	v19 =	vld.idx.msk [tilespmem:v19+s28+$0x0], $0xffff  }
0x608: {  	s0 =	sadd.s32 $0x200, s17;
	v15 =	vand.u32 $0xFFFFFFFE, v15;
	v24 =	vld [tilespmem:s20+$0x0]  }
0x609: {  	v25 =	vld [tilespmem:s0+$0x0];
	v23 =	vbroadcast v15, $0x0  }
0x60a: {  	v26 =	vld [tilespmem:s20+$0xFFFFFF00]  }
0x60b: {  	v27 =	vld [tilespmem:s20+$0xFFFFFF80]  }
0x60c: {  	v28 =	vld [tilespmem:s0+$0xFFFFFF80]  }
0x60d: {  	v52 =	vld [tilespmem:s20+$0x80]  }
0x60e: {  	v15 =	vld.idx.msk [tilespmem:v18+s28+$0x0], $0xffff  }
0x60f: {  	v18 =	vld.idx.msk [tilespmem:v23+s28+$0x0], $0xffff  }
0x610: {  	v23 =	vld [tilespmem:s0+$0xFFFFFF00]  }
0x611: {  	v29 =	vld [tilespmem:s0+$0x80]  }
0x612: {  	v24 =	vadd.f32 v25, v24  }
0x613: {  	v53 =	vadd.f32 v28, v27  }
0x614: {  	v24 =	vmax.f32 v24, $0.0e+00  }
0x615: {  	v54 =	vld [tilespmem:s20+$0x10];
	v23 =	vadd.f32 v23, v26;
	v24 =	vmul.f32 v24, v18;
	v26 =	vmax.f32 v53, $0.0e+00  }
0x616: {  	v56 =	vld [tilespmem:s20+$0xFFFFFF10];
	v25 =	vadd.f32 v29, v52;
	v26 =	vmul.f32 v26, v19  }
0x617: {  	v30 =	vld [tilespmem:s20+$0x90];
	v23 =	vmax.f32 v23, $0.0e+00;
	[tilespmem:s20+$0x0] =	vst v24  }
0x618: {  	v25 =	vmax.f32 v25, $0.0e+00;
	v23 =	vmul.f32 v23, v15;
	v55 =	vld [tilespmem:s0+$0x10];
	[tilespmem:s20+$0xFFFFFF80] =	vst v26  }
0x619: {  	v25 =	vmul.f32 v25, v5;
	v26 =	vld [tilespmem:s0+$0xFFFFFF90]  }
0x61a: {  	[tilespmem:s20+$0xFFFFFF00] =	vst v23;
	v23 =	vld [tilespmem:s20+$0xFFFFFF90]  }
0x61b: {  	[tilespmem:s20+$0x80] =	vst v25;
	v57 =	vld [tilespmem:s0+$0xFFFFFF10]  }
0x61c: {  	v25 =	vld [tilespmem:s0+$0x90];
	_ =	sdelay $0x1  }
0x61d: {  	v24 =	vadd.f32 v55, v54  }
0x61e: {  	v23 =	vadd.f32 v26, v23  }
0x61f: {  	v58 =	vld [tilespmem:s20+$0xFFFFFF20];
	v24 =	vmax.f32 v24, $0.0e+00;
	v59 =	vadd.f32 v57, v56  }
0x620: {  	v60 =	vld [tilespmem:s20+$0xFFFFFFA0];
	v25 =	vadd.f32 v25, v30;
	v24 =	vmul.f32 v24, v18;
	v23 =	vmax.f32 v23, $0.0e+00  }
0x621: {  	v61 =	vld [tilespmem:s20+$0xA0];
	v27 =	vmax.f32 v59, $0.0e+00;
	v23 =	vmul.f32 v23, v19  }
0x622: {  	v62 =	vld [tilespmem:s20+$0x20];
	v25 =	vmax.f32 v25, $0.0e+00;
	[tilespmem:s20+$0x10] =	vst v24;
	v27 =	vmul.f32 v27, v15  }
0x623: {  	v63 =	vld [tilespmem:s0+$0x20];
	[tilespmem:s20+$0xFFFFFF90] =	vst v23;
	v23 =	vmul.f32 v25, v5  }
0x624: {  	[tilespmem:s20+$0xFFFFFF10] =	vst v27;
	v32 =	vld [tilespmem:s0+$0xFFFFFFA0]  }
0x625: {  	v27 =	vld [tilespmem:s0+$0xFFFFFF20];
	[tilespmem:s20+$0x90] =	vst v23  }
0x626: {  	v23 =	vld [tilespmem:s0+$0xA0];
	_ =	sdelay $0x1  }
0x627: {  	v24 =	vadd.f32 v63, v62  }
0x628: {  	v25 =	vadd.f32 v32, v60  }
0x629: {  	v33 =	vld [tilespmem:s20+$0xFFFFFF30];
	v24 =	vmax.f32 v24, $0.0e+00;
	v26 =	vadd.f32 v27, v58  }
0x62a: {  	v34 =	vld [tilespmem:s20+$0xFFFFFFB0];
	v24 =	vmul.f32 v24, v18;
	v25 =	vmax.f32 v25, $0.0e+00;
	v23 =	vadd.f32 v23, v61  }
0x62b: {  	v35 =	vld [tilespmem:s20+$0xB0];
	v26 =	vmax.f32 v26, $0.0e+00;
	v25 =	vmul.f32 v25, v19  }
0x62c: {  	v36 =	vld [tilespmem:s20+$0x30];
	[tilespmem:s20+$0x20] =	vst v24;
	v26 =	vmul.f32 v26, v15;
	v23 =	vmax.f32 v23, $0.0e+00  }
0x62d: {  	v22 =	vmax.f32 v22, $0.0e+00;
	v37 =	vld [tilespmem:s0+$0x30];
	[tilespmem:s20+$0xFFFFFFA0] =	vst v25;
	v23 =	vmul.f32 v23, v5  }
0x62e: {  	v22 =	vmul.f32 v22, v3;
	[tilespmem:s20+$0xFFFFFF20] =	vst v26;
	v25 =	vld [tilespmem:s0+$0xFFFFFFB0]  }
0x62f: {  	v26 =	vld [tilespmem:s0+$0xFFFFFF30];
	[tilespmem:s20+$0xA0] =	vst v23  }
0x630: {  	[tilespmem:s12+$0x50] =	vst v22;
	v22 =	vld [tilespmem:s0+$0xB0];
	_ =	sdelay $0x1  }
0x631: {  	v43 =	vld [tilespmem:s17+$0xD0];
	v24 =	vadd.f32 v37, v36  }
0x632: {  	v38 =	vld [tilespmem:s20+$0xFFFFFF40];
	v25 =	vadd.f32 v25, v34  }
0x633: {  	v39 =	vld [tilespmem:s20+$0xFFFFFFC0];
	v24 =	vmax.f32 v24, $0.0e+00;
	v26 =	vadd.f32 v26, v33  }
0x634: {  	v40 =	vld [tilespmem:s20+$0xC0];
	v24 =	vmul.f32 v24, v18;
	v25 =	vmax.f32 v25, $0.0e+00;
	v22 =	vadd.f32 v22, v35  }
0x635: {  	v41 =	vld [tilespmem:s20+$0x40];
	v26 =	vmax.f32 v26, $0.0e+00;
	v25 =	vmul.f32 v25, v19  }
0x636: {  	v45 =	vld [tilespmem:s20+$0xFFFFFF50];
	[tilespmem:s20+$0x30] =	vst v24;
	v26 =	vmul.f32 v26, v15;
	v22 =	vmax.f32 v22, $0.0e+00  }
0x637: {  	v42 =	vld [tilespmem:s0+$0x40];
	[tilespmem:s20+$0xFFFFFFB0] =	vst v25;
	v22 =	vmul.f32 v22, v5  }
0x638: {  	[tilespmem:s20+$0xFFFFFF30] =	vst v26;
	v25 =	vld [tilespmem:s0+$0xFFFFFFC0]  }
0x639: {  	v12 =	vadd.f32 v20, v12;
	v26 =	vld [tilespmem:s0+$0xFFFFFF40];
	[tilespmem:s20+$0xB0] =	vst v22  }
0x63a: {  	v14 =	vadd.f32 v21, v14;
	v22 =	vld [tilespmem:s0+$0xC0]  }
0x63b: {  	v46 =	vld [tilespmem:s20+$0xFFFFFFD0];
	v12 =	vmax.f32 v12, $0.0e+00;
	v13 =	vadd.f32 v43, v13  }
0x63c: {  	v20 =	vld [tilespmem:s20+$0x50];
	v12 =	vmul.f32 v12, v1;
	v14 =	vmax.f32 v14, $0.0e+00;
	v24 =	vadd.f32 v42, v41  }
0x63d: {  	v51 =	vld [tilespmem:s20+$0xFFFFFF60];
	v14 =	vmul.f32 v14, v2;
	v13 =	vmax.f32 v13, $0.0e+00;
	v25 =	vadd.f32 v25, v39  }
0x63e: {  	v21 =	vld [tilespmem:s20+$0xD0];
	[tilespmem:s12+$0xFFFFFF50] =	vst v12;
	v13 =	vmul.f32 v13, v4;
	v24 =	vmax.f32 v24, $0.0e+00;
	v26 =	vadd.f32 v26, v38  }
0x63f: {  	v31 =	vld [tilespmem:s17+$0x60];
	[tilespmem:s12+$0xFFFFFFD0] =	vst v14;
	v24 =	vmul.f32 v24, v18;
	v25 =	vmax.f32 v25, $0.0e+00;
	v22 =	vadd.f32 v22, v40  }
0x640: {  	v12 =	vld [tilespmem:s18+$0xFFFFFFE0];
	[tilespmem:s12+$0xD0] =	vst v13;
	v26 =	vmax.f32 v26, $0.0e+00;
	v25 =	vmul.f32 v25, v19  }
0x641: {  	v13 =	vld [tilespmem:s18+$0xFFFFFF60];
	[tilespmem:s20+$0x40] =	vst v24;
	v47 =	vmul.f32 v26, v15;
	v22 =	vmax.f32 v22, $0.0e+00  }
0x642: {  	v48 =	vld [tilespmem:s0+$0x50];
	[tilespmem:s20+$0xFFFFFFC0] =	vst v25;
	v22 =	vmul.f32 v22, v5  }
0x643: {  	[tilespmem:s20+$0xFFFFFF40] =	vst v47;
	v49 =	vld [tilespmem:s0+$0xFFFFFFD0]  }
0x644: {  	v50 =	vld [tilespmem:s0+$0xFFFFFF50];
	[tilespmem:s20+$0xC0] =	vst v22  }
0x645: {  	v14 =	vld [tilespmem:s0+$0xD0]  }
0x646: {  	v52 =	vld [tilespmem:s20+$0xFFFFFFE0];
	v10 =	vadd.f32 v13, v10  }
0x647: {  	v23 =	vld [tilespmem:s12+$0x60];
	v20 =	vadd.f32 v48, v20  }
0x648: {  	v9 =	vadd.f32 v12, v9;
	v10 =	vmax.f32 v10, $0.0e+00;
	v22 =	vld [tilespmem:s18+$0xE0];
	v24 =	vadd.f32 v49, v46  }
0x649: {  	v53 =	vld [tilespmem:s20+$0xFFFFFFF0];
	v10 =	vmul.f32 v10, v1;
	v20 =	vmax.f32 v20, $0.0e+00;
	v25 =	vadd.f32 v50, v45  }
0x64a: {  	v12 =	vld [tilespmem:s20+$0xE0];
	v20 =	vmul.f32 v20, v18;
	v24 =	vmax.f32 v24, $0.0e+00;
	v14 =	vadd.f32 v14, v21  }
0x64b: {  	v13 =	vld [tilespmem:s20+$0x60];
	[tilespmem:s12+$0xFFFFFF60] =	vst v10;
	v21 =	vmax.f32 v25, $0.0e+00;
	v24 =	vmul.f32 v24, v19  }
0x64c: {  	v10 =	vld [tilespmem:s18+$0xFFFFFF70];
	v23 =	vadd.f32 v31, v23;
	[tilespmem:s20+$0x50] =	vst v20;
	v20 =	vmul.f32 v21, v15;
	v14 =	vmax.f32 v14, $0.0e+00  }
0x64d: {  	v9 =	vmax.f32 v9, $0.0e+00;
	v6 =	vadd.f32 v22, v6;
	v21 =	vld [tilespmem:s0+$0x60];
	[tilespmem:s20+$0xFFFFFFD0] =	vst v24;
	v14 =	vmul.f32 v14, v5  }
0x64e: {  	v9 =	vmul.f32 v9, v2;
	v23 =	vmax.f32 v23, $0.0e+00;
	[tilespmem:s20+$0xFFFFFF50] =	vst v20;
	v20 =	vld [tilespmem:s0+$0xFFFFFFE0]  }
0x64f: {  	v23 =	vmul.f32 v23, v3;
	v6 =	vmax.f32 v6, $0.0e+00;
	[tilespmem:s20+$0xD0] =	vst v14;
	v14 =	vld [tilespmem:s0+$0xFFFFFF60]  }
0x650: {  	[tilespmem:s12+$0xFFFFFFE0] =	vst v9;
	v6 =	vmul.f32 v6, v4;
	v9 =	vld [tilespmem:s0+$0xE0]  }
0x651: {  	[tilespmem:s12+$0x60] =	vst v23;
	v23 =	vld [tilespmem:s12+$0x70]  }
0x652: {  	v44 =	vld [tilespmem:s18+$0x70];
	[tilespmem:s12+$0xE0] =	vst v6;
	v6 =	vadd.f32 v21, v13  }
0x653: {  	v22 =	vld [tilespmem:s18+$0xFFFFFFF0];
	v20 =	vadd.f32 v20, v52  }
0x654: {  	v13 =	vld [tilespmem:s18+$0xF0];
	v6 =	vmax.f32 v6, $0.0e+00;
	v14 =	vadd.f32 v14, v51  }
0x655: {  	v21 =	vld [tilespmem:s20+$0xFFFFFF70];
	v6 =	vmul.f32 v6, v18;
	v20 =	vmax.f32 v20, $0.0e+00;
	v9 =	vadd.f32 v9, v12  }
0x656: {  	v12 =	vld [tilespmem:s20+$0xF0];
	v20 =	vmul.f32 v20, v19;
	v14 =	vmax.f32 v14, $0.0e+00  }
0x657: {  	[tilespmem:s20+$0x60] =	vst v6;
	v6 =	vld [tilespmem:s20+$0x70];
	v14 =	vmul.f32 v14, v15;
	v9 =	vmax.f32 v9, $0.0e+00  }
0x658: {  	v54 =	vld [tilespmem:s0+$0x70];
	[tilespmem:s20+$0xFFFFFFE0] =	vst v20;
	v9 =	vmul.f32 v9, v5  }
0x659: {  	v20 =	vadd.f32 v44, v23;
	v23 =	vld [tilespmem:s0+$0xFFFFFFF0];
	[tilespmem:s20+$0xFFFFFF60] =	vst v14  }
0x65a: {  	v8 =	vadd.f32 v22, v8;
	v14 =	vld [tilespmem:s0+$0xFFFFFF70];
	[tilespmem:s20+$0xE0] =	vst v9  }
0x65b: {  	v10 =	vadd.f32 v10, v11;
	v9 =	vmax.f32 v20, $0.0e+00;
	v11 =	vld [tilespmem:s0+$0xF0]  }
0x65c: {  	[tilespmem:s4+$0xFFFFFF70] =	vst v16;
	v8 =	vmax.f32 v8, $0.0e+00;
	v7 =	vadd.f32 v13, v7;
	v3 =	vmul.f32 v9, v3  }
0x65d: {  	[tilespmem:s4+$0xF0] =	vst v17;
	v2 =	vmul.f32 v8, v2;
	v8 =	vmax.f32 v10, $0.0e+00;
	v6 =	vadd.f32 v54, v6  }
0x65e: {  	v1 =	vmul.f32 v8, v1;
	[tilespmem:s12+$0x70] =	vst v3;
	v3 =	vmax.f32 v7, $0.0e+00;
	v7 =	vadd.f32 v23, v53  }
0x65f: {  	[tilespmem:s12+$0xFFFFFFF0] =	vst v2;
	v2 =	vmul.f32 v3, v4;
	v3 =	vmax.f32 v6, $0.0e+00;
	v4 =	vadd.f32 v14, v21  }
0x660: {  	[tilespmem:s12+$0xFFFFFF70] =	vst v1;
	v1 =	vmul.f32 v3, v18;
	v3 =	vmax.f32 v7, $0.0e+00;
	v6 =	vadd.f32 v11, v12  }
0x661: {  	[tilespmem:s12+$0xF0] =	vst v2;
	v2 =	vmul.f32 v3, v19;
	v3 =	vmax.f32 v4, $0.0e+00  }
0x662: {  	[tilespmem:s20+$0x70] =	vst v1;
	v1 =	vmul.f32 v3, v15;
	v3 =	vmax.f32 v6, $0.0e+00  }
0x663: {  	[tilespmem:s20+$0xFFFFFFF0] =	vst v2;
	v2 =	vmul.f32 v3, v5  }
0x664: {  	[tilespmem:s20+$0xFFFFFF70] =	vst v1  }
0x665: {  	[tilespmem:s20+$0xF0] =	vst v2  }
0x666: {  	[spmem:s2] =	stream.indirect.scatter.add.f32 [tilespmem:s23], [sflag:$0x5], $0x80, s26, s22, $0xb8;
	[tilespmem:$0x1E600] =	vst v63  }
0x667: {  	_ =	swait.ge [sflag:s15], $0x2800  }
0x668: {  	[sflag:s15] =	ssyncset.done $0x0  }
0x669: {  	[sflag:s15] =	ssyncadd.s32 $0xFFFFD800  }
0x66a: {  	_ =	swait.ge [sflag:s30], $0x2800  }
0x66b: {  	[sflag:s30] =	ssyncset.done $0x0  }
0x66c: {  	[sflag:s30] =	ssyncadd.s32 $0xFFFFD800  }
0x66d: {  	_ =	swait.ge [sflag:s30], $0x50  }
0x66e: {  	[sflag:s30] =	ssyncset.done $0x0  }
0x66f: {  	[sflag:s30] =	ssyncadd.s32 $0xFFFFFFB0  }
0x670: {  	_ =	swait.ge [sflag:s30], $0x50  }
0x671: {  	[sflag:s30] =	ssyncset.done $0x0  }
0x672: {  	[sflag:s30] =	ssyncadd.s32 $0xFFFFFFB0  }
0x673: {  	v1 =	vld [tilespmem:$0x180]  }
0x674: {  	v2 =	vld [tilespmem:$0x200];
	_ =	sdelay $0x1  }
0x675: {  	v3 =	vld [tilespmem:$0x100];
	_ =	sdelay $0x2  }
0x676: {  	v1 =	vadd.f32 v2, v1;
	_ =	sdelay $0x1  }
0x677: {  	v1 =	vadd.f32 v3, v1;
	_ =	sdelay $0x1  }
0x678: {  	v1 =	vsub.f32 $0.0e+00, v1;
	_ =	sdelay $0x1  }
0x679: {  	v1 =	vmul.f32 $1.442695020e+00, v1  }
0x67a: {  	v2 =	vld [tilespmem:$0x190]  }
0x67b: {  	(erf) = vpow2.f32 v1;
	v1 =	vld [tilespmem:$0x210];
	_ =	sdelay $0x1  }
0x67c: {  	v3 =	vld [tilespmem:$0x110];
	_ =	sdelay $0x2  }
0x67d: {  	v1 =	vadd.f32 v1, v2;
	_ =	sdelay $0x1  }
0x67e: {  	v1 =	vadd.f32 v3, v1;
	_ =	sdelay $0x1  }
0x67f: {  	v2 =	vpop (erf);
	v1 =	vsub.f32 $0.0e+00, v1  }
0x680: {  	v2 =	vadd.f32 $1.000000000e+00, v2  }
0x681: {  	v1 =	vmul.f32 $1.442695020e+00, v1  }
0x682: {  	(erf) = vrcp.f32 v2;
	v2 =	vld [tilespmem:$0x1A0]  }
0x683: {  	(erf) = vpow2.f32 v1;
	v1 =	vld [tilespmem:$0x220];
	_ =	sdelay $0x1  }
0x684: {  	v3 =	vld [tilespmem:$0x120];
	_ =	sdelay $0x2  }
0x685: {  	v1 =	vadd.f32 v1, v2;
	_ =	sdelay $0x1  }
0x686: {  	v1 =	vadd.f32 v3, v1  }
0x687: {  	v2 =	vpop (erf)  }
0x688: {  	v3 =	vpop (erf);
	v1 =	vsub.f32 $0.0e+00, v1  }
0x689: {  	v3 =	vadd.f32 $1.000000000e+00, v3  }
0x68a: {  	v1 =	vmul.f32 $1.442695020e+00, v1  }
0x68b: {  	(erf) = vrcp.f32 v3;
	v3 =	vld [tilespmem:$0x1B0]  }
0x68c: {  	(erf) = vpow2.f32 v1;
	v1 =	vld [tilespmem:$0x230];
	_ =	sdelay $0x1  }
0x68d: {  	v4 =	vld [tilespmem:$0x130];
	_ =	sdelay $0x2  }
0x68e: {  	v1 =	vadd.f32 v1, v3;
	_ =	sdelay $0x1  }
0x68f: {  	v1 =	vadd.f32 v4, v1  }
0x690: {  	v3 =	vpop (erf)  }
0x691: {  	v4 =	vpop (erf);
	v1 =	vsub.f32 $0.0e+00, v1  }
0x692: {  	v4 =	vadd.f32 $1.000000000e+00, v4  }
0x693: {  	v1 =	vmul.f32 $1.442695020e+00, v1  }
0x694: {  	(erf) = vrcp.f32 v4;
	v4 =	vld [tilespmem:$0x1C0]  }
0x695: {  	(erf) = vpow2.f32 v1;
	v1 =	vld [tilespmem:$0x240];
	_ =	sdelay $0x1  }
0x696: {  	v5 =	vld [tilespmem:$0x140];
	_ =	sdelay $0x2  }
0x697: {  	v1 =	vadd.f32 v1, v4;
	_ =	sdelay $0x1  }
0x698: {  	v1 =	vadd.f32 v5, v1  }
0x699: {  	v4 =	vpop (erf)  }
0x69a: {  	v5 =	vpop (erf);
	v1 =	vsub.f32 $0.0e+00, v1  }
0x69b: {  	v5 =	vadd.f32 $1.000000000e+00, v5  }
0x69c: {  	v1 =	vmul.f32 $1.442695020e+00, v1  }
0x69d: {  	(erf) = vrcp.f32 v5  }
0x69e: {  	(erf) = vpow2.f32 v1;
	_ =	sdelay $0x7  }
0x69f: {  	v1 =	vpop (erf)  }
0x6a0: {  	v5 =	vpop (erf)  }
0x6a1: {  	v5 =	vadd.f32 $1.000000000e+00, v5;
	_ =	sdelay $0x1  }
0x6a2: {  	(erf) = vrcp.f32 v5;
	_ =	sdelay $0x5  }
0x6a3: {  	[tilespmem:$0x280] =	vst v2  }
0x6a4: {  	s0 =	simm.s32 $0x2;
	[tilespmem:$0x290] =	vst v3  }
0x6a5: {  	v2 =	vmov s0;
	[tilespmem:$0x2A0] =	vst v4  }
0x6a6: {  	s21 =	simm.s32 $0x0;
	v2 =	vand.u32 $0xFFFFFFFE, v2;
	[tilespmem:$0x2B0] =	vst v1;
	v1 =	vpop (erf)  }
0x6a7: {  	s4 =	simm.s32 $0x400;
	v2 =	vbroadcast v2, $0x0;
	[tilespmem:$0x2C0] =	vst v1;
	v1 =	vmov s21  }
0x6a8: {  	s18 =	simm.s32 $0x2C00;
	v1 =	vand.u32 $0xFFFFFFFC, v1;
	v3 =	vld [tilespmem:s4+$0x0]  }
0x6a9: {  	v4 =	vld [tilespmem:s18+$0x0];
	v1 =	vbroadcast v1, $0x0;
	_ =	sdelay $0x3  }
0x6aa: {  	s24 =	simm.s32 $0x1;
	v8 =	vld.idx.msk [tilespmem:v2+s13+$0x0], $0xffff  }
0x6ab: {  	v2 =	vadd.f32 v4, v3;
	v3 =	vmov s24  }
0x6ac: {  	v5 =	vld.idx.msk [tilespmem:v1+s13+$0x0], $0xffff;
	v1 =	vand.u32 $0xFFFFFFFD, v3  }
0x6ad: {  	v4 =	vld [tilespmem:s18+$0xFFFFFF00];
	v1 =	vbroadcast v1, $0x0  }
0x6ae: {  	v3 =	vld [tilespmem:s4+$0xFFFFFF00];
	v2 =	vmax.f32 v2, $0.0e+00  }
0x6af: {  	v6 =	vld [tilespmem:s4+$0xFFFFFF80];
	v2 =	vmul.f32 v2, v8  }
0x6b0: {  	v9 =	vld [tilespmem:s18+$0xFFFFFF80]  }
0x6b1: {  	s12 =	simm.s32 $0x3;
	[tilespmem:s4+$0x0] =	vst v2;
	v2 =	vld [tilespmem:s4+$0x10]  }
0x6b2: {  	v10 =	vmov s12;
	v11 =	vld [tilespmem:s18+$0x10]  }
0x6b3: {  	v7 =	vld.idx.msk [tilespmem:v1+s13+$0x0], $0xffff;
	v1 =	vadd.f32 v4, v3;
	_ =	sdelay $0x1  }
0x6b4: {  	v6 =	vadd.f32 v9, v6;
	v3 =	vld [tilespmem:s4+$0x80];
	v1 =	vmax.f32 v1, $0.0e+00  }
0x6b5: {  	v4 =	vld [tilespmem:s18+$0x80];
	v1 =	vmul.f32 v1, v5  }
0x6b6: {  	v15 =	vld.idx.msk [tilespmem:v10+s13+$0x0], $0xffff;
	v6 =	vmax.f32 v6, $0.0e+00  }
0x6b7: {  	v9 =	vld [tilespmem:s4+$0xFFFFFF10];
	v2 =	vadd.f32 v11, v2;
	[tilespmem:s4+$0xFFFFFF00] =	vst v1;
	v1 =	vmul.f32 v6, v7  }
0x6b8: {  	v10 =	vld [tilespmem:s18+$0xFFFFFF10]  }
0x6b9: {  	v2 =	vmax.f32 v2, $0.0e+00;
	v6 =	vld [tilespmem:s4+$0xFFFFFF90];
	[tilespmem:s4+$0xFFFFFF80] =	vst v1  }
0x6ba: {  	v2 =	vmul.f32 v2, v8;
	v3 =	vadd.f32 v4, v3;
	v1 =	vld [tilespmem:s18+$0xFFFFFF90];
	_ =	sdelay $0x1  }
0x6bb: {  	[tilespmem:s4+$0x10] =	vst v2;
	v2 =	vmax.f32 v3, $0.0e+00;
	v3 =	vld [tilespmem:s4+$0x20]  }
0x6bc: {  	v2 =	vmul.f32 v2, v15;
	v4 =	vld [tilespmem:s18+$0x20];
	v9 =	vadd.f32 v10, v9;
	_ =	sdelay $0x1  }
0x6bd: {  	v11 =	vld [tilespmem:s4+$0x90];
	[tilespmem:s4+$0x80] =	vst v2;
	v9 =	vmax.f32 v9, $0.0e+00;
	v1 =	vadd.f32 v1, v6  }
0x6be: {  	v2 =	vld [tilespmem:s18+$0x90];
	v9 =	vmul.f32 v9, v5  }
0x6bf: {  	v14 =	vld [tilespmem:s4+$0xFFFFFF30];
	v1 =	vmax.f32 v1, $0.0e+00  }
0x6c0: {  	v10 =	vld [tilespmem:s4+$0xFFFFFF20];
	v3 =	vadd.f32 v4, v3;
	[tilespmem:s4+$0xFFFFFF10] =	vst v9;
	v1 =	vmul.f32 v1, v7  }
0x6c1: {  	v9 =	vld [tilespmem:s18+$0xFFFFFF20]  }
0x6c2: {  	v6 =	vld [tilespmem:s4+$0xFFFFFFA0];
	v3 =	vmax.f32 v3, $0.0e+00;
	[tilespmem:s4+$0xFFFFFF90] =	vst v1  }
0x6c3: {  	v2 =	vadd.f32 v2, v11;
	v1 =	vmul.f32 v3, v8;
	v3 =	vld [tilespmem:s18+$0xFFFFFFA0]  }
0x6c4: {  	v13 =	vld [tilespmem:s4+$0xA0]  }
0x6c5: {  	v17 =	vld [tilespmem:s4+$0xFFFFFF40];
	v2 =	vmax.f32 v2, $0.0e+00  }
0x6c6: {  	[tilespmem:s4+$0x20] =	vst v1;
	v1 =	vmul.f32 v2, v15;
	v2 =	vld [tilespmem:s4+$0x30];
	v9 =	vadd.f32 v9, v10  }
0x6c7: {  	v16 =	vld [tilespmem:s18+$0x30]  }
0x6c8: {  	v19 =	vld [tilespmem:s4+$0xFFFFFFC0];
	[tilespmem:s4+$0x90] =	vst v1;
	v9 =	vmax.f32 v9, $0.0e+00;
	v3 =	vadd.f32 v3, v6  }
0x6c9: {  	v1 =	vld [tilespmem:s18+$0xA0];
	v6 =	vmul.f32 v9, v5  }
0x6ca: {  	v12 =	vld [tilespmem:s4+$0xFFFFFFD0];
	v3 =	vmax.f32 v3, $0.0e+00  }
0x6cb: {  	v20 =	vld [tilespmem:s4+$0xC0];
	[tilespmem:s4+$0xFFFFFF20] =	vst v6;
	v3 =	vmul.f32 v3, v7  }
0x6cc: {  	v2 =	vadd.f32 v16, v2;
	v6 =	vld [tilespmem:s18+$0xFFFFFF30]  }
0x6cd: {  	v4 =	vld [tilespmem:s4+$0xFFFFFFB0];
	[tilespmem:s4+$0xFFFFFFA0] =	vst v3  }
0x6ce: {  	v2 =	vmax.f32 v2, $0.0e+00;
	v1 =	vadd.f32 v1, v13;
	v3 =	vld [tilespmem:s18+$0xFFFFFFB0]  }
0x6cf: {  	s12 =	simm.s32 $0x600;
	v18 =	vld [tilespmem:s4+$0xE0];
	v2 =	vmul.f32 v2, v8  }
0x6d0: {  	v23 =	vld [tilespmem:s12+$0x0];
	v1 =	vmax.f32 v1, $0.0e+00  }
0x6d1: {  	v11 =	vld [tilespmem:s4+$0xB0];
	[tilespmem:s4+$0x30] =	vst v2;
	v1 =	vmul.f32 v1, v15;
	v2 =	vadd.f32 v6, v14  }
0x6d2: {  	v16 =	vld [tilespmem:s18+$0x40]  }
0x6d3: {  	v14 =	vld [tilespmem:s4+$0x40];
	[tilespmem:s4+$0xA0] =	vst v1;
	v1 =	vmax.f32 v2, $0.0e+00;
	v2 =	vadd.f32 v3, v4  }
0x6d4: {  	v3 =	vld [tilespmem:s18+$0xB0];
	v1 =	vmul.f32 v1, v5  }
0x6d5: {  	v56 =	vld [tilespmem:s12+$0xFFFFFF00];
	v2 =	vmax.f32 v2, $0.0e+00  }
0x6d6: {  	v58 =	vld [tilespmem:s12+$0xFFFFFF80];
	[tilespmem:s4+$0xFFFFFF30] =	vst v1;
	v1 =	vmul.f32 v2, v7  }
0x6d7: {  	v2 =	vld [tilespmem:s18+$0xFFFFFF40]  }
0x6d8: {  	v63 =	vld [tilespmem:s4+$0x70];
	v4 =	vadd.f32 v16, v14;
	[tilespmem:s4+$0xFFFFFFB0] =	vst v1  }
0x6d9: {  	v1 =	vadd.f32 v3, v11;
	v3 =	vld [tilespmem:s18+$0xFFFFFFC0]  }
0x6da: {  	v33 =	vld [tilespmem:s12+$0xFFFFFF10];
	v4 =	vmax.f32 v4, $0.0e+00  }
0x6db: {  	v34 =	vld [tilespmem:s12+$0xFFFFFF90];
	v4 =	vmul.f32 v4, v8;
	v1 =	vmax.f32 v1, $0.0e+00  }
0x6dc: {  	s17 =	simm.s32 $0x4;
	v37 =	vld [tilespmem:s12+$0xFFFFFF20];
	v1 =	vmul.f32 v1, v15;
	v2 =	vadd.f32 v2, v17  }
0x6dd: {  	v14 =	vld [tilespmem:s4+$0x50];
	[tilespmem:s4+$0x40] =	vst v4;
	v4 =	vmov s17  }
0x6de: {  	[tilespmem:s4+$0xB0] =	vst v1;
	v1 =	vand.u32 $0xFFFFFFFC, v4;
	v4 =	vld [tilespmem:s18+$0x50];
	v2 =	vmax.f32 v2, $0.0e+00;
	v3 =	vadd.f32 v3, v19  }
0x6df: {  	s20 =	simm.s32 $0x5;
	v38 =	vld [tilespmem:s12+$0x20];
	v2 =	vmul.f32 v2, v5  }
0x6e0: {  	v40 =	vld [tilespmem:s12+$0xFFFFFFA0];
	v11 =	vmov s20;
	v3 =	vmax.f32 v3, $0.0e+00  }
0x6e1: {  	s21 =	simm.s32 $0x6;
	v41 =	vld [tilespmem:s12+$0xA0];
	v17 =	vand.u32 $0xFFFFFFFD, v11;
	[tilespmem:s4+$0xFFFFFF40] =	vst v2;
	v2 =	vmul.f32 v3, v7  }
0x6e2: {  	v22 =	vmov s21;
	v42 =	vld [tilespmem:s12+$0xFFFFFF30];
	v3 =	vbroadcast v17, $0x0  }
0x6e3: {  	v32 =	vld [tilespmem:s12+$0xFFFFFF40];
	[tilespmem:s4+$0xFFFFFFC0] =	vst v2;
	v2 =	vadd.f32 v4, v14;
	v4 =	vand.u32 $0xFFFFFFFE, v22  }
0x6e4: {  	v46 =	vld [tilespmem:s12+$0xFFFFFFC0];
	s17 =	simm.s32 $0x2E00;
	v4 =	vbroadcast v4, $0x0  }
0x6e5: {  	v55 =	vld [tilespmem:s17+$0x0]  }
0x6e6: {  	v57 =	vld [tilespmem:s17+$0xFFFFFF00];
	v2 =	vmax.f32 v2, $0.0e+00  }
0x6e7: {  	v19 =	vld [tilespmem:s18+$0xC0];
	v22 =	vmul.f32 v2, v8  }
0x6e8: {  	v2 =	vld.idx.msk [tilespmem:v3+s13+$0x0], $0xffff  }
0x6e9: {  	v1 =	vbroadcast v1, $0x0;
	[tilespmem:s4+$0x50] =	vst v22;
	v22 =	vld [tilespmem:s4+$0x60]  }
0x6ea: {  	v3 =	vld.idx.msk [tilespmem:v4+s13+$0x0], $0xffff  }
0x6eb: {  	v4 =	vld [tilespmem:s18+$0x60]  }
0x6ec: {  	v10 =	vld [tilespmem:s4+$0xFFFFFF50];
	v23 =	vadd.f32 v55, v23  }
0x6ed: {  	s24 =	simm.s32 $0x7;
	v60 =	vld [tilespmem:s17+$0x80]  }
0x6ee: {  	v59 =	vmov s24;
	v23 =	vmax.f32 v23, $0.0e+00;
	v19 =	vadd.f32 v19, v20;
	v20 =	vld [tilespmem:s17+$0xFFFFFF80]  }
0x6ef: {  	v1 =	vld.idx.msk [tilespmem:v1+s13+$0x0], $0xffff;
	v23 =	vmul.f32 v23, v3  }
0x6f0: {  	v24 =	vadd.f32 v57, v56;
	v4 =	vadd.f32 v4, v22;
	v22 =	vld [tilespmem:s12+$0x80]  }
0x6f1: {  	[tilespmem:s12+$0x0] =	vst v23;
	v23 =	vld [tilespmem:s12+$0x10]  }
0x6f2: {  	v24 =	vmax.f32 v24, $0.0e+00;
	v19 =	vmax.f32 v19, $0.0e+00;
	v4 =	vmax.f32 v4, $0.0e+00;
	v62 =	vld [tilespmem:s17+$0x10]  }
0x6f3: {  	v19 =	vmul.f32 v19, v15;
	v20 =	vadd.f32 v20, v58;
	v61 =	vmul.f32 v4, v8;
	v4 =	vld.idx.msk [tilespmem:v59+s13+$0x0], $0xffff  }
0x6f4: {  	v13 =	vld [tilespmem:s4+$0xD0];
	v24 =	vmul.f32 v24, v1  }
0x6f5: {  	v21 =	vld [tilespmem:s18+$0xFFFFFF50];
	[tilespmem:s4+$0xC0] =	vst v19;
	v20 =	vmax.f32 v20, $0.0e+00;
	v22 =	vadd.f32 v60, v22  }
0x6f6: {  	v19 =	vld [tilespmem:s18+$0xD0];
	[tilespmem:s12+$0xFFFFFF00] =	vst v24;
	v20 =	vmul.f32 v20, v2  }
0x6f7: {  	v35 =	vld [tilespmem:s17+$0xFFFFFF10];
	v22 =	vmax.f32 v22, $0.0e+00;
	v23 =	vadd.f32 v62, v23  }
0x6f8: {  	v9 =	vld [tilespmem:s4+$0xFFFFFFE0];
	[tilespmem:s12+$0xFFFFFF80] =	vst v20;
	v20 =	vmul.f32 v22, v4  }
0x6f9: {  	v36 =	vld [tilespmem:s17+$0xFFFFFF90];
	v23 =	vmax.f32 v23, $0.0e+00  }
0x6fa: {  	v10 =	vadd.f32 v21, v10;
	v22 =	vld [tilespmem:s12+$0x90];
	[tilespmem:s12+$0x80] =	vst v20;
	v23 =	vmul.f32 v23, v3  }
0x6fb: {  	v19 =	vadd.f32 v19, v13;
	v20 =	vld [tilespmem:s17+$0x90]  }
0x6fc: {  	v6 =	vld [tilespmem:s4+$0xFFFFFF60];
	v10 =	vmax.f32 v10, $0.0e+00;
	[tilespmem:s12+$0x10] =	vst v23;
	v23 =	vadd.f32 v35, v33  }
0x6fd: {  	v16 =	vld [tilespmem:s4+$0xFFFFFF70];
	v10 =	vmul.f32 v10, v5;
	v19 =	vmax.f32 v19, $0.0e+00  }
0x6fe: {  	v19 =	vmul.f32 v19, v15;
	v24 =	vadd.f32 v36, v34;
	v39 =	vld [tilespmem:s17+$0x20];
	v23 =	vmax.f32 v23, $0.0e+00  }
0x6ff: {  	v14 =	vld [tilespmem:s18+$0xFFFFFFD0];
	[tilespmem:s4+$0xFFFFFF50] =	vst v10;
	v23 =	vmul.f32 v23, v1  }
0x700: {  	v11 =	vld [tilespmem:s4+$0xFFFFFFF0];
	[tilespmem:s4+$0xD0] =	vst v19;
	v24 =	vmax.f32 v24, $0.0e+00;
	v20 =	vadd.f32 v20, v22  }
0x701: {  	v19 =	vld [tilespmem:s18+$0xFFFFFF60];
	v22 =	vmul.f32 v24, v2;
	[tilespmem:s12+$0xFFFFFF10] =	vst v23  }
0x702: {  	v20 =	vmax.f32 v20, $0.0e+00;
	v43 =	vld [tilespmem:s17+$0xFFFFFF20]  }
0x703: {  	v17 =	vld [tilespmem:s4+$0xF0];
	[tilespmem:s12+$0xFFFFFF90] =	vst v22;
	v25 =	vadd.f32 v39, v38;
	v20 =	vmul.f32 v20, v4  }
0x704: {  	v14 =	vadd.f32 v14, v12;
	v44 =	vld [tilespmem:s17+$0xFFFFFFA0]  }
0x705: {  	v12 =	vld [tilespmem:s12+$0xFFFFFF50];
	v25 =	vmax.f32 v25, $0.0e+00;
	[tilespmem:s12+$0x90] =	vst v20  }
0x706: {  	v21 =	vmax.f32 v14, $0.0e+00;
	v19 =	vadd.f32 v19, v6;
	v20 =	vmul.f32 v25, v3;
	v45 =	vld [tilespmem:s17+$0xA0]  }
0x707: {  	v14 =	vld [tilespmem:s12+$0xFFFFFFD0];
	v21 =	vmul.f32 v21, v7;
	v24 =	vadd.f32 v43, v37  }
0x708: {  	v19 =	vmax.f32 v19, $0.0e+00;
	[tilespmem:s12+$0x20] =	vst v20;
	v20 =	vld [tilespmem:s12+$0x30]  }
0x709: {  	[tilespmem:s4+$0xFFFFFFD0] =	vst v21;
	v19 =	vmul.f32 v19, v5;
	v27 =	vadd.f32 v44, v40;
	v47 =	vld [tilespmem:s17+$0x30];
	v24 =	vmax.f32 v24, $0.0e+00  }
0x70a: {  	v51 =	vld [tilespmem:s18+$0xFFFFFFE0];
	v24 =	vmul.f32 v24, v1  }
0x70b: {  	v53 =	vld [tilespmem:s18+$0xE0];
	[tilespmem:s4+$0xFFFFFF60] =	vst v19;
	v27 =	vmax.f32 v27, $0.0e+00;
	v25 =	vadd.f32 v45, v41  }
0x70c: {  	v58 =	vld [tilespmem:s18+$0xFFFFFF70];
	v48 =	vmul.f32 v27, v2;
	[tilespmem:s12+$0xFFFFFF20] =	vst v24  }
0x70d: {  	v13 =	vmax.f32 v25, $0.0e+00;
	v49 =	vld [tilespmem:s17+$0xFFFFFF30]  }
0x70e: {  	v23 =	vld [tilespmem:s12+$0xFFFFFFB0];
	[tilespmem:s12+$0xFFFFFFA0] =	vst v48;
	v50 =	vmul.f32 v13, v4;
	v20 =	vadd.f32 v47, v20  }
0x70f: {  	v21 =	vld [tilespmem:s17+$0xFFFFFFB0]  }
0x710: {  	v22 =	vld [tilespmem:s12+$0xB0];
	[tilespmem:s12+$0xA0] =	vst v50;
	v20 =	vmax.f32 v20, $0.0e+00  }
0x711: {  	v18 =	vadd.f32 v53, v18;
	v10 =	vld [tilespmem:s17+$0xB0];
	v20 =	vmul.f32 v20, v3  }
0x712: {  	s24 =	simm.s32 $0xB;
	[tilespmem:s4+$0x60] =	vst v61;
	v61 =	vld [tilespmem:s12+$0x50];
	v52 =	vadd.f32 v49, v42  }
0x713: {  	v60 =	vmov s24;
	v18 =	vmax.f32 v18, $0.0e+00;
	[tilespmem:s12+$0x30] =	vst v20;
	v20 =	vld [tilespmem:s12+$0x40]  }
0x714: {  	v18 =	vmul.f32 v18, v15;
	v21 =	vadd.f32 v21, v23;
	v23 =	vld [tilespmem:s17+$0x40];
	v25 =	vmax.f32 v52, $0.0e+00  }
0x715: {  	v54 =	vld [tilespmem:s18+$0x70];
	v16 =	vadd.f32 v58, v16;
	v24 =	vadd.f32 v51, v9;
	v9 =	vmul.f32 v25, v1  }
0x716: {  	v33 =	vld [tilespmem:s12+$0xC0];
	[tilespmem:s4+$0xE0] =	vst v18;
	v21 =	vmax.f32 v21, $0.0e+00;
	v22 =	vadd.f32 v10, v22  }
0x717: {  	v59 =	vld [tilespmem:s18+$0xF0];
	v16 =	vmax.f32 v16, $0.0e+00;
	v6 =	vmax.f32 v24, $0.0e+00;
	v21 =	vmul.f32 v21, v2;
	[tilespmem:s12+$0xFFFFFF30] =	vst v9  }
0x718: {  	v16 =	vmul.f32 v16, v5;
	v56 =	vmul.f32 v6, v7;
	v22 =	vmax.f32 v22, $0.0e+00;
	v55 =	vld [tilespmem:s17+$0xFFFFFF40]  }
0x719: {  	v5 =	vld.idx.msk [tilespmem:v60+s13+$0x0], $0xffff;
	[tilespmem:s12+$0xFFFFFFB0] =	vst v21;
	v21 =	vmul.f32 v22, v4;
	v20 =	vadd.f32 v23, v20  }
0x71a: {  	[tilespmem:s4+$0xFFFFFFE0] =	vst v56;
	v22 =	vld [tilespmem:s17+$0xFFFFFFC0]  }
0x71b: {  	v23 =	vadd.f32 v54, v63;
	[tilespmem:s12+$0xB0] =	vst v21;
	v21 =	vld [tilespmem:s18+$0xFFFFFFF0];
	v20 =	vmax.f32 v20, $0.0e+00  }
0x71c: {  	s20 =	simm.s32 $0x8;
	v57 =	vld [tilespmem:s17+$0xC0];
	v19 =	vmul.f32 v20, v3  }
0x71d: {  	v13 =	vld [tilespmem:s12+$0xD0];
	v20 =	vmax.f32 v23, $0.0e+00;
	v23 =	vmov s20;
	v24 =	vadd.f32 v55, v32  }
0x71e: {  	s21 =	simm.s32 $0x9;
	v6 =	vld [tilespmem:s12+$0xE0];
	v20 =	vmul.f32 v20, v8;
	v8 =	vand.u32 $0xFFFFFFFC, v23  }
0x71f: {  	v10 =	vld [tilespmem:s12+$0xFFFFFF60];
	v23 =	vmov s21;
	[tilespmem:s12+$0x40] =	vst v19;
	v22 =	vadd.f32 v22, v46;
	v19 =	vmax.f32 v24, $0.0e+00  }
0x720: {  	v18 =	vbroadcast v8, $0x0;
	v62 =	vld [tilespmem:s17+$0x50];
	v8 =	vmul.f32 v19, v1;
	v19 =	vadd.f32 v21, v11  }
0x721: {  	v9 =	vld [tilespmem:s12+$0xFFFFFFE0];
	v22 =	vmax.f32 v22, $0.0e+00;
	v21 =	vand.u32 $0xFFFFFFFD, v23;
	v23 =	vadd.f32 v57, v33  }
0x722: {  	v17 =	vadd.f32 v59, v17;
	v11 =	vld [tilespmem:s12+$0xFFFFFF70];
	v22 =	vmul.f32 v22, v2;
	[tilespmem:s12+$0xFFFFFF40] =	vst v8;
	v19 =	vmax.f32 v19, $0.0e+00  }
0x723: {  	[tilespmem:s4+$0x70] =	vst v20;
	v23 =	vmax.f32 v23, $0.0e+00;
	v20 =	vld [tilespmem:s17+$0xFFFFFF50];
	v63 =	vmul.f32 v19, v7;
	v19 =	vbroadcast v21, $0x0  }
0x724: {  	v8 =	vld [tilespmem:s12+$0xFFFFFFF0];
	[tilespmem:s12+$0xFFFFFFC0] =	vst v22;
	v23 =	vmul.f32 v23, v4  }
0x725: {  	v17 =	vmax.f32 v17, $0.0e+00;
	v21 =	vld [tilespmem:s17+$0xFFFFFFD0];
	v22 =	vadd.f32 v62, v61;
	[tilespmem:s4+$0xFFFFFFF0] =	vst v63  }
0x726: {  	v17 =	vmul.f32 v17, v15;
	s18 =	simm.s32 $0x2E00;
	s20 =	simm.s32 $0xC;
	s21 =	simm.s32 $0xA;
	v7 =	vld [tilespmem:s12+$0xF0];
	[tilespmem:s12+$0xC0] =	vst v23  }
.LBB2_14:
0x727: {  	p0 =	slt.u32 s20, $0x4C;
	v23 =	vmov s21;
	v22 =	vmax.f32 v22, $0.0e+00;
	v24 =	vld [tilespmem:s17+$0xD0];
	[tilespmem:s4+$0xFFFFFF70] =	vst v16  }
0x728: {  	v15 =	vld.idx.msk [tilespmem:v18+s13+$0x0], $0xffff;
	v18 =	vand.u32 $0xFFFFFFFE, v23;
	v12 =	vadd.f32 v20, v12;
	v20 =	vmul.f32 v22, v3;
	[tilespmem:s4+$0xF0] =	vst v17;
	s4 =	smov.u32 s12  }
0x729: {  	v16 =	vld.idx.msk [tilespmem:v19+s13+$0x0], $0xffff;
	v17 =	vbroadcast v18, $0x0  }
0x72a: {  	v12 =	vmax.f32 v12, $0.0e+00;
	v14 =	vadd.f32 v21, v14;
	[tilespmem:s12+$0x50] =	vst v20;
	v18 =	vld [tilespmem:s12+$0x60]  }
0x72b: {  	s12 =	sadd.s32 $0x200, s12;
	v12 =	vmul.f32 v12, v1;
	v19 =	vld [tilespmem:s17+$0x60]  }
0x72c: {  	s17 =	sadd.s32 $0x200, s17;
	v20 =	vld [tilespmem:s12+$0x0];
	v14 =	vmax.f32 v14, $0.0e+00;
	v13 =	vadd.f32 v24, v13  }
0x72d: {  	v21 =	vld [tilespmem:s17+$0x0];
	[tilespmem:s4+$0xFFFFFF50] =	vst v12;
	v12 =	vmul.f32 v14, v2  }
0x72e: {  	v14 =	vld [tilespmem:s12+$0xFFFFFF00];
	v13 =	vmax.f32 v13, $0.0e+00  }
0x72f: {  	v17 =	vld.idx.msk [tilespmem:v17+s13+$0x0], $0xffff;
	[tilespmem:s4+$0xFFFFFFD0] =	vst v12;
	v12 =	vmul.f32 v13, v4  }
0x730: {  	v13 =	vld [tilespmem:s17+$0xFFFFFF00];
	v18 =	vadd.f32 v19, v18  }
0x731: {  	v19 =	vld [tilespmem:s12+$0xFFFFFF80];
	[tilespmem:s4+$0xD0] =	vst v12  }
0x732: {  	v12 =	vld [tilespmem:s17+$0xFFFFFF80];
	v20 =	vadd.f32 v21, v20;
	v18 =	vmax.f32 v18, $0.0e+00  }
0x733: {  	v21 =	vld [tilespmem:s12+$0x80];
	v18 =	vmul.f32 v18, v3  }
0x734: {  	v20 =	vmax.f32 v20, $0.0e+00;
	v22 =	vld [tilespmem:s17+$0x80]  }
0x735: {  	v13 =	vadd.f32 v13, v14;
	v14 =	vmul.f32 v20, v17;
	[tilespmem:s4+$0x60] =	vst v18;
	v18 =	vld [tilespmem:s4+$0x70]  }
0x736: {  	v20 =	vld [tilespmem:s18+$0x70]  }
0x737: {  	v13 =	vmax.f32 v13, $0.0e+00;
	v12 =	vadd.f32 v12, v19;
	[tilespmem:s12+$0x0] =	vst v14;
	v14 =	vld [tilespmem:s12+$0x10]  }
0x738: {  	v13 =	vmul.f32 v13, v15;
	v19 =	vld [tilespmem:s17+$0x10]  }
0x739: {  	v23 =	vld [tilespmem:s12+$0xFFFFFF10];
	v12 =	vmax.f32 v12, $0.0e+00;
	v21 =	vadd.f32 v22, v21  }
0x73a: {  	[tilespmem:s12+$0xFFFFFF00] =	vst v13;
	v12 =	vmul.f32 v12, v16;
	v13 =	vld [tilespmem:s12+$0xFFFFFF90]  }
0x73b: {  	v22 =	vld [tilespmem:s17+$0xFFFFFF10];
	v21 =	vmax.f32 v21, $0.0e+00;
	v18 =	vadd.f32 v20, v18  }
0x73c: {  	[tilespmem:s12+$0xFFFFFF80] =	vst v12;
	v12 =	vmul.f32 v21, v5;
	v20 =	vld [tilespmem:s12+$0x90]  }
0x73d: {  	v21 =	vld [tilespmem:s17+$0xFFFFFF90];
	v14 =	vadd.f32 v19, v14;
	v18 =	vmax.f32 v18, $0.0e+00  }
0x73e: {  	v19 =	vld [tilespmem:s12+$0xFFFFFF20];
	[tilespmem:s12+$0x80] =	vst v12;
	v12 =	vmul.f32 v18, v3;
	v3 =	vmov v17  }
0x73f: {  	v14 =	vmax.f32 v14, $0.0e+00;
	v17 =	vld [tilespmem:s17+$0x90]  }
0x740: {  	v18 =	vadd.f32 v22, v23;
	v22 =	vld [tilespmem:s12+$0xFFFFFFA0];
	v14 =	vmul.f32 v14, v3;
	[tilespmem:s4+$0x70] =	vst v12  }
0x741: {  	v23 =	vld [tilespmem:s12+$0xA0]  }
0x742: {  	v12 =	vmax.f32 v18, $0.0e+00;
	v13 =	vadd.f32 v21, v13;
	[tilespmem:s12+$0x10] =	vst v14;
	v14 =	vld [tilespmem:s12+$0x20]  }
0x743: {  	v12 =	vmul.f32 v12, v15;
	v18 =	vld [tilespmem:s17+$0x20]  }
0x744: {  	v21 =	vld [tilespmem:s12+$0xFFFFFF30];
	v13 =	vmax.f32 v13, $0.0e+00;
	v17 =	vadd.f32 v17, v20  }
0x745: {  	[tilespmem:s12+$0xFFFFFF10] =	vst v12;
	v12 =	vmul.f32 v13, v16;
	v20 =	vld [tilespmem:s12+$0xFFFFFFB0]  }
0x746: {  	v13 =	vld [tilespmem:s17+$0xFFFFFF20];
	v17 =	vmax.f32 v17, $0.0e+00  }
0x747: {  	[tilespmem:s12+$0xFFFFFF90] =	vst v12;
	v12 =	vmul.f32 v17, v5;
	v17 =	vld [tilespmem:s12+$0xB0]  }
0x748: {  	v24 =	vld [tilespmem:s17+$0xFFFFFFA0];
	v14 =	vadd.f32 v18, v14  }
0x749: {  	v18 =	vld [tilespmem:s12+$0xFFFFFF40];
	[tilespmem:s12+$0x90] =	vst v12  }
0x74a: {  	v12 =	vmax.f32 v14, $0.0e+00;
	v14 =	vld [tilespmem:s17+$0xA0]  }
0x74b: {  	v13 =	vadd.f32 v13, v19;
	v19 =	vld [tilespmem:s12+$0xFFFFFFC0];
	v12 =	vmul.f32 v12, v3  }
0x74c: {  	v25 =	vld [tilespmem:s12+$0xC0]  }
0x74d: {  	v13 =	vmax.f32 v13, $0.0e+00;
	v22 =	vadd.f32 v24, v22;
	[tilespmem:s12+$0x20] =	vst v12;
	v24 =	vld [tilespmem:s12+$0x30]  }
0x74e: {  	v13 =	vmul.f32 v13, v15;
	v26 =	vld [tilespmem:s17+$0x30]  }
0x74f: {  	v12 =	vld [tilespmem:s12+$0xFFFFFF50];
	v22 =	vmax.f32 v22, $0.0e+00;
	v23 =	vadd.f32 v14, v23  }
0x750: {  	[tilespmem:s12+$0xFFFFFF20] =	vst v13;
	v13 =	vmul.f32 v22, v16;
	v14 =	vld [tilespmem:s12+$0xFFFFFFD0]  }
0x751: {  	v22 =	vld [tilespmem:s17+$0xFFFFFF30];
	v23 =	vmax.f32 v23, $0.0e+00  }
0x752: {  	[tilespmem:s12+$0xFFFFFFA0] =	vst v13;
	v23 =	vmul.f32 v23, v5;
	v13 =	vld [tilespmem:s12+$0xD0]  }
0x753: {  	v27 =	vld [tilespmem:s17+$0xFFFFFFB0];
	v24 =	vadd.f32 v26, v24  }
0x754: {  	[tilespmem:s12+$0xA0] =	vst v23;
	v23 =	vld [tilespmem:s18+$0xFFFFFFE0]  }
0x755: {  	v24 =	vmax.f32 v24, $0.0e+00;
	v26 =	vld [tilespmem:s17+$0xB0]  }
0x756: {  	v21 =	vadd.f32 v22, v21;
	v22 =	vmul.f32 v24, v3;
	v24 =	vld [tilespmem:s18+$0xFFFFFF60]  }
0x757: {  	v28 =	vld [tilespmem:s18+$0xE0]  }
0x758: {  	v21 =	vmax.f32 v21, $0.0e+00;
	v20 =	vadd.f32 v27, v20;
	[tilespmem:s12+$0x30] =	vst v22;
	v22 =	vld [tilespmem:s12+$0x40]  }
0x759: {  	v21 =	vmul.f32 v21, v15;
	v27 =	vld [tilespmem:s17+$0x40];
	v23 =	vadd.f32 v23, v9  }
0x75a: {  	v29 =	vld [tilespmem:s12+$0xFFFFFF60];
	v9 =	vmax.f32 v20, $0.0e+00;
	v17 =	vadd.f32 v26, v17  }
0x75b: {  	[tilespmem:s12+$0xFFFFFF30] =	vst v21;
	v20 =	vmul.f32 v9, v16;
	v9 =	vld [tilespmem:s12+$0xFFFFFFE0];
	v10 =	vadd.f32 v24, v10;
	v21 =	vmax.f32 v23, $0.0e+00  }
0x75c: {  	v23 =	vld [tilespmem:s17+$0xFFFFFF40];
	v17 =	vmax.f32 v17, $0.0e+00;
	v21 =	vmul.f32 v21, v2;
	v24 =	vadd.f32 v28, v6  }
0x75d: {  	[tilespmem:s12+$0xFFFFFFB0] =	vst v20;
	v17 =	vmul.f32 v17, v5;
	v6 =	vld [tilespmem:s12+$0xE0];
	v28 =	vmax.f32 v10, $0.0e+00  }
0x75e: {  	v20 =	vld [tilespmem:s17+$0xFFFFFFC0];
	v22 =	vadd.f32 v27, v22;
	v26 =	vmul.f32 v28, v1;
	[tilespmem:s4+$0xFFFFFFE0] =	vst v21;
	v24 =	vmax.f32 v24, $0.0e+00  }
0x75f: {  	[tilespmem:s12+$0xB0] =	vst v17;
	v17 =	vld [tilespmem:s18+$0xFFFFFFF0];
	v21 =	vmul.f32 v24, v4;
	v10 =	vmov v29  }
0x760: {  	v22 =	vmax.f32 v22, $0.0e+00;
	v24 =	vld [tilespmem:s17+$0xC0];
	[tilespmem:s4+$0xFFFFFF60] =	vst v26  }
0x761: {  	s0 =	sadd.s32 $0x1, s20;
	s21 =	sadd.s32 $0x3, s20;
	v26 =	vmov s20;
	v23 =	vadd.f32 v23, v18;
	v22 =	vmul.f32 v22, v3;
	v27 =	vld [tilespmem:s18+$0xFFFFFF70];
	[tilespmem:s4+$0xE0] =	vst v21  }
0x762: {  	v18 =	vand.u32 $0xFFFFFFFC, v26;
	v21 =	vmov s0;
	v26 =	vmov s21;
	v28 =	vld [tilespmem:s18+$0xF0];
	s18 =	smov.u32 s17  }
0x763: {  	v18 =	vbroadcast v18, $0x0;
	v23 =	vmax.f32 v23, $0.0e+00;
	v20 =	vadd.f32 v20, v19;
	[tilespmem:s12+$0x40] =	vst v22;
	v22 =	vld [tilespmem:s12+$0x50]  }
0x764: {  	v19 =	vand.u32 $0xFFFFFFFD, v21;
	v21 =	vmul.f32 v23, v15;
	v23 =	vld [tilespmem:s17+$0x50];
	v17 =	vadd.f32 v17, v8  }
0x765: {  	v19 =	vbroadcast v19, $0x0;
	v29 =	vld [tilespmem:s12+$0xFFFFFF70];
	v8 =	vmax.f32 v20, $0.0e+00;
	v24 =	vadd.f32 v24, v25  }
.Ltmp6:
0x766: {  	[tilespmem:s12+$0xFFFFFF40] =	vst v21;
	v21 =	vmul.f32 v8, v16;
	v8 =	vld [tilespmem:s12+$0xFFFFFFF0];
	v11 =	vadd.f32 v27, v11;
	v17 =	vmax.f32 v17, $0.0e+00;
	(pc) =	sbr.rel @p0 .LBB2_14-.Ltmp6, $4  }
0x767: {  	v20 =	vld [tilespmem:s17+$0xFFFFFF50];
	v24 =	vmax.f32 v24, $0.0e+00;
	v17 =	vmul.f32 v17, v2;
	v25 =	vadd.f32 v28, v7;
	v2 =	vmovc v16  }
0x768: {  	[tilespmem:s12+$0xFFFFFFC0] =	vst v21;
	v24 =	vmul.f32 v24, v5;
	v7 =	vld [tilespmem:s12+$0xF0];
	v27 =	vmax.f32 v11, $0.0e+00  }
0x769: {  	v21 =	vld [tilespmem:s17+$0xFFFFFFD0];
	v22 =	vadd.f32 v23, v22;
	v16 =	vmul.f32 v27, v1;
	[tilespmem:s4+$0xFFFFFFF0] =	vst v17;
	v23 =	vmax.f32 v25, $0.0e+00;
	v1 =	vmovc v15  }
0x76a: {  	s21 =	sadd.s32 $0x2, s20;
	s20 =	sadd.s32 $0x4, s20;
	[tilespmem:s12+$0xC0] =	vst v24;
	v17 =	vmul.f32 v23, v4;
	v11 =	vmov v29;
	v4 =	vmov v5;
	v5 =	vld.idx.msk [tilespmem:v26+s13+$0x0], $0xffff  }
0x76b: {  	s20 =	sadd.s32 $0x200, s12  }
0x76c: {  	s0 =	sadd.s32 $0x200, s17;
	v24 =	vld [tilespmem:s20+$0x0]  }
0x76d: {  	v15 =	vmov s21;
	v25 =	vld [tilespmem:s0+$0x0]  }
0x76e: {  	v15 =	vand.u32 $0xFFFFFFFE, v15;
	v26 =	vld [tilespmem:s20+$0xFFFFFF00]  }
0x76f: {  	v58 =	vld [tilespmem:s0+$0xFFFFFF00];
	v23 =	vbroadcast v15, $0x0  }
0x770: {  	v27 =	vld [tilespmem:s20+$0xFFFFFF80]  }
0x771: {  	v28 =	vld [tilespmem:s0+$0xFFFFFF80]  }
0x772: {  	v59 =	vld [tilespmem:s20+$0x80]  }
0x773: {  	v29 =	vld [tilespmem:s0+$0x80]  }
0x774: {  	v15 =	vld.idx.msk [tilespmem:v18+s13+$0x0], $0xffff  }
0x775: {  	v18 =	vld.idx.msk [tilespmem:v23+s13+$0x0], $0xffff  }
0x776: {  	v19 =	vld.idx.msk [tilespmem:v19+s13+$0x0], $0xffff  }
0x777: {  	v24 =	vadd.f32 v25, v24  }
0x778: {  	v60 =	vadd.f32 v28, v27  }
0x779: {  	v61 =	vld [tilespmem:s20+$0x10];
	v24 =	vmax.f32 v24, $0.0e+00;
	v23 =	vadd.f32 v58, v26  }
0x77a: {  	v63 =	vld [tilespmem:s20+$0xFFFFFF10];
	v25 =	vadd.f32 v29, v59;
	v26 =	vmax.f32 v60, $0.0e+00;
	v24 =	vmul.f32 v24, v18  }
0x77b: {  	v33 =	vld [tilespmem:s20+$0xFFFFFF90];
	v26 =	vmul.f32 v26, v19;
	v23 =	vmax.f32 v23, $0.0e+00  }
0x77c: {  	v30 =	vld [tilespmem:s20+$0x90];
	v25 =	vmax.f32 v25, $0.0e+00;
	v23 =	vmul.f32 v23, v15;
	[tilespmem:s20+$0x0] =	vst v24  }
0x77d: {  	v25 =	vmul.f32 v25, v5;
	[tilespmem:s20+$0xFFFFFF80] =	vst v26;
	v62 =	vld [tilespmem:s0+$0x10]  }
0x77e: {  	v26 =	vld [tilespmem:s0+$0xFFFFFF90];
	[tilespmem:s20+$0xFFFFFF00] =	vst v23  }
0x77f: {  	[tilespmem:s20+$0x80] =	vst v25;
	v34 =	vld [tilespmem:s0+$0xFFFFFF10]  }
0x780: {  	v25 =	vld [tilespmem:s0+$0x90];
	_ =	sdelay $0x1  }
0x781: {  	v24 =	vadd.f32 v62, v61  }
0x782: {  	v23 =	vadd.f32 v26, v33  }
0x783: {  	v35 =	vld [tilespmem:s20+$0xFFFFFF20];
	v36 =	vadd.f32 v34, v63;
	v24 =	vmax.f32 v24, $0.0e+00  }
0x784: {  	v37 =	vld [tilespmem:s20+$0xFFFFFFA0];
	v25 =	vadd.f32 v25, v30;
	v23 =	vmax.f32 v23, $0.0e+00;
	v24 =	vmul.f32 v24, v18  }
0x785: {  	v38 =	vld [tilespmem:s20+$0xA0];
	v23 =	vmul.f32 v23, v19;
	v27 =	vmax.f32 v36, $0.0e+00  }
0x786: {  	v39 =	vld [tilespmem:s20+$0x20];
	v25 =	vmax.f32 v25, $0.0e+00;
	v27 =	vmul.f32 v27, v15;
	[tilespmem:s20+$0x10] =	vst v24  }
0x787: {  	v41 =	vmul.f32 v25, v5;
	[tilespmem:s20+$0xFFFFFF90] =	vst v23;
	v40 =	vld [tilespmem:s0+$0x20]  }
0x788: {  	v42 =	vld [tilespmem:s0+$0xFFFFFFA0];
	[tilespmem:s20+$0xFFFFFF10] =	vst v27  }
0x789: {  	[tilespmem:s20+$0x90] =	vst v41;
	v27 =	vld [tilespmem:s0+$0xFFFFFF20]  }
0x78a: {  	v23 =	vld [tilespmem:s0+$0xA0];
	_ =	sdelay $0x1  }
0x78b: {  	v24 =	vadd.f32 v40, v39  }
0x78c: {  	v25 =	vadd.f32 v42, v37  }
0x78d: {  	v43 =	vld [tilespmem:s20+$0xFFFFFF30];
	v26 =	vadd.f32 v27, v35;
	v24 =	vmax.f32 v24, $0.0e+00  }
0x78e: {  	v44 =	vld [tilespmem:s20+$0xFFFFFFB0];
	v23 =	vadd.f32 v23, v38;
	v25 =	vmax.f32 v25, $0.0e+00;
	v24 =	vmul.f32 v24, v18  }
0x78f: {  	v45 =	vld [tilespmem:s20+$0xB0];
	v25 =	vmul.f32 v25, v19;
	v26 =	vmax.f32 v26, $0.0e+00  }
0x790: {  	v46 =	vld [tilespmem:s20+$0x30];
	v23 =	vmax.f32 v23, $0.0e+00;
	v26 =	vmul.f32 v26, v15;
	[tilespmem:s20+$0x20] =	vst v24  }
0x791: {  	v23 =	vmul.f32 v23, v5;
	[tilespmem:s20+$0xFFFFFFA0] =	vst v25;
	v47 =	vld [tilespmem:s0+$0x30]  }
0x792: {  	v25 =	vld [tilespmem:s0+$0xFFFFFFB0];
	[tilespmem:s20+$0xFFFFFF20] =	vst v26  }
0x793: {  	[tilespmem:s20+$0xA0] =	vst v23;
	v26 =	vld [tilespmem:s0+$0xFFFFFF30]  }
0x794: {  	v48 =	vld [tilespmem:s0+$0xB0]  }
0x795: {  	v22 =	vmax.f32 v22, $0.0e+00  }
0x796: {  	v49 =	vld [tilespmem:s12+$0x60];
	v22 =	vmul.f32 v22, v3;
	v24 =	vadd.f32 v47, v46  }
0x797: {  	v50 =	vld [tilespmem:s20+$0xFFFFFF40];
	v25 =	vadd.f32 v25, v44  }
0x798: {  	v51 =	vld [tilespmem:s20+$0xFFFFFFC0];
	[tilespmem:s12+$0x50] =	vst v22;
	v26 =	vadd.f32 v26, v43;
	v24 =	vmax.f32 v24, $0.0e+00  }
0x799: {  	v31 =	vld [tilespmem:s17+$0x60];
	v22 =	vadd.f32 v48, v45;
	v25 =	vmax.f32 v25, $0.0e+00;
	v24 =	vmul.f32 v24, v18  }
0x79a: {  	v52 =	vld [tilespmem:s20+$0xC0];
	v25 =	vmul.f32 v25, v19;
	v26 =	vmax.f32 v26, $0.0e+00  }
0x79b: {  	v53 =	vld [tilespmem:s20+$0x40];
	v22 =	vmax.f32 v22, $0.0e+00;
	v26 =	vmul.f32 v26, v15;
	[tilespmem:s20+$0x30] =	vst v24  }
0x79c: {  	v22 =	vmul.f32 v22, v5;
	[tilespmem:s20+$0xFFFFFFB0] =	vst v25;
	v54 =	vld [tilespmem:s0+$0x40]  }
0x79d: {  	v14 =	vadd.f32 v21, v14;
	v25 =	vld [tilespmem:s0+$0xFFFFFFC0];
	[tilespmem:s20+$0xFFFFFF30] =	vst v26  }
0x79e: {  	v23 =	vadd.f32 v31, v49;
	[tilespmem:s20+$0xB0] =	vst v22;
	v26 =	vld [tilespmem:s0+$0xFFFFFF40]  }
0x79f: {  	v14 =	vmax.f32 v14, $0.0e+00;
	v22 =	vld [tilespmem:s0+$0xC0]  }
0x7a0: {  	v55 =	vld [tilespmem:s17+$0xD0];
	v14 =	vmul.f32 v14, v2;
	v23 =	vmax.f32 v23, $0.0e+00  }
0x7a1: {  	v57 =	vld [tilespmem:s12+$0x70];
	v23 =	vmul.f32 v23, v3;
	v56 =	vadd.f32 v54, v53  }
0x7a2: {  	v59 =	vld [tilespmem:s20+$0xFFFFFF50];
	[tilespmem:s12+$0xFFFFFFD0] =	vst v14;
	v25 =	vadd.f32 v25, v51  }
0x7a3: {  	v60 =	vld [tilespmem:s20+$0xFFFFFFD0];
	[tilespmem:s12+$0x60] =	vst v23;
	v26 =	vadd.f32 v26, v50;
	v23 =	vmax.f32 v56, $0.0e+00  }
0x7a4: {  	v34 =	vld [tilespmem:s18+$0xFFFFFFE0];
	v22 =	vadd.f32 v22, v52;
	v25 =	vmax.f32 v25, $0.0e+00;
	v23 =	vmul.f32 v23, v18  }
0x7a5: {  	v13 =	vadd.f32 v55, v13;
	v61 =	vld [tilespmem:s20+$0xD0];
	v25 =	vmul.f32 v25, v19;
	v26 =	vmax.f32 v26, $0.0e+00  }
0x7a6: {  	v12 =	vadd.f32 v20, v12;
	v62 =	vld [tilespmem:s20+$0x50];
	v22 =	vmax.f32 v22, $0.0e+00;
	v63 =	vmul.f32 v26, v15;
	[tilespmem:s20+$0x40] =	vst v23  }
0x7a7: {  	v13 =	vmax.f32 v13, $0.0e+00;
	v22 =	vmul.f32 v22, v5;
	[tilespmem:s20+$0xFFFFFFC0] =	vst v25;
	v30 =	vld [tilespmem:s0+$0x50]  }
0x7a8: {  	v12 =	vmax.f32 v12, $0.0e+00;
	v13 =	vmul.f32 v13, v4;
	v31 =	vld [tilespmem:s0+$0xFFFFFFD0];
	[tilespmem:s20+$0xFFFFFF40] =	vst v63  }
0x7a9: {  	v12 =	vmul.f32 v12, v1;
	[tilespmem:s20+$0xC0] =	vst v22;
	v32 =	vld [tilespmem:s0+$0xFFFFFF50]  }
0x7aa: {  	[tilespmem:s12+$0xD0] =	vst v13;
	v33 =	vld [tilespmem:s0+$0xD0]  }
0x7ab: {  	[tilespmem:s12+$0xFFFFFF50] =	vst v12;
	v36 =	vld [tilespmem:s18+$0xE0]  }
0x7ac: {  	v35 =	vld [tilespmem:s18+$0xFFFFFF60];
	v20 =	vadd.f32 v30, v62  }
0x7ad: {  	v37 =	vld [tilespmem:s20+$0xFFFFFF60];
	v23 =	vadd.f32 v31, v60  }
0x7ae: {  	v38 =	vld [tilespmem:s20+$0xFFFFFFE0];
	v22 =	vadd.f32 v32, v59;
	v20 =	vmax.f32 v20, $0.0e+00  }
0x7af: {  	v42 =	vld [tilespmem:s20+$0x60];
	v14 =	vadd.f32 v33, v61;
	v23 =	vmax.f32 v23, $0.0e+00;
	v20 =	vmul.f32 v20, v18  }
0x7b0: {  	v9 =	vadd.f32 v34, v9;
	v39 =	vld [tilespmem:s20+$0xE0];
	v41 =	vmul.f32 v23, v19;
	v40 =	vmax.f32 v22, $0.0e+00  }
0x7b1: {  	v10 =	vadd.f32 v35, v10;
	v58 =	vld [tilespmem:s18+$0x70];
	v14 =	vmax.f32 v14, $0.0e+00;
	v43 =	vmul.f32 v40, v15;
	[tilespmem:s20+$0x50] =	vst v20  }
0x7b2: {  	v9 =	vmax.f32 v9, $0.0e+00;
	v14 =	vmul.f32 v14, v5;
	[tilespmem:s20+$0xFFFFFFD0] =	vst v41;
	v44 =	vld [tilespmem:s0+$0x60]  }
0x7b3: {  	v9 =	vmul.f32 v9, v2;
	v10 =	vmax.f32 v10, $0.0e+00;
	v45 =	vld [tilespmem:s0+$0xFFFFFFE0];
	[tilespmem:s20+$0xFFFFFF50] =	vst v43  }
0x7b4: {  	v6 =	vadd.f32 v36, v6;
	v10 =	vmul.f32 v10, v1;
	[tilespmem:s20+$0xD0] =	vst v14;
	v46 =	vld [tilespmem:s0+$0xFFFFFF60]  }
0x7b5: {  	[tilespmem:s12+$0xFFFFFFE0] =	vst v9;
	v47 =	vld [tilespmem:s0+$0xE0]  }
0x7b6: {  	v6 =	vmax.f32 v6, $0.0e+00;
	v48 =	vld [tilespmem:s18+$0xFFFFFFF0];
	[tilespmem:s12+$0xFFFFFF60] =	vst v10  }
0x7b7: {  	v6 =	vmul.f32 v6, v4;
	v10 =	vld [tilespmem:s18+$0xFFFFFF70];
	v49 =	vadd.f32 v44, v42  }
0x7b8: {  	v51 =	vld [tilespmem:s20+$0xFFFFFF70];
	v20 =	vadd.f32 v45, v38  }
0x7b9: {  	[tilespmem:s12+$0xE0] =	vst v6;
	v52 =	vld [tilespmem:s20+$0xFFFFFFF0];
	v14 =	vadd.f32 v46, v37;
	v6 =	vmax.f32 v49, $0.0e+00  }
0x7ba: {  	v50 =	vld [tilespmem:s18+$0xF0];
	v9 =	vadd.f32 v47, v39;
	v20 =	vmax.f32 v20, $0.0e+00;
	v6 =	vmul.f32 v6, v18  }
0x7bb: {  	v53 =	vld [tilespmem:s20+$0xF0];
	v20 =	vmul.f32 v20, v19;
	v14 =	vmax.f32 v14, $0.0e+00  }
0x7bc: {  	v54 =	vld [tilespmem:s20+$0x70];
	v9 =	vmax.f32 v9, $0.0e+00;
	v14 =	vmul.f32 v14, v15;
	[tilespmem:s20+$0x60] =	vst v6  }
0x7bd: {  	v9 =	vmul.f32 v9, v5;
	[tilespmem:s20+$0xFFFFFFE0] =	vst v20;
	v55 =	vld [tilespmem:s0+$0x70]  }
0x7be: {  	v56 =	vadd.f32 v58, v57;
	v57 =	vld [tilespmem:s0+$0xFFFFFFF0];
	[tilespmem:s20+$0xFFFFFF60] =	vst v14  }
0x7bf: {  	v8 =	vadd.f32 v48, v8;
	[tilespmem:s20+$0xE0] =	vst v9;
	v14 =	vld [tilespmem:s0+$0xFFFFFF70]  }
0x7c0: {  	v10 =	vadd.f32 v10, v11;
	v58 =	vmax.f32 v56, $0.0e+00;
	v59 =	vld [tilespmem:s0+$0xF0]  }
0x7c1: {  	[tilespmem:s4+$0xFFFFFF70] =	vst v16;
	v8 =	vmax.f32 v8, $0.0e+00;
	v7 =	vadd.f32 v50, v7;
	v3 =	vmul.f32 v58, v3  }
0x7c2: {  	[tilespmem:s4+$0xF0] =	vst v17;
	v2 =	vmul.f32 v8, v2;
	v60 =	vmax.f32 v10, $0.0e+00;
	v6 =	vadd.f32 v55, v54  }
0x7c3: {  	[tilespmem:s12+$0x70] =	vst v3;
	v3 =	vmax.f32 v7, $0.0e+00;
	v1 =	vmul.f32 v60, v1;
	v61 =	vadd.f32 v57, v52  }
0x7c4: {  	[tilespmem:s12+$0xFFFFFFF0] =	vst v2;
	v2 =	vmul.f32 v3, v4;
	v62 =	vadd.f32 v14, v51;
	v3 =	vmax.f32 v6, $0.0e+00  }
0x7c5: {  	[tilespmem:s12+$0xFFFFFF70] =	vst v1;
	v63 =	vadd.f32 v59, v53;
	v1 =	vmul.f32 v3, v18;
	v3 =	vmax.f32 v61, $0.0e+00  }
0x7c6: {  	[tilespmem:s12+$0xF0] =	vst v2;
	v2 =	vmul.f32 v3, v19;
	v3 =	vmax.f32 v62, $0.0e+00  }
0x7c7: {  	[tilespmem:s20+$0x70] =	vst v1;
	v1 =	vmul.f32 v3, v15;
	v3 =	vmax.f32 v63, $0.0e+00  }
0x7c8: {  	[tilespmem:s20+$0xFFFFFFF0] =	vst v2;
	v2 =	vmul.f32 v3, v5  }
0x7c9: {  	[tilespmem:s20+$0xFFFFFF70] =	vst v1  }
0x7ca: {  	[tilespmem:s20+$0xF0] =	vst v2  }
0x7cb: {  	[spmem:s2] =	stream.indirect.scatter.add.f32 [tilespmem:s14], [sflag:$0x5], $0x80, s16, s22, $0xb8;
	[tilespmem:$0x1E600] =	vst v63  }
0x7cc: {  	_ =	swait.ge [sflag:s15], $0x2800  }
0x7cd: {  	[sflag:s15] =	ssyncset.done $0x0  }
0x7ce: {  	[sflag:s15] =	ssyncadd.s32 $0xFFFFD800  }
0x7cf: {  	s0 =	stileid.u32;
	[bflag:$0x0] =	sbarrier.arrive $0xFFFF  }
0x7d0: {  	s0 =	sshll.u32 s0, $0x6;
	s17 =	rddreg [dreg:$0x4]  }
0x7d1: {  	s0 =	sor.u32 $0x1C05, s0;
	s20 =	rddreg [dreg:$0x13];
	s18 =	sshrl.u32 s17, $0x3  }
0x7d2: {  	[hbm:s20], [sflag:s0] =	dma.local [spmem:s18], $0x2800  }
0x7d3: {  	_ =	swait.ge [sflag:s15], $0x2800  }
0x7d4: {  	s21 =	rddreg [dreg:$0x1c]  }
0x7d5: {  	s24 =	rddreg [dreg:$0x14];
	s4 =	sadd.s32 $0x1, s21  }
0x7d6: {  	p0 =	sne.s32 s4, s24  }
.Ltmp7:
0x7d7: {  	_ = 	snop;
	(pc) =	sbr.rel @p0 .LBB2_1-.Ltmp7, $3  }
0x7d8: {  	_ =	sdelay $0x1  }
0x7d9: {  	[sflag:s15] =	ssyncset.done $0x0  }
0x7da: {  	[sflag:s15] =	ssyncadd.s32 $0xFFFFD800  }
0x7db: {  	_ =	sfence.sel $0x180000  }
0x7dc: {  	[bflag:$0x0] =	sbarrier.arrive $0xFFFF  }
0x7dd: {  	_ =	strace $0x90000047  }
0x7de: {  	s0 =	stileid.u32;
	[bflag:$0x2] =	sbarrier.arrive $0xFFFF  }
0x7df: {  	p0 =	sne.s32 s0, $0x0;
	s0 =	rddreg [dreg:$0x3]  }
0x7e0: {  	s0 =	sadd.s32 @!p0 $0x100000, s0  }
0x7e1: {  	[sflag:s0] =	ssyncadd.tile.s32 @!p0 $0x1;
	_ =	shalt  }
.Lfunc_end2:
_tile_overlayer_lowered:
.L_overlay_start_2:
0x7e2: {  	(tag) =	ssettag $0x2  }
0x7e3: {  	s0 =	rddreg [dreg:$0x0];
	s2 =	stileid.u32  }
0x7e4: {  	s1 =	rddreg [dreg:$0x1];
	p0 =	sne.s32 s2, $0x0  }
0x7e5: {  	s3 =	rddreg [dreg:$0x2];
	[bflag:$0x3] =	sbarrier.arrive $0xFFFF;
	s2 =	simm.s32 @!p0 $0x1C05  }
0x7e6: {  	[timem:s3], [sflag:s2] =	dma.local @!p0 [hbm:s0], s1  }
0x7e7: {  	s0 =	simm.s32 @!p0 $0x5  }
0x7e8: {  	_ =	swait.ge @!p0 [sflag:s0], s1  }
0x7e9: {  	s1 =	ssub.s32 @!p0 $0x0, s1;
	[sflag:s0] =	ssyncset.done @!p0 $0x0  }
0x7ea: {  	[sflag:s0] =	ssyncadd.s32 @!p0 s1  }
0x7eb: {  	[bflag:$0x3] =	sbarrier.arrive $0xFFFF  }
0x7ec: {  	_ =	shalt  }

</sc_bundles>
